<compile_context>
chip_gen: v7x
topology: tpu7x:2x2x1
jax: 0.10.2.dev20260603
libtpu: 0.0.44.dev20260713+nightly
codegen_flags: <defaults>
</compile_context>

<pallas_src>
import functools
import jax
import jax.numpy as jnp
from jax import lax
from jax.experimental import pallas as pl
from jax.experimental.pallas import tpu as pltpu
from jax.experimental.pallas import tpu_sc as plsc

HID = 128
EMB = 32
G = 32
STATIC = 16
EDGE_DIM = 8
DEPTH = 3

ROWB = 1000
ECHUNK = 512


def _emb_body(xh_ref, t_ref, o_ref):
    xh = xh_ref[...]
    tab = t_ref[...]
    iota = lax.broadcasted_iota(jnp.int32, (ROWB, 128), 1)
    ne = jnp.dot((xh[:, 0:1] == iota).astype(jnp.float32), tab,
                 preferred_element_type=jnp.float32, precision=lax.Precision.HIGHEST)
    for j in range(1, 4):
        oh = (xh[:, j:j + 1] == iota).astype(jnp.float32)
        ne = ne + jnp.dot(oh, tab, preferred_element_type=jnp.float32,
                          precision=lax.Precision.HIGHEST)
    o_ref[...] = ne


def _emb(xh, t_all, n):
    return pl.pallas_call(
        _emb_body,
        grid=(n // ROWB,),
        in_specs=[
            pl.BlockSpec((ROWB, 4), lambda i: (i, 0)),
            pl.BlockSpec((128, EMB), lambda i: (0, 0)),
        ],
        out_specs=pl.BlockSpec((ROWB, EMB), lambda i: (i, 0)),
        out_shape=jax.ShapeDtypeStruct((n, EMB), jnp.float32),
    )(xh, t_all)


def _mm_body(x_ref, w_ref, o_ref):
    o_ref[...] = jnp.dot(x_ref[...], w_ref[...], preferred_element_type=jnp.float32)


def _mm(x, w, n):
    return pl.pallas_call(
        _mm_body,
        grid=(n // ROWB,),
        in_specs=[pl.BlockSpec((ROWB, HID), lambda i: (i, 0)),
                  pl.BlockSpec((HID, HID), lambda i: (0, 0))],
        out_specs=pl.BlockSpec((ROWB, HID), lambda i: (i, 0)),
        out_shape=jax.ShapeDtypeStruct((n, HID), jnp.float32),
    )(x, w)


def _layer_body(x_ref, h0_ref, h1_ref, ws_ref, wn_ref, b_ref, o_ref, on_ref):
    x = x_ref[...]
    h = h0_ref[...] + h1_ref[...]
    z = (jnp.dot(x, ws_ref[...], preferred_element_type=jnp.float32)
         + h + b_ref[...])
    xo = x + jnp.maximum(z, 0.0)
    o_ref[...] = xo
    on_ref[...] = jnp.dot(xo, wn_ref[...], preferred_element_type=jnp.float32)


def _layer(x, hpart, ws, wnext, b, n):
    return pl.pallas_call(
        _layer_body,
        grid=(n // ROWB,),
        in_specs=[
            pl.BlockSpec((ROWB, HID), lambda i: (i, 0)),
            pl.BlockSpec((None, ROWB, HID), lambda i: (0, i, 0)),
            pl.BlockSpec((None, ROWB, HID), lambda i: (1, i, 0)),
            pl.BlockSpec((HID, HID), lambda i: (0, 0)),
            pl.BlockSpec((HID, HID), lambda i: (0, 0)),
            pl.BlockSpec((1, HID), lambda i: (0, 0)),
        ],
        out_specs=[pl.BlockSpec((ROWB, HID), lambda i: (i, 0)),
                   pl.BlockSpec((ROWB, HID), lambda i: (i, 0))],
        out_shape=[jax.ShapeDtypeStruct((n, HID), jnp.float32),
                   jax.ShapeDtypeStruct((n, HID), jnp.float32)],
    )(x, hpart, hpart, ws, wnext, b.reshape(1, HID))


def _prep2_body(x_ref, xn_ref, bt_ref, wb_ref, d_ref, a_ref, b_ref,
                ps_ref, pc_ref, acc_s, acc_c):
    i = pl.program_id(0)
    x = x_ref[...]
    bt = bt_ref[...]
    ohb = (bt[:, :1] == lax.broadcasted_iota(jnp.int32, (ROWB, G), 1)).astype(jnp.float32)
    a_ref[...] = (xn_ref[...]
                  + jnp.dot(ohb, d_ref[...], preferred_element_type=jnp.float32, precision=lax.Precision.HIGHEST))
    b_ref[...] = jnp.dot(x, wb_ref[...], preferred_element_type=jnp.float32)

    @pl.when(i == 0)
    def _():
        acc_s[...] = jnp.zeros_like(acc_s)
        acc_c[...] = jnp.zeros_like(acc_c)

    acc_s[...] += lax.dot_general(ohb, x, (((0,), (0,)), ((), ())),
                                  preferred_element_type=jnp.float32,
                                  precision=lax.Precision.HIGHEST)
    acc_c[...] += jnp.sum(ohb, axis=0).reshape(G, 1)
    ps_ref[...] = acc_s[...]
    pc_ref[...] = acc_c[...]


def _prep2(x, xn, batch, wb, d, n):
    bt = jnp.broadcast_to(batch.reshape(n, 1), (n, G)).astype(jnp.int32)
    return pl.pallas_call(
        _prep2_body,
        grid=(n // ROWB,),
        in_specs=[
            pl.BlockSpec((ROWB, HID), lambda i: (i, 0)),
            pl.BlockSpec((ROWB, HID), lambda i: (i, 0)),
            pl.BlockSpec((ROWB, G), lambda i: (i, 0)),
            pl.BlockSpec((HID, HID), lambda i: (0, 0)),
            pl.BlockSpec((G, HID), lambda i: (0, 0)),
        ],
        out_specs=[
            pl.BlockSpec((ROWB, HID), lambda i: (i, 0)),
            pl.BlockSpec((ROWB, HID), lambda i: (i, 0)),
            pl.BlockSpec((G, HID), lambda i: (0, 0)),
            pl.BlockSpec((G, 1), lambda i: (0, 0)),
        ],
        out_shape=[
            jax.ShapeDtypeStruct((n, HID), jnp.float32),
            jax.ShapeDtypeStruct((n, HID), jnp.float32),
            jax.ShapeDtypeStruct((G, HID), jnp.float32),
            jax.ShapeDtypeStruct((G, 1), jnp.float32),
        ],
        scratch_shapes=[pltpu.VMEM((G, HID), jnp.float32),
                        pltpu.VMEM((G, 1), jnp.float32)],
    )(x, xn, bt, wb, d)


def _passa_body(u_ref, ge_ref, w2_ref, b2_ref, ev_ref, r_ref, base_ref,
                m_ref, cnt_ref, acc_h, acc_m):
    i = pl.program_id(0)

    @pl.when(i == 0)
    def _():
        acc_h[...] = jnp.zeros_like(acc_h)
        acc_m[...] = jnp.full_like(acc_m, -jnp.inf)

    u = u_ref[...]
    ev = jnp.dot(jnp.maximum(u, 0.0), w2_ref[...],
                 preferred_element_type=jnp.float32) + b2_ref[...]
    ev_ref[...] = ev
    ge = ge_ref[0, 0]
    oh = (ge[:, None] == lax.broadcasted_iota(jnp.int32, (ECHUNK, G), 1))
    ohi = oh.astype(jnp.int32)
    base_ref[0] = acc_h[...]
    cums = ohi
    k = 1
    while k < ECHUNK:
        z = jnp.zeros((k, G), jnp.int32)
        cums = cums + jnp.concatenate([z, cums[:ECHUNK - k]], axis=0)
        k *= 2
    rank = jnp.sum((cums - ohi) * ohi, axis=1)
    bsel = jnp.sum(acc_h[...] * ohi, axis=1)
    r_ref[0, 0] = rank + bsel
    acc_h[...] += jnp.sum(ohi, axis=0, keepdims=True)
    evmax = jnp.max(ev, axis=1, keepdims=True)
    colmax = jnp.max(jnp.where(oh, evmax, -jnp.inf), axis=0, keepdims=True)
    acc_m[...] = jnp.maximum(acc_m[...], colmax)
    m_ref[...] = acc_m[...]
    cnt_ref[...] = acc_h[...]


def _passa(u, ge2, w2, b2, e):
    nch = e // ECHUNK
    return pl.pallas_call(
        _passa_body,
        grid=(nch,),
        in_specs=[
            pl.BlockSpec((ECHUNK, HID), lambda i: (i, 0)),
            pl.BlockSpec((1, 1, ECHUNK), lambda i: (i, 0, 0)),
            pl.BlockSpec((HID, EDGE_DIM), lambda i: (0, 0)),
            pl.BlockSpec((1, EDGE_DIM), lambda i: (0, 0)),
        ],
        out_specs=[
            pl.BlockSpec((ECHUNK, EDGE_DIM), lambda i: (i, 0)),
            pl.BlockSpec((1, 1, ECHUNK), lambda i: (i, 0, 0)),
            pl.BlockSpec((1, 1, G), lambda i: (i, 0, 0)),
            pl.BlockSpec((1, G), lambda i: (0, 0)),
            pl.BlockSpec((1, G), lambda i: (0, 0)),
        ],
        out_shape=[
            jax.ShapeDtypeStruct((e, EDGE_DIM), jnp.float32),
            jax.ShapeDtypeStruct((nch, 1, ECHUNK), jnp.int32),
            jax.ShapeDtypeStruct((nch, 1, G), jnp.int32),
            jax.ShapeDtypeStruct((1, G), jnp.float32),
            jax.ShapeDtypeStruct((1, G), jnp.int32),
        ],
        scratch_shapes=[pltpu.VMEM((1, G), jnp.int32),
                        pltpu.VMEM((1, G), jnp.float32)],
    )(u, ge2, w2, b2.reshape(1, EDGE_DIM))


def _passb_body(ev_ref, ge_ref, r_ref, m_ref, es_ref, sv_ref, is_ref,
                ssum_ref, acc_s):
    i = pl.program_id(0)

    @pl.when(i == 0)
    def _():
        acc_s[...] = jnp.zeros_like(acc_s)

    ge = ge_ref[0, 0]
    oh = (ge[:, None] == lax.broadcasted_iota(jnp.int32, (ECHUNK, G), 1))
    ohf = oh.astype(jnp.float32)
    mrow = jnp.sum(ohf * m_ref[...], axis=1, keepdims=True)
    sv = jnp.exp(ev_ref[...] - mrow)
    sv_ref[...] = sv
    esel = jnp.sum(oh.astype(jnp.int32) * es_ref[...], axis=1)
    is_ref[0, 0] = r_ref[0, 0] + esel
    rowsum = jnp.sum(sv, axis=1, keepdims=True)
    acc_s[...] += jnp.sum(jnp.where(oh, rowsum, 0.0), axis=0, keepdims=True)
    ssum_ref[...] = acc_s[...]


def _passb(ev, ge2, r2, m, estart, e):
    nch = e // ECHUNK
    return pl.pallas_call(
        _passb_body,
        grid=(nch,),
        in_specs=[
            pl.BlockSpec((ECHUNK, EDGE_DIM), lambda i: (i, 0)),
            pl.BlockSpec((1, 1, ECHUNK), lambda i: (i, 0, 0)),
            pl.BlockSpec((1, 1, ECHUNK), lambda i: (i, 0, 0)),
            pl.BlockSpec((1, G), lambda i: (0, 0)),
            pl.BlockSpec((1, G), lambda i: (0, 0)),
        ],
        out_specs=[
            pl.BlockSpec((ECHUNK, EDGE_DIM), lambda i: (i, 0)),
            pl.BlockSpec((1, 1, ECHUNK), lambda i: (i, 0, 0)),
            pl.BlockSpec((1, G), lambda i: (0, 0)),
        ],
        out_shape=[
            jax.ShapeDtypeStruct((e, EDGE_DIM), jnp.float32),
            jax.ShapeDtypeStruct((nch, 1, ECHUNK), jnp.int32),
            jax.ShapeDtypeStruct((1, G), jnp.float32),
        ],
        scratch_shapes=[pltpu.VMEM((1, G), jnp.float32)],
    )(ev, ge2, r2, m, estart)


def _tail_body(ps_ref, pc_ref, sfp_ref, wpa_ref, wpb_ref, bp1_ref, wp2_ref,
               o_ref):
    pooled = ps_ref[...] / jnp.maximum(pc_ref[...], 1.0)
    h = jnp.maximum(jnp.dot(pooled, wpa_ref[...], preferred_element_type=jnp.float32)
                    + jnp.dot(sfp_ref[...], wpb_ref[...], preferred_element_type=jnp.float32)
                    + bp1_ref[...], 0.0)
    gv = jnp.dot(h, wp2_ref[...], preferred_element_type=jnp.float32)
    o_ref[...] = jnp.broadcast_to(gv[:, :1], (G, HID))


def _graph_vals(psum, pcnt, sf, wp1, bp1, wp2, bp2):
    wp2p = jnp.zeros((HID, HID), jnp.float32).at[:, 0].set(wp2[:, 0])
    sfp = jnp.zeros((G, HID), jnp.float32).at[:, :STATIC].set(sf)
    wpbp = jnp.zeros((HID, HID), jnp.float32).at[:STATIC].set(wp1[HID:])
    pcb = jnp.broadcast_to(pcnt, (G, HID))
    out = pl.pallas_call(
        _tail_body,
        in_specs=[pl.BlockSpec((G, HID), lambda: (0, 0)),
                  pl.BlockSpec((G, HID), lambda: (0, 0)),
                  pl.BlockSpec((G, HID), lambda: (0, 0)),
                  pl.BlockSpec((HID, HID), lambda: (0, 0)),
                  pl.BlockSpec((HID, HID), lambda: (0, 0)),
                  pl.BlockSpec((1, HID), lambda: (0, 0)),
                  pl.BlockSpec((HID, HID), lambda: (0, 0))],
        out_specs=pl.BlockSpec((G, HID), lambda: (0, 0)),
        out_shape=jax.ShapeDtypeStruct((G, HID), jnp.float32),
    )(psum, pcb, sfp, wp1[:HID], wpbp, bp1.reshape(1, HID), wp2p)
    return out[:, 0] + bp2[0]


SCK = 80


def _sc_gather3(a, b, c3, si, di, ci, e):
    info = plsc.get_sparse_core_info()
    nc, ns = info.num_cores, info.num_subcores
    nw = nc * ns
    per_w = e // nw
    nch = per_w // SCK
    mesh = plsc.VectorSubcoreMesh(core_axis_name="c", subcore_axis_name="s")

    @functools.partial(
        pl.kernel, mesh=mesh,
        out_type=jax.ShapeDtypeStruct((e, HID), jnp.float32),
        scratch_types=[
            pltpu.VMEM((1, SCK), jnp.int32),
            pltpu.VMEM((1, SCK), jnp.int32),
            pltpu.VMEM((1, SCK), jnp.int32),
            pltpu.VMEM((SCK, HID), jnp.float32),
            pltpu.VMEM((SCK, HID), jnp.float32),
            pltpu.VMEM((SCK, HID), jnp.float32),
            pltpu.SemaphoreType.DMA,
        ],
    )
    def k(a_hbm, b_hbm, c_hbm, si_hbm, di_hbm, ci_hbm, u_hbm,
          siv, div, civ, r0, r1, r2, sem):
        wid = lax.axis_index("s") * nc + lax.axis_index("c")
        base = wid * per_w

        def body(i, carry):
            off = base + i * SCK
            pltpu.sync_copy(si_hbm.at[pl.ds(off, SCK)], siv.at[0])
            pltpu.sync_copy(di_hbm.at[pl.ds(off, SCK)], div.at[0])
            pltpu.sync_copy(ci_hbm.at[pl.ds(off, SCK)], civ.at[0])
            cp0 = pltpu.async_copy(a_hbm.at[siv.at[0]], r0, sem)
            cp1 = pltpu.async_copy(b_hbm.at[div.at[0]], r1, sem)
            cp2 = pltpu.async_copy(c_hbm.at[civ.at[0]], r2, sem)
            cp0.wait()
            cp1.wait()
            cp2.wait()

            def addrow(r, _):
                for c in range(HID // 16):
                    s = pl.ds(c * 16, 16)
                    r0[r, s] = r0[r, s] + r1[r, s] + r2[r, s]
                return 0

            lax.fori_loop(0, SCK, addrow, 0)
            pltpu.sync_copy(r0, u_hbm.at[pl.ds(off, SCK)])
            return carry

        lax.fori_loop(0, nch, body, 0)

    return k(a, b, c3, si, di, ci)


def _sc_segsum(xn, cl, si, di, ci, e, n):
    info = plsc.get_sparse_core_info()
    nc, ns = info.num_cores, info.num_subcores
    per_w = e // (nc * ns)
    nch = per_w // SCK
    nzch = (n + SCK - 1) // SCK
    mesh = plsc.VectorSubcoreMesh(core_axis_name="c", subcore_axis_name="s")

    @functools.partial(
        pl.kernel, mesh=mesh,
        out_type=jax.ShapeDtypeStruct((2, n, HID), jnp.float32),
        scratch_types=[
            pltpu.VMEM((1, SCK), jnp.int32),
            pltpu.VMEM((1, SCK), jnp.int32),
            pltpu.VMEM((1, SCK), jnp.int32),
            pltpu.VMEM((SCK, HID), jnp.float32),
            pltpu.VMEM((SCK, HID), jnp.float32),
            pltpu.VMEM_SHARED((n, HID), jnp.float32),
            pltpu.SemaphoreType.DMA,
        ],
    )
    def k(xn_hbm, cl_hbm, si_hbm, di_hbm, ci_hbm, hp_hbm,
          siv, div, civ, r0, r1, hacc, sem):
        cid = lax.axis_index("c")
        sid = lax.axis_index("s")
        wid = sid * nc + cid
        base = wid * per_w

        def zrow(r, _):
            for c in range(HID // 16):
                r0[r, pl.ds(c * 16, 16)] = jnp.zeros((16,), jnp.float32)
            return 0

        lax.fori_loop(0, SCK, zrow, 0)

        def zchunk(j, _):
            pltpu.sync_copy(r0, hacc.at[pl.ds(j * SCK, SCK)])
            return 0

        lax.fori_loop(0, nzch // ns + 1, lambda t, _:
                      lax.cond(t * ns + sid < nzch,
                               lambda: zchunk(t * ns + sid, 0),
                               lambda: 0), 0)
        plsc.subcore_barrier()

        def body(i, carry):
            off = base + i * SCK
            pltpu.sync_copy(si_hbm.at[pl.ds(off, SCK)], siv.at[0])
            pltpu.sync_copy(di_hbm.at[pl.ds(off, SCK)], div.at[0])
            pltpu.sync_copy(ci_hbm.at[pl.ds(off, SCK)], civ.at[0])
            cp0 = pltpu.async_copy(xn_hbm.at[siv.at[0]], r0, sem)
            cp1 = pltpu.async_copy(cl_hbm.at[civ.at[0]], r1, sem)
            cp0.wait()
            cp1.wait()

            def addrow(r, _):
                for c in range(HID // 16):
                    s = pl.ds(c * 16, 16)
                    r0[r, s] = r0[r, s] + r1[r, s]
                return 0

            lax.fori_loop(0, SCK, addrow, 0)
            pltpu.sync_copy(r0, hacc.at[div.at[0]], add=True)
            return carry

        lax.fori_loop(0, nch, body, 0)
        plsc.subcore_barrier()

        def wchunk(j, _):
            pltpu.sync_copy(hacc.at[pl.ds(j * SCK, SCK)], r0)
            pltpu.sync_copy(r0, hp_hbm.at[cid, pl.ds(j * SCK, SCK)])
            return 0

        lax.fori_loop(0, nzch // ns + 1, lambda t, _:
                      lax.cond(t * ns + sid < nzch,
                               lambda: wchunk(t * ns + sid, 0),
                               lambda: 0), 0)

    return k(xn, cl, si, di, ci)


def kernel(x, edge_attr, edge_index, batch, static_features,
           emb_node_0, emb_node_1, emb_node_2, emb_node_3,
           emb_edge_0, emb_edge_1, emb_edge_2,
           W_in, b_in,
           Wself_0, Wnbr_0, Wedge_0, b_0,
           Wself_1, Wnbr_1, Wedge_1, b_1,
           Wself_2, Wnbr_2, Wedge_2, b_2,
           We1, be1, We2, be2, Wp1, bp1, Wp2, bp2):
    n = x.shape[0]
    e = edge_attr.shape[0]
    src, dst = edge_index[0], edge_index[1]

    embs = [emb_node_0, emb_node_1, emb_node_2, emb_node_3]
    offs = [0, 40, 50, 58]
    t_all = jnp.zeros((128, EMB), jnp.float32)
    for j in range(4):
        t_all = lax.dynamic_update_slice(t_all, embs[j], (offs[j], 0))
    xh = x.astype(jnp.int32) + jnp.array(offs, jnp.int32)[None, :]

    ii = jnp.arange(192)
    eet = (emb_edge_0[ii // 24] + emb_edge_1[(ii // 4) % 6] + emb_edge_2[ii % 4])
    c_idx = (edge_attr[:, 0] * 24 + edge_attr[:, 1] * 4 + edge_attr[:, 2]).astype(jnp.int32)

    wselfs = [Wself_0, Wself_1, Wself_2]
    wnbrs = [Wnbr_0, Wnbr_1, Wnbr_2]
    wedges = [Wedge_0, Wedge_1, Wedge_2]
    bs = [b_0, b_1, b_2]
    cl = [eet @ wedges[l] for l in range(DEPTH)]

    ne = _emb(xh, t_all, n)
    X = jax.nn.relu(ne @ W_in + b_in)
    Xn = _mm(X, wnbrs[0], n)
    srci = src.astype(jnp.int32)
    dsti = dst.astype(jnp.int32)
    for l in range(DEPTH):
        hpart = _sc_segsum(Xn, cl[l], srci, dsti, c_idx, e, n)
        wnext = wnbrs[l + 1] if l + 1 < DEPTH else We1[:HID]
        X, Xn = _layer(X, hpart, wselfs[l], wnext, bs[l], n)

    d_tab = static_features @ We1[2 * HID + EMB:] + be1
    aP, bT, psum, pcnt = _prep2(X, Xn, batch, We1[HID:2 * HID], d_tab, n)
    c3 = eet @ We1[2 * HID:2 * HID + EMB]
    gv = _graph_vals(psum, pcnt, static_features, Wp1, bp1, Wp2, bp2)

    ge = batch[src]
    u = _sc_gather3(aP, bT, c3, srci, dsti, c_idx, e)

    ge2 = ge.reshape(e // ECHUNK, 1, ECHUNK)
    ev, r2, bases, mseg, cnt2 = _passa(u, ge2, We2, be2, e)

    cnt = cnt2[0]
    m = jnp.maximum(mseg[0], gv)
    estart = jnp.concatenate([jnp.zeros((1,), jnp.int32), jnp.cumsum(cnt)[:-1]])
    sv, is2, ssum = _passb(ev, ge2, r2, m.reshape(1, G), estart.reshape(1, G), e)

    eg_exp = jnp.exp(gv - m)
    denom = ssum[0] + 2.0 * eg_exp
    scale = 2.0 / denom
    gvals = 2.0 * eg_exp / denom

    isort = is2.reshape(-1)
    s_flat = jnp.zeros((e, EDGE_DIM), jnp.float32).at[isort].set(sv).reshape(-1)
    total = e * EDGE_DIM + 2 * G
    start = 8 * estart + 2 * jnp.arange(G, dtype=jnp.int32)
    gid_of_p = jnp.searchsorted(start, jnp.arange(total), side='right').astype(jnp.int32) - 1
    src_idx = jnp.arange(total) - 2 * gid_of_p
    out = (s_flat[jnp.clip(src_idx, 0, e * EDGE_DIM - 1)]
           * scale[gid_of_p])
    gpos = start + 8 * cnt
    out = out.at[gpos].set(gvals).at[gpos + 1].set(gvals)
    return out

# --- scband reference (transcript-rebuilt; emitter-appended) ---
"""Pipeline reference for scband-fiora-model-57561151700999 (READ-ONLY COPY).

The authoritative reference and input builder live on the scoring server;
editing this copy changes nothing except your own understanding.
"""

import jax, jax.numpy as jnp
import numpy as np

NODE_LAYOUT = [40, 10, 8, 12]
EDGE_LAYOUT = [8, 6, 4]
EMB = 32
HID = 128
DEPTH = 3
EDGE_DIM = 8
STATIC = 16
G = 32
N = 10000
E = 320000


def setup_inputs(seed: int = 0):
    key = jax.random.key(seed)
    ks = jax.random.split(key, 64)
    inp = {}
    inp['x'] = jax.random.randint(ks[0], (N, 4), 0, 8)
    inp['edge_attr'] = jax.random.randint(ks[1], (E, 3), 0, 4)
    inp['edge_index'] = jax.random.randint(ks[2], (2, E), 0, N)
    inp['batch'] = jnp.sort(jax.random.randint(ks[3], (N,), 0, G))
    inp['static_features'] = jax.random.normal(ks[4], (G, STATIC), dtype=jnp.float32)
    i = 5
    for j, v in enumerate(NODE_LAYOUT):
        inp['emb_node_%d' % j] = jax.random.normal(ks[i], (v, EMB), dtype=jnp.float32) * 0.1
        i += 1
    for j, v in enumerate(EDGE_LAYOUT):
        inp['emb_edge_%d' % j] = jax.random.normal(ks[i], (v, EMB), dtype=jnp.float32) * 0.1
        i += 1
    inp['W_in'] = jax.random.normal(ks[i], (EMB, HID), dtype=jnp.float32) * 0.05; i += 1
    inp['b_in'] = jnp.zeros((HID,), jnp.float32)
    for l in range(DEPTH):
        inp['Wself_%d' % l] = jax.random.normal(ks[i], (HID, HID), dtype=jnp.float32) * 0.05; i += 1
        inp['Wnbr_%d' % l] = jax.random.normal(ks[i], (HID, HID), dtype=jnp.float32) * 0.05; i += 1
        inp['Wedge_%d' % l] = jax.random.normal(ks[i], (EMB, HID), dtype=jnp.float32) * 0.05; i += 1
        inp['b_%d' % l] = jnp.zeros((HID,), jnp.float32)
    inp['We1'] = jax.random.normal(ks[i], (2 * HID + EMB + STATIC, HID), dtype=jnp.float32) * 0.05; i += 1
    inp['be1'] = jnp.zeros((HID,), jnp.float32)
    inp['We2'] = jax.random.normal(ks[i], (HID, EDGE_DIM), dtype=jnp.float32) * 0.05; i += 1
    inp['be2'] = jnp.zeros((EDGE_DIM,), jnp.float32)
    inp['Wp1'] = jax.random.normal(ks[i], (HID + STATIC, HID), dtype=jnp.float32) * 0.05; i += 1
    inp['bp1'] = jnp.zeros((HID,), jnp.float32)
    inp['Wp2'] = jax.random.normal(ks[i], (HID, 1), dtype=jnp.float32) * 0.05; i += 1
    inp['bp2'] = jnp.zeros((1,), jnp.float32)
    return inp


def _edge_graph_indices(edge_index, batch):
    src = np.asarray(edge_index[0])
    b = np.asarray(batch)
    egm = b[np.repeat(src, EDGE_DIM)]
    return [np.nonzero(egm == i)[0] for i in range(G)]


def _forward(fd, x, edge_attr, edge_index, batch):
    node_emb = sum(fd['emb_node_%d' % j][x[:, j]] for j in range(len(NODE_LAYOUT)))
    edge_emb = sum(fd['emb_edge_%d' % j][edge_attr[:, j]] for j in range(len(EDGE_LAYOUT)))
    X = jax.nn.relu(node_emb @ fd['W_in'] + fd['b_in'])
    src, dst = edge_index[0], edge_index[1]
    n = X.shape[0]
    for l in range(DEPTH):
        msg = X[src] @ fd['Wnbr_%d' % l] + edge_emb @ fd['Wedge_%d' % l]
        agg = jax.ops.segment_sum(msg, dst, num_segments=n)
        X = X + jax.nn.relu(X @ fd['Wself_%d' % l] + agg + fd['b_%d' % l])
    sf = fd['static_features']
    eg = batch[src]
    ef = jnp.concatenate([X[src], X[dst], edge_emb, sf[eg]], axis=-1)
    edge_values = jax.nn.relu(ef @ fd['We1'] + fd['be1']) @ fd['We2'] + fd['be2']
    sums = jax.ops.segment_sum(X, batch, num_segments=G)
    counts = jax.ops.segment_sum(jnp.ones((n, 1), X.dtype), batch, num_segments=G)
    pooled = sums / jnp.maximum(counts, 1.0)
    gf = jnp.concatenate([pooled, sf], axis=-1)
    graph_values = jax.nn.relu(gf @ fd['Wp1'] + fd['bp1']) @ fd['Wp2'] + fd['bp2']
    edge_flat = edge_values.reshape(-1)
    M = edge_flat.shape[0]
    total = M + G * 2
    egm = batch[jnp.repeat(src, EDGE_DIM)]
    gv = graph_values[:, 0]
    cnt = jax.ops.segment_sum(jnp.ones((M,), jnp.int32), egm, num_segments=G)
    seg_sizes = cnt + 2
    start = jnp.cumsum(seg_sizes) - seg_sizes
    edge_start = jnp.cumsum(cnt) - cnt
    perm = jnp.argsort(egm)
    sorted_g = egm[perm]
    pos_sorted = start[sorted_g] + (jnp.arange(M) - edge_start[sorted_g])
    out_idx = jnp.zeros((M,), pos_sorted.dtype).at[perm].set(pos_sorted)
    m = jnp.maximum(jax.ops.segment_max(edge_flat, egm, num_segments=G), gv)
    m = jax.lax.stop_gradient(m)
    e_edge = jnp.exp(edge_flat - m[egm])
    e_g = jnp.exp(gv - m)
    denom = jax.ops.segment_sum(e_edge, egm, num_segments=G) + 2.0 * e_g
    out = jnp.zeros((total,), edge_flat.dtype)
    out = out.at[out_idx].set(2.0 * e_edge / denom[egm])
    gpos = start + cnt
    gvals = 2.0 * e_g / denom
    out = out.at[gpos].set(gvals)
    out = out.at[gpos + 1].set(gvals)
    return out


INT_KEYS = ('x', 'edge_attr', 'edge_index', 'batch')


def reference(x, edge_attr, edge_index, batch, static_features,
              emb_node_0, emb_node_1, emb_node_2, emb_node_3,
              emb_edge_0, emb_edge_1, emb_edge_2,
              W_in, b_in,
              Wself_0, Wnbr_0, Wedge_0, b_0,
              Wself_1, Wnbr_1, Wedge_1, b_1,
              Wself_2, Wnbr_2, Wedge_2, b_2,
              We1, be1, We2, be2, Wp1, bp1, Wp2, bp2):
    fd = {
        'static_features': static_features,
        'emb_node_0': emb_node_0, 'emb_node_1': emb_node_1,
        'emb_node_2': emb_node_2, 'emb_node_3': emb_node_3,
        'emb_edge_0': emb_edge_0, 'emb_edge_1': emb_edge_1, 'emb_edge_2': emb_edge_2,
        'W_in': W_in, 'b_in': b_in,
        'Wself_0': Wself_0, 'Wnbr_0': Wnbr_0, 'Wedge_0': Wedge_0, 'b_0': b_0,
        'Wself_1': Wself_1, 'Wnbr_1': Wnbr_1, 'Wedge_1': Wedge_1, 'b_1': b_1,
        'Wself_2': Wself_2, 'Wnbr_2': Wnbr_2, 'Wedge_2': Wedge_2, 'b_2': b_2,
        'We1': We1, 'be1': be1, 'We2': We2, 'be2': be2,
        'Wp1': Wp1, 'bp1': bp1, 'Wp2': Wp2, 'bp2': bp2,
    }
    return _forward(fd, x, edge_attr, edge_index, batch)

if __name__ == "__main__":
    import jax
    _d = setup_inputs()
    print(jax.jit(kernel)(*tuple(_d.values())))

</pallas_src>

<mosaic_0001>
#map = affine_map<(d0, d1) -> (0, 0)>
#map1 = affine_map<(d0, d1) -> (0)>
#map2 = affine_map<(d0, d1) -> (0, 0, 0)>
module attributes {stable_mosaic.version = 14 : i64} {
  func.func @k(%arg0: i32, %arg1: i32, %arg2: memref<10000x128xf32, #tpu.memory_space<hbm>>, %arg3: memref<192x128xf32, #tpu.memory_space<hbm>>, %arg4: memref<320000xi32, #tpu.memory_space<hbm>>, %arg5: memref<320000xi32, #tpu.memory_space<hbm>>, %arg6: memref<320000xi32, #tpu.memory_space<hbm>>, %arg7: memref<2x10000x128xf32, #tpu.memory_space<hbm>>, %arg8: memref<1x80xi32, #tpu.memory_space<vmem>>, %arg9: memref<1x80xi32, #tpu.memory_space<vmem>>, %arg10: memref<1x80xi32, #tpu.memory_space<vmem>>, %arg11: memref<80x128xf32, #tpu.memory_space<vmem>>, %arg12: memref<80x128xf32, #tpu.memory_space<vmem>>, %arg13: memref<10000x128xf32, #tpu.memory_space<vmem_shared>>, %arg14: memref<!tpu.dma_semaphore, #tpu.memory_space<semaphore_mem>>) attributes {dimension_semantics = [#tpu.dimension_semantics<core_parallel>, #tpu.dimension_semantics<subcore_parallel>], iteration_bounds = array<i64: 2, 16>, scalar_prefetch = 0 : i64, scratch_operands = 7 : i64, tpu.core_type = #tpu.core_type<sc_vector_subcore>, window_params = [{transform_indices = #map}, {transform_indices = #map}, {transform_indices = #map1}, {transform_indices = #map1}, {transform_indices = #map1}, {transform_indices = #map2}]} {
    %mul3A = arith.constant 2 : i32
    %mul3A_0 = arith.muli %arg1, %mul3A : i32
    %add3A = arith.addi %mul3A_0, %arg0 : i32
    %mul3A_1 = arith.constant 10000 : i32
    %mul3A_2 = arith.muli %add3A, %mul3A_1 : i32
    %scan3A = arith.constant 0 : i32
    %scan3A_3 = arith.constant 0 : i32
    %scan3A_4 = arith.constant 80 : i32
    %scan3A_5 = arith.addi %scan3A_3, %scan3A_4 : i32
    %scan3A_6 = arith.constant 1 : i32
    %scan3A_7 = scf.for %scan3A_30 = %scan3A_3 to %scan3A_5 step %scan3A_6 iter_args(%scan3A_31 = %scan3A) -> (i32)  : i32 {
      %broadcast_in_dim3A = arith.constant 0.000000e+00 : f32
      %broadcast_in_dim3A_32 = vector.broadcast %broadcast_in_dim3A : f32 to vector<16xf32>
      %swap3A = arith.index_cast %scan3A_30 : i32 to index
      %swap3A_33 = arith.constant 0 : index
      %swap3A_34 = tpu.vector_load %arg11[%swap3A, %swap3A_33] {strides = array<i32>} : memref<80x128xf32, #tpu.memory_space<vmem>>, vector<1x16xf32>,
      %swap3A_35 = vector.shape_cast %swap3A_34 : vector<1x16xf32> to vector<16xf32>
      %swap3A_36 = vector.shape_cast %broadcast_in_dim3A_32 : vector<16xf32> to vector<1x16xf32>
      tpu.vector_store %arg11[%swap3A, %swap3A_33], %swap3A_36 {strides = array<i32>} : memref<80x128xf32, #tpu.memory_space<vmem>>, vector<1x16xf32>,
      %broadcast_in_dim3A_37 = arith.constant 0.000000e+00 : f32
      %broadcast_in_dim3A_38 = vector.broadcast %broadcast_in_dim3A_37 : f32 to vector<16xf32>
      %swap3A_39 = arith.index_cast %scan3A_30 : i32 to index
      %swap3A_40 = arith.constant 16 : index
      %swap3A_41 = tpu.vector_load %arg11[%swap3A_39, %swap3A_40] {strides = array<i32>} : memref<80x128xf32, #tpu.memory_space<vmem>>, vector<1x16xf32>,
      %swap3A_42 = vector.shape_cast %swap3A_41 : vector<1x16xf32> to vector<16xf32>
      %swap3A_43 = vector.shape_cast %broadcast_in_dim3A_38 : vector<16xf32> to vector<1x16xf32>
      tpu.vector_store %arg11[%swap3A_39, %swap3A_40], %swap3A_43 {strides = array<i32>} : memref<80x128xf32, #tpu.memory_space<vmem>>, vector<1x16xf32>,
      %broadcast_in_dim3A_44 = arith.constant 0.000000e+00 : f32
      %broadcast_in_dim3A_45 = vector.broadcast %broadcast_in_dim3A_44 : f32 to vector<16xf32>
      %swap3A_46 = arith.index_cast %scan3A_30 : i32 to index
      %swap3A_47 = arith.constant 32 : index
      %swap3A_48 = tpu.vector_load %arg11[%swap3A_46, %swap3A_47] {strides = array<i32>} : memref<80x128xf32, #tpu.memory_space<vmem>>, vector<1x16xf32>,
      %swap3A_49 = vector.shape_cast %swap3A_48 : vector<1x16xf32> to vector<16xf32>
      %swap3A_50 = vector.shape_cast %broadcast_in_dim3A_45 : vector<16xf32> to vector<1x16xf32>
      tpu.vector_store %arg11[%swap3A_46, %swap3A_47], %swap3A_50 {strides = array<i32>} : memref<80x128xf32, #tpu.memory_space<vmem>>, vector<1x16xf32>,
      %broadcast_in_dim3A_51 = arith.constant 0.000000e+00 : f32
      %broadcast_in_dim3A_52 = vector.broadcast %broadcast_in_dim3A_51 : f32 to vector<16xf32>
      %swap3A_53 = arith.index_cast %scan3A_30 : i32 to index
      %swap3A_54 = arith.constant 48 : index
      %swap3A_55 = tpu.vector_load %arg11[%swap3A_53, %swap3A_54] {strides = array<i32>} : memref<80x128xf32, #tpu.memory_space<vmem>>, vector<1x16xf32>,
      %swap3A_56 = vector.shape_cast %swap3A_55 : vector<1x16xf32> to vector<16xf32>
      %swap3A_57 = vector.shape_cast %broadcast_in_dim3A_52 : vector<16xf32> to vector<1x16xf32>
      tpu.vector_store %arg11[%swap3A_53, %swap3A_54], %swap3A_57 {strides = array<i32>} : memref<80x128xf32, #tpu.memory_space<vmem>>, vector<1x16xf32>,
      %broadcast_in_dim3A_58 = arith.constant 0.000000e+00 : f32
      %broadcast_in_dim3A_59 = vector.broadcast %broadcast_in_dim3A_58 : f32 to vector<16xf32>
      %swap3A_60 = arith.index_cast %scan3A_30 : i32 to index
      %swap3A_61 = arith.constant 64 : index
      %swap3A_62 = tpu.vector_load %arg11[%swap3A_60, %swap3A_61] {strides = array<i32>} : memref<80x128xf32, #tpu.memory_space<vmem>>, vector<1x16xf32>,
      %swap3A_63 = vector.shape_cast %swap3A_62 : vector<1x16xf32> to vector<16xf32>
      %swap3A_64 = vector.shape_cast %broadcast_in_dim3A_59 : vector<16xf32> to vector<1x16xf32>
      tpu.vector_store %arg11[%swap3A_60, %swap3A_61], %swap3A_64 {strides = array<i32>} : memref<80x128xf32, #tpu.memory_space<vmem>>, vector<1x16xf32>,
      %broadcast_in_dim3A_65 = arith.constant 0.000000e+00 : f32
      %broadcast_in_dim3A_66 = vector.broadcast %broadcast_in_dim3A_65 : f32 to vector<16xf32>
      %swap3A_67 = arith.index_cast %scan3A_30 : i32 to index
      %swap3A_68 = arith.constant 80 : index
      %swap3A_69 = tpu.vector_load %arg11[%swap3A_67, %swap3A_68] {strides = array<i32>} : memref<80x128xf32, #tpu.memory_space<vmem>>, vector<1x16xf32>,
      %swap3A_70 = vector.shape_cast %swap3A_69 : vector<1x16xf32> to vector<16xf32>
      %swap3A_71 = vector.shape_cast %broadcast_in_dim3A_66 : vector<16xf32> to vector<1x16xf32>
      tpu.vector_store %arg11[%swap3A_67, %swap3A_68], %swap3A_71 {strides = array<i32>} : memref<80x128xf32, #tpu.memory_space<vmem>>, vector<1x16xf32>,
      %broadcast_in_dim3A_72 = arith.constant 0.000000e+00 : f32
      %broadcast_in_dim3A_73 = vector.broadcast %broadcast_in_dim3A_72 : f32 to vector<16xf32>
      %swap3A_74 = arith.index_cast %scan3A_30 : i32 to index
      %swap3A_75 = arith.constant 96 : index
      %swap3A_76 = tpu.vector_load %arg11[%swap3A_74, %swap3A_75] {strides = array<i32>} : memref<80x128xf32, #tpu.memory_space<vmem>>, vector<1x16xf32>,
      %swap3A_77 = vector.shape_cast %swap3A_76 : vector<1x16xf32> to vector<16xf32>
      %swap3A_78 = vector.shape_cast %broadcast_in_dim3A_73 : vector<16xf32> to vector<1x16xf32>
      tpu.vector_store %arg11[%swap3A_74, %swap3A_75], %swap3A_78 {strides = array<i32>} : memref<80x128xf32, #tpu.memory_space<vmem>>, vector<1x16xf32>,
      %broadcast_in_dim3A_79 = arith.constant 0.000000e+00 : f32
      %broadcast_in_dim3A_80 = vector.broadcast %broadcast_in_dim3A_79 : f32 to vector<16xf32>
      %swap3A_81 = arith.index_cast %scan3A_30 : i32 to index
      %swap3A_82 = arith.constant 112 : index
      %swap3A_83 = tpu.vector_load %arg11[%swap3A_81, %swap3A_82] {strides = array<i32>} : memref<80x128xf32, #tpu.memory_space<vmem>>, vector<1x16xf32>,
      %swap3A_84 = vector.shape_cast %swap3A_83 : vector<1x16xf32> to vector<16xf32>
      %swap3A_85 = vector.shape_cast %broadcast_in_dim3A_80 : vector<16xf32> to vector<1x16xf32>
      tpu.vector_store %arg11[%swap3A_81, %swap3A_82], %swap3A_85 {strides = array<i32>} : memref<80x128xf32, #tpu.memory_space<vmem>>, vector<1x16xf32>,
      %scan3A_86 = arith.constant 0 : i32
      scf.yield %scan3A_86 : i32
    }
    %scan3A_8 = arith.constant 80 : i32
    %scan3A_9 = arith.constant 0 : i32
    %scan3A_10 = arith.constant 0 : i32
    %scan3A_11 = arith.constant 8 : i32
    %scan3A_12 = arith.addi %scan3A_10, %scan3A_11 : i32
    %scan3A_13 = arith.constant 1 : i32
    %scan3A_14 = scf.for %scan3A_30 = %scan3A_10 to %scan3A_12 step %scan3A_13 iter_args(%scan3A_31 = %scan3A_9) -> (i32)  : i32 {
      %mul3A_32 = arith.constant 16 : i32
      %mul3A_33 = arith.muli %scan3A_30, %mul3A_32 : i32
      %add3A_34 = arith.addi %mul3A_33, %arg1 : i32
      %lt3A = arith.constant 125 : i32
      %lt3A_35 = arith.cmpi slt, %add3A_34, %lt3A : i32
      %convert_element_type3A = arith.extui %lt3A_35 : i1 to i32
      %cond3A = arith.constant 0 : i32
      %cond3A_36 = arith.cmpi ne, %convert_element_type3A, %cond3A : i32
      %cond3A_37 = scf.if %cond3A_36 -> (i32) {
        %mul3A_38 = arith.constant 16 : i32
        %mul3A_39 = arith.muli %scan3A_30, %mul3A_38 : i32
        %add3A_40 = arith.addi %mul3A_39, %arg1 : i32
        %mul3A_41 = arith.constant 80 : i32
        %mul3A_42 = arith.muli %add3A_40, %mul3A_41 : i32
        "tpu.region"() ({
          %run_scoped3A = tpu.sem_alloc : memref<!tpu.dma_semaphore, #tpu.memory_space<semaphore_mem>>
          %dma_start3A = arith.constant 0 : i32
          %dma_start3A_44 = tpu.memref_slice %arg13[%mul3A_42, %dma_start3A] : memref<10000x128xf32, #tpu.memory_space<vmem_shared>> -> memref<80x128xf32, #tpu.memory_space<vmem_shared>>
          %dma_start3A_45 = arith.constant 0 : i32
          %dma_start3A_46 = tpu.memref_slice %arg13[%mul3A_42, %dma_start3A_45] : memref<10000x128xf32, #tpu.memory_space<vmem_shared>> -> memref<80x128xf32, #tpu.memory_space<vmem_shared>>
          tpu.enqueue_dma source(%arg11 : memref<80x128xf32, #tpu.memory_space<vmem>>) target(%dma_start3A_46 : memref<80x128xf32, #tpu.memory_space<vmem_shared>>) target_semaphore(%run_scoped3A : memref<!tpu.dma_semaphore, #tpu.memory_space<semaphore_mem>>)
          %dma_wait3A = arith.constant 0 : i32
          %dma_wait3A_47 = tpu.memref_slice %arg13[%mul3A_42, %dma_wait3A] : memref<10000x128xf32, #tpu.memory_space<vmem_shared>> -> memref<80x128xf32, #tpu.memory_space<vmem_shared>>
          %dma_wait3A_48 = arith.constant 0 : i32
          %dma_wait3A_49 = tpu.memref_slice %arg13[%mul3A_42, %dma_wait3A_48] : memref<10000x128xf32, #tpu.memory_space<vmem_shared>> -> memref<80x128xf32, #tpu.memory_space<vmem_shared>>
          tpu.wait_dma2 semaphore(%run_scoped3A : memref<!tpu.dma_semaphore, #tpu.memory_space<semaphore_mem>>) src(%arg11 : memref<80x128xf32, #tpu.memory_space<vmem>>) dst(%dma_wait3A_49 : memref<80x128xf32, #tpu.memory_space<vmem_shared>>)
          tpu.yield
        }) : () -> ()
        %cond3A_43 = arith.constant 0 : i32
        scf.yield %cond3A_43 : i32
      } else {
        %cond3A_38 = arith.constant 0 : i32
        scf.yield %cond3A_38 : i32
      }
      scf.yield %cond3A_37 : i32
    }
    %scan3A_15 = arith.constant 8 : i32
    %barrier3A = arith.constant 0 : index
    tpu.barrier barrier_id(%barrier3A)
    %scan3A_16 = arith.constant 0 : i32
    %scan3A_17 = arith.constant 0 : i32
    %scan3A_18 = arith.constant 125 : i32
    %scan3A_19 = arith.addi %scan3A_17, %scan3A_18 : i32
    %scan3A_20 = arith.constant 1 : i32
    scf.for %scan3A_30 = %scan3A_17 to %scan3A_19 step %scan3A_20  : i32 {
      %mul3A_31 = arith.constant 80 : i32
      %mul3A_32 = arith.muli %scan3A_30, %mul3A_31 : i32
      %add3A_33 = arith.addi %mul3A_2, %mul3A_32 : i32
      %run_scoped3A = arith.constant 0 : i32
      "tpu.region"() ({
        %run_scoped3A_70 = tpu.sem_alloc : memref<!tpu.dma_semaphore, #tpu.memory_space<semaphore_mem>>
        %dma_start3A_71 = arith.constant 0 : i32
        %dma_start3A_72 = tpu.memref_slice %arg8[%run_scoped3A, %dma_start3A_71] : memref<1x80xi32, #tpu.memory_space<vmem>> -> memref<1x80xi32, #tpu.memory_space<vmem>>
        %dma_start3A_73 = tpu.memref_squeeze %dma_start3A_72 : memref<1x80xi32, #tpu.memory_space<vmem>> -> memref<80xi32, #tpu.memory_space<vmem>>
        %dma_start3A_74 = tpu.memref_slice %arg4[%add3A_33] : memref<320000xi32, #tpu.memory_space<hbm>> -> memref<80xi32, #tpu.memory_space<hbm>>
        %dma_start3A_75 = arith.constant 0 : i32
        %dma_start3A_76 = tpu.memref_slice %arg8[%run_scoped3A, %dma_start3A_75] : memref<1x80xi32, #tpu.memory_space<vmem>> -> memref<1x80xi32, #tpu.memory_space<vmem>>
        %dma_start3A_77 = tpu.memref_squeeze %dma_start3A_76 : memref<1x80xi32, #tpu.memory_space<vmem>> -> memref<80xi32, #tpu.memory_space<vmem>>
        %dma_start3A_78 = tpu.memref_slice %arg4[%add3A_33] : memref<320000xi32, #tpu.memory_space<hbm>> -> memref<80xi32, #tpu.memory_space<hbm>>
        tpu.enqueue_dma source(%dma_start3A_78 : memref<80xi32, #tpu.memory_space<hbm>>) target(%dma_start3A_77 : memref<80xi32, #tpu.memory_space<vmem>>) target_semaphore(%run_scoped3A_70 : memref<!tpu.dma_semaphore, #tpu.memory_space<semaphore_mem>>)
        %dma_wait3A_79 = arith.constant 0 : i32
        %dma_wait3A_80 = tpu.memref_slice %arg8[%run_scoped3A, %dma_wait3A_79] : memref<1x80xi32, #tpu.memory_space<vmem>> -> memref<1x80xi32, #tpu.memory_space<vmem>>
        %dma_wait3A_81 = tpu.memref_squeeze %dma_wait3A_80 : memref<1x80xi32, #tpu.memory_space<vmem>> -> memref<80xi32, #tpu.memory_space<vmem>>
        %dma_wait3A_82 = tpu.memref_slice %arg4[%add3A_33] : memref<320000xi32, #tpu.memory_space<hbm>> -> memref<80xi32, #tpu.memory_space<hbm>>
        %dma_wait3A_83 = arith.constant 0 : i32
        %dma_wait3A_84 = tpu.memref_slice %arg8[%run_scoped3A, %dma_wait3A_83] : memref<1x80xi32, #tpu.memory_space<vmem>> -> memref<1x80xi32, #tpu.memory_space<vmem>>
        %dma_wait3A_85 = tpu.memref_squeeze %dma_wait3A_84 : memref<1x80xi32, #tpu.memory_space<vmem>> -> memref<80xi32, #tpu.memory_space<vmem>>
        %dma_wait3A_86 = tpu.memref_slice %arg4[%add3A_33] : memref<320000xi32, #tpu.memory_space<hbm>> -> memref<80xi32, #tpu.memory_space<hbm>>
        tpu.wait_dma2 semaphore(%run_scoped3A_70 : memref<!tpu.dma_semaphore, #tpu.memory_space<semaphore_mem>>) src(%dma_wait3A_86 : memref<80xi32, #tpu.memory_space<hbm>>) dst(%dma_wait3A_85 : memref<80xi32, #tpu.memory_space<vmem>>)
        tpu.yield
      }) : () -> ()
      %run_scoped3A_34 = arith.constant 0 : i32
      "tpu.region"() ({
        %run_scoped3A_70 = tpu.sem_alloc : memref<!tpu.dma_semaphore, #tpu.memory_space<semaphore_mem>>
        %dma_start3A_71 = arith.constant 0 : i32
        %dma_start3A_72 = tpu.memref_slice %arg9[%run_scoped3A_34, %dma_start3A_71] : memref<1x80xi32, #tpu.memory_space<vmem>> -> memref<1x80xi32, #tpu.memory_space<vmem>>
        %dma_start3A_73 = tpu.memref_squeeze %dma_start3A_72 : memref<1x80xi32, #tpu.memory_space<vmem>> -> memref<80xi32, #tpu.memory_space<vmem>>
        %dma_start3A_74 = tpu.memref_slice %arg5[%add3A_33] : memref<320000xi32, #tpu.memory_space<hbm>> -> memref<80xi32, #tpu.memory_space<hbm>>
        %dma_start3A_75 = arith.constant 0 : i32
        %dma_start3A_76 = tpu.memref_slice %arg9[%run_scoped3A_34, %dma_start3A_75] : memref<1x80xi32, #tpu.memory_space<vmem>> -> memref<1x80xi32, #tpu.memory_space<vmem>>
        %dma_start3A_77 = tpu.memref_squeeze %dma_start3A_76 : memref<1x80xi32, #tpu.memory_space<vmem>> -> memref<80xi32, #tpu.memory_space<vmem>>
        %dma_start3A_78 = tpu.memref_slice %arg5[%add3A_33] : memref<320000xi32, #tpu.memory_space<hbm>> -> memref<80xi32, #tpu.memory_space<hbm>>
        tpu.enqueue_dma source(%dma_start3A_78 : memref<80xi32, #tpu.memory_space<hbm>>) target(%dma_start3A_77 : memref<80xi32, #tpu.memory_space<vmem>>) target_semaphore(%run_scoped3A_70 : memref<!tpu.dma_semaphore, #tpu.memory_space<semaphore_mem>>)
        %dma_wait3A_79 = arith.constant 0 : i32
        %dma_wait3A_80 = tpu.memref_slice %arg9[%run_scoped3A_34, %dma_wait3A_79] : memref<1x80xi32, #tpu.memory_space<vmem>> -> memref<1x80xi32, #tpu.memory_space<vmem>>
        %dma_wait3A_81 = tpu.memref_squeeze %dma_wait3A_80 : memref<1x80xi32, #tpu.memory_space<vmem>> -> memref<80xi32, #tpu.memory_space<vmem>>
        %dma_wait3A_82 = tpu.memref_slice %arg5[%add3A_33] : memref<320000xi32, #tpu.memory_space<hbm>> -> memref<80xi32, #tpu.memory_space<hbm>>
        %dma_wait3A_83 = arith.constant 0 : i32
        %dma_wait3A_84 = tpu.memref_slice %arg9[%run_scoped3A_34, %dma_wait3A_83] : memref<1x80xi32, #tpu.memory_space<vmem>> -> memref<1x80xi32, #tpu.memory_space<vmem>>
        %dma_wait3A_85 = tpu.memref_squeeze %dma_wait3A_84 : memref<1x80xi32, #tpu.memory_space<vmem>> -> memref<80xi32, #tpu.memory_space<vmem>>
        %dma_wait3A_86 = tpu.memref_slice %arg5[%add3A_33] : memref<320000xi32, #tpu.memory_space<hbm>> -> memref<80xi32, #tpu.memory_space<hbm>>
        tpu.wait_dma2 semaphore(%run_scoped3A_70 : memref<!tpu.dma_semaphore, #tpu.memory_space<semaphore_mem>>) src(%dma_wait3A_86 : memref<80xi32, #tpu.memory_space<hbm>>) dst(%dma_wait3A_85 : memref<80xi32, #tpu.memory_space<vmem>>)
        tpu.yield
      }) : () -> ()
      %run_scoped3A_35 = arith.constant 0 : i32
      "tpu.region"() ({
        %run_scoped3A_70 = tpu.sem_alloc : memref<!tpu.dma_semaphore, #tpu.memory_space<semaphore_mem>>
        %dma_start3A_71 = arith.constant 0 : i32
        %dma_start3A_72 = tpu.memref_slice %arg10[%run_scoped3A_35, %dma_start3A_71] : memref<1x80xi32, #tpu.memory_space<vmem>> -> memref<1x80xi32, #tpu.memory_space<vmem>>
        %dma_start3A_73 = tpu.memref_squeeze %dma_start3A_72 : memref<1x80xi32, #tpu.memory_space<vmem>> -> memref<80xi32, #tpu.memory_space<vmem>>
        %dma_start3A_74 = tpu.memref_slice %arg6[%add3A_33] : memref<320000xi32, #tpu.memory_space<hbm>> -> memref<80xi32, #tpu.memory_space<hbm>>
        %dma_start3A_75 = arith.constant 0 : i32
        %dma_start3A_76 = tpu.memref_slice %arg10[%run_scoped3A_35, %dma_start3A_75] : memref<1x80xi32, #tpu.memory_space<vmem>> -> memref<1x80xi32, #tpu.memory_space<vmem>>
        %dma_start3A_77 = tpu.memref_squeeze %dma_start3A_76 : memref<1x80xi32, #tpu.memory_space<vmem>> -> memref<80xi32, #tpu.memory_space<vmem>>
        %dma_start3A_78 = tpu.memref_slice %arg6[%add3A_33] : memref<320000xi32, #tpu.memory_space<hbm>> -> memref<80xi32, #tpu.memory_space<hbm>>
        tpu.enqueue_dma source(%dma_start3A_78 : memref<80xi32, #tpu.memory_space<hbm>>) target(%dma_start3A_77 : memref<80xi32, #tpu.memory_space<vmem>>) target_semaphore(%run_scoped3A_70 : memref<!tpu.dma_semaphore, #tpu.memory_space<semaphore_mem>>)
        %dma_wait3A_79 = arith.constant 0 : i32
        %dma_wait3A_80 = tpu.memref_slice %arg10[%run_scoped3A_35, %dma_wait3A_79] : memref<1x80xi32, #tpu.memory_space<vmem>> -> memref<1x80xi32, #tpu.memory_space<vmem>>
        %dma_wait3A_81 = tpu.memref_squeeze %dma_wait3A_80 : memref<1x80xi32, #tpu.memory_space<vmem>> -> memref<80xi32, #tpu.memory_space<vmem>>
        %dma_wait3A_82 = tpu.memref_slice %arg6[%add3A_33] : memref<320000xi32, #tpu.memory_space<hbm>> -> memref<80xi32, #tpu.memory_space<hbm>>
        %dma_wait3A_83 = arith.constant 0 : i32
        %dma_wait3A_84 = tpu.memref_slice %arg10[%run_scoped3A_35, %dma_wait3A_83] : memref<1x80xi32, #tpu.memory_space<vmem>> -> memref<1x80xi32, #tpu.memory_space<vmem>>
        %dma_wait3A_85 = tpu.memref_squeeze %dma_wait3A_84 : memref<1x80xi32, #tpu.memory_space<vmem>> -> memref<80xi32, #tpu.memory_space<vmem>>
        %dma_wait3A_86 = tpu.memref_slice %arg6[%add3A_33] : memref<320000xi32, #tpu.memory_space<hbm>> -> memref<80xi32, #tpu.memory_space<hbm>>
        tpu.wait_dma2 semaphore(%run_scoped3A_70 : memref<!tpu.dma_semaphore, #tpu.memory_space<semaphore_mem>>) src(%dma_wait3A_86 : memref<80xi32, #tpu.memory_space<hbm>>) dst(%dma_wait3A_85 : memref<80xi32, #tpu.memory_space<vmem>>)
        tpu.yield
      }) : () -> ()
      %dma_start3A = arith.constant 0 : i32
      %dma_start3A_36 = arith.constant 0 : i32
      %dma_start3A_37 = tpu.memref_slice %arg8[%dma_start3A, %dma_start3A_36] : memref<1x80xi32, #tpu.memory_space<vmem>> -> memref<1x80xi32, #tpu.memory_space<vmem>>
      %dma_start3A_38 = tpu.memref_squeeze %dma_start3A_37 : memref<1x80xi32, #tpu.memory_space<vmem>> -> memref<80xi32, #tpu.memory_space<vmem>>
      %dma_start3A_39 = arith.constant 0 : i32
      %dma_start3A_40 = arith.constant 0 : i32
      %dma_start3A_41 = tpu.memref_slice %arg2[%dma_start3A_39, %dma_start3A_40] : memref<10000x128xf32, #tpu.memory_space<hbm>> -> memref<10000x128xf32, #tpu.memory_space<hbm>>
      tpu.enqueue_indirect_dma source(%dma_start3A_41 : memref<10000x128xf32, #tpu.memory_space<hbm>>) target(%arg11 : memref<80x128xf32, #tpu.memory_space<vmem>>) offsets(%dma_start3A_38 : memref<80xi32, #tpu.memory_space<vmem>>) semaphore(%arg14 : memref<!tpu.dma_semaphore, #tpu.memory_space<semaphore_mem>>)
      %dma_start3A_42 = arith.constant 0 : i32
      %dma_start3A_43 = arith.constant 0 : i32
      %dma_start3A_44 = tpu.memref_slice %arg10[%dma_start3A_42, %dma_start3A_43] : memref<1x80xi32, #tpu.memory_space<vmem>> -> memref<1x80xi32, #tpu.memory_space<vmem>>
      %dma_start3A_45 = tpu.memref_squeeze %dma_start3A_44 : memref<1x80xi32, #tpu.memory_space<vmem>> -> memref<80xi32, #tpu.memory_space<vmem>>
      %dma_start3A_46 = arith.constant 0 : i32
      %dma_start3A_47 = arith.constant 0 : i32
      %dma_start3A_48 = tpu.memref_slice %arg3[%dma_start3A_46, %dma_start3A_47] : memref<192x128xf32, #tpu.memory_space<hbm>> -> memref<192x128xf32, #tpu.memory_space<hbm>>
      tpu.enqueue_indirect_dma source(%dma_start3A_48 : memref<192x128xf32, #tpu.memory_space<hbm>>) target(%arg12 : memref<80x128xf32, #tpu.memory_space<vmem>>) offsets(%dma_start3A_45 : memref<80xi32, #tpu.memory_space<vmem>>) semaphore(%arg14 : memref<!tpu.dma_semaphore, #tpu.memory_space<semaphore_mem>>)
      %dma_wait3A = arith.constant 0 : i32
      %dma_wait3A_49 = arith.constant 0 : i32
      %dma_wait3A_50 = tpu.memref_slice %arg8[%dma_wait3A, %dma_wait3A_49] : memref<1x80xi32, #tpu.memory_space<vmem>> -> memref<1x80xi32, #tpu.memory_space<vmem>>
      %dma_wait3A_51 = tpu.memref_squeeze %dma_wait3A_50 : memref<1x80xi32, #tpu.memory_space<vmem>> -> memref<80xi32, #tpu.memory_space<vmem>>
      %dma_wait3A_52 = arith.constant 0 : i32
      %dma_wait3A_53 = arith.constant 0 : i32
      %dma_wait3A_54 = tpu.memref_slice %arg2[%dma_wait3A_52, %dma_wait3A_53] : memref<10000x128xf32, #tpu.memory_space<hbm>> -> memref<10000x128xf32, #tpu.memory_space<hbm>>
      tpu.wait_indirect_dma semaphore(%arg14 : memref<!tpu.dma_semaphore, #tpu.memory_space<semaphore_mem>>) src(%dma_wait3A_54 : memref<10000x128xf32, #tpu.memory_space<hbm>>) dst(%arg11 : memref<80x128xf32, #tpu.memory_space<vmem>>)
      %dma_wait3A_55 = arith.constant 0 : i32
      %dma_wait3A_56 = arith.constant 0 : i32
      %dma_wait3A_57 = tpu.memref_slice %arg10[%dma_wait3A_55, %dma_wait3A_56] : memref<1x80xi32, #tpu.memory_space<vmem>> -> memref<1x80xi32, #tpu.memory_space<vmem>>
      %dma_wait3A_58 = tpu.memref_squeeze %dma_wait3A_57 : memref<1x80xi32, #tpu.memory_space<vmem>> -> memref<80xi32, #tpu.memory_space<vmem>>
      %dma_wait3A_59 = arith.constant 0 : i32
      %dma_wait3A_60 = arith.constant 0 : i32
      %dma_wait3A_61 = tpu.memref_slice %arg3[%dma_wait3A_59, %dma_wait3A_60] : memref<192x128xf32, #tpu.memory_space<hbm>> -> memref<192x128xf32, #tpu.memory_space<hbm>>
      tpu.wait_indirect_dma semaphore(%arg14 : memref<!tpu.dma_semaphore, #tpu.memory_space<semaphore_mem>>) src(%dma_wait3A_61 : memref<192x128xf32, #tpu.memory_space<hbm>>) dst(%arg12 : memref<80x128xf32, #tpu.memory_space<vmem>>)
      %scan3A_62 = arith.constant 0 : i32
      %scan3A_63 = arith.constant 0 : i32
      %scan3A_64 = arith.constant 80 : i32
      %scan3A_65 = arith.addi %scan3A_63, %scan3A_64 : i32
      %scan3A_66 = arith.constant 1 : i32
      %scan3A_67 = scf.for %scan3A_70 = %scan3A_63 to %scan3A_65 step %scan3A_66 iter_args(%scan3A_71 = %scan3A_62) -> (i32)  : i32 {
        %get3A = arith.index_cast %scan3A_70 : i32 to index
        %get3A_72 = arith.constant 0 : index
        %get3A_73 = tpu.vector_load %arg11[%get3A, %get3A_72] {strides = array<i32>} : memref<80x128xf32, #tpu.memory_space<vmem>>, vector<1x16xf32>,
        %get3A_74 = vector.shape_cast %get3A_73 : vector<1x16xf32> to vector<16xf32>
        %get3A_75 = arith.index_cast %scan3A_70 : i32 to index
        %get3A_76 = arith.constant 0 : index
        %get3A_77 = tpu.vector_load %arg12[%get3A_75, %get3A_76] {strides = array<i32>} : memref<80x128xf32, #tpu.memory_space<vmem>>, vector<1x16xf32>,
        %get3A_78 = vector.shape_cast %get3A_77 : vector<1x16xf32> to vector<16xf32>
        %add3A_79 = arith.addf %get3A_74, %get3A_78 : vector<16xf32>
        %swap3A = arith.index_cast %scan3A_70 : i32 to index
        %swap3A_80 = arith.constant 0 : index
        %swap3A_81 = tpu.vector_load %arg11[%swap3A, %swap3A_80] {strides = array<i32>} : memref<80x128xf32, #tpu.memory_space<vmem>>, vector<1x16xf32>,
        %swap3A_82 = vector.shape_cast %swap3A_81 : vector<1x16xf32> to vector<16xf32>
        %swap3A_83 = vector.shape_cast %add3A_79 : vector<16xf32> to vector<1x16xf32>
        tpu.vector_store %arg11[%swap3A, %swap3A_80], %swap3A_83 {strides = array<i32>} : memref<80x128xf32, #tpu.memory_space<vmem>>, vector<1x16xf32>,
        %get3A_84 = arith.index_cast %scan3A_70 : i32 to index
        %get3A_85 = arith.constant 16 : index
        %get3A_86 = tpu.vector_load %arg11[%get3A_84, %get3A_85] {strides = array<i32>} : memref<80x128xf32, #tpu.memory_space<vmem>>, vector<1x16xf32>,
        %get3A_87 = vector.shape_cast %get3A_86 : vector<1x16xf32> to vector<16xf32>
        %get3A_88 = arith.index_cast %scan3A_70 : i32 to index
        %get3A_89 = arith.constant 16 : index
        %get3A_90 = tpu.vector_load %arg12[%get3A_88, %get3A_89] {strides = array<i32>} : memref<80x128xf32, #tpu.memory_space<vmem>>, vector<1x16xf32>,
        %get3A_91 = vector.shape_cast %get3A_90 : vector<1x16xf32> to vector<16xf32>
        %add3A_92 = arith.addf %get3A_87, %get3A_91 : vector<16xf32>
        %swap3A_93 = arith.index_cast %scan3A_70 : i32 to index
        %swap3A_94 = arith.constant 16 : index
        %swap3A_95 = tpu.vector_load %arg11[%swap3A_93, %swap3A_94] {strides = array<i32>} : memref<80x128xf32, #tpu.memory_space<vmem>>, vector<1x16xf32>,
        %swap3A_96 = vector.shape_cast %swap3A_95 : vector<1x16xf32> to vector<16xf32>
        %swap3A_97 = vector.shape_cast %add3A_92 : vector<16xf32> to vector<1x16xf32>
        tpu.vector_store %arg11[%swap3A_93, %swap3A_94], %swap3A_97 {strides = array<i32>} : memref<80x128xf32, #tpu.memory_space<vmem>>, vector<1x16xf32>,
        %get3A_98 = arith.index_cast %scan3A_70 : i32 to index
        %get3A_99 = arith.constant 32 : index
        %get3A_100 = tpu.vector_load %arg11[%get3A_98, %get3A_99] {strides = array<i32>} : memref<80x128xf32, #tpu.memory_space<vmem>>, vector<1x16xf32>,
        %get3A_101 = vector.shape_cast %get3A_100 : vector<1x16xf32> to vector<16xf32>
        %get3A_102 = arith.index_cast %scan3A_70 : i32 to index
        %get3A_103 = arith.constant 32 : index
        %get3A_104 = tpu.vector_load %arg12[%get3A_102, %get3A_103] {strides = array<i32>} : memref<80x128xf32, #tpu.memory_space<vmem>>, vector<1x16xf32>,
        %get3A_105 = vector.shape_cast %get3A_104 : vector<1x16xf32> to vector<16xf32>
        %add3A_106 = arith.addf %get3A_101, %get3A_105 : vector<16xf32>
        %swap3A_107 = arith.index_cast %scan3A_70 : i32 to index
        %swap3A_108 = arith.constant 32 : index
        %swap3A_109 = tpu.vector_load %arg11[%swap3A_107, %swap3A_108] {strides = array<i32>} : memref<80x128xf32, #tpu.memory_space<vmem>>, vector<1x16xf32>,
        %swap3A_110 = vector.shape_cast %swap3A_109 : vector<1x16xf32> to vector<16xf32>
        %swap3A_111 = vector.shape_cast %add3A_106 : vector<16xf32> to vector<1x16xf32>
        tpu.vector_store %arg11[%swap3A_107, %swap3A_108], %swap3A_111 {strides = array<i32>} : memref<80x128xf32, #tpu.memory_space<vmem>>, vector<1x16xf32>,
        %get3A_112 = arith.index_cast %scan3A_70 : i32 to index
        %get3A_113 = arith.constant 48 : index
        %get3A_114 = tpu.vector_load %arg11[%get3A_112, %get3A_113] {strides = array<i32>} : memref<80x128xf32, #tpu.memory_space<vmem>>, vector<1x16xf32>,
        %get3A_115 = vector.shape_cast %get3A_114 : vector<1x16xf32> to vector<16xf32>
        %get3A_116 = arith.index_cast %scan3A_70 : i32 to index
        %get3A_117 = arith.constant 48 : index
        %get3A_118 = tpu.vector_load %arg12[%get3A_116, %get3A_117] {strides = array<i32>} : memref<80x128xf32, #tpu.memory_space<vmem>>, vector<1x16xf32>,
        %get3A_119 = vector.shape_cast %get3A_118 : vector<1x16xf32> to vector<16xf32>
        %add3A_120 = arith.addf %get3A_115, %get3A_119 : vector<16xf32>
        %swap3A_121 = arith.index_cast %scan3A_70 : i32 to index
        %swap3A_122 = arith.constant 48 : index
        %swap3A_123 = tpu.vector_load %arg11[%swap3A_121, %swap3A_122] {strides = array<i32>} : memref<80x128xf32, #tpu.memory_space<vmem>>, vector<1x16xf32>,
        %swap3A_124 = vector.shape_cast %swap3A_123 : vector<1x16xf32> to vector<16xf32>
        %swap3A_125 = vector.shape_cast %add3A_120 : vector<16xf32> to vector<1x16xf32>
        tpu.vector_store %arg11[%swap3A_121, %swap3A_122], %swap3A_125 {strides = array<i32>} : memref<80x128xf32, #tpu.memory_space<vmem>>, vector<1x16xf32>,
        %get3A_126 = arith.index_cast %scan3A_70 : i32 to index
        %get3A_127 = arith.constant 64 : index
        %get3A_128 = tpu.vector_load %arg11[%get3A_126, %get3A_127] {strides = array<i32>} : memref<80x128xf32, #tpu.memory_space<vmem>>, vector<1x16xf32>,
        %get3A_129 = vector.shape_cast %get3A_128 : vector<1x16xf32> to vector<16xf32>
        %get3A_130 = arith.index_cast %scan3A_70 : i32 to index
        %get3A_131 = arith.constant 64 : index
        %get3A_132 = tpu.vector_load %arg12[%get3A_130, %get3A_131] {strides = array<i32>} : memref<80x128xf32, #tpu.memory_space<vmem>>, vector<1x16xf32>,
        %get3A_133 = vector.shape_cast %get3A_132 : vector<1x16xf32> to vector<16xf32>
        %add3A_134 = arith.addf %get3A_129, %get3A_133 : vector<16xf32>
        %swap3A_135 = arith.index_cast %scan3A_70 : i32 to index
        %swap3A_136 = arith.constant 64 : index
        %swap3A_137 = tpu.vector_load %arg11[%swap3A_135, %swap3A_136] {strides = array<i32>} : memref<80x128xf32, #tpu.memory_space<vmem>>, vector<1x16xf32>,
        %swap3A_138 = vector.shape_cast %swap3A_137 : vector<1x16xf32> to vector<16xf32>
        %swap3A_139 = vector.shape_cast %add3A_134 : vector<16xf32> to vector<1x16xf32>
        tpu.vector_store %arg11[%swap3A_135, %swap3A_136], %swap3A_139 {strides = array<i32>} : memref<80x128xf32, #tpu.memory_space<vmem>>, vector<1x16xf32>,
        %get3A_140 = arith.index_cast %scan3A_70 : i32 to index
        %get3A_141 = arith.constant 80 : index
        %get3A_142 = tpu.vector_load %arg11[%get3A_140, %get3A_141] {strides = array<i32>} : memref<80x128xf32, #tpu.memory_space<vmem>>, vector<1x16xf32>,
        %get3A_143 = vector.shape_cast %get3A_142 : vector<1x16xf32> to vector<16xf32>
        %get3A_144 = arith.index_cast %scan3A_70 : i32 to index
        %get3A_145 = arith.constant 80 : index
        %get3A_146 = tpu.vector_load %arg12[%get3A_144, %get3A_145] {strides = array<i32>} : memref<80x128xf32, #tpu.memory_space<vmem>>, vector<1x16xf32>,
        %get3A_147 = vector.shape_cast %get3A_146 : vector<1x16xf32> to vector<16xf32>
        %add3A_148 = arith.addf %get3A_143, %get3A_147 : vector<16xf32>
        %swap3A_149 = arith.index_cast %scan3A_70 : i32 to index
        %swap3A_150 = arith.constant 80 : index
        %swap3A_151 = tpu.vector_load %arg11[%swap3A_149, %swap3A_150] {strides = array<i32>} : memref<80x128xf32, #tpu.memory_space<vmem>>, vector<1x16xf32>,
        %swap3A_152 = vector.shape_cast %swap3A_151 : vector<1x16xf32> to vector<16xf32>
        %swap3A_153 = vector.shape_cast %add3A_148 : vector<16xf32> to vector<1x16xf32>
        tpu.vector_store %arg11[%swap3A_149, %swap3A_150], %swap3A_153 {strides = array<i32>} : memref<80x128xf32, #tpu.memory_space<vmem>>, vector<1x16xf32>,
        %get3A_154 = arith.index_cast %scan3A_70 : i32 to index
        %get3A_155 = arith.constant 96 : index
        %get3A_156 = tpu.vector_load %arg11[%get3A_154, %get3A_155] {strides = array<i32>} : memref<80x128xf32, #tpu.memory_space<vmem>>, vector<1x16xf32>,
        %get3A_157 = vector.shape_cast %get3A_156 : vector<1x16xf32> to vector<16xf32>
        %get3A_158 = arith.index_cast %scan3A_70 : i32 to index
        %get3A_159 = arith.constant 96 : index
        %get3A_160 = tpu.vector_load %arg12[%get3A_158, %get3A_159] {strides = array<i32>} : memref<80x128xf32, #tpu.memory_space<vmem>>, vector<1x16xf32>,
        %get3A_161 = vector.shape_cast %get3A_160 : vector<1x16xf32> to vector<16xf32>
        %add3A_162 = arith.addf %get3A_157, %get3A_161 : vector<16xf32>
        %swap3A_163 = arith.index_cast %scan3A_70 : i32 to index
        %swap3A_164 = arith.constant 96 : index
        %swap3A_165 = tpu.vector_load %arg11[%swap3A_163, %swap3A_164] {strides = array<i32>} : memref<80x128xf32, #tpu.memory_space<vmem>>, vector<1x16xf32>,
        %swap3A_166 = vector.shape_cast %swap3A_165 : vector<1x16xf32> to vector<16xf32>
        %swap3A_167 = vector.shape_cast %add3A_162 : vector<16xf32> to vector<1x16xf32>
        tpu.vector_store %arg11[%swap3A_163, %swap3A_164], %swap3A_167 {strides = array<i32>} : memref<80x128xf32, #tpu.memory_space<vmem>>, vector<1x16xf32>,
        %get3A_168 = arith.index_cast %scan3A_70 : i32 to index
        %get3A_169 = arith.constant 112 : index
        %get3A_170 = tpu.vector_load %arg11[%get3A_168, %get3A_169] {strides = array<i32>} : memref<80x128xf32, #tpu.memory_space<vmem>>, vector<1x16xf32>,
        %get3A_171 = vector.shape_cast %get3A_170 : vector<1x16xf32> to vector<16xf32>
        %get3A_172 = arith.index_cast %scan3A_70 : i32 to index
        %get3A_173 = arith.constant 112 : index
        %get3A_174 = tpu.vector_load %arg12[%get3A_172, %get3A_173] {strides = array<i32>} : memref<80x128xf32, #tpu.memory_space<vmem>>, vector<1x16xf32>,
        %get3A_175 = vector.shape_cast %get3A_174 : vector<1x16xf32> to vector<16xf32>
        %add3A_176 = arith.addf %get3A_171, %get3A_175 : vector<16xf32>
        %swap3A_177 = arith.index_cast %scan3A_70 : i32 to index
        %swap3A_178 = arith.constant 112 : index
        %swap3A_179 = tpu.vector_load %arg11[%swap3A_177, %swap3A_178] {strides = array<i32>} : memref<80x128xf32, #tpu.memory_space<vmem>>, vector<1x16xf32>,
        %swap3A_180 = vector.shape_cast %swap3A_179 : vector<1x16xf32> to vector<16xf32>
        %swap3A_181 = vector.shape_cast %add3A_176 : vector<16xf32> to vector<1x16xf32>
        tpu.vector_store %arg11[%swap3A_177, %swap3A_178], %swap3A_181 {strides = array<i32>} : memref<80x128xf32, #tpu.memory_space<vmem>>, vector<1x16xf32>,
        %scan3A_182 = arith.constant 0 : i32
        scf.yield %scan3A_182 : i32
      }
      %scan3A_68 = arith.constant 80 : i32
      %run_scoped3A_69 = arith.constant 0 : i32
      "tpu.region"() ({
        %run_scoped3A_70 = tpu.sem_alloc : memref<!tpu.dma_semaphore, #tpu.memory_space<semaphore_mem>>
        %dma_start3A_71 = arith.constant 0 : i32
        %dma_start3A_72 = tpu.memref_slice %arg9[%run_scoped3A_69, %dma_start3A_71] : memref<1x80xi32, #tpu.memory_space<vmem>> -> memref<1x80xi32, #tpu.memory_space<vmem>>
        %dma_start3A_73 = tpu.memref_squeeze %dma_start3A_72 : memref<1x80xi32, #tpu.memory_space<vmem>> -> memref<80xi32, #tpu.memory_space<vmem>>
        %dma_start3A_74 = arith.constant 0 : i32
        %dma_start3A_75 = arith.constant 0 : i32
        %dma_start3A_76 = tpu.memref_slice %arg13[%dma_start3A_74, %dma_start3A_75] : memref<10000x128xf32, #tpu.memory_space<vmem_shared>> -> memref<10000x128xf32, #tpu.memory_space<vmem_shared>>
        tpu.enqueue_indirect_dma source(%arg11 : memref<80x128xf32, #tpu.memory_space<vmem>>) target(%dma_start3A_76 : memref<10000x128xf32, #tpu.memory_space<vmem_shared>>) offsets(%dma_start3A_73 : memref<80xi32, #tpu.memory_space<vmem>>) semaphore(%run_scoped3A_70 : memref<!tpu.dma_semaphore, #tpu.memory_space<semaphore_mem>>) {add = true}
        %dma_wait3A_77 = arith.constant 0 : i32
        %dma_wait3A_78 = tpu.memref_slice %arg9[%run_scoped3A_69, %dma_wait3A_77] : memref<1x80xi32, #tpu.memory_space<vmem>> -> memref<1x80xi32, #tpu.memory_space<vmem>>
        %dma_wait3A_79 = tpu.memref_squeeze %dma_wait3A_78 : memref<1x80xi32, #tpu.memory_space<vmem>> -> memref<80xi32, #tpu.memory_space<vmem>>
        %dma_wait3A_80 = arith.constant 0 : i32
        %dma_wait3A_81 = arith.constant 0 : i32
        %dma_wait3A_82 = tpu.memref_slice %arg13[%dma_wait3A_80, %dma_wait3A_81] : memref<10000x128xf32, #tpu.memory_space<vmem_shared>> -> memref<10000x128xf32, #tpu.memory_space<vmem_shared>>
        tpu.wait_indirect_dma semaphore(%run_scoped3A_70 : memref<!tpu.dma_semaphore, #tpu.memory_space<semaphore_mem>>) src(%arg11 : memref<80x128xf32, #tpu.memory_space<vmem>>) dst(%dma_wait3A_82 : memref<10000x128xf32, #tpu.memory_space<vmem_shared>>)
        tpu.yield
      }) : () -> ()
    }
    %scan3A_21 = arith.constant 125 : i32
    %barrier3A_22 = arith.constant 0 : index
    tpu.barrier barrier_id(%barrier3A_22)
    %scan3A_23 = arith.constant 0 : i32
    %scan3A_24 = arith.constant 0 : i32
    %scan3A_25 = arith.constant 8 : i32
    %scan3A_26 = arith.addi %scan3A_24, %scan3A_25 : i32
    %scan3A_27 = arith.constant 1 : i32
    %scan3A_28 = scf.for %scan3A_30 = %scan3A_24 to %scan3A_26 step %scan3A_27 iter_args(%scan3A_31 = %scan3A_23) -> (i32)  : i32 {
      %mul3A_32 = arith.constant 16 : i32
      %mul3A_33 = arith.muli %scan3A_30, %mul3A_32 : i32
      %add3A_34 = arith.addi %mul3A_33, %arg1 : i32
      %lt3A = arith.constant 125 : i32
      %lt3A_35 = arith.cmpi slt, %add3A_34, %lt3A : i32
      %convert_element_type3A = arith.extui %lt3A_35 : i1 to i32
      %cond3A = arith.constant 0 : i32
      %cond3A_36 = arith.cmpi ne, %convert_element_type3A, %cond3A : i32
      %cond3A_37 = scf.if %cond3A_36 -> (i32) {
        %mul3A_38 = arith.constant 16 : i32
        %mul3A_39 = arith.muli %scan3A_30, %mul3A_38 : i32
        %add3A_40 = arith.addi %mul3A_39, %arg1 : i32
        %mul3A_41 = arith.constant 80 : i32
        %mul3A_42 = arith.muli %add3A_40, %mul3A_41 : i32
        "tpu.region"() ({
          %run_scoped3A = tpu.sem_alloc : memref<!tpu.dma_semaphore, #tpu.memory_space<semaphore_mem>>
          %dma_start3A = arith.constant 0 : i32
          %dma_start3A_46 = tpu.memref_slice %arg13[%mul3A_42, %dma_start3A] : memref<10000x128xf32, #tpu.memory_space<vmem_shared>> -> memref<80x128xf32, #tpu.memory_space<vmem_shared>>
          %dma_start3A_47 = arith.constant 0 : i32
          %dma_start3A_48 = tpu.memref_slice %arg13[%mul3A_42, %dma_start3A_47] : memref<10000x128xf32, #tpu.memory_space<vmem_shared>> -> memref<80x128xf32, #tpu.memory_space<vmem_shared>>
          tpu.enqueue_dma source(%dma_start3A_48 : memref<80x128xf32, #tpu.memory_space<vmem_shared>>) target(%arg11 : memref<80x128xf32, #tpu.memory_space<vmem>>) target_semaphore(%run_scoped3A : memref<!tpu.dma_semaphore, #tpu.memory_space<semaphore_mem>>)
          %dma_wait3A = arith.constant 0 : i32
          %dma_wait3A_49 = tpu.memref_slice %arg13[%mul3A_42, %dma_wait3A] : memref<10000x128xf32, #tpu.memory_space<vmem_shared>> -> memref<80x128xf32, #tpu.memory_space<vmem_shared>>
          %dma_wait3A_50 = arith.constant 0 : i32
          %dma_wait3A_51 = tpu.memref_slice %arg13[%mul3A_42, %dma_wait3A_50] : memref<10000x128xf32, #tpu.memory_space<vmem_shared>> -> memref<80x128xf32, #tpu.memory_space<vmem_shared>>
          tpu.wait_dma2 semaphore(%run_scoped3A : memref<!tpu.dma_semaphore, #tpu.memory_space<semaphore_mem>>) src(%dma_wait3A_51 : memref<80x128xf32, #tpu.memory_space<vmem_shared>>) dst(%arg11 : memref<80x128xf32, #tpu.memory_space<vmem>>)
          tpu.yield
        }) : () -> ()
        %mul3A_43 = arith.constant 80 : i32
        %mul3A_44 = arith.muli %add3A_40, %mul3A_43 : i32
        "tpu.region"() ({
          %run_scoped3A = tpu.sem_alloc : memref<!tpu.dma_semaphore, #tpu.memory_space<semaphore_mem>>
          %dma_start3A = arith.constant 0 : i32
          %dma_start3A_46 = tpu.memref_slice %arg7[%arg0, %mul3A_44, %dma_start3A] : memref<2x10000x128xf32, #tpu.memory_space<hbm>> -> memref<1x80x128xf32, #tpu.memory_space<hbm>>
          %dma_start3A_47 = tpu.memref_squeeze %dma_start3A_46 : memref<1x80x128xf32, #tpu.memory_space<hbm>> -> memref<80x128xf32, #tpu.memory_space<hbm>>
          %dma_start3A_48 = arith.constant 0 : i32
          %dma_start3A_49 = tpu.memref_slice %arg7[%arg0, %mul3A_44, %dma_start3A_48] : memref<2x10000x128xf32, #tpu.memory_space<hbm>> -> memref<1x80x128xf32, #tpu.memory_space<hbm>>
          %dma_start3A_50 = tpu.memref_squeeze %dma_start3A_49 : memref<1x80x128xf32, #tpu.memory_space<hbm>> -> memref<80x128xf32, #tpu.memory_space<hbm>>
          tpu.enqueue_dma source(%arg11 : memref<80x128xf32, #tpu.memory_space<vmem>>) target(%dma_start3A_50 : memref<80x128xf32, #tpu.memory_space<hbm>>) target_semaphore(%run_scoped3A : memref<!tpu.dma_semaphore, #tpu.memory_space<semaphore_mem>>)
          %dma_wait3A = arith.constant 0 : i32
          %dma_wait3A_51 = tpu.memref_slice %arg7[%arg0, %mul3A_44, %dma_wait3A] : memref<2x10000x128xf32, #tpu.memory_space<hbm>> -> memref<1x80x128xf32, #tpu.memory_space<hbm>>
          %dma_wait3A_52 = tpu.memref_squeeze %dma_wait3A_51 : memref<1x80x128xf32, #tpu.memory_space<hbm>> -> memref<80x128xf32, #tpu.memory_space<hbm>>
          %dma_wait3A_53 = arith.constant 0 : i32
          %dma_wait3A_54 = tpu.memref_slice %arg7[%arg0, %mul3A_44, %dma_wait3A_53] : memref<2x10000x128xf32, #tpu.memory_space<hbm>> -> memref<1x80x128xf32, #tpu.memory_space<hbm>>
          %dma_wait3A_55 = tpu.memref_squeeze %dma_wait3A_54 : memref<1x80x128xf32, #tpu.memory_space<hbm>> -> memref<80x128xf32, #tpu.memory_space<hbm>>
          tpu.wait_dma2 semaphore(%run_scoped3A : memref<!tpu.dma_semaphore, #tpu.memory_space<semaphore_mem>>) src(%arg11 : memref<80x128xf32, #tpu.memory_space<vmem>>) dst(%dma_wait3A_55 : memref<80x128xf32, #tpu.memory_space<hbm>>)
          tpu.yield
        }) : () -> ()
        %cond3A_45 = arith.constant 0 : i32
        scf.yield %cond3A_45 : i32
      } else {
        %cond3A_38 = arith.constant 0 : i32
        scf.yield %cond3A_38 : i32
      }
      scf.yield %cond3A_37 : i32
    }
    %scan3A_29 = arith.constant 8 : i32
    return
  }
}

#map = affine_map<(d0, d1) -> (0, 0)>
#map1 = affine_map<(d0, d1) -> (0)>
module attributes {stable_mosaic.version = 14 : i64} {
  func.func @k(%arg0: i32, %arg1: i32, %arg2: memref<10000x128xf32, #tpu.memory_space<hbm>>, %arg3: memref<10000x128xf32, #tpu.memory_space<hbm>>, %arg4: memref<192x128xf32, #tpu.memory_space<hbm>>, %arg5: memref<320000xi32, #tpu.memory_space<hbm>>, %arg6: memref<320000xi32, #tpu.memory_space<hbm>>, %arg7: memref<320000xi32, #tpu.memory_space<hbm>>, %arg8: memref<320000x128xf32, #tpu.memory_space<hbm>>, %arg9: memref<1x80xi32, #tpu.memory_space<vmem>>, %arg10: memref<1x80xi32, #tpu.memory_space<vmem>>, %arg11: memref<1x80xi32, #tpu.memory_space<vmem>>, %arg12: memref<80x128xf32, #tpu.memory_space<vmem>>, %arg13: memref<80x128xf32, #tpu.memory_space<vmem>>, %arg14: memref<80x128xf32, #tpu.memory_space<vmem>>, %arg15: memref<!tpu.dma_semaphore, #tpu.memory_space<semaphore_mem>>) attributes {dimension_semantics = [#tpu.dimension_semantics<core_parallel>, #tpu.dimension_semantics<subcore_parallel>], iteration_bounds = array<i64: 2, 16>, scalar_prefetch = 0 : i64, scratch_operands = 7 : i64, tpu.core_type = #tpu.core_type<sc_vector_subcore>, window_params = [{transform_indices = #map}, {transform_indices = #map}, {transform_indices = #map}, {transform_indices = #map1}, {transform_indices = #map1}, {transform_indices = #map1}, {transform_indices = #map}]} {
    %mul3A = arith.constant 2 : i32
    %mul3A_0 = arith.muli %arg1, %mul3A : i32
    %add3A = arith.addi %mul3A_0, %arg0 : i32
    %mul3A_1 = arith.constant 10000 : i32
    %mul3A_2 = arith.muli %add3A, %mul3A_1 : i32
    %scan3A = arith.constant 0 : i32
    %scan3A_3 = arith.constant 0 : i32
    %scan3A_4 = arith.constant 125 : i32
    %scan3A_5 = arith.addi %scan3A_3, %scan3A_4 : i32
    %scan3A_6 = arith.constant 1 : i32
    scf.for %scan3A_8 = %scan3A_3 to %scan3A_5 step %scan3A_6  : i32 {
      %mul3A_9 = arith.constant 80 : i32
      %mul3A_10 = arith.muli %scan3A_8, %mul3A_9 : i32
      %add3A_11 = arith.addi %mul3A_2, %mul3A_10 : i32
      %run_scoped3A = arith.constant 0 : i32
      "tpu.region"() ({
        %run_scoped3A_61 = tpu.sem_alloc : memref<!tpu.dma_semaphore, #tpu.memory_space<semaphore_mem>>
        %dma_start3A_62 = arith.constant 0 : i32
        %dma_start3A_63 = tpu.memref_slice %arg9[%run_scoped3A, %dma_start3A_62] : memref<1x80xi32, #tpu.memory_space<vmem>> -> memref<1x80xi32, #tpu.memory_space<vmem>>
        %dma_start3A_64 = tpu.memref_squeeze %dma_start3A_63 : memref<1x80xi32, #tpu.memory_space<vmem>> -> memref<80xi32, #tpu.memory_space<vmem>>
        %dma_start3A_65 = tpu.memref_slice %arg5[%add3A_11] : memref<320000xi32, #tpu.memory_space<hbm>> -> memref<80xi32, #tpu.memory_space<hbm>>
        %dma_start3A_66 = arith.constant 0 : i32
        %dma_start3A_67 = tpu.memref_slice %arg9[%run_scoped3A, %dma_start3A_66] : memref<1x80xi32, #tpu.memory_space<vmem>> -> memref<1x80xi32, #tpu.memory_space<vmem>>
        %dma_start3A_68 = tpu.memref_squeeze %dma_start3A_67 : memref<1x80xi32, #tpu.memory_space<vmem>> -> memref<80xi32, #tpu.memory_space<vmem>>
        %dma_start3A_69 = tpu.memref_slice %arg5[%add3A_11] : memref<320000xi32, #tpu.memory_space<hbm>> -> memref<80xi32, #tpu.memory_space<hbm>>
        tpu.enqueue_dma source(%dma_start3A_69 : memref<80xi32, #tpu.memory_space<hbm>>) target(%dma_start3A_68 : memref<80xi32, #tpu.memory_space<vmem>>) target_semaphore(%run_scoped3A_61 : memref<!tpu.dma_semaphore, #tpu.memory_space<semaphore_mem>>)
        %dma_wait3A_70 = arith.constant 0 : i32
        %dma_wait3A_71 = tpu.memref_slice %arg9[%run_scoped3A, %dma_wait3A_70] : memref<1x80xi32, #tpu.memory_space<vmem>> -> memref<1x80xi32, #tpu.memory_space<vmem>>
        %dma_wait3A_72 = tpu.memref_squeeze %dma_wait3A_71 : memref<1x80xi32, #tpu.memory_space<vmem>> -> memref<80xi32, #tpu.memory_space<vmem>>
        %dma_wait3A_73 = tpu.memref_slice %arg5[%add3A_11] : memref<320000xi32, #tpu.memory_space<hbm>> -> memref<80xi32, #tpu.memory_space<hbm>>
        %dma_wait3A_74 = arith.constant 0 : i32
        %dma_wait3A_75 = tpu.memref_slice %arg9[%run_scoped3A, %dma_wait3A_74] : memref<1x80xi32, #tpu.memory_space<vmem>> -> memref<1x80xi32, #tpu.memory_space<vmem>>
        %dma_wait3A_76 = tpu.memref_squeeze %dma_wait3A_75 : memref<1x80xi32, #tpu.memory_space<vmem>> -> memref<80xi32, #tpu.memory_space<vmem>>
        %dma_wait3A_77 = tpu.memref_slice %arg5[%add3A_11] : memref<320000xi32, #tpu.memory_space<hbm>> -> memref<80xi32, #tpu.memory_space<hbm>>
        tpu.wait_dma2 semaphore(%run_scoped3A_61 : memref<!tpu.dma_semaphore, #tpu.memory_space<semaphore_mem>>) src(%dma_wait3A_77 : memref<80xi32, #tpu.memory_space<hbm>>) dst(%dma_wait3A_76 : memref<80xi32, #tpu.memory_space<vmem>>)
        tpu.yield
      }) : () -> ()
      %run_scoped3A_12 = arith.constant 0 : i32
      "tpu.region"() ({
        %run_scoped3A_61 = tpu.sem_alloc : memref<!tpu.dma_semaphore, #tpu.memory_space<semaphore_mem>>
        %dma_start3A_62 = arith.constant 0 : i32
        %dma_start3A_63 = tpu.memref_slice %arg10[%run_scoped3A_12, %dma_start3A_62] : memref<1x80xi32, #tpu.memory_space<vmem>> -> memref<1x80xi32, #tpu.memory_space<vmem>>
        %dma_start3A_64 = tpu.memref_squeeze %dma_start3A_63 : memref<1x80xi32, #tpu.memory_space<vmem>> -> memref<80xi32, #tpu.memory_space<vmem>>
        %dma_start3A_65 = tpu.memref_slice %arg6[%add3A_11] : memref<320000xi32, #tpu.memory_space<hbm>> -> memref<80xi32, #tpu.memory_space<hbm>>
        %dma_start3A_66 = arith.constant 0 : i32
        %dma_start3A_67 = tpu.memref_slice %arg10[%run_scoped3A_12, %dma_start3A_66] : memref<1x80xi32, #tpu.memory_space<vmem>> -> memref<1x80xi32, #tpu.memory_space<vmem>>
        %dma_start3A_68 = tpu.memref_squeeze %dma_start3A_67 : memref<1x80xi32, #tpu.memory_space<vmem>> -> memref<80xi32, #tpu.memory_space<vmem>>
        %dma_start3A_69 = tpu.memref_slice %arg6[%add3A_11] : memref<320000xi32, #tpu.memory_space<hbm>> -> memref<80xi32, #tpu.memory_space<hbm>>
        tpu.enqueue_dma source(%dma_start3A_69 : memref<80xi32, #tpu.memory_space<hbm>>) target(%dma_start3A_68 : memref<80xi32, #tpu.memory_space<vmem>>) target_semaphore(%run_scoped3A_61 : memref<!tpu.dma_semaphore, #tpu.memory_space<semaphore_mem>>)
        %dma_wait3A_70 = arith.constant 0 : i32
        %dma_wait3A_71 = tpu.memref_slice %arg10[%run_scoped3A_12, %dma_wait3A_70] : memref<1x80xi32, #tpu.memory_space<vmem>> -> memref<1x80xi32, #tpu.memory_space<vmem>>
        %dma_wait3A_72 = tpu.memref_squeeze %dma_wait3A_71 : memref<1x80xi32, #tpu.memory_space<vmem>> -> memref<80xi32, #tpu.memory_space<vmem>>
        %dma_wait3A_73 = tpu.memref_slice %arg6[%add3A_11] : memref<320000xi32, #tpu.memory_space<hbm>> -> memref<80xi32, #tpu.memory_space<hbm>>
        %dma_wait3A_74 = arith.constant 0 : i32
        %dma_wait3A_75 = tpu.memref_slice %arg10[%run_scoped3A_12, %dma_wait3A_74] : memref<1x80xi32, #tpu.memory_space<vmem>> -> memref<1x80xi32, #tpu.memory_space<vmem>>
        %dma_wait3A_76 = tpu.memref_squeeze %dma_wait3A_75 : memref<1x80xi32, #tpu.memory_space<vmem>> -> memref<80xi32, #tpu.memory_space<vmem>>
        %dma_wait3A_77 = tpu.memref_slice %arg6[%add3A_11] : memref<320000xi32, #tpu.memory_space<hbm>> -> memref<80xi32, #tpu.memory_space<hbm>>
        tpu.wait_dma2 semaphore(%run_scoped3A_61 : memref<!tpu.dma_semaphore, #tpu.memory_space<semaphore_mem>>) src(%dma_wait3A_77 : memref<80xi32, #tpu.memory_space<hbm>>) dst(%dma_wait3A_76 : memref<80xi32, #tpu.memory_space<vmem>>)
        tpu.yield
      }) : () -> ()
      %run_scoped3A_13 = arith.constant 0 : i32
      "tpu.region"() ({
        %run_scoped3A_61 = tpu.sem_alloc : memref<!tpu.dma_semaphore, #tpu.memory_space<semaphore_mem>>
        %dma_start3A_62 = arith.constant 0 : i32
        %dma_start3A_63 = tpu.memref_slice %arg11[%run_scoped3A_13, %dma_start3A_62] : memref<1x80xi32, #tpu.memory_space<vmem>> -> memref<1x80xi32, #tpu.memory_space<vmem>>
        %dma_start3A_64 = tpu.memref_squeeze %dma_start3A_63 : memref<1x80xi32, #tpu.memory_space<vmem>> -> memref<80xi32, #tpu.memory_space<vmem>>
        %dma_start3A_65 = tpu.memref_slice %arg7[%add3A_11] : memref<320000xi32, #tpu.memory_space<hbm>> -> memref<80xi32, #tpu.memory_space<hbm>>
        %dma_start3A_66 = arith.constant 0 : i32
        %dma_start3A_67 = tpu.memref_slice %arg11[%run_scoped3A_13, %dma_start3A_66] : memref<1x80xi32, #tpu.memory_space<vmem>> -> memref<1x80xi32, #tpu.memory_space<vmem>>
        %dma_start3A_68 = tpu.memref_squeeze %dma_start3A_67 : memref<1x80xi32, #tpu.memory_space<vmem>> -> memref<80xi32, #tpu.memory_space<vmem>>
        %dma_start3A_69 = tpu.memref_slice %arg7[%add3A_11] : memref<320000xi32, #tpu.memory_space<hbm>> -> memref<80xi32, #tpu.memory_space<hbm>>
        tpu.enqueue_dma source(%dma_start3A_69 : memref<80xi32, #tpu.memory_space<hbm>>) target(%dma_start3A_68 : memref<80xi32, #tpu.memory_space<vmem>>) target_semaphore(%run_scoped3A_61 : memref<!tpu.dma_semaphore, #tpu.memory_space<semaphore_mem>>)
        %dma_wait3A_70 = arith.constant 0 : i32
        %dma_wait3A_71 = tpu.memref_slice %arg11[%run_scoped3A_13, %dma_wait3A_70] : memref<1x80xi32, #tpu.memory_space<vmem>> -> memref<1x80xi32, #tpu.memory_space<vmem>>
        %dma_wait3A_72 = tpu.memref_squeeze %dma_wait3A_71 : memref<1x80xi32, #tpu.memory_space<vmem>> -> memref<80xi32, #tpu.memory_space<vmem>>
        %dma_wait3A_73 = tpu.memref_slice %arg7[%add3A_11] : memref<320000xi32, #tpu.memory_space<hbm>> -> memref<80xi32, #tpu.memory_space<hbm>>
        %dma_wait3A_74 = arith.constant 0 : i32
        %dma_wait3A_75 = tpu.memref_slice %arg11[%run_scoped3A_13, %dma_wait3A_74] : memref<1x80xi32, #tpu.memory_space<vmem>> -> memref<1x80xi32, #tpu.memory_space<vmem>>
        %dma_wait3A_76 = tpu.memref_squeeze %dma_wait3A_75 : memref<1x80xi32, #tpu.memory_space<vmem>> -> memref<80xi32, #tpu.memory_space<vmem>>
        %dma_wait3A_77 = tpu.memref_slice %arg7[%add3A_11] : memref<320000xi32, #tpu.memory_space<hbm>> -> memref<80xi32, #tpu.memory_space<hbm>>
        tpu.wait_dma2 semaphore(%run_scoped3A_61 : memref<!tpu.dma_semaphore, #tpu.memory_space<semaphore_mem>>) src(%dma_wait3A_77 : memref<80xi32, #tpu.memory_space<hbm>>) dst(%dma_wait3A_76 : memref<80xi32, #tpu.memory_space<vmem>>)
        tpu.yield
      }) : () -> ()
      %dma_start3A = arith.constant 0 : i32
      %dma_start3A_14 = arith.constant 0 : i32
      %dma_start3A_15 = tpu.memref_slice %arg9[%dma_start3A, %dma_start3A_14] : memref<1x80xi32, #tpu.memory_space<vmem>> -> memref<1x80xi32, #tpu.memory_space<vmem>>
      %dma_start3A_16 = tpu.memref_squeeze %dma_start3A_15 : memref<1x80xi32, #tpu.memory_space<vmem>> -> memref<80xi32, #tpu.memory_space<vmem>>
      %dma_start3A_17 = arith.constant 0 : i32
      %dma_start3A_18 = arith.constant 0 : i32
      %dma_start3A_19 = tpu.memref_slice %arg2[%dma_start3A_17, %dma_start3A_18] : memref<10000x128xf32, #tpu.memory_space<hbm>> -> memref<10000x128xf32, #tpu.memory_space<hbm>>
      tpu.enqueue_indirect_dma source(%dma_start3A_19 : memref<10000x128xf32, #tpu.memory_space<hbm>>) target(%arg12 : memref<80x128xf32, #tpu.memory_space<vmem>>) offsets(%dma_start3A_16 : memref<80xi32, #tpu.memory_space<vmem>>) semaphore(%arg15 : memref<!tpu.dma_semaphore, #tpu.memory_space<semaphore_mem>>)
      %dma_start3A_20 = arith.constant 0 : i32
      %dma_start3A_21 = arith.constant 0 : i32
      %dma_start3A_22 = tpu.memref_slice %arg10[%dma_start3A_20, %dma_start3A_21] : memref<1x80xi32, #tpu.memory_space<vmem>> -> memref<1x80xi32, #tpu.memory_space<vmem>>
      %dma_start3A_23 = tpu.memref_squeeze %dma_start3A_22 : memref<1x80xi32, #tpu.memory_space<vmem>> -> memref<80xi32, #tpu.memory_space<vmem>>
      %dma_start3A_24 = arith.constant 0 : i32
      %dma_start3A_25 = arith.constant 0 : i32
      %dma_start3A_26 = tpu.memref_slice %arg3[%dma_start3A_24, %dma_start3A_25] : memref<10000x128xf32, #tpu.memory_space<hbm>> -> memref<10000x128xf32, #tpu.memory_space<hbm>>
      tpu.enqueue_indirect_dma source(%dma_start3A_26 : memref<10000x128xf32, #tpu.memory_space<hbm>>) target(%arg13 : memref<80x128xf32, #tpu.memory_space<vmem>>) offsets(%dma_start3A_23 : memref<80xi32, #tpu.memory_space<vmem>>) semaphore(%arg15 : memref<!tpu.dma_semaphore, #tpu.memory_space<semaphore_mem>>)
      %dma_start3A_27 = arith.constant 0 : i32
      %dma_start3A_28 = arith.constant 0 : i32
      %dma_start3A_29 = tpu.memref_slice %arg11[%dma_start3A_27, %dma_start3A_28] : memref<1x80xi32, #tpu.memory_space<vmem>> -> memref<1x80xi32, #tpu.memory_space<vmem>>
      %dma_start3A_30 = tpu.memref_squeeze %dma_start3A_29 : memref<1x80xi32, #tpu.memory_space<vmem>> -> memref<80xi32, #tpu.memory_space<vmem>>
      %dma_start3A_31 = arith.constant 0 : i32
      %dma_start3A_32 = arith.constant 0 : i32
      %dma_start3A_33 = tpu.memref_slice %arg4[%dma_start3A_31, %dma_start3A_32] : memref<192x128xf32, #tpu.memory_space<hbm>> -> memref<192x128xf32, #tpu.memory_space<hbm>>
      tpu.enqueue_indirect_dma source(%dma_start3A_33 : memref<192x128xf32, #tpu.memory_space<hbm>>) target(%arg14 : memref<80x128xf32, #tpu.memory_space<vmem>>) offsets(%dma_start3A_30 : memref<80xi32, #tpu.memory_space<vmem>>) semaphore(%arg15 : memref<!tpu.dma_semaphore, #tpu.memory_space<semaphore_mem>>)
      %dma_wait3A = arith.constant 0 : i32
      %dma_wait3A_34 = arith.constant 0 : i32
      %dma_wait3A_35 = tpu.memref_slice %arg9[%dma_wait3A, %dma_wait3A_34] : memref<1x80xi32, #tpu.memory_space<vmem>> -> memref<1x80xi32, #tpu.memory_space<vmem>>
      %dma_wait3A_36 = tpu.memref_squeeze %dma_wait3A_35 : memref<1x80xi32, #tpu.memory_space<vmem>> -> memref<80xi32, #tpu.memory_space<vmem>>
      %dma_wait3A_37 = arith.constant 0 : i32
      %dma_wait3A_38 = arith.constant 0 : i32
      %dma_wait3A_39 = tpu.memref_slice %arg2[%dma_wait3A_37, %dma_wait3A_38] : memref<10000x128xf32, #tpu.memory_space<hbm>> -> memref<10000x128xf32, #tpu.memory_space<hbm>>
      tpu.wait_indirect_dma semaphore(%arg15 : memref<!tpu.dma_semaphore, #tpu.memory_space<semaphore_mem>>) src(%dma_wait3A_39 : memref<10000x128xf32, #tpu.memory_space<hbm>>) dst(%arg12 : memref<80x128xf32, #tpu.memory_space<vmem>>)
      %dma_wait3A_40 = arith.constant 0 : i32
      %dma_wait3A_41 = arith.constant 0 : i32
      %dma_wait3A_42 = tpu.memref_slice %arg10[%dma_wait3A_40, %dma_wait3A_41] : memref<1x80xi32, #tpu.memory_space<vmem>> -> memref<1x80xi32, #tpu.memory_space<vmem>>
      %dma_wait3A_43 = tpu.memref_squeeze %dma_wait3A_42 : memref<1x80xi32, #tpu.memory_space<vmem>> -> memref<80xi32, #tpu.memory_space<vmem>>
      %dma_wait3A_44 = arith.constant 0 : i32
      %dma_wait3A_45 = arith.constant 0 : i32
      %dma_wait3A_46 = tpu.memref_slice %arg3[%dma_wait3A_44, %dma_wait3A_45] : memref<10000x128xf32, #tpu.memory_space<hbm>> -> memref<10000x128xf32, #tpu.memory_space<hbm>>
      tpu.wait_indirect_dma semaphore(%arg15 : memref<!tpu.dma_semaphore, #tpu.memory_space<semaphore_mem>>) src(%dma_wait3A_46 : memref<10000x128xf32, #tpu.memory_space<hbm>>) dst(%arg13 : memref<80x128xf32, #tpu.memory_space<vmem>>)
      %dma_wait3A_47 = arith.constant 0 : i32
      %dma_wait3A_48 = arith.constant 0 : i32
      %dma_wait3A_49 = tpu.memref_slice %arg11[%dma_wait3A_47, %dma_wait3A_48] : memref<1x80xi32, #tpu.memory_space<vmem>> -> memref<1x80xi32, #tpu.memory_space<vmem>>
      %dma_wait3A_50 = tpu.memref_squeeze %dma_wait3A_49 : memref<1x80xi32, #tpu.memory_space<vmem>> -> memref<80xi32, #tpu.memory_space<vmem>>
      %dma_wait3A_51 = arith.constant 0 : i32
      %dma_wait3A_52 = arith.constant 0 : i32
      %dma_wait3A_53 = tpu.memref_slice %arg4[%dma_wait3A_51, %dma_wait3A_52] : memref<192x128xf32, #tpu.memory_space<hbm>> -> memref<192x128xf32, #tpu.memory_space<hbm>>
      tpu.wait_indirect_dma semaphore(%arg15 : memref<!tpu.dma_semaphore, #tpu.memory_space<semaphore_mem>>) src(%dma_wait3A_53 : memref<192x128xf32, #tpu.memory_space<hbm>>) dst(%arg14 : memref<80x128xf32, #tpu.memory_space<vmem>>)
      %scan3A_54 = arith.constant 0 : i32
      %scan3A_55 = arith.constant 0 : i32
      %scan3A_56 = arith.constant 80 : i32
      %scan3A_57 = arith.addi %scan3A_55, %scan3A_56 : i32
      %scan3A_58 = arith.constant 1 : i32
      %scan3A_59 = scf.for %scan3A_61 = %scan3A_55 to %scan3A_57 step %scan3A_58 iter_args(%scan3A_62 = %scan3A_54) -> (i32)  : i32 {
        %get3A = arith.index_cast %scan3A_61 : i32 to index
        %get3A_63 = arith.constant 0 : index
        %get3A_64 = tpu.vector_load %arg12[%get3A, %get3A_63] {strides = array<i32>} : memref<80x128xf32, #tpu.memory_space<vmem>>, vector<1x16xf32>,
        %get3A_65 = vector.shape_cast %get3A_64 : vector<1x16xf32> to vector<16xf32>
        %get3A_66 = arith.index_cast %scan3A_61 : i32 to index
        %get3A_67 = arith.constant 0 : index
        %get3A_68 = tpu.vector_load %arg13[%get3A_66, %get3A_67] {strides = array<i32>} : memref<80x128xf32, #tpu.memory_space<vmem>>, vector<1x16xf32>,
        %get3A_69 = vector.shape_cast %get3A_68 : vector<1x16xf32> to vector<16xf32>
        %add3A_70 = arith.addf %get3A_65, %get3A_69 : vector<16xf32>
        %get3A_71 = arith.index_cast %scan3A_61 : i32 to index
        %get3A_72 = arith.constant 0 : index
        %get3A_73 = tpu.vector_load %arg14[%get3A_71, %get3A_72] {strides = array<i32>} : memref<80x128xf32, #tpu.memory_space<vmem>>, vector<1x16xf32>,
        %get3A_74 = vector.shape_cast %get3A_73 : vector<1x16xf32> to vector<16xf32>
        %add3A_75 = arith.addf %add3A_70, %get3A_74 : vector<16xf32>
        %swap3A = arith.index_cast %scan3A_61 : i32 to index
        %swap3A_76 = arith.constant 0 : index
        %swap3A_77 = tpu.vector_load %arg12[%swap3A, %swap3A_76] {strides = array<i32>} : memref<80x128xf32, #tpu.memory_space<vmem>>, vector<1x16xf32>,
        %swap3A_78 = vector.shape_cast %swap3A_77 : vector<1x16xf32> to vector<16xf32>
        %swap3A_79 = vector.shape_cast %add3A_75 : vector<16xf32> to vector<1x16xf32>
        tpu.vector_store %arg12[%swap3A, %swap3A_76], %swap3A_79 {strides = array<i32>} : memref<80x128xf32, #tpu.memory_space<vmem>>, vector<1x16xf32>,
        %get3A_80 = arith.index_cast %scan3A_61 : i32 to index
        %get3A_81 = arith.constant 16 : index
        %get3A_82 = tpu.vector_load %arg12[%get3A_80, %get3A_81] {strides = array<i32>} : memref<80x128xf32, #tpu.memory_space<vmem>>, vector<1x16xf32>,
        %get3A_83 = vector.shape_cast %get3A_82 : vector<1x16xf32> to vector<16xf32>
        %get3A_84 = arith.index_cast %scan3A_61 : i32 to index
        %get3A_85 = arith.constant 16 : index
        %get3A_86 = tpu.vector_load %arg13[%get3A_84, %get3A_85] {strides = array<i32>} : memref<80x128xf32, #tpu.memory_space<vmem>>, vector<1x16xf32>,
        %get3A_87 = vector.shape_cast %get3A_86 : vector<1x16xf32> to vector<16xf32>
        %add3A_88 = arith.addf %get3A_83, %get3A_87 : vector<16xf32>
        %get3A_89 = arith.index_cast %scan3A_61 : i32 to index
        %get3A_90 = arith.constant 16 : index
        %get3A_91 = tpu.vector_load %arg14[%get3A_89, %get3A_90] {strides = array<i32>} : memref<80x128xf32, #tpu.memory_space<vmem>>, vector<1x16xf32>,
        %get3A_92 = vector.shape_cast %get3A_91 : vector<1x16xf32> to vector<16xf32>
        %add3A_93 = arith.addf %add3A_88, %get3A_92 : vector<16xf32>
        %swap3A_94 = arith.index_cast %scan3A_61 : i32 to index
        %swap3A_95 = arith.constant 16 : index
        %swap3A_96 = tpu.vector_load %arg12[%swap3A_94, %swap3A_95] {strides = array<i32>} : memref<80x128xf32, #tpu.memory_space<vmem>>, vector<1x16xf32>,
        %swap3A_97 = vector.shape_cast %swap3A_96 : vector<1x16xf32> to vector<16xf32>
        %swap3A_98 = vector.shape_cast %add3A_93 : vector<16xf32> to vector<1x16xf32>
        tpu.vector_store %arg12[%swap3A_94, %swap3A_95], %swap3A_98 {strides = array<i32>} : memref<80x128xf32, #tpu.memory_space<vmem>>, vector<1x16xf32>,
        %get3A_99 = arith.index_cast %scan3A_61 : i32 to index
        %get3A_100 = arith.constant 32 : index
        %get3A_101 = tpu.vector_load %arg12[%get3A_99, %get3A_100] {strides = array<i32>} : memref<80x128xf32, #tpu.memory_space<vmem>>, vector<1x16xf32>,
        %get3A_102 = vector.shape_cast %get3A_101 : vector<1x16xf32> to vector<16xf32>
        %get3A_103 = arith.index_cast %scan3A_61 : i32 to index
        %get3A_104 = arith.constant 32 : index
        %get3A_105 = tpu.vector_load %arg13[%get3A_103, %get3A_104] {strides = array<i32>} : memref<80x128xf32, #tpu.memory_space<vmem>>, vector<1x16xf32>,
        %get3A_106 = vector.shape_cast %get3A_105 : vector<1x16xf32> to vector<16xf32>
        %add3A_107 = arith.addf %get3A_102, %get3A_106 : vector<16xf32>
        %get3A_108 = arith.index_cast %scan3A_61 : i32 to index
        %get3A_109 = arith.constant 32 : index
        %get3A_110 = tpu.vector_load %arg14[%get3A_108, %get3A_109] {strides = array<i32>} : memref<80x128xf32, #tpu.memory_space<vmem>>, vector<1x16xf32>,
        %get3A_111 = vector.shape_cast %get3A_110 : vector<1x16xf32> to vector<16xf32>
        %add3A_112 = arith.addf %add3A_107, %get3A_111 : vector<16xf32>
        %swap3A_113 = arith.index_cast %scan3A_61 : i32 to index
        %swap3A_114 = arith.constant 32 : index
        %swap3A_115 = tpu.vector_load %arg12[%swap3A_113, %swap3A_114] {strides = array<i32>} : memref<80x128xf32, #tpu.memory_space<vmem>>, vector<1x16xf32>,
        %swap3A_116 = vector.shape_cast %swap3A_115 : vector<1x16xf32> to vector<16xf32>
        %swap3A_117 = vector.shape_cast %add3A_112 : vector<16xf32> to vector<1x16xf32>
        tpu.vector_store %arg12[%swap3A_113, %swap3A_114], %swap3A_117 {strides = array<i32>} : memref<80x128xf32, #tpu.memory_space<vmem>>, vector<1x16xf32>,
        %get3A_118 = arith.index_cast %scan3A_61 : i32 to index
        %get3A_119 = arith.constant 48 : index
        %get3A_120 = tpu.vector_load %arg12[%get3A_118, %get3A_119] {strides = array<i32>} : memref<80x128xf32, #tpu.memory_space<vmem>>, vector<1x16xf32>,
        %get3A_121 = vector.shape_cast %get3A_120 : vector<1x16xf32> to vector<16xf32>
        %get3A_122 = arith.index_cast %scan3A_61 : i32 to index
        %get3A_123 = arith.constant 48 : index
        %get3A_124 = tpu.vector_load %arg13[%get3A_122, %get3A_123] {strides = array<i32>} : memref<80x128xf32, #tpu.memory_space<vmem>>, vector<1x16xf32>,
        %get3A_125 = vector.shape_cast %get3A_124 : vector<1x16xf32> to vector<16xf32>
        %add3A_126 = arith.addf %get3A_121, %get3A_125 : vector<16xf32>
        %get3A_127 = arith.index_cast %scan3A_61 : i32 to index
        %get3A_128 = arith.constant 48 : index
        %get3A_129 = tpu.vector_load %arg14[%get3A_127, %get3A_128] {strides = array<i32>} : memref<80x128xf32, #tpu.memory_space<vmem>>, vector<1x16xf32>,
        %get3A_130 = vector.shape_cast %get3A_129 : vector<1x16xf32> to vector<16xf32>
        %add3A_131 = arith.addf %add3A_126, %get3A_130 : vector<16xf32>
        %swap3A_132 = arith.index_cast %scan3A_61 : i32 to index
        %swap3A_133 = arith.constant 48 : index
        %swap3A_134 = tpu.vector_load %arg12[%swap3A_132, %swap3A_133] {strides = array<i32>} : memref<80x128xf32, #tpu.memory_space<vmem>>, vector<1x16xf32>,
        %swap3A_135 = vector.shape_cast %swap3A_134 : vector<1x16xf32> to vector<16xf32>
        %swap3A_136 = vector.shape_cast %add3A_131 : vector<16xf32> to vector<1x16xf32>
        tpu.vector_store %arg12[%swap3A_132, %swap3A_133], %swap3A_136 {strides = array<i32>} : memref<80x128xf32, #tpu.memory_space<vmem>>, vector<1x16xf32>,
        %get3A_137 = arith.index_cast %scan3A_61 : i32 to index
        %get3A_138 = arith.constant 64 : index
        %get3A_139 = tpu.vector_load %arg12[%get3A_137, %get3A_138] {strides = array<i32>} : memref<80x128xf32, #tpu.memory_space<vmem>>, vector<1x16xf32>,
        %get3A_140 = vector.shape_cast %get3A_139 : vector<1x16xf32> to vector<16xf32>
        %get3A_141 = arith.index_cast %scan3A_61 : i32 to index
        %get3A_142 = arith.constant 64 : index
        %get3A_143 = tpu.vector_load %arg13[%get3A_141, %get3A_142] {strides = array<i32>} : memref<80x128xf32, #tpu.memory_space<vmem>>, vector<1x16xf32>,
        %get3A_144 = vector.shape_cast %get3A_143 : vector<1x16xf32> to vector<16xf32>
        %add3A_145 = arith.addf %get3A_140, %get3A_144 : vector<16xf32>
        %get3A_146 = arith.index_cast %scan3A_61 : i32 to index
        %get3A_147 = arith.constant 64 : index
        %get3A_148 = tpu.vector_load %arg14[%get3A_146, %get3A_147] {strides = array<i32>} : memref<80x128xf32, #tpu.memory_space<vmem>>, vector<1x16xf32>,
        %get3A_149 = vector.shape_cast %get3A_148 : vector<1x16xf32> to vector<16xf32>
        %add3A_150 = arith.addf %add3A_145, %get3A_149 : vector<16xf32>
        %swap3A_151 = arith.index_cast %scan3A_61 : i32 to index
        %swap3A_152 = arith.constant 64 : index
        %swap3A_153 = tpu.vector_load %arg12[%swap3A_151, %swap3A_152] {strides = array<i32>} : memref<80x128xf32, #tpu.memory_space<vmem>>, vector<1x16xf32>,
        %swap3A_154 = vector.shape_cast %swap3A_153 : vector<1x16xf32> to vector<16xf32>
        %swap3A_155 = vector.shape_cast %add3A_150 : vector<16xf32> to vector<1x16xf32>
        tpu.vector_store %arg12[%swap3A_151, %swap3A_152], %swap3A_155 {strides = array<i32>} : memref<80x128xf32, #tpu.memory_space<vmem>>, vector<1x16xf32>,
        %get3A_156 = arith.index_cast %scan3A_61 : i32 to index
        %get3A_157 = arith.constant 80 : index
        %get3A_158 = tpu.vector_load %arg12[%get3A_156, %get3A_157] {strides = array<i32>} : memref<80x128xf32, #tpu.memory_space<vmem>>, vector<1x16xf32>,
        %get3A_159 = vector.shape_cast %get3A_158 : vector<1x16xf32> to vector<16xf32>
        %get3A_160 = arith.index_cast %scan3A_61 : i32 to index
        %get3A_161 = arith.constant 80 : index
        %get3A_162 = tpu.vector_load %arg13[%get3A_160, %get3A_161] {strides = array<i32>} : memref<80x128xf32, #tpu.memory_space<vmem>>, vector<1x16xf32>,
        %get3A_163 = vector.shape_cast %get3A_162 : vector<1x16xf32> to vector<16xf32>
        %add3A_164 = arith.addf %get3A_159, %get3A_163 : vector<16xf32>
        %get3A_165 = arith.index_cast %scan3A_61 : i32 to index
        %get3A_166 = arith.constant 80 : index
        %get3A_167 = tpu.vector_load %arg14[%get3A_165, %get3A_166] {strides = array<i32>} : memref<80x128xf32, #tpu.memory_space<vmem>>, vector<1x16xf32>,
        %get3A_168 = vector.shape_cast %get3A_167 : vector<1x16xf32> to vector<16xf32>
        %add3A_169 = arith.addf %add3A_164, %get3A_168 : vector<16xf32>
        %swap3A_170 = arith.index_cast %scan3A_61 : i32 to index
        %swap3A_171 = arith.constant 80 : index
        %swap3A_172 = tpu.vector_load %arg12[%swap3A_170, %swap3A_171] {strides = array<i32>} : memref<80x128xf32, #tpu.memory_space<vmem>>, vector<1x16xf32>,
        %swap3A_173 = vector.shape_cast %swap3A_172 : vector<1x16xf32> to vector<16xf32>
        %swap3A_174 = vector.shape_cast %add3A_169 : vector<16xf32> to vector<1x16xf32>
        tpu.vector_store %arg12[%swap3A_170, %swap3A_171], %swap3A_174 {strides = array<i32>} : memref<80x128xf32, #tpu.memory_space<vmem>>, vector<1x16xf32>,
        %get3A_175 = arith.index_cast %scan3A_61 : i32 to index
        %get3A_176 = arith.constant 96 : index
        %get3A_177 = tpu.vector_load %arg12[%get3A_175, %get3A_176] {strides = array<i32>} : memref<80x128xf32, #tpu.memory_space<vmem>>, vector<1x16xf32>,
        %get3A_178 = vector.shape_cast %get3A_177 : vector<1x16xf32> to vector<16xf32>
        %get3A_179 = arith.index_cast %scan3A_61 : i32 to index
        %get3A_180 = arith.constant 96 : index
        %get3A_181 = tpu.vector_load %arg13[%get3A_179, %get3A_180] {strides = array<i32>} : memref<80x128xf32, #tpu.memory_space<vmem>>, vector<1x16xf32>,
        %get3A_182 = vector.shape_cast %get3A_181 : vector<1x16xf32> to vector<16xf32>
        %add3A_183 = arith.addf %get3A_178, %get3A_182 : vector<16xf32>
        %get3A_184 = arith.index_cast %scan3A_61 : i32 to index
        %get3A_185 = arith.constant 96 : index
        %get3A_186 = tpu.vector_load %arg14[%get3A_184, %get3A_185] {strides = array<i32>} : memref<80x128xf32, #tpu.memory_space<vmem>>, vector<1x16xf32>,
        %get3A_187 = vector.shape_cast %get3A_186 : vector<1x16xf32> to vector<16xf32>
        %add3A_188 = arith.addf %add3A_183, %get3A_187 : vector<16xf32>
        %swap3A_189 = arith.index_cast %scan3A_61 : i32 to index
        %swap3A_190 = arith.constant 96 : index
        %swap3A_191 = tpu.vector_load %arg12[%swap3A_189, %swap3A_190] {strides = array<i32>} : memref<80x128xf32, #tpu.memory_space<vmem>>, vector<1x16xf32>,
        %swap3A_192 = vector.shape_cast %swap3A_191 : vector<1x16xf32> to vector<16xf32>
        %swap3A_193 = vector.shape_cast %add3A_188 : vector<16xf32> to vector<1x16xf32>
        tpu.vector_store %arg12[%swap3A_189, %swap3A_190], %swap3A_193 {strides = array<i32>} : memref<80x128xf32, #tpu.memory_space<vmem>>, vector<1x16xf32>,
        %get3A_194 = arith.index_cast %scan3A_61 : i32 to index
        %get3A_195 = arith.constant 112 : index
        %get3A_196 = tpu.vector_load %arg12[%get3A_194, %get3A_195] {strides = array<i32>} : memref<80x128xf32, #tpu.memory_space<vmem>>, vector<1x16xf32>,
        %get3A_197 = vector.shape_cast %get3A_196 : vector<1x16xf32> to vector<16xf32>
        %get3A_198 = arith.index_cast %scan3A_61 : i32 to index
        %get3A_199 = arith.constant 112 : index
        %get3A_200 = tpu.vector_load %arg13[%get3A_198, %get3A_199] {strides = array<i32>} : memref<80x128xf32, #tpu.memory_space<vmem>>, vector<1x16xf32>,
        %get3A_201 = vector.shape_cast %get3A_200 : vector<1x16xf32> to vector<16xf32>
        %add3A_202 = arith.addf %get3A_197, %get3A_201 : vector<16xf32>
        %get3A_203 = arith.index_cast %scan3A_61 : i32 to index
        %get3A_204 = arith.constant 112 : index
        %get3A_205 = tpu.vector_load %arg14[%get3A_203, %get3A_204] {strides = array<i32>} : memref<80x128xf32, #tpu.memory_space<vmem>>, vector<1x16xf32>,
        %get3A_206 = vector.shape_cast %get3A_205 : vector<1x16xf32> to vector<16xf32>
        %add3A_207 = arith.addf %add3A_202, %get3A_206 : vector<16xf32>
        %swap3A_208 = arith.index_cast %scan3A_61 : i32 to index
        %swap3A_209 = arith.constant 112 : index
        %swap3A_210 = tpu.vector_load %arg12[%swap3A_208, %swap3A_209] {strides = array<i32>} : memref<80x128xf32, #tpu.memory_space<vmem>>, vector<1x16xf32>,
        %swap3A_211 = vector.shape_cast %swap3A_210 : vector<1x16xf32> to vector<16xf32>
        %swap3A_212 = vector.shape_cast %add3A_207 : vector<16xf32> to vector<1x16xf32>
        tpu.vector_store %arg12[%swap3A_208, %swap3A_209], %swap3A_212 {strides = array<i32>} : memref<80x128xf32, #tpu.memory_space<vmem>>, vector<1x16xf32>,
        %scan3A_213 = arith.constant 0 : i32
        scf.yield %scan3A_213 : i32
      }
      %scan3A_60 = arith.constant 80 : i32
      "tpu.region"() ({
        %run_scoped3A_61 = tpu.sem_alloc : memref<!tpu.dma_semaphore, #tpu.memory_space<semaphore_mem>>
        %dma_start3A_62 = arith.constant 0 : i32
        %dma_start3A_63 = tpu.memref_slice %arg8[%add3A_11, %dma_start3A_62] : memref<320000x128xf32, #tpu.memory_space<hbm>> -> memref<80x128xf32, #tpu.memory_space<hbm>>
        %dma_start3A_64 = arith.constant 0 : i32
        %dma_start3A_65 = tpu.memref_slice %arg8[%add3A_11, %dma_start3A_64] : memref<320000x128xf32, #tpu.memory_space<hbm>> -> memref<80x128xf32, #tpu.memory_space<hbm>>
        tpu.enqueue_dma source(%arg12 : memref<80x128xf32, #tpu.memory_space<vmem>>) target(%dma_start3A_65 : memref<80x128xf32, #tpu.memory_space<hbm>>) target_semaphore(%run_scoped3A_61 : memref<!tpu.dma_semaphore, #tpu.memory_space<semaphore_mem>>)
        %dma_wait3A_66 = arith.constant 0 : i32
        %dma_wait3A_67 = tpu.memref_slice %arg8[%add3A_11, %dma_wait3A_66] : memref<320000x128xf32, #tpu.memory_space<hbm>> -> memref<80x128xf32, #tpu.memory_space<hbm>>
        %dma_wait3A_68 = arith.constant 0 : i32
        %dma_wait3A_69 = tpu.memref_slice %arg8[%add3A_11, %dma_wait3A_68] : memref<320000x128xf32, #tpu.memory_space<hbm>> -> memref<80x128xf32, #tpu.memory_space<hbm>>
        tpu.wait_dma2 semaphore(%run_scoped3A_61 : memref<!tpu.dma_semaphore, #tpu.memory_space<semaphore_mem>>) src(%arg12 : memref<80x128xf32, #tpu.memory_space<vmem>>) dst(%dma_wait3A_69 : memref<80x128xf32, #tpu.memory_space<hbm>>)
        tpu.yield
      }) : () -> ()
    }
    %scan3A_7 = arith.constant 125 : i32
    return
  }
}

#map = affine_map<(d0, d1) -> (0, 0)>
#map1 = affine_map<(d0, d1) -> (0)>
#map2 = affine_map<(d0, d1) -> (0, 0, 0)>
module attributes {stable_mosaic.version = 14 : i64} {
  func.func @k(%arg0: i32, %arg1: i32, %arg2: memref<10000x128xf32, #tpu.memory_space<hbm>>, %arg3: memref<192x128xf32, #tpu.memory_space<hbm>>, %arg4: memref<320000xi32, #tpu.memory_space<hbm>>, %arg5: memref<320000xi32, #tpu.memory_space<hbm>>, %arg6: memref<320000xi32, #tpu.memory_space<hbm>>, %arg7: memref<2x10000x128xf32, #tpu.memory_space<hbm>>, %arg8: memref<1x80xi32, #tpu.memory_space<vmem>>, %arg9: memref<1x80xi32, #tpu.memory_space<vmem>>, %arg10: memref<1x80xi32, #tpu.memory_space<vmem>>, %arg11: memref<80x128xf32, #tpu.memory_space<vmem>>, %arg12: memref<80x128xf32, #tpu.memory_space<vmem>>, %arg13: memref<10000x128xf32, #tpu.memory_space<vmem_shared>>, %arg14: memref<!tpu.dma_semaphore, #tpu.memory_space<semaphore_mem>>) attributes {dimension_semantics = [#tpu.dimension_semantics<core_parallel>, #tpu.dimension_semantics<subcore_parallel>], iteration_bounds = array<i64: 2, 16>, scalar_prefetch = 0 : i64, scratch_operands = 7 : i64, tpu.core_type = #tpu.core_type<sc_vector_subcore>, window_params = [{transform_indices = #map}, {transform_indices = #map}, {transform_indices = #map1}, {transform_indices = #map1}, {transform_indices = #map1}, {transform_indices = #map2}]} {
    %mul3A = arith.constant 2 : i32
    %mul3A_0 = arith.muli %arg1, %mul3A : i32
    %add3A = arith.addi %mul3A_0, %arg0 : i32
    %mul3A_1 = arith.constant 10000 : i32
    %mul3A_2 = arith.muli %add3A, %mul3A_1 : i32
    %scan3A = arith.constant 0 : i32
    %scan3A_3 = arith.constant 0 : i32
    %scan3A_4 = arith.constant 80 : i32
    %scan3A_5 = arith.addi %scan3A_3, %scan3A_4 : i32
    %scan3A_6 = arith.constant 1 : i32
    %scan3A_7 = scf.for %scan3A_30 = %scan3A_3 to %scan3A_5 step %scan3A_6 iter_args(%scan3A_31 = %scan3A) -> (i32)  : i32 {
      %broadcast_in_dim3A = arith.constant 0.000000e+00 : f32
      %broadcast_in_dim3A_32 = vector.broadcast %broadcast_in_dim3A : f32 to vector<16xf32>
      %swap3A = arith.index_cast %scan3A_30 : i32 to index
      %swap3A_33 = arith.constant 0 : index
      %swap3A_34 = tpu.vector_load %arg11[%swap3A, %swap3A_33] {strides = array<i32>} : memref<80x128xf32, #tpu.memory_space<vmem>>, vector<1x16xf32>,
      %swap3A_35 = vector.shape_cast %swap3A_34 : vector<1x16xf32> to vector<16xf32>
      %swap3A_36 = vector.shape_cast %broadcast_in_dim3A_32 : vector<16xf32> to vector<1x16xf32>
      tpu.vector_store %arg11[%swap3A, %swap3A_33], %swap3A_36 {strides = array<i32>} : memref<80x128xf32, #tpu.memory_space<vmem>>, vector<1x16xf32>,
      %broadcast_in_dim3A_37 = arith.constant 0.000000e+00 : f32
      %broadcast_in_dim3A_38 = vector.broadcast %broadcast_in_dim3A_37 : f32 to vector<16xf32>
      %swap3A_39 = arith.index_cast %scan3A_30 : i32 to index
      %swap3A_40 = arith.constant 16 : index
      %swap3A_41 = tpu.vector_load %arg11[%swap3A_39, %swap3A_40] {strides = array<i32>} : memref<80x128xf32, #tpu.memory_space<vmem>>, vector<1x16xf32>,
      %swap3A_42 = vector.shape_cast %swap3A_41 : vector<1x16xf32> to vector<16xf32>
      %swap3A_43 = vector.shape_cast %broadcast_in_dim3A_38 : vector<16xf32> to vector<1x16xf32>
      tpu.vector_store %arg11[%swap3A_39, %swap3A_40], %swap3A_43 {strides = array<i32>} : memref<80x128xf32, #tpu.memory_space<vmem>>, vector<1x16xf32>,
      %broadcast_in_dim3A_44 = arith.constant 0.000000e+00 : f32
      %broadcast_in_dim3A_45 = vector.broadcast %broadcast_in_dim3A_44 : f32 to vector<16xf32>
      %swap3A_46 = arith.index_cast %scan3A_30 : i32 to index
      %swap3A_47 = arith.constant 32 : index
      %swap3A_48 = tpu.vector_load %arg11[%swap3A_46, %swap3A_47] {strides = array<i32>} : memref<80x128xf32, #tpu.memory_space<vmem>>, vector<1x16xf32>,
      %swap3A_49 = vector.shape_cast %swap3A_48 : vector<1x16xf32> to vector<16xf32>
      %swap3A_50 = vector.shape_cast %broadcast_in_dim3A_45 : vector<16xf32> to vector<1x16xf32>
      tpu.vector_store %arg11[%swap3A_46, %swap3A_47], %swap3A_50 {strides = array<i32>} : memref<80x128xf32, #tpu.memory_space<vmem>>, vector<1x16xf32>,
      %broadcast_in_dim3A_51 = arith.constant 0.000000e+00 : f32
      %broadcast_in_dim3A_52 = vector.broadcast %broadcast_in_dim3A_51 : f32 to vector<16xf32>
      %swap3A_53 = arith.index_cast %scan3A_30 : i32 to index
      %swap3A_54 = arith.constant 48 : index
      %swap3A_55 = tpu.vector_load %arg11[%swap3A_53, %swap3A_54] {strides = array<i32>} : memref<80x128xf32, #tpu.memory_space<vmem>>, vector<1x16xf32>,
      %swap3A_56 = vector.shape_cast %swap3A_55 : vector<1x16xf32> to vector<16xf32>
      %swap3A_57 = vector.shape_cast %broadcast_in_dim3A_52 : vector<16xf32> to vector<1x16xf32>
      tpu.vector_store %arg11[%swap3A_53, %swap3A_54], %swap3A_57 {strides = array<i32>} : memref<80x128xf32, #tpu.memory_space<vmem>>, vector<1x16xf32>,
      %broadcast_in_dim3A_58 = arith.constant 0.000000e+00 : f32
      %broadcast_in_dim3A_59 = vector.broadcast %broadcast_in_dim3A_58 : f32 to vector<16xf32>
      %swap3A_60 = arith.index_cast %scan3A_30 : i32 to index
      %swap3A_61 = arith.constant 64 : index
      %swap3A_62 = tpu.vector_load %arg11[%swap3A_60, %swap3A_61] {strides = array<i32>} : memref<80x128xf32, #tpu.memory_space<vmem>>, vector<1x16xf32>,
      %swap3A_63 = vector.shape_cast %swap3A_62 : vector<1x16xf32> to vector<16xf32>
      %swap3A_64 = vector.shape_cast %broadcast_in_dim3A_59 : vector<16xf32> to vector<1x16xf32>
      tpu.vector_store %arg11[%swap3A_60, %swap3A_61], %swap3A_64 {strides = array<i32>} : memref<80x128xf32, #tpu.memory_space<vmem>>, vector<1x16xf32>,
      %broadcast_in_dim3A_65 = arith.constant 0.000000e+00 : f32
      %broadcast_in_dim3A_66 = vector.broadcast %broadcast_in_dim3A_65 : f32 to vector<16xf32>
      %swap3A_67 = arith.index_cast %scan3A_30 : i32 to index
      %swap3A_68 = arith.constant 80 : index
      %swap3A_69 = tpu.vector_load %arg11[%swap3A_67, %swap3A_68] {strides = array<i32>} : memref<80x128xf32, #tpu.memory_space<vmem>>, vector<1x16xf32>,
      %swap3A_70 = vector.shape_cast %swap3A_69 : vector<1x16xf32> to vector<16xf32>
      %swap3A_71 = vector.shape_cast %broadcast_in_dim3A_66 : vector<16xf32> to vector<1x16xf32>
      tpu.vector_store %arg11[%swap3A_67, %swap3A_68], %swap3A_71 {strides = array<i32>} : memref<80x128xf32, #tpu.memory_space<vmem>>, vector<1x16xf32>,
      %broadcast_in_dim3A_72 = arith.constant 0.000000e+00 : f32
      %broadcast_in_dim3A_73 = vector.broadcast %broadcast_in_dim3A_72 : f32 to vector<16xf32>
      %swap3A_74 = arith.index_cast %scan3A_30 : i32 to index
      %swap3A_75 = arith.constant 96 : index
      %swap3A_76 = tpu.vector_load %arg11[%swap3A_74, %swap3A_75] {strides = array<i32>} : memref<80x128xf32, #tpu.memory_space<vmem>>, vector<1x16xf32>,
      %swap3A_77 = vector.shape_cast %swap3A_76 : vector<1x16xf32> to vector<16xf32>
      %swap3A_78 = vector.shape_cast %broadcast_in_dim3A_73 : vector<16xf32> to vector<1x16xf32>
      tpu.vector_store %arg11[%swap3A_74, %swap3A_75], %swap3A_78 {strides = array<i32>} : memref<80x128xf32, #tpu.memory_space<vmem>>, vector<1x16xf32>,
      %broadcast_in_dim3A_79 = arith.constant 0.000000e+00 : f32
      %broadcast_in_dim3A_80 = vector.broadcast %broadcast_in_dim3A_79 : f32 to vector<16xf32>
      %swap3A_81 = arith.index_cast %scan3A_30 : i32 to index
      %swap3A_82 = arith.constant 112 : index
      %swap3A_83 = tpu.vector_load %arg11[%swap3A_81, %swap3A_82] {strides = array<i32>} : memref<80x128xf32, #tpu.memory_space<vmem>>, vector<1x16xf32>,
      %swap3A_84 = vector.shape_cast %swap3A_83 : vector<1x16xf32> to vector<16xf32>
      %swap3A_85 = vector.shape_cast %broadcast_in_dim3A_80 : vector<16xf32> to vector<1x16xf32>
      tpu.vector_store %arg11[%swap3A_81, %swap3A_82], %swap3A_85 {strides = array<i32>} : memref<80x128xf32, #tpu.memory_space<vmem>>, vector<1x16xf32>,
      %scan3A_86 = arith.constant 0 : i32
      scf.yield %scan3A_86 : i32
    }
    %scan3A_8 = arith.constant 80 : i32
    %scan3A_9 = arith.constant 0 : i32
    %scan3A_10 = arith.constant 0 : i32
    %scan3A_11 = arith.constant 8 : i32
    %scan3A_12 = arith.addi %scan3A_10, %scan3A_11 : i32
    %scan3A_13 = arith.constant 1 : i32
    %scan3A_14 = scf.for %scan3A_30 = %scan3A_10 to %scan3A_12 step %scan3A_13 iter_args(%scan3A_31 = %scan3A_9) -> (i32)  : i32 {
      %mul3A_32 = arith.constant 16 : i32
      %mul3A_33 = arith.muli %scan3A_30, %mul3A_32 : i32
      %add3A_34 = arith.addi %mul3A_33, %arg1 : i32
      %lt3A = arith.constant 125 : i32
      %lt3A_35 = arith.cmpi slt, %add3A_34, %lt3A : i32
      %convert_element_type3A = arith.extui %lt3A_35 : i1 to i32
      %cond3A = arith.constant 0 : i32
      %cond3A_36 = arith.cmpi ne, %convert_element_type3A, %cond3A : i32
      %cond3A_37 = scf.if %cond3A_36 -> (i32) {
        %mul3A_38 = arith.constant 16 : i32
        %mul3A_39 = arith.muli %scan3A_30, %mul3A_38 : i32
        %add3A_40 = arith.addi %mul3A_39, %arg1 : i32
        %mul3A_41 = arith.constant 80 : i32
        %mul3A_42 = arith.muli %add3A_40, %mul3A_41 : i32
        "tpu.region"() ({
          %run_scoped3A = tpu.sem_alloc : memref<!tpu.dma_semaphore, #tpu.memory_space<semaphore_mem>>
          %dma_start3A = arith.constant 0 : i32
          %dma_start3A_44 = tpu.memref_slice %arg13[%mul3A_42, %dma_start3A] : memref<10000x128xf32, #tpu.memory_space<vmem_shared>> -> memref<80x128xf32, #tpu.memory_space<vmem_shared>>
          %dma_start3A_45 = arith.constant 0 : i32
          %dma_start3A_46 = tpu.memref_slice %arg13[%mul3A_42, %dma_start3A_45] : memref<10000x128xf32, #tpu.memory_space<vmem_shared>> -> memref<80x128xf32, #tpu.memory_space<vmem_shared>>
          tpu.enqueue_dma source(%arg11 : memref<80x128xf32, #tpu.memory_space<vmem>>) target(%dma_start3A_46 : memref<80x128xf32, #tpu.memory_space<vmem_shared>>) target_semaphore(%run_scoped3A : memref<!tpu.dma_semaphore, #tpu.memory_space<semaphore_mem>>)
          %dma_wait3A = arith.constant 0 : i32
          %dma_wait3A_47 = tpu.memref_slice %arg13[%mul3A_42, %dma_wait3A] : memref<10000x128xf32, #tpu.memory_space<vmem_shared>> -> memref<80x128xf32, #tpu.memory_space<vmem_shared>>
          %dma_wait3A_48 = arith.constant 0 : i32
          %dma_wait3A_49 = tpu.memref_slice %arg13[%mul3A_42, %dma_wait3A_48] : memref<10000x128xf32, #tpu.memory_space<vmem_shared>> -> memref<80x128xf32, #tpu.memory_space<vmem_shared>>
          tpu.wait_dma2 semaphore(%run_scoped3A : memref<!tpu.dma_semaphore, #tpu.memory_space<semaphore_mem>>) src(%arg11 : memref<80x128xf32, #tpu.memory_space<vmem>>) dst(%dma_wait3A_49 : memref<80x128xf32, #tpu.memory_space<vmem_shared>>)
          tpu.yield
        }) : () -> ()
        %cond3A_43 = arith.constant 0 : i32
        scf.yield %cond3A_43 : i32
      } else {
        %cond3A_38 = arith.constant 0 : i32
        scf.yield %cond3A_38 : i32
      }
      scf.yield %cond3A_37 : i32
    }
    %scan3A_15 = arith.constant 8 : i32
    %barrier3A = arith.constant 0 : index
    tpu.barrier barrier_id(%barrier3A)
    %scan3A_16 = arith.constant 0 : i32
    %scan3A_17 = arith.constant 0 : i32
    %scan3A_18 = arith.constant 125 : i32
    %scan3A_19 = arith.addi %scan3A_17, %scan3A_18 : i32
    %scan3A_20 = arith.constant 1 : i32
    scf.for %scan3A_30 = %scan3A_17 to %scan3A_19 step %scan3A_20  : i32 {
      %mul3A_31 = arith.constant 80 : i32
      %mul3A_32 = arith.muli %scan3A_30, %mul3A_31 : i32
      %add3A_33 = arith.addi %mul3A_2, %mul3A_32 : i32
      %run_scoped3A = arith.constant 0 : i32
      "tpu.region"() ({
        %run_scoped3A_70 = tpu.sem_alloc : memref<!tpu.dma_semaphore, #tpu.memory_space<semaphore_mem>>
        %dma_start3A_71 = arith.constant 0 : i32
        %dma_start3A_72 = tpu.memref_slice %arg8[%run_scoped3A, %dma_start3A_71] : memref<1x80xi32, #tpu.memory_space<vmem>> -> memref<1x80xi32, #tpu.memory_space<vmem>>
        %dma_start3A_73 = tpu.memref_squeeze %dma_start3A_72 : memref<1x80xi32, #tpu.memory_space<vmem>> -> memref<80xi32, #tpu.memory_space<vmem>>
        %dma_start3A_74 = tpu.memref_slice %arg4[%add3A_33] : memref<320000xi32, #tpu.memory_space<hbm>> -> memref<80xi32, #tpu.memory_space<hbm>>
        %dma_start3A_75 = arith.constant 0 : i32
        %dma_start3A_76 = tpu.memref_slice %arg8[%run_scoped3A, %dma_start3A_75] : memref<1x80xi32, #tpu.memory_space<vmem>> -> memref<1x80xi32, #tpu.memory_space<vmem>>
        %dma_start3A_77 = tpu.memref_squeeze %dma_start3A_76 : memref<1x80xi32, #tpu.memory_space<vmem>> -> memref<80xi32, #tpu.memory_space<vmem>>
        %dma_start3A_78 = tpu.memref_slice %arg4[%add3A_33] : memref<320000xi32, #tpu.memory_space<hbm>> -> memref<80xi32, #tpu.memory_space<hbm>>
        tpu.enqueue_dma source(%dma_start3A_78 : memref<80xi32, #tpu.memory_space<hbm>>) target(%dma_start3A_77 : memref<80xi32, #tpu.memory_space<vmem>>) target_semaphore(%run_scoped3A_70 : memref<!tpu.dma_semaphore, #tpu.memory_space<semaphore_mem>>)
        %dma_wait3A_79 = arith.constant 0 : i32
        %dma_wait3A_80 = tpu.memref_slice %arg8[%run_scoped3A, %dma_wait3A_79] : memref<1x80xi32, #tpu.memory_space<vmem>> -> memref<1x80xi32, #tpu.memory_space<vmem>>
        %dma_wait3A_81 = tpu.memref_squeeze %dma_wait3A_80 : memref<1x80xi32, #tpu.memory_space<vmem>> -> memref<80xi32, #tpu.memory_space<vmem>>
        %dma_wait3A_82 = tpu.memref_slice %arg4[%add3A_33] : memref<320000xi32, #tpu.memory_space<hbm>> -> memref<80xi32, #tpu.memory_space<hbm>>
        %dma_wait3A_83 = arith.constant 0 : i32
        %dma_wait3A_84 = tpu.memref_slice %arg8[%run_scoped3A, %dma_wait3A_83] : memref<1x80xi32, #tpu.memory_space<vmem>> -> memref<1x80xi32, #tpu.memory_space<vmem>>
        %dma_wait3A_85 = tpu.memref_squeeze %dma_wait3A_84 : memref<1x80xi32, #tpu.memory_space<vmem>> -> memref<80xi32, #tpu.memory_space<vmem>>
        %dma_wait3A_86 = tpu.memref_slice %arg4[%add3A_33] : memref<320000xi32, #tpu.memory_space<hbm>> -> memref<80xi32, #tpu.memory_space<hbm>>
        tpu.wait_dma2 semaphore(%run_scoped3A_70 : memref<!tpu.dma_semaphore, #tpu.memory_space<semaphore_mem>>) src(%dma_wait3A_86 : memref<80xi32, #tpu.memory_space<hbm>>) dst(%dma_wait3A_85 : memref<80xi32, #tpu.memory_space<vmem>>)
        tpu.yield
      }) : () -> ()
      %run_scoped3A_34 = arith.constant 0 : i32
      "tpu.region"() ({
        %run_scoped3A_70 = tpu.sem_alloc : memref<!tpu.dma_semaphore, #tpu.memory_space<semaphore_mem>>
        %dma_start3A_71 = arith.constant 0 : i32
        %dma_start3A_72 = tpu.memref_slice %arg9[%run_scoped3A_34, %dma_start3A_71] : memref<1x80xi32, #tpu.memory_space<vmem>> -> memref<1x80xi32, #tpu.memory_space<vmem>>
        %dma_start3A_73 = tpu.memref_squeeze %dma_start3A_72 : memref<1x80xi32, #tpu.memory_space<vmem>> -> memref<80xi32, #tpu.memory_space<vmem>>
        %dma_start3A_74 = tpu.memref_slice %arg5[%add3A_33] : memref<320000xi32, #tpu.memory_space<hbm>> -> memref<80xi32, #tpu.memory_space<hbm>>
        %dma_start3A_75 = arith.constant 0 : i32
        %dma_start3A_76 = tpu.memref_slice %arg9[%run_scoped3A_34, %dma_start3A_75] : memref<1x80xi32, #tpu.memory_space<vmem>> -> memref<1x80xi32, #tpu.memory_space<vmem>>
        %dma_start3A_77 = tpu.memref_squeeze %dma_start3A_76 : memref<1x80xi32, #tpu.memory_space<vmem>> -> memref<80xi32, #tpu.memory_space<vmem>>
        %dma_start3A_78 = tpu.memref_slice %arg5[%add3A_33] : memref<320000xi32, #tpu.memory_space<hbm>> -> memref<80xi32, #tpu.memory_space<hbm>>
        tpu.enqueue_dma source(%dma_start3A_78 : memref<80xi32, #tpu.memory_space<hbm>>) target(%dma_start3A_77 : memref<80xi32, #tpu.memory_space<vmem>>) target_semaphore(%run_scoped3A_70 : memref<!tpu.dma_semaphore, #tpu.memory_space<semaphore_mem>>)
        %dma_wait3A_79 = arith.constant 0 : i32
        %dma_wait3A_80 = tpu.memref_slice %arg9[%run_scoped3A_34, %dma_wait3A_79] : memref<1x80xi32, #tpu.memory_space<vmem>> -> memref<1x80xi32, #tpu.memory_space<vmem>>
        %dma_wait3A_81 = tpu.memref_squeeze %dma_wait3A_80 : memref<1x80xi32, #tpu.memory_space<vmem>> -> memref<80xi32, #tpu.memory_space<vmem>>
        %dma_wait3A_82 = tpu.memref_slice %arg5[%add3A_33] : memref<320000xi32, #tpu.memory_space<hbm>> -> memref<80xi32, #tpu.memory_space<hbm>>
        %dma_wait3A_83 = arith.constant 0 : i32
        %dma_wait3A_84 = tpu.memref_slice %arg9[%run_scoped3A_34, %dma_wait3A_83] : memref<1x80xi32, #tpu.memory_space<vmem>> -> memref<1x80xi32, #tpu.memory_space<vmem>>
        %dma_wait3A_85 = tpu.memref_squeeze %dma_wait3A_84 : memref<1x80xi32, #tpu.memory_space<vmem>> -> memref<80xi32, #tpu.memory_space<vmem>>
        %dma_wait3A_86 = tpu.memref_slice %arg5[%add3A_33] : memref<320000xi32, #tpu.memory_space<hbm>> -> memref<80xi32, #tpu.memory_space<hbm>>
        tpu.wait_dma2 semaphore(%run_scoped3A_70 : memref<!tpu.dma_semaphore, #tpu.memory_space<semaphore_mem>>) src(%dma_wait3A_86 : memref<80xi32, #tpu.memory_space<hbm>>) dst(%dma_wait3A_85 : memref<80xi32, #tpu.memory_space<vmem>>)
        tpu.yield
      }) : () -> ()
      %run_scoped3A_35 = arith.constant 0 : i32
      "tpu.region"() ({
        %run_scoped3A_70 = tpu.sem_alloc : memref<!tpu.dma_semaphore, #tpu.memory_space<semaphore_mem>>
        %dma_start3A_71 = arith.constant 0 : i32
        %dma_start3A_72 = tpu.memref_slice %arg10[%run_scoped3A_35, %dma_start3A_71] : memref<1x80xi32, #tpu.memory_space<vmem>> -> memref<1x80xi32, #tpu.memory_space<vmem>>
        %dma_start3A_73 = tpu.memref_squeeze %dma_start3A_72 : memref<1x80xi32, #tpu.memory_space<vmem>> -> memref<80xi32, #tpu.memory_space<vmem>>
        %dma_start3A_74 = tpu.memref_slice %arg6[%add3A_33] : memref<320000xi32, #tpu.memory_space<hbm>> -> memref<80xi32, #tpu.memory_space<hbm>>
        %dma_start3A_75 = arith.constant 0 : i32
        %dma_start3A_76 = tpu.memref_slice %arg10[%run_scoped3A_35, %dma_start3A_75] : memref<1x80xi32, #tpu.memory_space<vmem>> -> memref<1x80xi32, #tpu.memory_space<vmem>>
        %dma_start3A_77 = tpu.memref_squeeze %dma_start3A_76 : memref<1x80xi32, #tpu.memory_space<vmem>> -> memref<80xi32, #tpu.memory_space<vmem>>
        %dma_start3A_78 = tpu.memref_slice %arg6[%add3A_33] : memref<320000xi32, #tpu.memory_space<hbm>> -> memref<80xi32, #tpu.memory_space<hbm>>
        tpu.enqueue_dma source(%dma_start3A_78 : memref<80xi32, #tpu.memory_space<hbm>>) target(%dma_start3A_77 : memref<80xi32, #tpu.memory_space<vmem>>) target_semaphore(%run_scoped3A_70 : memref<!tpu.dma_semaphore, #tpu.memory_space<semaphore_mem>>)
        %dma_wait3A_79 = arith.constant 0 : i32
        %dma_wait3A_80 = tpu.memref_slice %arg10[%run_scoped3A_35, %dma_wait3A_79] : memref<1x80xi32, #tpu.memory_space<vmem>> -> memref<1x80xi32, #tpu.memory_space<vmem>>
        %dma_wait3A_81 = tpu.memref_squeeze %dma_wait3A_80 : memref<1x80xi32, #tpu.memory_space<vmem>> -> memref<80xi32, #tpu.memory_space<vmem>>
        %dma_wait3A_82 = tpu.memref_slice %arg6[%add3A_33] : memref<320000xi32, #tpu.memory_space<hbm>> -> memref<80xi32, #tpu.memory_space<hbm>>
        %dma_wait3A_83 = arith.constant 0 : i32
        %dma_wait3A_84 = tpu.memref_slice %arg10[%run_scoped3A_35, %dma_wait3A_83] : memref<1x80xi32, #tpu.memory_space<vmem>> -> memref<1x80xi32, #tpu.memory_space<vmem>>
        %dma_wait3A_85 = tpu.memref_squeeze %dma_wait3A_84 : memref<1x80xi32, #tpu.memory_space<vmem>> -> memref<80xi32, #tpu.memory_space<vmem>>
        %dma_wait3A_86 = tpu.memref_slice %arg6[%add3A_33] : memref<320000xi32, #tpu.memory_space<hbm>> -> memref<80xi32, #tpu.memory_space<hbm>>
        tpu.wait_dma2 semaphore(%run_scoped3A_70 : memref<!tpu.dma_semaphore, #tpu.memory_space<semaphore_mem>>) src(%dma_wait3A_86 : memref<80xi32, #tpu.memory_space<hbm>>) dst(%dma_wait3A_85 : memref<80xi32, #tpu.memory_space<vmem>>)
        tpu.yield
      }) : () -> ()
      %dma_start3A = arith.constant 0 : i32
      %dma_start3A_36 = arith.constant 0 : i32
      %dma_start3A_37 = tpu.memref_slice %arg8[%dma_start3A, %dma_start3A_36] : memref<1x80xi32, #tpu.memory_space<vmem>> -> memref<1x80xi32, #tpu.memory_space<vmem>>
      %dma_start3A_38 = tpu.memref_squeeze %dma_start3A_37 : memref<1x80xi32, #tpu.memory_space<vmem>> -> memref<80xi32, #tpu.memory_space<vmem>>
      %dma_start3A_39 = arith.constant 0 : i32
      %dma_start3A_40 = arith.constant 0 : i32
      %dma_start3A_41 = tpu.memref_slice %arg2[%dma_start3A_39, %dma_start3A_40] : memref<10000x128xf32, #tpu.memory_space<hbm>> -> memref<10000x128xf32, #tpu.memory_space<hbm>>
      tpu.enqueue_indirect_dma source(%dma_start3A_41 : memref<10000x128xf32, #tpu.memory_space<hbm>>) target(%arg11 : memref<80x128xf32, #tpu.memory_space<vmem>>) offsets(%dma_start3A_38 : memref<80xi32, #tpu.memory_space<vmem>>) semaphore(%arg14 : memref<!tpu.dma_semaphore, #tpu.memory_space<semaphore_mem>>)
      %dma_start3A_42 = arith.constant 0 : i32
      %dma_start3A_43 = arith.constant 0 : i32
      %dma_start3A_44 = tpu.memref_slice %arg10[%dma_start3A_42, %dma_start3A_43] : memref<1x80xi32, #tpu.memory_space<vmem>> -> memref<1x80xi32, #tpu.memory_space<vmem>>
      %dma_start3A_45 = tpu.memref_squeeze %dma_start3A_44 : memref<1x80xi32, #tpu.memory_space<vmem>> -> memref<80xi32, #tpu.memory_space<vmem>>
      %dma_start3A_46 = arith.constant 0 : i32
      %dma_start3A_47 = arith.constant 0 : i32
      %dma_start3A_48 = tpu.memref_slice %arg3[%dma_start3A_46, %dma_start3A_47] : memref<192x128xf32, #tpu.memory_space<hbm>> -> memref<192x128xf32, #tpu.memory_space<hbm>>
      tpu.enqueue_indirect_dma source(%dma_start3A_48 : memref<192x128xf32, #tpu.memory_space<hbm>>) target(%arg12 : memref<80x128xf32, #tpu.memory_space<vmem>>) offsets(%dma_start3A_45 : memref<80xi32, #tpu.memory_space<vmem>>) semaphore(%arg14 : memref<!tpu.dma_semaphore, #tpu.memory_space<semaphore_mem>>)
      %dma_wait3A = arith.constant 0 : i32
      %dma_wait3A_49 = arith.constant 0 : i32
      %dma_wait3A_50 = tpu.memref_slice %arg8[%dma_wait3A, %dma_wait3A_49] : memref<1x80xi32, #tpu.memory_space<vmem>> -> memref<1x80xi32, #tpu.memory_space<vmem>>
      %dma_wait3A_51 = tpu.memref_squeeze %dma_wait3A_50 : memref<1x80xi32, #tpu.memory_space<vmem>> -> memref<80xi32, #tpu.memory_space<vmem>>
      %dma_wait3A_52 = arith.constant 0 : i32
      %dma_wait3A_53 = arith.constant 0 : i32
      %dma_wait3A_54 = tpu.memref_slice %arg2[%dma_wait3A_52, %dma_wait3A_53] : memref<10000x128xf32, #tpu.memory_space<hbm>> -> memref<10000x128xf32, #tpu.memory_space<hbm>>
      tpu.wait_indirect_dma semaphore(%arg14 : memref<!tpu.dma_semaphore, #tpu.memory_space<semaphore_mem>>) src(%dma_wait3A_54 : memref<10000x128xf32, #tpu.memory_space<hbm>>) dst(%arg11 : memref<80x128xf32, #tpu.memory_space<vmem>>)
      %dma_wait3A_55 = arith.constant 0 : i32
      %dma_wait3A_56 = arith.constant 0 : i32
      %dma_wait3A_57 = tpu.memref_slice %arg10[%dma_wait3A_55, %dma_wait3A_56] : memref<1x80xi32, #tpu.memory_space<vmem>> -> memref<1x80xi32, #tpu.memory_space<vmem>>
      %dma_wait3A_58 = tpu.memref_squeeze %dma_wait3A_57 : memref<1x80xi32, #tpu.memory_space<vmem>> -> memref<80xi32, #tpu.memory_space<vmem>>
      %dma_wait3A_59 = arith.constant 0 : i32
      %dma_wait3A_60 = arith.constant 0 : i32
      %dma_wait3A_61 = tpu.memref_slice %arg3[%dma_wait3A_59, %dma_wait3A_60] : memref<192x128xf32, #tpu.memory_space<hbm>> -> memref<192x128xf32, #tpu.memory_space<hbm>>
      tpu.wait_indirect_dma semaphore(%arg14 : memref<!tpu.dma_semaphore, #tpu.memory_space<semaphore_mem>>) src(%dma_wait3A_61 : memref<192x128xf32, #tpu.memory_space<hbm>>) dst(%arg12 : memref<80x128xf32, #tpu.memory_space<vmem>>)
      %scan3A_62 = arith.constant 0 : i32
      %scan3A_63 = arith.constant 0 : i32
      %scan3A_64 = arith.constant 80 : i32
      %scan3A_65 = arith.addi %scan3A_63, %scan3A_64 : i32
      %scan3A_66 = arith.constant 1 : i32
      %scan3A_67 = scf.for %scan3A_70 = %scan3A_63 to %scan3A_65 step %scan3A_66 iter_args(%scan3A_71 = %scan3A_62) -> (i32)  : i32 {
        %get3A = arith.index_cast %scan3A_70 : i32 to index
        %get3A_72 = arith.constant 0 : index
        %get3A_73 = tpu.vector_load %arg11[%get3A, %get3A_72] {strides = array<i32>} : memref<80x128xf32, #tpu.memory_space<vmem>>, vector<1x16xf32>,
        %get3A_74 = vector.shape_cast %get3A_73 : vector<1x16xf32> to vector<16xf32>
        %get3A_75 = arith.index_cast %scan3A_70 : i32 to index
        %get3A_76 = arith.constant 0 : index
        %get3A_77 = tpu.vector_load %arg12[%get3A_75, %get3A_76] {strides = array<i32>} : memref<80x128xf32, #tpu.memory_space<vmem>>, vector<1x16xf32>,
        %get3A_78 = vector.shape_cast %get3A_77 : vector<1x16xf32> to vector<16xf32>
        %add3A_79 = arith.addf %get3A_74, %get3A_78 : vector<16xf32>
        %swap3A = arith.index_cast %scan3A_70 : i32 to index
        %swap3A_80 = arith.constant 0 : index
        %swap3A_81 = tpu.vector_load %arg11[%swap3A, %swap3A_80] {strides = array<i32>} : memref<80x128xf32, #tpu.memory_space<vmem>>, vector<1x16xf32>,
        %swap3A_82 = vector.shape_cast %swap3A_81 : vector<1x16xf32> to vector<16xf32>
        %swap3A_83 = vector.shape_cast %add3A_79 : vector<16xf32> to vector<1x16xf32>
        tpu.vector_store %arg11[%swap3A, %swap3A_80], %swap3A_83 {strides = array<i32>} : memref<80x128xf32, #tpu.memory_space<vmem>>, vector<1x16xf32>,
        %get3A_84 = arith.index_cast %scan3A_70 : i32 to index
        %get3A_85 = arith.constant 16 : index
        %get3A_86 = tpu.vector_load %arg11[%get3A_84, %get3A_85] {strides = array<i32>} : memref<80x128xf32, #tpu.memory_space<vmem>>, vector<1x16xf32>,
        %get3A_87 = vector.shape_cast %get3A_86 : vector<1x16xf32> to vector<16xf32>
        %get3A_88 = arith.index_cast %scan3A_70 : i32 to index
        %get3A_89 = arith.constant 16 : index
        %get3A_90 = tpu.vector_load %arg12[%get3A_88, %get3A_89] {strides = array<i32>} : memref<80x128xf32, #tpu.memory_space<vmem>>, vector<1x16xf32>,
        %get3A_91 = vector.shape_cast %get3A_90 : vector<1x16xf32> to vector<16xf32>
        %add3A_92 = arith.addf %get3A_87, %get3A_91 : vector<16xf32>
        %swap3A_93 = arith.index_cast %scan3A_70 : i32 to index
        %swap3A_94 = arith.constant 16 : index
        %swap3A_95 = tpu.vector_load %arg11[%swap3A_93, %swap3A_94] {strides = array<i32>} : memref<80x128xf32, #tpu.memory_space<vmem>>, vector<1x16xf32>,
        %swap3A_96 = vector.shape_cast %swap3A_95 : vector<1x16xf32> to vector<16xf32>
        %swap3A_97 = vector.shape_cast %add3A_92 : vector<16xf32> to vector<1x16xf32>
        tpu.vector_store %arg11[%swap3A_93, %swap3A_94], %swap3A_97 {strides = array<i32>} : memref<80x128xf32, #tpu.memory_space<vmem>>, vector<1x16xf32>,
        %get3A_98 = arith.index_cast %scan3A_70 : i32 to index
        %get3A_99 = arith.constant 32 : index
        %get3A_100 = tpu.vector_load %arg11[%get3A_98, %get3A_99] {strides = array<i32>} : memref<80x128xf32, #tpu.memory_space<vmem>>, vector<1x16xf32>,
        %get3A_101 = vector.shape_cast %get3A_100 : vector<1x16xf32> to vector<16xf32>
        %get3A_102 = arith.index_cast %scan3A_70 : i32 to index
        %get3A_103 = arith.constant 32 : index
        %get3A_104 = tpu.vector_load %arg12[%get3A_102, %get3A_103] {strides = array<i32>} : memref<80x128xf32, #tpu.memory_space<vmem>>, vector<1x16xf32>,
        %get3A_105 = vector.shape_cast %get3A_104 : vector<1x16xf32> to vector<16xf32>
        %add3A_106 = arith.addf %get3A_101, %get3A_105 : vector<16xf32>
        %swap3A_107 = arith.index_cast %scan3A_70 : i32 to index
        %swap3A_108 = arith.constant 32 : index
        %swap3A_109 = tpu.vector_load %arg11[%swap3A_107, %swap3A_108] {strides = array<i32>} : memref<80x128xf32, #tpu.memory_space<vmem>>, vector<1x16xf32>,
        %swap3A_110 = vector.shape_cast %swap3A_109 : vector<1x16xf32> to vector<16xf32>
        %swap3A_111 = vector.shape_cast %add3A_106 : vector<16xf32> to vector<1x16xf32>
        tpu.vector_store %arg11[%swap3A_107, %swap3A_108], %swap3A_111 {strides = array<i32>} : memref<80x128xf32, #tpu.memory_space<vmem>>, vector<1x16xf32>,
        %get3A_112 = arith.index_cast %scan3A_70 : i32 to index
        %get3A_113 = arith.constant 48 : index
        %get3A_114 = tpu.vector_load %arg11[%get3A_112, %get3A_113] {strides = array<i32>} : memref<80x128xf32, #tpu.memory_space<vmem>>, vector<1x16xf32>,
        %get3A_115 = vector.shape_cast %get3A_114 : vector<1x16xf32> to vector<16xf32>
        %get3A_116 = arith.index_cast %scan3A_70 : i32 to index
        %get3A_117 = arith.constant 48 : index
        %get3A_118 = tpu.vector_load %arg12[%get3A_116, %get3A_117] {strides = array<i32>} : memref<80x128xf32, #tpu.memory_space<vmem>>, vector<1x16xf32>,
        %get3A_119 = vector.shape_cast %get3A_118 : vector<1x16xf32> to vector<16xf32>
        %add3A_120 = arith.addf %get3A_115, %get3A_119 : vector<16xf32>
        %swap3A_121 = arith.index_cast %scan3A_70 : i32 to index
        %swap3A_122 = arith.constant 48 : index
        %swap3A_123 = tpu.vector_load %arg11[%swap3A_121, %swap3A_122] {strides = array<i32>} : memref<80x128xf32, #tpu.memory_space<vmem>>, vector<1x16xf32>,
        %swap3A_124 = vector.shape_cast %swap3A_123 : vector<1x16xf32> to vector<16xf32>
        %swap3A_125 = vector.shape_cast %add3A_120 : vector<16xf32> to vector<1x16xf32>
        tpu.vector_store %arg11[%swap3A_121, %swap3A_122], %swap3A_125 {strides = array<i32>} : memref<80x128xf32, #tpu.memory_space<vmem>>, vector<1x16xf32>,
        %get3A_126 = arith.index_cast %scan3A_70 : i32 to index
        %get3A_127 = arith.constant 64 : index
        %get3A_128 = tpu.vector_load %arg11[%get3A_126, %get3A_127] {strides = array<i32>} : memref<80x128xf32, #tpu.memory_space<vmem>>, vector<1x16xf32>,
        %get3A_129 = vector.shape_cast %get3A_128 : vector<1x16xf32> to vector<16xf32>
        %get3A_130 = arith.index_cast %scan3A_70 : i32 to index
        %get3A_131 = arith.constant 64 : index
        %get3A_132 = tpu.vector_load %arg12[%get3A_130, %get3A_131] {strides = array<i32>} : memref<80x128xf32, #tpu.memory_space<vmem>>, vector<1x16xf32>,
        %get3A_133 = vector.shape_cast %get3A_132 : vector<1x16xf32> to vector<16xf32>
        %add3A_134 = arith.addf %get3A_129, %get3A_133 : vector<16xf32>
        %swap3A_135 = arith.index_cast %scan3A_70 : i32 to index
        %swap3A_136 = arith.constant 64 : index
        %swap3A_137 = tpu.vector_load %arg11[%swap3A_135, %swap3A_136] {strides = array<i32>} : memref<80x128xf32, #tpu.memory_space<vmem>>, vector<1x16xf32>,
        %swap3A_138 = vector.shape_cast %swap3A_137 : vector<1x16xf32> to vector<16xf32>
        %swap3A_139 = vector.shape_cast %add3A_134 : vector<16xf32> to vector<1x16xf32>
        tpu.vector_store %arg11[%swap3A_135, %swap3A_136], %swap3A_139 {strides = array<i32>} : memref<80x128xf32, #tpu.memory_space<vmem>>, vector<1x16xf32>,
        %get3A_140 = arith.index_cast %scan3A_70 : i32 to index
        %get3A_141 = arith.constant 80 : index
        %get3A_142 = tpu.vector_load %arg11[%get3A_140, %get3A_141] {strides = array<i32>} : memref<80x128xf32, #tpu.memory_space<vmem>>, vector<1x16xf32>,
        %get3A_143 = vector.shape_cast %get3A_142 : vector<1x16xf32> to vector<16xf32>
        %get3A_144 = arith.index_cast %scan3A_70 : i32 to index
        %get3A_145 = arith.constant 80 : index
        %get3A_146 = tpu.vector_load %arg12[%get3A_144, %get3A_145] {strides = array<i32>} : memref<80x128xf32, #tpu.memory_space<vmem>>, vector<1x16xf32>,
        %get3A_147 = vector.shape_cast %get3A_146 : vector<1x16xf32> to vector<16xf32>
        %add3A_148 = arith.addf %get3A_143, %get3A_147 : vector<16xf32>
        %swap3A_149 = arith.index_cast %scan3A_70 : i32 to index
        %swap3A_150 = arith.constant 80 : index
        %swap3A_151 = tpu.vector_load %arg11[%swap3A_149, %swap3A_150] {strides = array<i32>} : memref<80x128xf32, #tpu.memory_space<vmem>>, vector<1x16xf32>,
        %swap3A_152 = vector.shape_cast %swap3A_151 : vector<1x16xf32> to vector<16xf32>
        %swap3A_153 = vector.shape_cast %add3A_148 : vector<16xf32> to vector<1x16xf32>
        tpu.vector_store %arg11[%swap3A_149, %swap3A_150], %swap3A_153 {strides = array<i32>} : memref<80x128xf32, #tpu.memory_space<vmem>>, vector<1x16xf32>,
        %get3A_154 = arith.index_cast %scan3A_70 : i32 to index
        %get3A_155 = arith.constant 96 : index
        %get3A_156 = tpu.vector_load %arg11[%get3A_154, %get3A_155] {strides = array<i32>} : memref<80x128xf32, #tpu.memory_space<vmem>>, vector<1x16xf32>,
        %get3A_157 = vector.shape_cast %get3A_156 : vector<1x16xf32> to vector<16xf32>
        %get3A_158 = arith.index_cast %scan3A_70 : i32 to index
        %get3A_159 = arith.constant 96 : index
        %get3A_160 = tpu.vector_load %arg12[%get3A_158, %get3A_159] {strides = array<i32>} : memref<80x128xf32, #tpu.memory_space<vmem>>, vector<1x16xf32>,
        %get3A_161 = vector.shape_cast %get3A_160 : vector<1x16xf32> to vector<16xf32>
        %add3A_162 = arith.addf %get3A_157, %get3A_161 : vector<16xf32>
        %swap3A_163 = arith.index_cast %scan3A_70 : i32 to index
        %swap3A_164 = arith.constant 96 : index
        %swap3A_165 = tpu.vector_load %arg11[%swap3A_163, %swap3A_164] {strides = array<i32>} : memref<80x128xf32, #tpu.memory_space<vmem>>, vector<1x16xf32>,
        %swap3A_166 = vector.shape_cast %swap3A_165 : vector<1x16xf32> to vector<16xf32>
        %swap3A_167 = vector.shape_cast %add3A_162 : vector<16xf32> to vector<1x16xf32>
        tpu.vector_store %arg11[%swap3A_163, %swap3A_164], %swap3A_167 {strides = array<i32>} : memref<80x128xf32, #tpu.memory_space<vmem>>, vector<1x16xf32>,
        %get3A_168 = arith.index_cast %scan3A_70 : i32 to index
        %get3A_169 = arith.constant 112 : index
        %get3A_170 = tpu.vector_load %arg11[%get3A_168, %get3A_169] {strides = array<i32>} : memref<80x128xf32, #tpu.memory_space<vmem>>, vector<1x16xf32>,
        %get3A_171 = vector.shape_cast %get3A_170 : vector<1x16xf32> to vector<16xf32>
        %get3A_172 = arith.index_cast %scan3A_70 : i32 to index
        %get3A_173 = arith.constant 112 : index
        %get3A_174 = tpu.vector_load %arg12[%get3A_172, %get3A_173] {strides = array<i32>} : memref<80x128xf32, #tpu.memory_space<vmem>>, vector<1x16xf32>,
        %get3A_175 = vector.shape_cast %get3A_174 : vector<1x16xf32> to vector<16xf32>
        %add3A_176 = arith.addf %get3A_171, %get3A_175 : vector<16xf32>
        %swap3A_177 = arith.index_cast %scan3A_70 : i32 to index
        %swap3A_178 = arith.constant 112 : index
        %swap3A_179 = tpu.vector_load %arg11[%swap3A_177, %swap3A_178] {strides = array<i32>} : memref<80x128xf32, #tpu.memory_space<vmem>>, vector<1x16xf32>,
        %swap3A_180 = vector.shape_cast %swap3A_179 : vector<1x16xf32> to vector<16xf32>
        %swap3A_181 = vector.shape_cast %add3A_176 : vector<16xf32> to vector<1x16xf32>
        tpu.vector_store %arg11[%swap3A_177, %swap3A_178], %swap3A_181 {strides = array<i32>} : memref<80x128xf32, #tpu.memory_space<vmem>>, vector<1x16xf32>,
        %scan3A_182 = arith.constant 0 : i32
        scf.yield %scan3A_182 : i32
      }
      %scan3A_68 = arith.constant 80 : i32
      %run_scoped3A_69 = arith.constant 0 : i32
      "tpu.region"() ({
        %run_scoped3A_70 = tpu.sem_alloc : memref<!tpu.dma_semaphore, #tpu.memory_space<semaphore_mem>>
        %dma_start3A_71 = arith.constant 0 : i32
        %dma_start3A_72 = tpu.memref_slice %arg9[%run_scoped3A_69, %dma_start3A_71] : memref<1x80xi32, #tpu.memory_space<vmem>> -> memref<1x80xi32, #tpu.memory_space<vmem>>
        %dma_start3A_73 = tpu.memref_squeeze %dma_start3A_72 : memref<1x80xi32, #tpu.memory_space<vmem>> -> memref<80xi32, #tpu.memory_space<vmem>>
        %dma_start3A_74 = arith.constant 0 : i32
        %dma_start3A_75 = arith.constant 0 : i32
        %dma_start3A_76 = tpu.memref_slice %arg13[%dma_start3A_74, %dma_start3A_75] : memref<10000x128xf32, #tpu.memory_space<vmem_shared>> -> memref<10000x128xf32, #tpu.memory_space<vmem_shared>>
        tpu.enqueue_indirect_dma source(%arg11 : memref<80x128xf32, #tpu.memory_space<vmem>>) target(%dma_start3A_76 : memref<10000x128xf32, #tpu.memory_space<vmem_shared>>) offsets(%dma_start3A_73 : memref<80xi32, #tpu.memory_space<vmem>>) semaphore(%run_scoped3A_70 : memref<!tpu.dma_semaphore, #tpu.memory_space<semaphore_mem>>) {add = true}
        %dma_wait3A_77 = arith.constant 0 : i32
        %dma_wait3A_78 = tpu.memref_slice %arg9[%run_scoped3A_69, %dma_wait3A_77] : memref<1x80xi32, #tpu.memory_space<vmem>> -> memref<1x80xi32, #tpu.memory_space<vmem>>
        %dma_wait3A_79 = tpu.memref_squeeze %dma_wait3A_78 : memref<1x80xi32, #tpu.memory_space<vmem>> -> memref<80xi32, #tpu.memory_space<vmem>>
        %dma_wait3A_80 = arith.constant 0 : i32
        %dma_wait3A_81 = arith.constant 0 : i32
        %dma_wait3A_82 = tpu.memref_slice %arg13[%dma_wait3A_80, %dma_wait3A_81] : memref<10000x128xf32, #tpu.memory_space<vmem_shared>> -> memref<10000x128xf32, #tpu.memory_space<vmem_shared>>
        tpu.wait_indirect_dma semaphore(%run_scoped3A_70 : memref<!tpu.dma_semaphore, #tpu.memory_space<semaphore_mem>>) src(%arg11 : memref<80x128xf32, #tpu.memory_space<vmem>>) dst(%dma_wait3A_82 : memref<10000x128xf32, #tpu.memory_space<vmem_shared>>)
        tpu.yield
      }) : () -> ()
    }
    %scan3A_21 = arith.constant 125 : i32
    %barrier3A_22 = arith.constant 0 : index
    tpu.barrier barrier_id(%barrier3A_22)
    %scan3A_23 = arith.constant 0 : i32
    %scan3A_24 = arith.constant 0 : i32
    %scan3A_25 = arith.constant 8 : i32
    %scan3A_26 = arith.addi %scan3A_24, %scan3A_25 : i32
    %scan3A_27 = arith.constant 1 : i32
    %scan3A_28 = scf.for %scan3A_30 = %scan3A_24 to %scan3A_26 step %scan3A_27 iter_args(%scan3A_31 = %scan3A_23) -> (i32)  : i32 {
      %mul3A_32 = arith.constant 16 : i32
      %mul3A_33 = arith.muli %scan3A_30, %mul3A_32 : i32
      %add3A_34 = arith.addi %mul3A_33, %arg1 : i32
      %lt3A = arith.constant 125 : i32
      %lt3A_35 = arith.cmpi slt, %add3A_34, %lt3A : i32
      %convert_element_type3A = arith.extui %lt3A_35 : i1 to i32
      %cond3A = arith.constant 0 : i32
      %cond3A_36 = arith.cmpi ne, %convert_element_type3A, %cond3A : i32
      %cond3A_37 = scf.if %cond3A_36 -> (i32) {
        %mul3A_38 = arith.constant 16 : i32
        %mul3A_39 = arith.muli %scan3A_30, %mul3A_38 : i32
        %add3A_40 = arith.addi %mul3A_39, %arg1 : i32
        %mul3A_41 = arith.constant 80 : i32
        %mul3A_42 = arith.muli %add3A_40, %mul3A_41 : i32
        "tpu.region"() ({
          %run_scoped3A = tpu.sem_alloc : memref<!tpu.dma_semaphore, #tpu.memory_space<semaphore_mem>>
          %dma_start3A = arith.constant 0 : i32
          %dma_start3A_46 = tpu.memref_slice %arg13[%mul3A_42, %dma_start3A] : memref<10000x128xf32, #tpu.memory_space<vmem_shared>> -> memref<80x128xf32, #tpu.memory_space<vmem_shared>>
          %dma_start3A_47 = arith.constant 0 : i32
          %dma_start3A_48 = tpu.memref_slice %arg13[%mul3A_42, %dma_start3A_47] : memref<10000x128xf32, #tpu.memory_space<vmem_shared>> -> memref<80x128xf32, #tpu.memory_space<vmem_shared>>
          tpu.enqueue_dma source(%dma_start3A_48 : memref<80x128xf32, #tpu.memory_space<vmem_shared>>) target(%arg11 : memref<80x128xf32, #tpu.memory_space<vmem>>) target_semaphore(%run_scoped3A : memref<!tpu.dma_semaphore, #tpu.memory_space<semaphore_mem>>)
          %dma_wait3A = arith.constant 0 : i32
          %dma_wait3A_49 = tpu.memref_slice %arg13[%mul3A_42, %dma_wait3A] : memref<10000x128xf32, #tpu.memory_space<vmem_shared>> -> memref<80x128xf32, #tpu.memory_space<vmem_shared>>
          %dma_wait3A_50 = arith.constant 0 : i32
          %dma_wait3A_51 = tpu.memref_slice %arg13[%mul3A_42, %dma_wait3A_50] : memref<10000x128xf32, #tpu.memory_space<vmem_shared>> -> memref<80x128xf32, #tpu.memory_space<vmem_shared>>
          tpu.wait_dma2 semaphore(%run_scoped3A : memref<!tpu.dma_semaphore, #tpu.memory_space<semaphore_mem>>) src(%dma_wait3A_51 : memref<80x128xf32, #tpu.memory_space<vmem_shared>>) dst(%arg11 : memref<80x128xf32, #tpu.memory_space<vmem>>)
          tpu.yield
        }) : () -> ()
        %mul3A_43 = arith.constant 80 : i32
        %mul3A_44 = arith.muli %add3A_40, %mul3A_43 : i32
        "tpu.region"() ({
          %run_scoped3A = tpu.sem_alloc : memref<!tpu.dma_semaphore, #tpu.memory_space<semaphore_mem>>
          %dma_start3A = arith.constant 0 : i32
          %dma_start3A_46 = tpu.memref_slice %arg7[%arg0, %mul3A_44, %dma_start3A] : memref<2x10000x128xf32, #tpu.memory_space<hbm>> -> memref<1x80x128xf32, #tpu.memory_space<hbm>>
          %dma_start3A_47 = tpu.memref_squeeze %dma_start3A_46 : memref<1x80x128xf32, #tpu.memory_space<hbm>> -> memref<80x128xf32, #tpu.memory_space<hbm>>
          %dma_start3A_48 = arith.constant 0 : i32
          %dma_start3A_49 = tpu.memref_slice %arg7[%arg0, %mul3A_44, %dma_start3A_48] : memref<2x10000x128xf32, #tpu.memory_space<hbm>> -> memref<1x80x128xf32, #tpu.memory_space<hbm>>
          %dma_start3A_50 = tpu.memref_squeeze %dma_start3A_49 : memref<1x80x128xf32, #tpu.memory_space<hbm>> -> memref<80x128xf32, #tpu.memory_space<hbm>>
          tpu.enqueue_dma source(%arg11 : memref<80x128xf32, #tpu.memory_space<vmem>>) target(%dma_start3A_50 : memref<80x128xf32, #tpu.memory_space<hbm>>) target_semaphore(%run_scoped3A : memref<!tpu.dma_semaphore, #tpu.memory_space<semaphore_mem>>)
          %dma_wait3A = arith.constant 0 : i32
          %dma_wait3A_51 = tpu.memref_slice %arg7[%arg0, %mul3A_44, %dma_wait3A] : memref<2x10000x128xf32, #tpu.memory_space<hbm>> -> memref<1x80x128xf32, #tpu.memory_space<hbm>>
          %dma_wait3A_52 = tpu.memref_squeeze %dma_wait3A_51 : memref<1x80x128xf32, #tpu.memory_space<hbm>> -> memref<80x128xf32, #tpu.memory_space<hbm>>
          %dma_wait3A_53 = arith.constant 0 : i32
          %dma_wait3A_54 = tpu.memref_slice %arg7[%arg0, %mul3A_44, %dma_wait3A_53] : memref<2x10000x128xf32, #tpu.memory_space<hbm>> -> memref<1x80x128xf32, #tpu.memory_space<hbm>>
          %dma_wait3A_55 = tpu.memref_squeeze %dma_wait3A_54 : memref<1x80x128xf32, #tpu.memory_space<hbm>> -> memref<80x128xf32, #tpu.memory_space<hbm>>
          tpu.wait_dma2 semaphore(%run_scoped3A : memref<!tpu.dma_semaphore, #tpu.memory_space<semaphore_mem>>) src(%arg11 : memref<80x128xf32, #tpu.memory_space<vmem>>) dst(%dma_wait3A_55 : memref<80x128xf32, #tpu.memory_space<hbm>>)
          tpu.yield
        }) : () -> ()
        %cond3A_45 = arith.constant 0 : i32
        scf.yield %cond3A_45 : i32
      } else {
        %cond3A_38 = arith.constant 0 : i32
        scf.yield %cond3A_38 : i32
      }
      scf.yield %cond3A_37 : i32
    }
    %scan3A_29 = arith.constant 8 : i32
    return
  }
}

#map = affine_map<(d0, d1) -> (0, 0)>
#map1 = affine_map<(d0, d1) -> (0)>
#map2 = affine_map<(d0, d1) -> (0, 0, 0)>
module attributes {stable_mosaic.version = 14 : i64} {
  func.func @k(%arg0: i32, %arg1: i32, %arg2: memref<10000x128xf32, #tpu.memory_space<hbm>>, %arg3: memref<192x128xf32, #tpu.memory_space<hbm>>, %arg4: memref<320000xi32, #tpu.memory_space<hbm>>, %arg5: memref<320000xi32, #tpu.memory_space<hbm>>, %arg6: memref<320000xi32, #tpu.memory_space<hbm>>, %arg7: memref<2x10000x128xf32, #tpu.memory_space<hbm>>, %arg8: memref<1x80xi32, #tpu.memory_space<vmem>>, %arg9: memref<1x80xi32, #tpu.memory_space<vmem>>, %arg10: memref<1x80xi32, #tpu.memory_space<vmem>>, %arg11: memref<80x128xf32, #tpu.memory_space<vmem>>, %arg12: memref<80x128xf32, #tpu.memory_space<vmem>>, %arg13: memref<10000x128xf32, #tpu.memory_space<vmem_shared>>, %arg14: memref<!tpu.dma_semaphore, #tpu.memory_space<semaphore_mem>>) attributes {dimension_semantics = [#tpu.dimension_semantics<core_parallel>, #tpu.dimension_semantics<subcore_parallel>], iteration_bounds = array<i64: 2, 16>, scalar_prefetch = 0 : i64, scratch_operands = 7 : i64, tpu.core_type = #tpu.core_type<sc_vector_subcore>, window_params = [{transform_indices = #map}, {transform_indices = #map}, {transform_indices = #map1}, {transform_indices = #map1}, {transform_indices = #map1}, {transform_indices = #map2}]} {
    %mul3A = arith.constant 2 : i32
    %mul3A_0 = arith.muli %arg1, %mul3A : i32
    %add3A = arith.addi %mul3A_0, %arg0 : i32
    %mul3A_1 = arith.constant 10000 : i32
    %mul3A_2 = arith.muli %add3A, %mul3A_1 : i32
    %scan3A = arith.constant 0 : i32
    %scan3A_3 = arith.constant 0 : i32
    %scan3A_4 = arith.constant 80 : i32
    %scan3A_5 = arith.addi %scan3A_3, %scan3A_4 : i32
    %scan3A_6 = arith.constant 1 : i32
    %scan3A_7 = scf.for %scan3A_30 = %scan3A_3 to %scan3A_5 step %scan3A_6 iter_args(%scan3A_31 = %scan3A) -> (i32)  : i32 {
      %broadcast_in_dim3A = arith.constant 0.000000e+00 : f32
      %broadcast_in_dim3A_32 = vector.broadcast %broadcast_in_dim3A : f32 to vector<16xf32>
      %swap3A = arith.index_cast %scan3A_30 : i32 to index
      %swap3A_33 = arith.constant 0 : index
      %swap3A_34 = tpu.vector_load %arg11[%swap3A, %swap3A_33] {strides = array<i32>} : memref<80x128xf32, #tpu.memory_space<vmem>>, vector<1x16xf32>,
      %swap3A_35 = vector.shape_cast %swap3A_34 : vector<1x16xf32> to vector<16xf32>
      %swap3A_36 = vector.shape_cast %broadcast_in_dim3A_32 : vector<16xf32> to vector<1x16xf32>
      tpu.vector_store %arg11[%swap3A, %swap3A_33], %swap3A_36 {strides = array<i32>} : memref<80x128xf32, #tpu.memory_space<vmem>>, vector<1x16xf32>,
      %broadcast_in_dim3A_37 = arith.constant 0.000000e+00 : f32
      %broadcast_in_dim3A_38 = vector.broadcast %broadcast_in_dim3A_37 : f32 to vector<16xf32>
      %swap3A_39 = arith.index_cast %scan3A_30 : i32 to index
      %swap3A_40 = arith.constant 16 : index
      %swap3A_41 = tpu.vector_load %arg11[%swap3A_39, %swap3A_40] {strides = array<i32>} : memref<80x128xf32, #tpu.memory_space<vmem>>, vector<1x16xf32>,
      %swap3A_42 = vector.shape_cast %swap3A_41 : vector<1x16xf32> to vector<16xf32>
      %swap3A_43 = vector.shape_cast %broadcast_in_dim3A_38 : vector<16xf32> to vector<1x16xf32>
      tpu.vector_store %arg11[%swap3A_39, %swap3A_40], %swap3A_43 {strides = array<i32>} : memref<80x128xf32, #tpu.memory_space<vmem>>, vector<1x16xf32>,
      %broadcast_in_dim3A_44 = arith.constant 0.000000e+00 : f32
      %broadcast_in_dim3A_45 = vector.broadcast %broadcast_in_dim3A_44 : f32 to vector<16xf32>
      %swap3A_46 = arith.index_cast %scan3A_30 : i32 to index
      %swap3A_47 = arith.constant 32 : index
      %swap3A_48 = tpu.vector_load %arg11[%swap3A_46, %swap3A_47] {strides = array<i32>} : memref<80x128xf32, #tpu.memory_space<vmem>>, vector<1x16xf32>,
      %swap3A_49 = vector.shape_cast %swap3A_48 : vector<1x16xf32> to vector<16xf32>
      %swap3A_50 = vector.shape_cast %broadcast_in_dim3A_45 : vector<16xf32> to vector<1x16xf32>
      tpu.vector_store %arg11[%swap3A_46, %swap3A_47], %swap3A_50 {strides = array<i32>} : memref<80x128xf32, #tpu.memory_space<vmem>>, vector<1x16xf32>,
      %broadcast_in_dim3A_51 = arith.constant 0.000000e+00 : f32
      %broadcast_in_dim3A_52 = vector.broadcast %broadcast_in_dim3A_51 : f32 to vector<16xf32>
      %swap3A_53 = arith.index_cast %scan3A_30 : i32 to index
      %swap3A_54 = arith.constant 48 : index
      %swap3A_55 = tpu.vector_load %arg11[%swap3A_53, %swap3A_54] {strides = array<i32>} : memref<80x128xf32, #tpu.memory_space<vmem>>, vector<1x16xf32>,
      %swap3A_56 = vector.shape_cast %swap3A_55 : vector<1x16xf32> to vector<16xf32>
      %swap3A_57 = vector.shape_cast %broadcast_in_dim3A_52 : vector<16xf32> to vector<1x16xf32>
      tpu.vector_store %arg11[%swap3A_53, %swap3A_54], %swap3A_57 {strides = array<i32>} : memref<80x128xf32, #tpu.memory_space<vmem>>, vector<1x16xf32>,
      %broadcast_in_dim3A_58 = arith.constant 0.000000e+00 : f32
      %broadcast_in_dim3A_59 = vector.broadcast %broadcast_in_dim3A_58 : f32 to vector<16xf32>
      %swap3A_60 = arith.index_cast %scan3A_30 : i32 to index
      %swap3A_61 = arith.constant 64 : index
      %swap3A_62 = tpu.vector_load %arg11[%swap3A_60, %swap3A_61] {strides = array<i32>} : memref<80x128xf32, #tpu.memory_space<vmem>>, vector<1x16xf32>,
      %swap3A_63 = vector.shape_cast %swap3A_62 : vector<1x16xf32> to vector<16xf32>
      %swap3A_64 = vector.shape_cast %broadcast_in_dim3A_59 : vector<16xf32> to vector<1x16xf32>
      tpu.vector_store %arg11[%swap3A_60, %swap3A_61], %swap3A_64 {strides = array<i32>} : memref<80x128xf32, #tpu.memory_space<vmem>>, vector<1x16xf32>,
      %broadcast_in_dim3A_65 = arith.constant 0.000000e+00 : f32
      %broadcast_in_dim3A_66 = vector.broadcast %broadcast_in_dim3A_65 : f32 to vector<16xf32>
      %swap3A_67 = arith.index_cast %scan3A_30 : i32 to index
      %swap3A_68 = arith.constant 80 : index
      %swap3A_69 = tpu.vector_load %arg11[%swap3A_67, %swap3A_68] {strides = array<i32>} : memref<80x128xf32, #tpu.memory_space<vmem>>, vector<1x16xf32>,
      %swap3A_70 = vector.shape_cast %swap3A_69 : vector<1x16xf32> to vector<16xf32>
      %swap3A_71 = vector.shape_cast %broadcast_in_dim3A_66 : vector<16xf32> to vector<1x16xf32>
      tpu.vector_store %arg11[%swap3A_67, %swap3A_68], %swap3A_71 {strides = array<i32>} : memref<80x128xf32, #tpu.memory_space<vmem>>, vector<1x16xf32>,
      %broadcast_in_dim3A_72 = arith.constant 0.000000e+00 : f32
      %broadcast_in_dim3A_73 = vector.broadcast %broadcast_in_dim3A_72 : f32 to vector<16xf32>
      %swap3A_74 = arith.index_cast %scan3A_30 : i32 to index
      %swap3A_75 = arith.constant 96 : index
      %swap3A_76 = tpu.vector_load %arg11[%swap3A_74, %swap3A_75] {strides = array<i32>} : memref<80x128xf32, #tpu.memory_space<vmem>>, vector<1x16xf32>,
      %swap3A_77 = vector.shape_cast %swap3A_76 : vector<1x16xf32> to vector<16xf32>
      %swap3A_78 = vector.shape_cast %broadcast_in_dim3A_73 : vector<16xf32> to vector<1x16xf32>
      tpu.vector_store %arg11[%swap3A_74, %swap3A_75], %swap3A_78 {strides = array<i32>} : memref<80x128xf32, #tpu.memory_space<vmem>>, vector<1x16xf32>,
      %broadcast_in_dim3A_79 = arith.constant 0.000000e+00 : f32
      %broadcast_in_dim3A_80 = vector.broadcast %broadcast_in_dim3A_79 : f32 to vector<16xf32>
      %swap3A_81 = arith.index_cast %scan3A_30 : i32 to index
      %swap3A_82 = arith.constant 112 : index
      %swap3A_83 = tpu.vector_load %arg11[%swap3A_81, %swap3A_82] {strides = array<i32>} : memref<80x128xf32, #tpu.memory_space<vmem>>, vector<1x16xf32>,
      %swap3A_84 = vector.shape_cast %swap3A_83 : vector<1x16xf32> to vector<16xf32>
      %swap3A_85 = vector.shape_cast %broadcast_in_dim3A_80 : vector<16xf32> to vector<1x16xf32>
      tpu.vector_store %arg11[%swap3A_81, %swap3A_82], %swap3A_85 {strides = array<i32>} : memref<80x128xf32, #tpu.memory_space<vmem>>, vector<1x16xf32>,
      %scan3A_86 = arith.constant 0 : i32
      scf.yield %scan3A_86 : i32
    }
    %scan3A_8 = arith.constant 80 : i32
    %scan3A_9 = arith.constant 0 : i32
    %scan3A_10 = arith.constant 0 : i32
    %scan3A_11 = arith.constant 8 : i32
    %scan3A_12 = arith.addi %scan3A_10, %scan3A_11 : i32
    %scan3A_13 = arith.constant 1 : i32
    %scan3A_14 = scf.for %scan3A_30 = %scan3A_10 to %scan3A_12 step %scan3A_13 iter_args(%scan3A_31 = %scan3A_9) -> (i32)  : i32 {
      %mul3A_32 = arith.constant 16 : i32
      %mul3A_33 = arith.muli %scan3A_30, %mul3A_32 : i32
      %add3A_34 = arith.addi %mul3A_33, %arg1 : i32
      %lt3A = arith.constant 125 : i32
      %lt3A_35 = arith.cmpi slt, %add3A_34, %lt3A : i32
      %convert_element_type3A = arith.extui %lt3A_35 : i1 to i32
      %cond3A = arith.constant 0 : i32
      %cond3A_36 = arith.cmpi ne, %convert_element_type3A, %cond3A : i32
      %cond3A_37 = scf.if %cond3A_36 -> (i32) {
        %mul3A_38 = arith.constant 16 : i32
        %mul3A_39 = arith.muli %scan3A_30, %mul3A_38 : i32
        %add3A_40 = arith.addi %mul3A_39, %arg1 : i32
        %mul3A_41 = arith.constant 80 : i32
        %mul3A_42 = arith.muli %add3A_40, %mul3A_41 : i32
        "tpu.region"() ({
          %run_scoped3A = tpu.sem_alloc : memref<!tpu.dma_semaphore, #tpu.memory_space<semaphore_mem>>
          %dma_start3A = arith.constant 0 : i32
          %dma_start3A_44 = tpu.memref_slice %arg13[%mul3A_42, %dma_start3A] : memref<10000x128xf32, #tpu.memory_space<vmem_shared>> -> memref<80x128xf32, #tpu.memory_space<vmem_shared>>
          %dma_start3A_45 = arith.constant 0 : i32
          %dma_start3A_46 = tpu.memref_slice %arg13[%mul3A_42, %dma_start3A_45] : memref<10000x128xf32, #tpu.memory_space<vmem_shared>> -> memref<80x128xf32, #tpu.memory_space<vmem_shared>>
          tpu.enqueue_dma source(%arg11 : memref<80x128xf32, #tpu.memory_space<vmem>>) target(%dma_start3A_46 : memref<80x128xf32, #tpu.memory_space<vmem_shared>>) target_semaphore(%run_scoped3A : memref<!tpu.dma_semaphore, #tpu.memory_space<semaphore_mem>>)
          %dma_wait3A = arith.constant 0 : i32
          %dma_wait3A_47 = tpu.memref_slice %arg13[%mul3A_42, %dma_wait3A] : memref<10000x128xf32, #tpu.memory_space<vmem_shared>> -> memref<80x128xf32, #tpu.memory_space<vmem_shared>>
          %dma_wait3A_48 = arith.constant 0 : i32
          %dma_wait3A_49 = tpu.memref_slice %arg13[%mul3A_42, %dma_wait3A_48] : memref<10000x128xf32, #tpu.memory_space<vmem_shared>> -> memref<80x128xf32, #tpu.memory_space<vmem_shared>>
          tpu.wait_dma2 semaphore(%run_scoped3A : memref<!tpu.dma_semaphore, #tpu.memory_space<semaphore_mem>>) src(%arg11 : memref<80x128xf32, #tpu.memory_space<vmem>>) dst(%dma_wait3A_49 : memref<80x128xf32, #tpu.memory_space<vmem_shared>>)
          tpu.yield
        }) : () -> ()
        %cond3A_43 = arith.constant 0 : i32
        scf.yield %cond3A_43 : i32
      } else {
        %cond3A_38 = arith.constant 0 : i32
        scf.yield %cond3A_38 : i32
      }
      scf.yield %cond3A_37 : i32
    }
    %scan3A_15 = arith.constant 8 : i32
    %barrier3A = arith.constant 0 : index
    tpu.barrier barrier_id(%barrier3A)
    %scan3A_16 = arith.constant 0 : i32
    %scan3A_17 = arith.constant 0 : i32
    %scan3A_18 = arith.constant 125 : i32
    %scan3A_19 = arith.addi %scan3A_17, %scan3A_18 : i32
    %scan3A_20 = arith.constant 1 : i32
    scf.for %scan3A_30 = %scan3A_17 to %scan3A_19 step %scan3A_20  : i32 {
      %mul3A_31 = arith.constant 80 : i32
      %mul3A_32 = arith.muli %scan3A_30, %mul3A_31 : i32
      %add3A_33 = arith.addi %mul3A_2, %mul3A_32 : i32
      %run_scoped3A = arith.constant 0 : i32
      "tpu.region"() ({
        %run_scoped3A_70 = tpu.sem_alloc : memref<!tpu.dma_semaphore, #tpu.memory_space<semaphore_mem>>
        %dma_start3A_71 = arith.constant 0 : i32
        %dma_start3A_72 = tpu.memref_slice %arg8[%run_scoped3A, %dma_start3A_71] : memref<1x80xi32, #tpu.memory_space<vmem>> -> memref<1x80xi32, #tpu.memory_space<vmem>>
        %dma_start3A_73 = tpu.memref_squeeze %dma_start3A_72 : memref<1x80xi32, #tpu.memory_space<vmem>> -> memref<80xi32, #tpu.memory_space<vmem>>
        %dma_start3A_74 = tpu.memref_slice %arg4[%add3A_33] : memref<320000xi32, #tpu.memory_space<hbm>> -> memref<80xi32, #tpu.memory_space<hbm>>
        %dma_start3A_75 = arith.constant 0 : i32
        %dma_start3A_76 = tpu.memref_slice %arg8[%run_scoped3A, %dma_start3A_75] : memref<1x80xi32, #tpu.memory_space<vmem>> -> memref<1x80xi32, #tpu.memory_space<vmem>>
        %dma_start3A_77 = tpu.memref_squeeze %dma_start3A_76 : memref<1x80xi32, #tpu.memory_space<vmem>> -> memref<80xi32, #tpu.memory_space<vmem>>
        %dma_start3A_78 = tpu.memref_slice %arg4[%add3A_33] : memref<320000xi32, #tpu.memory_space<hbm>> -> memref<80xi32, #tpu.memory_space<hbm>>
        tpu.enqueue_dma source(%dma_start3A_78 : memref<80xi32, #tpu.memory_space<hbm>>) target(%dma_start3A_77 : memref<80xi32, #tpu.memory_space<vmem>>) target_semaphore(%run_scoped3A_70 : memref<!tpu.dma_semaphore, #tpu.memory_space<semaphore_mem>>)
        %dma_wait3A_79 = arith.constant 0 : i32
        %dma_wait3A_80 = tpu.memref_slice %arg8[%run_scoped3A, %dma_wait3A_79] : memref<1x80xi32, #tpu.memory_space<vmem>> -> memref<1x80xi32, #tpu.memory_space<vmem>>
        %dma_wait3A_81 = tpu.memref_squeeze %dma_wait3A_80 : memref<1x80xi32, #tpu.memory_space<vmem>> -> memref<80xi32, #tpu.memory_space<vmem>>
        %dma_wait3A_82 = tpu.memref_slice %arg4[%add3A_33] : memref<320000xi32, #tpu.memory_space<hbm>> -> memref<80xi32, #tpu.memory_space<hbm>>
        %dma_wait3A_83 = arith.constant 0 : i32
        %dma_wait3A_84 = tpu.memref_slice %arg8[%run_scoped3A, %dma_wait3A_83] : memref<1x80xi32, #tpu.memory_space<vmem>> -> memref<1x80xi32, #tpu.memory_space<vmem>>
        %dma_wait3A_85 = tpu.memref_squeeze %dma_wait3A_84 : memref<1x80xi32, #tpu.memory_space<vmem>> -> memref<80xi32, #tpu.memory_space<vmem>>
        %dma_wait3A_86 = tpu.memref_slice %arg4[%add3A_33] : memref<320000xi32, #tpu.memory_space<hbm>> -> memref<80xi32, #tpu.memory_space<hbm>>
        tpu.wait_dma2 semaphore(%run_scoped3A_70 : memref<!tpu.dma_semaphore, #tpu.memory_space<semaphore_mem>>) src(%dma_wait3A_86 : memref<80xi32, #tpu.memory_space<hbm>>) dst(%dma_wait3A_85 : memref<80xi32, #tpu.memory_space<vmem>>)
        tpu.yield
      }) : () -> ()
      %run_scoped3A_34 = arith.constant 0 : i32
      "tpu.region"() ({
        %run_scoped3A_70 = tpu.sem_alloc : memref<!tpu.dma_semaphore, #tpu.memory_space<semaphore_mem>>
        %dma_start3A_71 = arith.constant 0 : i32
        %dma_start3A_72 = tpu.memref_slice %arg9[%run_scoped3A_34, %dma_start3A_71] : memref<1x80xi32, #tpu.memory_space<vmem>> -> memref<1x80xi32, #tpu.memory_space<vmem>>
        %dma_start3A_73 = tpu.memref_squeeze %dma_start3A_72 : memref<1x80xi32, #tpu.memory_space<vmem>> -> memref<80xi32, #tpu.memory_space<vmem>>
        %dma_start3A_74 = tpu.memref_slice %arg5[%add3A_33] : memref<320000xi32, #tpu.memory_space<hbm>> -> memref<80xi32, #tpu.memory_space<hbm>>
        %dma_start3A_75 = arith.constant 0 : i32
        %dma_start3A_76 = tpu.memref_slice %arg9[%run_scoped3A_34, %dma_start3A_75] : memref<1x80xi32, #tpu.memory_space<vmem>> -> memref<1x80xi32, #tpu.memory_space<vmem>>
        %dma_start3A_77 = tpu.memref_squeeze %dma_start3A_76 : memref<1x80xi32, #tpu.memory_space<vmem>> -> memref<80xi32, #tpu.memory_space<vmem>>
        %dma_start3A_78 = tpu.memref_slice %arg5[%add3A_33] : memref<320000xi32, #tpu.memory_space<hbm>> -> memref<80xi32, #tpu.memory_space<hbm>>
        tpu.enqueue_dma source(%dma_start3A_78 : memref<80xi32, #tpu.memory_space<hbm>>) target(%dma_start3A_77 : memref<80xi32, #tpu.memory_space<vmem>>) target_semaphore(%run_scoped3A_70 : memref<!tpu.dma_semaphore, #tpu.memory_space<semaphore_mem>>)
        %dma_wait3A_79 = arith.constant 0 : i32
        %dma_wait3A_80 = tpu.memref_slice %arg9[%run_scoped3A_34, %dma_wait3A_79] : memref<1x80xi32, #tpu.memory_space<vmem>> -> memref<1x80xi32, #tpu.memory_space<vmem>>
        %dma_wait3A_81 = tpu.memref_squeeze %dma_wait3A_80 : memref<1x80xi32, #tpu.memory_space<vmem>> -> memref<80xi32, #tpu.memory_space<vmem>>
        %dma_wait3A_82 = tpu.memref_slice %arg5[%add3A_33] : memref<320000xi32, #tpu.memory_space<hbm>> -> memref<80xi32, #tpu.memory_space<hbm>>
        %dma_wait3A_83 = arith.constant 0 : i32
        %dma_wait3A_84 = tpu.memref_slice %arg9[%run_scoped3A_34, %dma_wait3A_83] : memref<1x80xi32, #tpu.memory_space<vmem>> -> memref<1x80xi32, #tpu.memory_space<vmem>>
        %dma_wait3A_85 = tpu.memref_squeeze %dma_wait3A_84 : memref<1x80xi32, #tpu.memory_space<vmem>> -> memref<80xi32, #tpu.memory_space<vmem>>
        %dma_wait3A_86 = tpu.memref_slice %arg5[%add3A_33] : memref<320000xi32, #tpu.memory_space<hbm>> -> memref<80xi32, #tpu.memory_space<hbm>>
        tpu.wait_dma2 semaphore(%run_scoped3A_70 : memref<!tpu.dma_semaphore, #tpu.memory_space<semaphore_mem>>) src(%dma_wait3A_86 : memref<80xi32, #tpu.memory_space<hbm>>) dst(%dma_wait3A_85 : memref<80xi32, #tpu.memory_space<vmem>>)
        tpu.yield
      }) : () -> ()
      %run_scoped3A_35 = arith.constant 0 : i32
      "tpu.region"() ({
        %run_scoped3A_70 = tpu.sem_alloc : memref<!tpu.dma_semaphore, #tpu.memory_space<semaphore_mem>>
        %dma_start3A_71 = arith.constant 0 : i32
        %dma_start3A_72 = tpu.memref_slice %arg10[%run_scoped3A_35, %dma_start3A_71] : memref<1x80xi32, #tpu.memory_space<vmem>> -> memref<1x80xi32, #tpu.memory_space<vmem>>
        %dma_start3A_73 = tpu.memref_squeeze %dma_start3A_72 : memref<1x80xi32, #tpu.memory_space<vmem>> -> memref<80xi32, #tpu.memory_space<vmem>>
        %dma_start3A_74 = tpu.memref_slice %arg6[%add3A_33] : memref<320000xi32, #tpu.memory_space<hbm>> -> memref<80xi32, #tpu.memory_space<hbm>>
        %dma_start3A_75 = arith.constant 0 : i32
        %dma_start3A_76 = tpu.memref_slice %arg10[%run_scoped3A_35, %dma_start3A_75] : memref<1x80xi32, #tpu.memory_space<vmem>> -> memref<1x80xi32, #tpu.memory_space<vmem>>
        %dma_start3A_77 = tpu.memref_squeeze %dma_start3A_76 : memref<1x80xi32, #tpu.memory_space<vmem>> -> memref<80xi32, #tpu.memory_space<vmem>>
        %dma_start3A_78 = tpu.memref_slice %arg6[%add3A_33] : memref<320000xi32, #tpu.memory_space<hbm>> -> memref<80xi32, #tpu.memory_space<hbm>>
        tpu.enqueue_dma source(%dma_start3A_78 : memref<80xi32, #tpu.memory_space<hbm>>) target(%dma_start3A_77 : memref<80xi32, #tpu.memory_space<vmem>>) target_semaphore(%run_scoped3A_70 : memref<!tpu.dma_semaphore, #tpu.memory_space<semaphore_mem>>)
        %dma_wait3A_79 = arith.constant 0 : i32
        %dma_wait3A_80 = tpu.memref_slice %arg10[%run_scoped3A_35, %dma_wait3A_79] : memref<1x80xi32, #tpu.memory_space<vmem>> -> memref<1x80xi32, #tpu.memory_space<vmem>>
        %dma_wait3A_81 = tpu.memref_squeeze %dma_wait3A_80 : memref<1x80xi32, #tpu.memory_space<vmem>> -> memref<80xi32, #tpu.memory_space<vmem>>
        %dma_wait3A_82 = tpu.memref_slice %arg6[%add3A_33] : memref<320000xi32, #tpu.memory_space<hbm>> -> memref<80xi32, #tpu.memory_space<hbm>>
        %dma_wait3A_83 = arith.constant 0 : i32
        %dma_wait3A_84 = tpu.memref_slice %arg10[%run_scoped3A_35, %dma_wait3A_83] : memref<1x80xi32, #tpu.memory_space<vmem>> -> memref<1x80xi32, #tpu.memory_space<vmem>>
        %dma_wait3A_85 = tpu.memref_squeeze %dma_wait3A_84 : memref<1x80xi32, #tpu.memory_space<vmem>> -> memref<80xi32, #tpu.memory_space<vmem>>
        %dma_wait3A_86 = tpu.memref_slice %arg6[%add3A_33] : memref<320000xi32, #tpu.memory_space<hbm>> -> memref<80xi32, #tpu.memory_space<hbm>>
        tpu.wait_dma2 semaphore(%run_scoped3A_70 : memref<!tpu.dma_semaphore, #tpu.memory_space<semaphore_mem>>) src(%dma_wait3A_86 : memref<80xi32, #tpu.memory_space<hbm>>) dst(%dma_wait3A_85 : memref<80xi32, #tpu.memory_space<vmem>>)
        tpu.yield
      }) : () -> ()
      %dma_start3A = arith.constant 0 : i32
      %dma_start3A_36 = arith.constant 0 : i32
      %dma_start3A_37 = tpu.memref_slice %arg8[%dma_start3A, %dma_start3A_36] : memref<1x80xi32, #tpu.memory_space<vmem>> -> memref<1x80xi32, #tpu.memory_space<vmem>>
      %dma_start3A_38 = tpu.memref_squeeze %dma_start3A_37 : memref<1x80xi32, #tpu.memory_space<vmem>> -> memref<80xi32, #tpu.memory_space<vmem>>
      %dma_start3A_39 = arith.constant 0 : i32
      %dma_start3A_40 = arith.constant 0 : i32
      %dma_start3A_41 = tpu.memref_slice %arg2[%dma_start3A_39, %dma_start3A_40] : memref<10000x128xf32, #tpu.memory_space<hbm>> -> memref<10000x128xf32, #tpu.memory_space<hbm>>
      tpu.enqueue_indirect_dma source(%dma_start3A_41 : memref<10000x128xf32, #tpu.memory_space<hbm>>) target(%arg11 : memref<80x128xf32, #tpu.memory_space<vmem>>) offsets(%dma_start3A_38 : memref<80xi32, #tpu.memory_space<vmem>>) semaphore(%arg14 : memref<!tpu.dma_semaphore, #tpu.memory_space<semaphore_mem>>)
      %dma_start3A_42 = arith.constant 0 : i32
      %dma_start3A_43 = arith.constant 0 : i32
      %dma_start3A_44 = tpu.memref_slice %arg10[%dma_start3A_42, %dma_start3A_43] : memref<1x80xi32, #tpu.memory_space<vmem>> -> memref<1x80xi32, #tpu.memory_space<vmem>>
      %dma_start3A_45 = tpu.memref_squeeze %dma_start3A_44 : memref<1x80xi32, #tpu.memory_space<vmem>> -> memref<80xi32, #tpu.memory_space<vmem>>
      %dma_start3A_46 = arith.constant 0 : i32
      %dma_start3A_47 = arith.constant 0 : i32
      %dma_start3A_48 = tpu.memref_slice %arg3[%dma_start3A_46, %dma_start3A_47] : memref<192x128xf32, #tpu.memory_space<hbm>> -> memref<192x128xf32, #tpu.memory_space<hbm>>
      tpu.enqueue_indirect_dma source(%dma_start3A_48 : memref<192x128xf32, #tpu.memory_space<hbm>>) target(%arg12 : memref<80x128xf32, #tpu.memory_space<vmem>>) offsets(%dma_start3A_45 : memref<80xi32, #tpu.memory_space<vmem>>) semaphore(%arg14 : memref<!tpu.dma_semaphore, #tpu.memory_space<semaphore_mem>>)
      %dma_wait3A = arith.constant 0 : i32
      %dma_wait3A_49 = arith.constant 0 : i32
      %dma_wait3A_50 = tpu.memref_slice %arg8[%dma_wait3A, %dma_wait3A_49] : memref<1x80xi32, #tpu.memory_space<vmem>> -> memref<1x80xi32, #tpu.memory_space<vmem>>
      %dma_wait3A_51 = tpu.memref_squeeze %dma_wait3A_50 : memref<1x80xi32, #tpu.memory_space<vmem>> -> memref<80xi32, #tpu.memory_space<vmem>>
      %dma_wait3A_52 = arith.constant 0 : i32
      %dma_wait3A_53 = arith.constant 0 : i32
      %dma_wait3A_54 = tpu.memref_slice %arg2[%dma_wait3A_52, %dma_wait3A_53] : memref<10000x128xf32, #tpu.memory_space<hbm>> -> memref<10000x128xf32, #tpu.memory_space<hbm>>
      tpu.wait_indirect_dma semaphore(%arg14 : memref<!tpu.dma_semaphore, #tpu.memory_space<semaphore_mem>>) src(%dma_wait3A_54 : memref<10000x128xf32, #tpu.memory_space<hbm>>) dst(%arg11 : memref<80x128xf32, #tpu.memory_space<vmem>>)
      %dma_wait3A_55 = arith.constant 0 : i32
      %dma_wait3A_56 = arith.constant 0 : i32
      %dma_wait3A_57 = tpu.memref_slice %arg10[%dma_wait3A_55, %dma_wait3A_56] : memref<1x80xi32, #tpu.memory_space<vmem>> -> memref<1x80xi32, #tpu.memory_space<vmem>>
      %dma_wait3A_58 = tpu.memref_squeeze %dma_wait3A_57 : memref<1x80xi32, #tpu.memory_space<vmem>> -> memref<80xi32, #tpu.memory_space<vmem>>
      %dma_wait3A_59 = arith.constant 0 : i32
      %dma_wait3A_60 = arith.constant 0 : i32
      %dma_wait3A_61 = tpu.memref_slice %arg3[%dma_wait3A_59, %dma_wait3A_60] : memref<192x128xf32, #tpu.memory_space<hbm>> -> memref<192x128xf32, #tpu.memory_space<hbm>>
      tpu.wait_indirect_dma semaphore(%arg14 : memref<!tpu.dma_semaphore, #tpu.memory_space<semaphore_mem>>) src(%dma_wait3A_61 : memref<192x128xf32, #tpu.memory_space<hbm>>) dst(%arg12 : memref<80x128xf32, #tpu.memory_space<vmem>>)
      %scan3A_62 = arith.constant 0 : i32
      %scan3A_63 = arith.constant 0 : i32
      %scan3A_64 = arith.constant 80 : i32
      %scan3A_65 = arith.addi %scan3A_63, %scan3A_64 : i32
      %scan3A_66 = arith.constant 1 : i32
      %scan3A_67 = scf.for %scan3A_70 = %scan3A_63 to %scan3A_65 step %scan3A_66 iter_args(%scan3A_71 = %scan3A_62) -> (i32)  : i32 {
        %get3A = arith.index_cast %scan3A_70 : i32 to index
        %get3A_72 = arith.constant 0 : index
        %get3A_73 = tpu.vector_load %arg11[%get3A, %get3A_72] {strides = array<i32>} : memref<80x128xf32, #tpu.memory_space<vmem>>, vector<1x16xf32>,
        %get3A_74 = vector.shape_cast %get3A_73 : vector<1x16xf32> to vector<16xf32>
        %get3A_75 = arith.index_cast %scan3A_70 : i32 to index
        %get3A_76 = arith.constant 0 : index
        %get3A_77 = tpu.vector_load %arg12[%get3A_75, %get3A_76] {strides = array<i32>} : memref<80x128xf32, #tpu.memory_space<vmem>>, vector<1x16xf32>,
        %get3A_78 = vector.shape_cast %get3A_77 : vector<1x16xf32> to vector<16xf32>
        %add3A_79 = arith.addf %get3A_74, %get3A_78 : vector<16xf32>
        %swap3A = arith.index_cast %scan3A_70 : i32 to index
        %swap3A_80 = arith.constant 0 : index
        %swap3A_81 = tpu.vector_load %arg11[%swap3A, %swap3A_80] {strides = array<i32>} : memref<80x128xf32, #tpu.memory_space<vmem>>, vector<1x16xf32>,
        %swap3A_82 = vector.shape_cast %swap3A_81 : vector<1x16xf32> to vector<16xf32>
        %swap3A_83 = vector.shape_cast %add3A_79 : vector<16xf32> to vector<1x16xf32>
        tpu.vector_store %arg11[%swap3A, %swap3A_80], %swap3A_83 {strides = array<i32>} : memref<80x128xf32, #tpu.memory_space<vmem>>, vector<1x16xf32>,
        %get3A_84 = arith.index_cast %scan3A_70 : i32 to index
        %get3A_85 = arith.constant 16 : index
        %get3A_86 = tpu.vector_load %arg11[%get3A_84, %get3A_85] {strides = array<i32>} : memref<80x128xf32, #tpu.memory_space<vmem>>, vector<1x16xf32>,
        %get3A_87 = vector.shape_cast %get3A_86 : vector<1x16xf32> to vector<16xf32>
        %get3A_88 = arith.index_cast %scan3A_70 : i32 to index
        %get3A_89 = arith.constant 16 : index
        %get3A_90 = tpu.vector_load %arg12[%get3A_88, %get3A_89] {strides = array<i32>} : memref<80x128xf32, #tpu.memory_space<vmem>>, vector<1x16xf32>,
        %get3A_91 = vector.shape_cast %get3A_90 : vector<1x16xf32> to vector<16xf32>
        %add3A_92 = arith.addf %get3A_87, %get3A_91 : vector<16xf32>
        %swap3A_93 = arith.index_cast %scan3A_70 : i32 to index
        %swap3A_94 = arith.constant 16 : index
        %swap3A_95 = tpu.vector_load %arg11[%swap3A_93, %swap3A_94] {strides = array<i32>} : memref<80x128xf32, #tpu.memory_space<vmem>>, vector<1x16xf32>,
        %swap3A_96 = vector.shape_cast %swap3A_95 : vector<1x16xf32> to vector<16xf32>
        %swap3A_97 = vector.shape_cast %add3A_92 : vector<16xf32> to vector<1x16xf32>
        tpu.vector_store %arg11[%swap3A_93, %swap3A_94], %swap3A_97 {strides = array<i32>} : memref<80x128xf32, #tpu.memory_space<vmem>>, vector<1x16xf32>,
        %get3A_98 = arith.index_cast %scan3A_70 : i32 to index
        %get3A_99 = arith.constant 32 : index
        %get3A_100 = tpu.vector_load %arg11[%get3A_98, %get3A_99] {strides = array<i32>} : memref<80x128xf32, #tpu.memory_space<vmem>>, vector<1x16xf32>,
        %get3A_101 = vector.shape_cast %get3A_100 : vector<1x16xf32> to vector<16xf32>
        %get3A_102 = arith.index_cast %scan3A_70 : i32 to index
        %get3A_103 = arith.constant 32 : index
        %get3A_104 = tpu.vector_load %arg12[%get3A_102, %get3A_103] {strides = array<i32>} : memref<80x128xf32, #tpu.memory_space<vmem>>, vector<1x16xf32>,
        %get3A_105 = vector.shape_cast %get3A_104 : vector<1x16xf32> to vector<16xf32>
        %add3A_106 = arith.addf %get3A_101, %get3A_105 : vector<16xf32>
        %swap3A_107 = arith.index_cast %scan3A_70 : i32 to index
        %swap3A_108 = arith.constant 32 : index
        %swap3A_109 = tpu.vector_load %arg11[%swap3A_107, %swap3A_108] {strides = array<i32>} : memref<80x128xf32, #tpu.memory_space<vmem>>, vector<1x16xf32>,
        %swap3A_110 = vector.shape_cast %swap3A_109 : vector<1x16xf32> to vector<16xf32>
        %swap3A_111 = vector.shape_cast %add3A_106 : vector<16xf32> to vector<1x16xf32>
        tpu.vector_store %arg11[%swap3A_107, %swap3A_108], %swap3A_111 {strides = array<i32>} : memref<80x128xf32, #tpu.memory_space<vmem>>, vector<1x16xf32>,
        %get3A_112 = arith.index_cast %scan3A_70 : i32 to index
        %get3A_113 = arith.constant 48 : index
        %get3A_114 = tpu.vector_load %arg11[%get3A_112, %get3A_113] {strides = array<i32>} : memref<80x128xf32, #tpu.memory_space<vmem>>, vector<1x16xf32>,
        %get3A_115 = vector.shape_cast %get3A_114 : vector<1x16xf32> to vector<16xf32>
        %get3A_116 = arith.index_cast %scan3A_70 : i32 to index
        %get3A_117 = arith.constant 48 : index
        %get3A_118 = tpu.vector_load %arg12[%get3A_116, %get3A_117] {strides = array<i32>} : memref<80x128xf32, #tpu.memory_space<vmem>>, vector<1x16xf32>,
        %get3A_119 = vector.shape_cast %get3A_118 : vector<1x16xf32> to vector<16xf32>
        %add3A_120 = arith.addf %get3A_115, %get3A_119 : vector<16xf32>
        %swap3A_121 = arith.index_cast %scan3A_70 : i32 to index
        %swap3A_122 = arith.constant 48 : index
        %swap3A_123 = tpu.vector_load %arg11[%swap3A_121, %swap3A_122] {strides = array<i32>} : memref<80x128xf32, #tpu.memory_space<vmem>>, vector<1x16xf32>,
        %swap3A_124 = vector.shape_cast %swap3A_123 : vector<1x16xf32> to vector<16xf32>
        %swap3A_125 = vector.shape_cast %add3A_120 : vector<16xf32> to vector<1x16xf32>
        tpu.vector_store %arg11[%swap3A_121, %swap3A_122], %swap3A_125 {strides = array<i32>} : memref<80x128xf32, #tpu.memory_space<vmem>>, vector<1x16xf32>,
        %get3A_126 = arith.index_cast %scan3A_70 : i32 to index
        %get3A_127 = arith.constant 64 : index
        %get3A_128 = tpu.vector_load %arg11[%get3A_126, %get3A_127] {strides = array<i32>} : memref<80x128xf32, #tpu.memory_space<vmem>>, vector<1x16xf32>,
        %get3A_129 = vector.shape_cast %get3A_128 : vector<1x16xf32> to vector<16xf32>
        %get3A_130 = arith.index_cast %scan3A_70 : i32 to index
        %get3A_131 = arith.constant 64 : index
        %get3A_132 = tpu.vector_load %arg12[%get3A_130, %get3A_131] {strides = array<i32>} : memref<80x128xf32, #tpu.memory_space<vmem>>, vector<1x16xf32>,
        %get3A_133 = vector.shape_cast %get3A_132 : vector<1x16xf32> to vector<16xf32>
        %add3A_134 = arith.addf %get3A_129, %get3A_133 : vector<16xf32>
        %swap3A_135 = arith.index_cast %scan3A_70 : i32 to index
        %swap3A_136 = arith.constant 64 : index
        %swap3A_137 = tpu.vector_load %arg11[%swap3A_135, %swap3A_136] {strides = array<i32>} : memref<80x128xf32, #tpu.memory_space<vmem>>, vector<1x16xf32>,
        %swap3A_138 = vector.shape_cast %swap3A_137 : vector<1x16xf32> to vector<16xf32>
        %swap3A_139 = vector.shape_cast %add3A_134 : vector<16xf32> to vector<1x16xf32>
        tpu.vector_store %arg11[%swap3A_135, %swap3A_136], %swap3A_139 {strides = array<i32>} : memref<80x128xf32, #tpu.memory_space<vmem>>, vector<1x16xf32>,
        %get3A_140 = arith.index_cast %scan3A_70 : i32 to index
        %get3A_141 = arith.constant 80 : index
        %get3A_142 = tpu.vector_load %arg11[%get3A_140, %get3A_141] {strides = array<i32>} : memref<80x128xf32, #tpu.memory_space<vmem>>, vector<1x16xf32>,
        %get3A_143 = vector.shape_cast %get3A_142 : vector<1x16xf32> to vector<16xf32>
        %get3A_144 = arith.index_cast %scan3A_70 : i32 to index
        %get3A_145 = arith.constant 80 : index
        %get3A_146 = tpu.vector_load %arg12[%get3A_144, %get3A_145] {strides = array<i32>} : memref<80x128xf32, #tpu.memory_space<vmem>>, vector<1x16xf32>,
        %get3A_147 = vector.shape_cast %get3A_146 : vector<1x16xf32> to vector<16xf32>
        %add3A_148 = arith.addf %get3A_143, %get3A_147 : vector<16xf32>
        %swap3A_149 = arith.index_cast %scan3A_70 : i32 to index
        %swap3A_150 = arith.constant 80 : index
        %swap3A_151 = tpu.vector_load %arg11[%swap3A_149, %swap3A_150] {strides = array<i32>} : memref<80x128xf32, #tpu.memory_space<vmem>>, vector<1x16xf32>,
        %swap3A_152 = vector.shape_cast %swap3A_151 : vector<1x16xf32> to vector<16xf32>
        %swap3A_153 = vector.shape_cast %add3A_148 : vector<16xf32> to vector<1x16xf32>
        tpu.vector_store %arg11[%swap3A_149, %swap3A_150], %swap3A_153 {strides = array<i32>} : memref<80x128xf32, #tpu.memory_space<vmem>>, vector<1x16xf32>,
        %get3A_154 = arith.index_cast %scan3A_70 : i32 to index
        %get3A_155 = arith.constant 96 : index
        %get3A_156 = tpu.vector_load %arg11[%get3A_154, %get3A_155] {strides = array<i32>} : memref<80x128xf32, #tpu.memory_space<vmem>>, vector<1x16xf32>,
        %get3A_157 = vector.shape_cast %get3A_156 : vector<1x16xf32> to vector<16xf32>
        %get3A_158 = arith.index_cast %scan3A_70 : i32 to index
        %get3A_159 = arith.constant 96 : index
        %get3A_160 = tpu.vector_load %arg12[%get3A_158, %get3A_159] {strides = array<i32>} : memref<80x128xf32, #tpu.memory_space<vmem>>, vector<1x16xf32>,
        %get3A_161 = vector.shape_cast %get3A_160 : vector<1x16xf32> to vector<16xf32>
        %add3A_162 = arith.addf %get3A_157, %get3A_161 : vector<16xf32>
        %swap3A_163 = arith.index_cast %scan3A_70 : i32 to index
        %swap3A_164 = arith.constant 96 : index
        %swap3A_165 = tpu.vector_load %arg11[%swap3A_163, %swap3A_164] {strides = array<i32>} : memref<80x128xf32, #tpu.memory_space<vmem>>, vector<1x16xf32>,
        %swap3A_166 = vector.shape_cast %swap3A_165 : vector<1x16xf32> to vector<16xf32>
        %swap3A_167 = vector.shape_cast %add3A_162 : vector<16xf32> to vector<1x16xf32>
        tpu.vector_store %arg11[%swap3A_163, %swap3A_164], %swap3A_167 {strides = array<i32>} : memref<80x128xf32, #tpu.memory_space<vmem>>, vector<1x16xf32>,
        %get3A_168 = arith.index_cast %scan3A_70 : i32 to index
        %get3A_169 = arith.constant 112 : index
        %get3A_170 = tpu.vector_load %arg11[%get3A_168, %get3A_169] {strides = array<i32>} : memref<80x128xf32, #tpu.memory_space<vmem>>, vector<1x16xf32>,
        %get3A_171 = vector.shape_cast %get3A_170 : vector<1x16xf32> to vector<16xf32>
        %get3A_172 = arith.index_cast %scan3A_70 : i32 to index
        %get3A_173 = arith.constant 112 : index
        %get3A_174 = tpu.vector_load %arg12[%get3A_172, %get3A_173] {strides = array<i32>} : memref<80x128xf32, #tpu.memory_space<vmem>>, vector<1x16xf32>,
        %get3A_175 = vector.shape_cast %get3A_174 : vector<1x16xf32> to vector<16xf32>
        %add3A_176 = arith.addf %get3A_171, %get3A_175 : vector<16xf32>
        %swap3A_177 = arith.index_cast %scan3A_70 : i32 to index
        %swap3A_178 = arith.constant 112 : index
        %swap3A_179 = tpu.vector_load %arg11[%swap3A_177, %swap3A_178] {strides = array<i32>} : memref<80x128xf32, #tpu.memory_space<vmem>>, vector<1x16xf32>,
        %swap3A_180 = vector.shape_cast %swap3A_179 : vector<1x16xf32> to vector<16xf32>
        %swap3A_181 = vector.shape_cast %add3A_176 : vector<16xf32> to vector<1x16xf32>
        tpu.vector_store %arg11[%swap3A_177, %swap3A_178], %swap3A_181 {strides = array<i32>} : memref<80x128xf32, #tpu.memory_space<vmem>>, vector<1x16xf32>,
        %scan3A_182 = arith.constant 0 : i32
        scf.yield %scan3A_182 : i32
      }
      %scan3A_68 = arith.constant 80 : i32
      %run_scoped3A_69 = arith.constant 0 : i32
      "tpu.region"() ({
        %run_scoped3A_70 = tpu.sem_alloc : memref<!tpu.dma_semaphore, #tpu.memory_space<semaphore_mem>>
        %dma_start3A_71 = arith.constant 0 : i32
        %dma_start3A_72 = tpu.memref_slice %arg9[%run_scoped3A_69, %dma_start3A_71] : memref<1x80xi32, #tpu.memory_space<vmem>> -> memref<1x80xi32, #tpu.memory_space<vmem>>
        %dma_start3A_73 = tpu.memref_squeeze %dma_start3A_72 : memref<1x80xi32, #tpu.memory_space<vmem>> -> memref<80xi32, #tpu.memory_space<vmem>>
        %dma_start3A_74 = arith.constant 0 : i32
        %dma_start3A_75 = arith.constant 0 : i32
        %dma_start3A_76 = tpu.memref_slice %arg13[%dma_start3A_74, %dma_start3A_75] : memref<10000x128xf32, #tpu.memory_space<vmem_shared>> -> memref<10000x128xf32, #tpu.memory_space<vmem_shared>>
        tpu.enqueue_indirect_dma source(%arg11 : memref<80x128xf32, #tpu.memory_space<vmem>>) target(%dma_start3A_76 : memref<10000x128xf32, #tpu.memory_space<vmem_shared>>) offsets(%dma_start3A_73 : memref<80xi32, #tpu.memory_space<vmem>>) semaphore(%run_scoped3A_70 : memref<!tpu.dma_semaphore, #tpu.memory_space<semaphore_mem>>) {add = true}
        %dma_wait3A_77 = arith.constant 0 : i32
        %dma_wait3A_78 = tpu.memref_slice %arg9[%run_scoped3A_69, %dma_wait3A_77] : memref<1x80xi32, #tpu.memory_space<vmem>> -> memref<1x80xi32, #tpu.memory_space<vmem>>
        %dma_wait3A_79 = tpu.memref_squeeze %dma_wait3A_78 : memref<1x80xi32, #tpu.memory_space<vmem>> -> memref<80xi32, #tpu.memory_space<vmem>>
        %dma_wait3A_80 = arith.constant 0 : i32
        %dma_wait3A_81 = arith.constant 0 : i32
        %dma_wait3A_82 = tpu.memref_slice %arg13[%dma_wait3A_80, %dma_wait3A_81] : memref<10000x128xf32, #tpu.memory_space<vmem_shared>> -> memref<10000x128xf32, #tpu.memory_space<vmem_shared>>
        tpu.wait_indirect_dma semaphore(%run_scoped3A_70 : memref<!tpu.dma_semaphore, #tpu.memory_space<semaphore_mem>>) src(%arg11 : memref<80x128xf32, #tpu.memory_space<vmem>>) dst(%dma_wait3A_82 : memref<10000x128xf32, #tpu.memory_space<vmem_shared>>)
        tpu.yield
      }) : () -> ()
    }
    %scan3A_21 = arith.constant 125 : i32
    %barrier3A_22 = arith.constant 0 : index
    tpu.barrier barrier_id(%barrier3A_22)
    %scan3A_23 = arith.constant 0 : i32
    %scan3A_24 = arith.constant 0 : i32
    %scan3A_25 = arith.constant 8 : i32
    %scan3A_26 = arith.addi %scan3A_24, %scan3A_25 : i32
    %scan3A_27 = arith.constant 1 : i32
    %scan3A_28 = scf.for %scan3A_30 = %scan3A_24 to %scan3A_26 step %scan3A_27 iter_args(%scan3A_31 = %scan3A_23) -> (i32)  : i32 {
      %mul3A_32 = arith.constant 16 : i32
      %mul3A_33 = arith.muli %scan3A_30, %mul3A_32 : i32
      %add3A_34 = arith.addi %mul3A_33, %arg1 : i32
      %lt3A = arith.constant 125 : i32
      %lt3A_35 = arith.cmpi slt, %add3A_34, %lt3A : i32
      %convert_element_type3A = arith.extui %lt3A_35 : i1 to i32
      %cond3A = arith.constant 0 : i32
      %cond3A_36 = arith.cmpi ne, %convert_element_type3A, %cond3A : i32
      %cond3A_37 = scf.if %cond3A_36 -> (i32) {
        %mul3A_38 = arith.constant 16 : i32
        %mul3A_39 = arith.muli %scan3A_30, %mul3A_38 : i32
        %add3A_40 = arith.addi %mul3A_39, %arg1 : i32
        %mul3A_41 = arith.constant 80 : i32
        %mul3A_42 = arith.muli %add3A_40, %mul3A_41 : i32
        "tpu.region"() ({
          %run_scoped3A = tpu.sem_alloc : memref<!tpu.dma_semaphore, #tpu.memory_space<semaphore_mem>>
          %dma_start3A = arith.constant 0 : i32
          %dma_start3A_46 = tpu.memref_slice %arg13[%mul3A_42, %dma_start3A] : memref<10000x128xf32, #tpu.memory_space<vmem_shared>> -> memref<80x128xf32, #tpu.memory_space<vmem_shared>>
          %dma_start3A_47 = arith.constant 0 : i32
          %dma_start3A_48 = tpu.memref_slice %arg13[%mul3A_42, %dma_start3A_47] : memref<10000x128xf32, #tpu.memory_space<vmem_shared>> -> memref<80x128xf32, #tpu.memory_space<vmem_shared>>
          tpu.enqueue_dma source(%dma_start3A_48 : memref<80x128xf32, #tpu.memory_space<vmem_shared>>) target(%arg11 : memref<80x128xf32, #tpu.memory_space<vmem>>) target_semaphore(%run_scoped3A : memref<!tpu.dma_semaphore, #tpu.memory_space<semaphore_mem>>)
          %dma_wait3A = arith.constant 0 : i32
          %dma_wait3A_49 = tpu.memref_slice %arg13[%mul3A_42, %dma_wait3A] : memref<10000x128xf32, #tpu.memory_space<vmem_shared>> -> memref<80x128xf32, #tpu.memory_space<vmem_shared>>
          %dma_wait3A_50 = arith.constant 0 : i32
          %dma_wait3A_51 = tpu.memref_slice %arg13[%mul3A_42, %dma_wait3A_50] : memref<10000x128xf32, #tpu.memory_space<vmem_shared>> -> memref<80x128xf32, #tpu.memory_space<vmem_shared>>
          tpu.wait_dma2 semaphore(%run_scoped3A : memref<!tpu.dma_semaphore, #tpu.memory_space<semaphore_mem>>) src(%dma_wait3A_51 : memref<80x128xf32, #tpu.memory_space<vmem_shared>>) dst(%arg11 : memref<80x128xf32, #tpu.memory_space<vmem>>)
          tpu.yield
        }) : () -> ()
        %mul3A_43 = arith.constant 80 : i32
        %mul3A_44 = arith.muli %add3A_40, %mul3A_43 : i32
        "tpu.region"() ({
          %run_scoped3A = tpu.sem_alloc : memref<!tpu.dma_semaphore, #tpu.memory_space<semaphore_mem>>
          %dma_start3A = arith.constant 0 : i32
          %dma_start3A_46 = tpu.memref_slice %arg7[%arg0, %mul3A_44, %dma_start3A] : memref<2x10000x128xf32, #tpu.memory_space<hbm>> -> memref<1x80x128xf32, #tpu.memory_space<hbm>>
          %dma_start3A_47 = tpu.memref_squeeze %dma_start3A_46 : memref<1x80x128xf32, #tpu.memory_space<hbm>> -> memref<80x128xf32, #tpu.memory_space<hbm>>
          %dma_start3A_48 = arith.constant 0 : i32
          %dma_start3A_49 = tpu.memref_slice %arg7[%arg0, %mul3A_44, %dma_start3A_48] : memref<2x10000x128xf32, #tpu.memory_space<hbm>> -> memref<1x80x128xf32, #tpu.memory_space<hbm>>
          %dma_start3A_50 = tpu.memref_squeeze %dma_start3A_49 : memref<1x80x128xf32, #tpu.memory_space<hbm>> -> memref<80x128xf32, #tpu.memory_space<hbm>>
          tpu.enqueue_dma source(%arg11 : memref<80x128xf32, #tpu.memory_space<vmem>>) target(%dma_start3A_50 : memref<80x128xf32, #tpu.memory_space<hbm>>) target_semaphore(%run_scoped3A : memref<!tpu.dma_semaphore, #tpu.memory_space<semaphore_mem>>)
          %dma_wait3A = arith.constant 0 : i32
          %dma_wait3A_51 = tpu.memref_slice %arg7[%arg0, %mul3A_44, %dma_wait3A] : memref<2x10000x128xf32, #tpu.memory_space<hbm>> -> memref<1x80x128xf32, #tpu.memory_space<hbm>>
          %dma_wait3A_52 = tpu.memref_squeeze %dma_wait3A_51 : memref<1x80x128xf32, #tpu.memory_space<hbm>> -> memref<80x128xf32, #tpu.memory_space<hbm>>
          %dma_wait3A_53 = arith.constant 0 : i32
          %dma_wait3A_54 = tpu.memref_slice %arg7[%arg0, %mul3A_44, %dma_wait3A_53] : memref<2x10000x128xf32, #tpu.memory_space<hbm>> -> memref<1x80x128xf32, #tpu.memory_space<hbm>>
          %dma_wait3A_55 = tpu.memref_squeeze %dma_wait3A_54 : memref<1x80x128xf32, #tpu.memory_space<hbm>> -> memref<80x128xf32, #tpu.memory_space<hbm>>
          tpu.wait_dma2 semaphore(%run_scoped3A : memref<!tpu.dma_semaphore, #tpu.memory_space<semaphore_mem>>) src(%arg11 : memref<80x128xf32, #tpu.memory_space<vmem>>) dst(%dma_wait3A_55 : memref<80x128xf32, #tpu.memory_space<hbm>>)
          tpu.yield
        }) : () -> ()
        %cond3A_45 = arith.constant 0 : i32
        scf.yield %cond3A_45 : i32
      } else {
        %cond3A_38 = arith.constant 0 : i32
        scf.yield %cond3A_38 : i32
      }
      scf.yield %cond3A_37 : i32
    }
    %scan3A_29 = arith.constant 8 : i32
    return
  }
}

module attributes {stable_mosaic.version = 14 : i64} {
  func.func @_emb_body(%arg0: i32, %arg1: memref<1000x4xi32, #tpu.memory_space<vmem>>, %arg2: memref<128x32xf32, #tpu.memory_space<vmem>>, %arg3: memref<1000x32xf32, #tpu.memory_space<vmem>>) attributes {dimension_semantics = [#tpu.dimension_semantics<arbitrary>], iteration_bounds = array<i64: 10>, scalar_prefetch = 0 : i64, scratch_operands = 0 : i64, tpu.core_type = #tpu.core_type<tc>, window_params = [{transform_indices = @transform_0, window_bounds = array<i64: 1000, 4>}, {pipeline_mode = #tpu.pipeline_mode<synchronous>, transform_indices = @transform_1, window_bounds = array<i64: 128, 32>}, {transform_indices = @transform_2, window_bounds = array<i64: 1000, 32>}]} {
    %get3A = arith.constant 0 : index
    %get3A_0 = arith.constant 0 : index
    %get3A_1 = vector.load %arg1[%get3A, %get3A_0] : memref<1000x4xi32, #tpu.memory_space<vmem>>, vector<1000x4xi32>
    %get3A_2 = arith.constant 0 : index
    %get3A_3 = arith.constant 0 : index
    %get3A_4 = vector.load %arg2[%get3A_2, %get3A_3] : memref<128x32xf32, #tpu.memory_space<vmem>>, vector<128x32xf32>
    %iota3A = tpu.iota {dimensions = array<i32: 1>} : vector<1000x128xi32>
    %slice3A = vector.extract_strided_slice %get3A_1 {offsets = [0, 0], sizes = [1000, 1], strides = [1, 1]} : vector<1000x4xi32> to vector<1000x1xi32>
    %eq3A = vector.broadcast %slice3A : vector<1000x1xi32> to vector<1000x128xi32>
    %eq3A_5 = arith.cmpi eq, %eq3A, %iota3A : vector<1000x128xi32>
    %convert_element_type3A = arith.extui %eq3A_5 : vector<1000x128xi1> to vector<1000x128xi32>
    %convert_element_type3A_6 = arith.sitofp %convert_element_type3A : vector<1000x128xi32> to vector<1000x128xf32>
    %dot_general3A = arith.constant dense<0.000000e+00> : vector<1000x32xf32>
    %dot_general3A_7 = tpu.matmul %convert_element_type3A_6, %get3A_4, %dot_general3A {dimension_numbers = #tpu.dot_dimension_numbers<[1], [0], [0], [1], [0, 0, 1, 1], [], []>, precision = #tpu.contract_precision<fp32>, transpose_lhs_hint = false} : vector<1000x128xf32>, vector<128x32xf32>, vector<1000x32xf32> -> vector<1000x32xf32>
    %slice3A_8 = vector.extract_strided_slice %get3A_1 {offsets = [0, 1], sizes = [1000, 1], strides = [1, 1]} : vector<1000x4xi32> to vector<1000x1xi32>
    %eq3A_9 = vector.broadcast %slice3A_8 : vector<1000x1xi32> to vector<1000x128xi32>
    %eq3A_10 = arith.cmpi eq, %eq3A_9, %iota3A : vector<1000x128xi32>
    %convert_element_type3A_11 = arith.extui %eq3A_10 : vector<1000x128xi1> to vector<1000x128xi32>
    %convert_element_type3A_12 = arith.sitofp %convert_element_type3A_11 : vector<1000x128xi32> to vector<1000x128xf32>
    %dot_general3A_13 = arith.constant dense<0.000000e+00> : vector<1000x32xf32>
    %dot_general3A_14 = tpu.matmul %convert_element_type3A_12, %get3A_4, %dot_general3A_13 {dimension_numbers = #tpu.dot_dimension_numbers<[1], [0], [0], [1], [0, 0, 1, 1], [], []>, precision = #tpu.contract_precision<fp32>, transpose_lhs_hint = false} : vector<1000x128xf32>, vector<128x32xf32>, vector<1000x32xf32> -> vector<1000x32xf32>
    %add3A = arith.addf %dot_general3A_7, %dot_general3A_14 : vector<1000x32xf32>
    %slice3A_15 = vector.extract_strided_slice %get3A_1 {offsets = [0, 2], sizes = [1000, 1], strides = [1, 1]} : vector<1000x4xi32> to vector<1000x1xi32>
    %eq3A_16 = vector.broadcast %slice3A_15 : vector<1000x1xi32> to vector<1000x128xi32>
    %eq3A_17 = arith.cmpi eq, %eq3A_16, %iota3A : vector<1000x128xi32>
    %convert_element_type3A_18 = arith.extui %eq3A_17 : vector<1000x128xi1> to vector<1000x128xi32>
    %convert_element_type3A_19 = arith.sitofp %convert_element_type3A_18 : vector<1000x128xi32> to vector<1000x128xf32>
    %dot_general3A_20 = arith.constant dense<0.000000e+00> : vector<1000x32xf32>
    %dot_general3A_21 = tpu.matmul %convert_element_type3A_19, %get3A_4, %dot_general3A_20 {dimension_numbers = #tpu.dot_dimension_numbers<[1], [0], [0], [1], [0, 0, 1, 1], [], []>, precision = #tpu.contract_precision<fp32>, transpose_lhs_hint = false} : vector<1000x128xf32>, vector<128x32xf32>, vector<1000x32xf32> -> vector<1000x32xf32>
    %add3A_22 = arith.addf %add3A, %dot_general3A_21 : vector<1000x32xf32>
    %slice3A_23 = vector.extract_strided_slice %get3A_1 {offsets = [0, 3], sizes = [1000, 1], strides = [1, 1]} : vector<1000x4xi32> to vector<1000x1xi32>
    %eq3A_24 = vector.broadcast %slice3A_23 : vector<1000x1xi32> to vector<1000x128xi32>
    %eq3A_25 = arith.cmpi eq, %eq3A_24, %iota3A : vector<1000x128xi32>
    %convert_element_type3A_26 = arith.extui %eq3A_25 : vector<1000x128xi1> to vector<1000x128xi32>
    %convert_element_type3A_27 = arith.sitofp %convert_element_type3A_26 : vector<1000x128xi32> to vector<1000x128xf32>
    %dot_general3A_28 = arith.constant dense<0.000000e+00> : vector<1000x32xf32>
    %dot_general3A_29 = tpu.matmul %convert_element_type3A_27, %get3A_4, %dot_general3A_28 {dimension_numbers = #tpu.dot_dimension_numbers<[1], [0], [0], [1], [0, 0, 1, 1], [], []>, precision = #tpu.contract_precision<fp32>, transpose_lhs_hint = false} : vector<1000x128xf32>, vector<128x32xf32>, vector<1000x32xf32> -> vector<1000x32xf32>
    %add3A_30 = arith.addf %add3A_22, %dot_general3A_29 : vector<1000x32xf32>
    %swap3A = arith.constant 0 : index
    %swap3A_31 = arith.constant 0 : index
    %swap3A_32 = vector.load %arg3[%swap3A, %swap3A_31] : memref<1000x32xf32, #tpu.memory_space<vmem>>, vector<1000x32xf32>
    tpu.vector_store %arg3[%swap3A, %swap3A_31], %add3A_30 {strides = array<i32>} : memref<1000x32xf32, #tpu.memory_space<vmem>>, vector<1000x32xf32>,
    return
  }
  func.func @transform_0(%arg0: i32) -> (i32, i32) {
    %c0_i32 = arith.constant 0 : i32
    %c0_i32_0 = arith.constant 0 : i32
    return %arg0, %c0_i32 : i32, i32
  }
  func.func @transform_1(%arg0: i32) -> (i32, i32) {
    %c0_i32 = arith.constant 0 : i32
    %c0_i32_0 = arith.constant 0 : i32
    %c0_i32_1 = arith.constant 0 : i32
    return %c0_i32, %c0_i32_0 : i32, i32
  }
  func.func @transform_2(%arg0: i32) -> (i32, i32) {
    %c0_i32 = arith.constant 0 : i32
    %c0_i32_0 = arith.constant 0 : i32
    return %arg0, %c0_i32 : i32, i32
  }
}

module attributes {stable_mosaic.version = 14 : i64} {
  func.func @_mm_body(%arg0: i32, %arg1: memref<1000x128xf32, #tpu.memory_space<vmem>>, %arg2: memref<128x128xf32, #tpu.memory_space<vmem>>, %arg3: memref<1000x128xf32, #tpu.memory_space<vmem>>) attributes {dimension_semantics = [#tpu.dimension_semantics<arbitrary>], iteration_bounds = array<i64: 10>, scalar_prefetch = 0 : i64, scratch_operands = 0 : i64, tpu.core_type = #tpu.core_type<tc>, window_params = [{transform_indices = @transform_0, window_bounds = array<i64: 1000, 128>}, {pipeline_mode = #tpu.pipeline_mode<synchronous>, transform_indices = @transform_1, window_bounds = array<i64: 128, 128>}, {transform_indices = @transform_2, window_bounds = array<i64: 1000, 128>}]} {
    %get3A = arith.constant 0 : index
    %get3A_0 = arith.constant 0 : index
    %get3A_1 = vector.load %arg1[%get3A, %get3A_0] : memref<1000x128xf32, #tpu.memory_space<vmem>>, vector<1000x128xf32>
    %get3A_2 = arith.constant 0 : index
    %get3A_3 = arith.constant 0 : index
    %get3A_4 = vector.load %arg2[%get3A_2, %get3A_3] : memref<128x128xf32, #tpu.memory_space<vmem>>, vector<128x128xf32>
    %dot_general3A = arith.constant dense<0.000000e+00> : vector<1000x128xf32>
    %dot_general3A_5 = tpu.matmul %get3A_1, %get3A_4, %dot_general3A {dimension_numbers = #tpu.dot_dimension_numbers<[1], [0], [0], [1], [0, 0, 1, 1], [], []>, transpose_lhs_hint = false} : vector<1000x128xf32>, vector<128x128xf32>, vector<1000x128xf32> -> vector<1000x128xf32>
    %swap3A = arith.constant 0 : index
    %swap3A_6 = arith.constant 0 : index
    %swap3A_7 = vector.load %arg3[%swap3A, %swap3A_6] : memref<1000x128xf32, #tpu.memory_space<vmem>>, vector<1000x128xf32>
    tpu.vector_store %arg3[%swap3A, %swap3A_6], %dot_general3A_5 {strides = array<i32>} : memref<1000x128xf32, #tpu.memory_space<vmem>>, vector<1000x128xf32>,
    return
  }
  func.func @transform_0(%arg0: i32) -> (i32, i32) {
    %c0_i32 = arith.constant 0 : i32
    %c0_i32_0 = arith.constant 0 : i32
    return %arg0, %c0_i32 : i32, i32
  }
  func.func @transform_1(%arg0: i32) -> (i32, i32) {
    %c0_i32 = arith.constant 0 : i32
    %c0_i32_0 = arith.constant 0 : i32
    %c0_i32_1 = arith.constant 0 : i32
    return %c0_i32, %c0_i32_0 : i32, i32
  }
  func.func @transform_2(%arg0: i32) -> (i32, i32) {
    %c0_i32 = arith.constant 0 : i32
    %c0_i32_0 = arith.constant 0 : i32
    return %arg0, %c0_i32 : i32, i32
  }
}

module attributes {stable_mosaic.version = 14 : i64} {
  func.func @_layer_body(%arg0: i32, %arg1: memref<1000x128xf32, #tpu.memory_space<vmem>>, %arg2: memref<1x1000x128xf32, #tpu.memory_space<vmem>>, %arg3: memref<1x1000x128xf32, #tpu.memory_space<vmem>>, %arg4: memref<128x128xf32, #tpu.memory_space<vmem>>, %arg5: memref<128x128xf32, #tpu.memory_space<vmem>>, %arg6: memref<1x128xf32, #tpu.memory_space<vmem>>, %arg7: memref<1000x128xf32, #tpu.memory_space<vmem>>, %arg8: memref<1000x128xf32, #tpu.memory_space<vmem>>) attributes {dimension_semantics = [#tpu.dimension_semantics<arbitrary>], iteration_bounds = array<i64: 10>, scalar_prefetch = 0 : i64, scratch_operands = 0 : i64, tpu.core_type = #tpu.core_type<tc>, window_params = [{transform_indices = @transform_0, window_bounds = array<i64: 1000, 128>}, {transform_indices = @transform_1, window_bounds = array<i64: 1, 1000, 128>}, {transform_indices = @transform_2, window_bounds = array<i64: 1, 1000, 128>}, {pipeline_mode = #tpu.pipeline_mode<synchronous>, transform_indices = @transform_3, window_bounds = array<i64: 128, 128>}, {pipeline_mode = #tpu.pipeline_mode<synchronous>, transform_indices = @transform_4, window_bounds = array<i64: 128, 128>}, {pipeline_mode = #tpu.pipeline_mode<synchronous>, transform_indices = @transform_5, window_bounds = array<i64: 1, 128>}, {transform_indices = @transform_6, window_bounds = array<i64: 1000, 128>}, {transform_indices = @transform_7, window_bounds = array<i64: 1000, 128>}]} {
    %get3A = arith.constant 0 : index
    %get3A_0 = arith.constant 0 : index
    %get3A_1 = vector.load %arg1[%get3A, %get3A_0] : memref<1000x128xf32, #tpu.memory_space<vmem>>, vector<1000x128xf32>
    %get3A_2 = arith.constant 0 : index
    %get3A_3 = arith.constant 0 : index
    %get3A_4 = arith.constant 0 : index
    %get3A_5 = vector.load %arg2[%get3A_2, %get3A_3, %get3A_4] : memref<1x1000x128xf32, #tpu.memory_space<vmem>>, vector<1x1000x128xf32>
    %get3A_6 = vector.shape_cast %get3A_5 : vector<1x1000x128xf32> to vector<1000x128xf32>
    %get3A_7 = arith.constant 0 : index
    %get3A_8 = arith.constant 0 : index
    %get3A_9 = arith.constant 0 : index
    %get3A_10 = vector.load %arg3[%get3A_7, %get3A_8, %get3A_9] : memref<1x1000x128xf32, #tpu.memory_space<vmem>>, vector<1x1000x128xf32>
    %get3A_11 = vector.shape_cast %get3A_10 : vector<1x1000x128xf32> to vector<1000x128xf32>
    %add3A = arith.addf %get3A_6, %get3A_11 : vector<1000x128xf32>
    %get3A_12 = arith.constant 0 : index
    %get3A_13 = arith.constant 0 : index
    %get3A_14 = vector.load %arg4[%get3A_12, %get3A_13] : memref<128x128xf32, #tpu.memory_space<vmem>>, vector<128x128xf32>
    %dot_general3A = arith.constant dense<0.000000e+00> : vector<1000x128xf32>
    %dot_general3A_15 = tpu.matmul %get3A_1, %get3A_14, %dot_general3A {dimension_numbers = #tpu.dot_dimension_numbers<[1], [0], [0], [1], [0, 0, 1, 1], [], []>, transpose_lhs_hint = false} : vector<1000x128xf32>, vector<128x128xf32>, vector<1000x128xf32> -> vector<1000x128xf32>
    %add3A_16 = arith.addf %dot_general3A_15, %add3A : vector<1000x128xf32>
    %get3A_17 = arith.constant 0 : index
    %get3A_18 = arith.constant 0 : index
    %get3A_19 = vector.load %arg6[%get3A_17, %get3A_18] : memref<1x128xf32, #tpu.memory_space<vmem>>, vector<1x128xf32>
    %add3A_20 = vector.broadcast %get3A_19 : vector<1x128xf32> to vector<1000x128xf32>
    %add3A_21 = arith.addf %add3A_16, %add3A_20 : vector<1000x128xf32>
    %max3A = arith.constant 0.000000e+00 : f32
    %max3A_22 = vector.broadcast %max3A : f32 to vector<1000x128xf32>
    %max3A_23 = arith.maximumf %add3A_21, %max3A_22 : vector<1000x128xf32>
    %add3A_24 = arith.addf %get3A_1, %max3A_23 : vector<1000x128xf32>
    %swap3A = arith.constant 0 : index
    %swap3A_25 = arith.constant 0 : index
    %swap3A_26 = vector.load %arg7[%swap3A, %swap3A_25] : memref<1000x128xf32, #tpu.memory_space<vmem>>, vector<1000x128xf32>
    tpu.vector_store %arg7[%swap3A, %swap3A_25], %add3A_24 {strides = array<i32>} : memref<1000x128xf32, #tpu.memory_space<vmem>>, vector<1000x128xf32>,
    %get3A_27 = arith.constant 0 : index
    %get3A_28 = arith.constant 0 : index
    %get3A_29 = vector.load %arg5[%get3A_27, %get3A_28] : memref<128x128xf32, #tpu.memory_space<vmem>>, vector<128x128xf32>
    %dot_general3A_30 = arith.constant dense<0.000000e+00> : vector<1000x128xf32>
    %dot_general3A_31 = tpu.matmul %add3A_24, %get3A_29, %dot_general3A_30 {dimension_numbers = #tpu.dot_dimension_numbers<[1], [0], [0], [1], [0, 0, 1, 1], [], []>, transpose_lhs_hint = false} : vector<1000x128xf32>, vector<128x128xf32>, vector<1000x128xf32> -> vector<1000x128xf32>
    %swap3A_32 = arith.constant 0 : index
    %swap3A_33 = arith.constant 0 : index
    %swap3A_34 = vector.load %arg8[%swap3A_32, %swap3A_33] : memref<1000x128xf32, #tpu.memory_space<vmem>>, vector<1000x128xf32>
    tpu.vector_store %arg8[%swap3A_32, %swap3A_33], %dot_general3A_31 {strides = array<i32>} : memref<1000x128xf32, #tpu.memory_space<vmem>>, vector<1000x128xf32>,
    return
  }
  func.func @transform_0(%arg0: i32) -> (i32, i32) {
    %c0_i32 = arith.constant 0 : i32
    %c0_i32_0 = arith.constant 0 : i32
    return %arg0, %c0_i32 : i32, i32
  }
  func.func @transform_1(%arg0: i32) -> (i32, i32, i32) {
    %c0_i32 = arith.constant 0 : i32
    %c0_i32_0 = arith.constant 0 : i32
    %c0_i32_1 = arith.constant 0 : i32
    return %c0_i32, %arg0, %c0_i32_0 : i32, i32, i32
  }
  func.func @transform_2(%arg0: i32) -> (i32, i32, i32) {
    %c1_i32 = arith.constant 1 : i32
    %c0_i32 = arith.constant 0 : i32
    %c0_i32_0 = arith.constant 0 : i32
    return %c1_i32, %arg0, %c0_i32 : i32, i32, i32
  }
  func.func @transform_3(%arg0: i32) -> (i32, i32) {
    %c0_i32 = arith.constant 0 : i32
    %c0_i32_0 = arith.constant 0 : i32
    %c0_i32_1 = arith.constant 0 : i32
    return %c0_i32, %c0_i32_0 : i32, i32
  }
  func.func @transform_4(%arg0: i32) -> (i32, i32) {
    %c0_i32 = arith.constant 0 : i32
    %c0_i32_0 = arith.constant 0 : i32
    %c0_i32_1 = arith.constant 0 : i32
    return %c0_i32, %c0_i32_0 : i32, i32
  }
  func.func @transform_5(%arg0: i32) -> (i32, i32) {
    %c0_i32 = arith.constant 0 : i32
    %c0_i32_0 = arith.constant 0 : i32
    %c0_i32_1 = arith.constant 0 : i32
    return %c0_i32, %c0_i32_0 : i32, i32
  }
  func.func @transform_6(%arg0: i32) -> (i32, i32) {
    %c0_i32 = arith.constant 0 : i32
    %c0_i32_0 = arith.constant 0 : i32
    return %arg0, %c0_i32 : i32, i32
  }
  func.func @transform_7(%arg0: i32) -> (i32, i32) {
    %c0_i32 = arith.constant 0 : i32
    %c0_i32_0 = arith.constant 0 : i32
    return %arg0, %c0_i32 : i32, i32
  }
}

module attributes {stable_mosaic.version = 14 : i64} {
  func.func @_prep2_body(%arg0: i32, %arg1: memref<1000x128xf32, #tpu.memory_space<vmem>>, %arg2: memref<1000x128xf32, #tpu.memory_space<vmem>>, %arg3: memref<1000x32xi32, #tpu.memory_space<vmem>>, %arg4: memref<128x128xf32, #tpu.memory_space<vmem>>, %arg5: memref<32x128xf32, #tpu.memory_space<vmem>>, %arg6: memref<1000x128xf32, #tpu.memory_space<vmem>>, %arg7: memref<1000x128xf32, #tpu.memory_space<vmem>>, %arg8: memref<32x128xf32, #tpu.memory_space<vmem>>, %arg9: memref<32x1xf32, #tpu.memory_space<vmem>>, %arg10: memref<32x128xf32, #tpu.memory_space<vmem>>, %arg11: memref<32x1xf32, #tpu.memory_space<vmem>>) attributes {dimension_semantics = [#tpu.dimension_semantics<arbitrary>], iteration_bounds = array<i64: 10>, scalar_prefetch = 0 : i64, scratch_operands = 2 : i64, tpu.core_type = #tpu.core_type<tc>, window_params = [{transform_indices = @transform_0, window_bounds = array<i64: 1000, 128>}, {transform_indices = @transform_1, window_bounds = array<i64: 1000, 128>}, {transform_indices = @transform_2, window_bounds = array<i64: 1000, 32>}, {pipeline_mode = #tpu.pipeline_mode<synchronous>, transform_indices = @transform_3, window_bounds = array<i64: 128, 128>}, {pipeline_mode = #tpu.pipeline_mode<synchronous>, transform_indices = @transform_4, window_bounds = array<i64: 32, 128>}, {transform_indices = @transform_5, window_bounds = array<i64: 1000, 128>}, {transform_indices = @transform_6, window_bounds = array<i64: 1000, 128>}, {pipeline_mode = #tpu.pipeline_mode<synchronous>, transform_indices = @transform_7, window_bounds = array<i64: 32, 128>}, {pipeline_mode = #tpu.pipeline_mode<synchronous>, transform_indices = @transform_8, window_bounds = array<i64: 32, 1>}]} {
    %get3A = arith.constant 0 : index
    %get3A_0 = arith.constant 0 : index
    %get3A_1 = vector.load %arg1[%get3A, %get3A_0] : memref<1000x128xf32, #tpu.memory_space<vmem>>, vector<1000x128xf32>
    %get3A_2 = arith.constant 0 : index
    %get3A_3 = arith.constant 0 : index
    %get3A_4 = vector.load %arg3[%get3A_2, %get3A_3] : memref<1000x32xi32, #tpu.memory_space<vmem>>, vector<1000x32xi32>
    %slice3A = vector.extract_strided_slice %get3A_4 {offsets = [0, 0], sizes = [1000, 1], strides = [1, 1]} : vector<1000x32xi32> to vector<1000x1xi32>
    %iota3A = tpu.iota {dimensions = array<i32: 1>} : vector<1000x32xi32>
    %eq3A = vector.broadcast %slice3A : vector<1000x1xi32> to vector<1000x32xi32>
    %eq3A_5 = arith.cmpi eq, %eq3A, %iota3A : vector<1000x32xi32>
    %convert_element_type3A = arith.extui %eq3A_5 : vector<1000x32xi1> to vector<1000x32xi32>
    %convert_element_type3A_6 = arith.sitofp %convert_element_type3A : vector<1000x32xi32> to vector<1000x32xf32>
    %get3A_7 = arith.constant 0 : index
    %get3A_8 = arith.constant 0 : index
    %get3A_9 = vector.load %arg2[%get3A_7, %get3A_8] : memref<1000x128xf32, #tpu.memory_space<vmem>>, vector<1000x128xf32>
    %get3A_10 = arith.constant 0 : index
    %get3A_11 = arith.constant 0 : index
    %get3A_12 = vector.load %arg5[%get3A_10, %get3A_11] : memref<32x128xf32, #tpu.memory_space<vmem>>, vector<32x128xf32>
    %dot_general3A = arith.constant dense<0.000000e+00> : vector<1000x128xf32>
    %dot_general3A_13 = tpu.matmul %convert_element_type3A_6, %get3A_12, %dot_general3A {dimension_numbers = #tpu.dot_dimension_numbers<[1], [0], [0], [1], [0, 0, 1, 1], [], []>, precision = #tpu.contract_precision<fp32>, transpose_lhs_hint = false} : vector<1000x32xf32>, vector<32x128xf32>, vector<1000x128xf32> -> vector<1000x128xf32>
    %add3A = arith.addf %get3A_9, %dot_general3A_13 : vector<1000x128xf32>
    %swap3A = arith.constant 0 : index
    %swap3A_14 = arith.constant 0 : index
    %swap3A_15 = vector.load %arg6[%swap3A, %swap3A_14] : memref<1000x128xf32, #tpu.memory_space<vmem>>, vector<1000x128xf32>
    tpu.vector_store %arg6[%swap3A, %swap3A_14], %add3A {strides = array<i32>} : memref<1000x128xf32, #tpu.memory_space<vmem>>, vector<1000x128xf32>,
    %get3A_16 = arith.constant 0 : index
    %get3A_17 = arith.constant 0 : index
    %get3A_18 = vector.load %arg4[%get3A_16, %get3A_17] : memref<128x128xf32, #tpu.memory_space<vmem>>, vector<128x128xf32>
    %dot_general3A_19 = arith.constant dense<0.000000e+00> : vector<1000x128xf32>
    %dot_general3A_20 = tpu.matmul %get3A_1, %get3A_18, %dot_general3A_19 {dimension_numbers = #tpu.dot_dimension_numbers<[1], [0], [0], [1], [0, 0, 1, 1], [], []>, transpose_lhs_hint = false} : vector<1000x128xf32>, vector<128x128xf32>, vector<1000x128xf32> -> vector<1000x128xf32>
    %swap3A_21 = arith.constant 0 : index
    %swap3A_22 = arith.constant 0 : index
    %swap3A_23 = vector.load %arg7[%swap3A_21, %swap3A_22] : memref<1000x128xf32, #tpu.memory_space<vmem>>, vector<1000x128xf32>
    tpu.vector_store %arg7[%swap3A_21, %swap3A_22], %dot_general3A_20 {strides = array<i32>} : memref<1000x128xf32, #tpu.memory_space<vmem>>, vector<1000x128xf32>,
    %eq3A_24 = arith.constant 0 : i32
    %eq3A_25 = arith.cmpi eq, %arg0, %eq3A_24 : i32
    %convert_element_type3A_26 = arith.extui %eq3A_25 : i1 to i32
    %cond3A = arith.constant 0 : i32
    %cond3A_27 = arith.cmpi ne, %convert_element_type3A_26, %cond3A : i32
    scf.if %cond3A_27 {
      %broadcast_in_dim3A = arith.constant 0.000000e+00 : f32
      %broadcast_in_dim3A_57 = vector.broadcast %broadcast_in_dim3A : f32 to vector<32x128xf32>
      %swap3A_58 = arith.constant 0 : index
      %swap3A_59 = arith.constant 0 : index
      %swap3A_60 = vector.load %arg10[%swap3A_58, %swap3A_59] : memref<32x128xf32, #tpu.memory_space<vmem>>, vector<32x128xf32>
      tpu.vector_store %arg10[%swap3A_58, %swap3A_59], %broadcast_in_dim3A_57 {strides = array<i32>} : memref<32x128xf32, #tpu.memory_space<vmem>>, vector<32x128xf32>,
      %broadcast_in_dim3A_61 = arith.constant 0.000000e+00 : f32
      %broadcast_in_dim3A_62 = vector.broadcast %broadcast_in_dim3A_61 : f32 to vector<32x1xf32>
      %swap3A_63 = arith.constant 0 : index
      %swap3A_64 = arith.constant 0 : index
      %swap3A_65 = vector.load %arg11[%swap3A_63, %swap3A_64] : memref<32x1xf32, #tpu.memory_space<vmem>>, vector<32x1xf32>
      tpu.vector_store %arg11[%swap3A_63, %swap3A_64], %broadcast_in_dim3A_62 {strides = array<i32>} : memref<32x1xf32, #tpu.memory_space<vmem>>, vector<32x1xf32>,
    } else {
    }
    %get3A_28 = arith.constant 0 : index
    %get3A_29 = arith.constant 0 : index
    %get3A_30 = vector.load %arg10[%get3A_28, %get3A_29] : memref<32x128xf32, #tpu.memory_space<vmem>>, vector<32x128xf32>
    %dot_general3A_31 = arith.constant dense<0.000000e+00> : vector<32x128xf32>
    %dot_general3A_32 = tpu.matmul %convert_element_type3A_6, %get3A_1, %dot_general3A_31 {dimension_numbers = #tpu.dot_dimension_numbers<[0], [0], [1], [1], [0, 1, 1, 1], [], []>, precision = #tpu.contract_precision<fp32>, transpose_lhs_hint = false} : vector<1000x32xf32>, vector<1000x128xf32>, vector<32x128xf32> -> vector<32x128xf32>
    %add3A_33 = arith.addf %get3A_30, %dot_general3A_32 : vector<32x128xf32>
    %swap3A_34 = arith.constant 0 : index
    %swap3A_35 = arith.constant 0 : index
    %swap3A_36 = vector.load %arg10[%swap3A_34, %swap3A_35] : memref<32x128xf32, #tpu.memory_space<vmem>>, vector<32x128xf32>
    tpu.vector_store %arg10[%swap3A_34, %swap3A_35], %add3A_33 {strides = array<i32>} : memref<32x128xf32, #tpu.memory_space<vmem>>, vector<32x128xf32>,
    %get3A_37 = arith.constant 0 : index
    %get3A_38 = arith.constant 0 : index
    %get3A_39 = vector.load %arg11[%get3A_37, %get3A_38] : memref<32x1xf32, #tpu.memory_space<vmem>>, vector<32x1xf32>
    %reduce_sum3A = arith.constant dense<0.000000e+00> : vector<32xf32>
    %reduce_sum3A_40 = vector.multi_reduction <add>, %convert_element_type3A_6, %reduce_sum3A [0] : vector<1000x32xf32> to vector<32xf32>
    %reshape3A = vector.shape_cast %reduce_sum3A_40 : vector<32xf32> to vector<32x1xf32>
    %add3A_41 = arith.addf %get3A_39, %reshape3A : vector<32x1xf32>
    %swap3A_42 = arith.constant 0 : index
    %swap3A_43 = arith.constant 0 : index
    %swap3A_44 = vector.load %arg11[%swap3A_42, %swap3A_43] : memref<32x1xf32, #tpu.memory_space<vmem>>, vector<32x1xf32>
    tpu.vector_store %arg11[%swap3A_42, %swap3A_43], %add3A_41 {strides = array<i32>} : memref<32x1xf32, #tpu.memory_space<vmem>>, vector<32x1xf32>,
    %get3A_45 = arith.constant 0 : index
    %get3A_46 = arith.constant 0 : index
    %get3A_47 = vector.load %arg10[%get3A_45, %get3A_46] : memref<32x128xf32, #tpu.memory_space<vmem>>, vector<32x128xf32>
    %swap3A_48 = arith.constant 0 : index
    %swap3A_49 = arith.constant 0 : index
    %swap3A_50 = vector.load %arg8[%swap3A_48, %swap3A_49] : memref<32x128xf32, #tpu.memory_space<vmem>>, vector<32x128xf32>
    tpu.vector_store %arg8[%swap3A_48, %swap3A_49], %get3A_47 {strides = array<i32>} : memref<32x128xf32, #tpu.memory_space<vmem>>, vector<32x128xf32>,
    %get3A_51 = arith.constant 0 : index
    %get3A_52 = arith.constant 0 : index
    %get3A_53 = vector.load %arg11[%get3A_51, %get3A_52] : memref<32x1xf32, #tpu.memory_space<vmem>>, vector<32x1xf32>
    %swap3A_54 = arith.constant 0 : index
    %swap3A_55 = arith.constant 0 : index
    %swap3A_56 = vector.load %arg9[%swap3A_54, %swap3A_55] : memref<32x1xf32, #tpu.memory_space<vmem>>, vector<32x1xf32>
    tpu.vector_store %arg9[%swap3A_54, %swap3A_55], %get3A_53 {strides = array<i32>} : memref<32x1xf32, #tpu.memory_space<vmem>>, vector<32x1xf32>,
    return
  }
  func.func @transform_0(%arg0: i32) -> (i32, i32) {
    %c0_i32 = arith.constant 0 : i32
    %c0_i32_0 = arith.constant 0 : i32
    return %arg0, %c0_i32 : i32, i32
  }
  func.func @transform_1(%arg0: i32) -> (i32, i32) {
    %c0_i32 = arith.constant 0 : i32
    %c0_i32_0 = arith.constant 0 : i32
    return %arg0, %c0_i32 : i32, i32
  }
  func.func @transform_2(%arg0: i32) -> (i32, i32) {
    %c0_i32 = arith.constant 0 : i32
    %c0_i32_0 = arith.constant 0 : i32
    return %arg0, %c0_i32 : i32, i32
  }
  func.func @transform_3(%arg0: i32) -> (i32, i32) {
    %c0_i32 = arith.constant 0 : i32
    %c0_i32_0 = arith.constant 0 : i32
    %c0_i32_1 = arith.constant 0 : i32
    return %c0_i32, %c0_i32_0 : i32, i32
  }
  func.func @transform_4(%arg0: i32) -> (i32, i32) {
    %c0_i32 = arith.constant 0 : i32
    %c0_i32_0 = arith.constant 0 : i32
    %c0_i32_1 = arith.constant 0 : i32
    return %c0_i32, %c0_i32_0 : i32, i32
  }
  func.func @transform_5(%arg0: i32) -> (i32, i32) {
    %c0_i32 = arith.constant 0 : i32
    %c0_i32_0 = arith.constant 0 : i32
    return %arg0, %c0_i32 : i32, i32
  }
  func.func @transform_6(%arg0: i32) -> (i32, i32) {
    %c0_i32 = arith.constant 0 : i32
    %c0_i32_0 = arith.constant 0 : i32
    return %arg0, %c0_i32 : i32, i32
  }
  func.func @transform_7(%arg0: i32) -> (i32, i32) {
    %c0_i32 = arith.constant 0 : i32
    %c0_i32_0 = arith.constant 0 : i32
    %c0_i32_1 = arith.constant 0 : i32
    return %c0_i32, %c0_i32_0 : i32, i32
  }
  func.func @transform_8(%arg0: i32) -> (i32, i32) {
    %c0_i32 = arith.constant 0 : i32
    %c0_i32_0 = arith.constant 0 : i32
    %c0_i32_1 = arith.constant 0 : i32
    return %c0_i32, %c0_i32_0 : i32, i32
  }
}

module attributes {stable_mosaic.version = 14 : i64} {
  func.func @_tail_body(%arg0: memref<32x128xf32, #tpu.memory_space<vmem>>, %arg1: memref<32x128xf32, #tpu.memory_space<vmem>>, %arg2: memref<32x128xf32, #tpu.memory_space<vmem>>, %arg3: memref<128x128xf32, #tpu.memory_space<vmem>>, %arg4: memref<128x128xf32, #tpu.memory_space<vmem>>, %arg5: memref<1x128xf32, #tpu.memory_space<vmem>>, %arg6: memref<128x128xf32, #tpu.memory_space<vmem>>, %arg7: memref<32x128xf32, #tpu.memory_space<vmem>>) attributes {dimension_semantics = [], scalar_prefetch = 0 : i64, scratch_operands = 0 : i64, tpu.core_type = #tpu.core_type<tc>} {
    %get3A = arith.constant 0 : index
    %get3A_0 = arith.constant 0 : index
    %get3A_1 = vector.load %arg0[%get3A, %get3A_0] : memref<32x128xf32, #tpu.memory_space<vmem>>, vector<32x128xf32>
    %get3A_2 = arith.constant 0 : index
    %get3A_3 = arith.constant 0 : index
    %get3A_4 = vector.load %arg1[%get3A_2, %get3A_3] : memref<32x128xf32, #tpu.memory_space<vmem>>, vector<32x128xf32>
    %max3A = arith.constant 1.000000e+00 : f32
    %max3A_5 = vector.broadcast %max3A : f32 to vector<32x128xf32>
    %max3A_6 = arith.maximumf %get3A_4, %max3A_5 : vector<32x128xf32>
    %div3A = arith.divf %get3A_1, %max3A_6 : vector<32x128xf32>
    %get3A_7 = arith.constant 0 : index
    %get3A_8 = arith.constant 0 : index
    %get3A_9 = vector.load %arg3[%get3A_7, %get3A_8] : memref<128x128xf32, #tpu.memory_space<vmem>>, vector<128x128xf32>
    %dot_general3A = arith.constant dense<0.000000e+00> : vector<32x128xf32>
    %dot_general3A_10 = tpu.matmul %div3A, %get3A_9, %dot_general3A {dimension_numbers = #tpu.dot_dimension_numbers<[1], [0], [0], [1], [0, 0, 1, 1], [], []>, transpose_lhs_hint = false} : vector<32x128xf32>, vector<128x128xf32>, vector<32x128xf32> -> vector<32x128xf32>
    %get3A_11 = arith.constant 0 : index
    %get3A_12 = arith.constant 0 : index
    %get3A_13 = vector.load %arg2[%get3A_11, %get3A_12] : memref<32x128xf32, #tpu.memory_space<vmem>>, vector<32x128xf32>
    %get3A_14 = arith.constant 0 : index
    %get3A_15 = arith.constant 0 : index
    %get3A_16 = vector.load %arg4[%get3A_14, %get3A_15] : memref<128x128xf32, #tpu.memory_space<vmem>>, vector<128x128xf32>
    %dot_general3A_17 = arith.constant dense<0.000000e+00> : vector<32x128xf32>
    %dot_general3A_18 = tpu.matmul %get3A_13, %get3A_16, %dot_general3A_17 {dimension_numbers = #tpu.dot_dimension_numbers<[1], [0], [0], [1], [0, 0, 1, 1], [], []>, transpose_lhs_hint = false} : vector<32x128xf32>, vector<128x128xf32>, vector<32x128xf32> -> vector<32x128xf32>
    %add3A = arith.addf %dot_general3A_10, %dot_general3A_18 : vector<32x128xf32>
    %get3A_19 = arith.constant 0 : index
    %get3A_20 = arith.constant 0 : index
    %get3A_21 = vector.load %arg5[%get3A_19, %get3A_20] : memref<1x128xf32, #tpu.memory_space<vmem>>, vector<1x128xf32>
    %add3A_22 = vector.broadcast %get3A_21 : vector<1x128xf32> to vector<32x128xf32>
    %add3A_23 = arith.addf %add3A, %add3A_22 : vector<32x128xf32>
    %max3A_24 = arith.constant 0.000000e+00 : f32
    %max3A_25 = vector.broadcast %max3A_24 : f32 to vector<32x128xf32>
    %max3A_26 = arith.maximumf %add3A_23, %max3A_25 : vector<32x128xf32>
    %get3A_27 = arith.constant 0 : index
    %get3A_28 = arith.constant 0 : index
    %get3A_29 = vector.load %arg6[%get3A_27, %get3A_28] : memref<128x128xf32, #tpu.memory_space<vmem>>, vector<128x128xf32>
    %dot_general3A_30 = arith.constant dense<0.000000e+00> : vector<32x128xf32>
    %dot_general3A_31 = tpu.matmul %max3A_26, %get3A_29, %dot_general3A_30 {dimension_numbers = #tpu.dot_dimension_numbers<[1], [0], [0], [1], [0, 0, 1, 1], [], []>, transpose_lhs_hint = false} : vector<32x128xf32>, vector<128x128xf32>, vector<32x128xf32> -> vector<32x128xf32>
    %slice3A = vector.extract_strided_slice %dot_general3A_31 {offsets = [0, 0], sizes = [32, 1], strides = [1, 1]} : vector<32x128xf32> to vector<32x1xf32>
    %broadcast_in_dim3A = vector.shape_cast %slice3A : vector<32x1xf32> to vector<32x1xf32>
    %broadcast_in_dim3A_32 = vector.broadcast %broadcast_in_dim3A : vector<32x1xf32> to vector<32x128xf32>
    %swap3A = arith.constant 0 : index
    %swap3A_33 = arith.constant 0 : index
    %swap3A_34 = vector.load %arg7[%swap3A, %swap3A_33] : memref<32x128xf32, #tpu.memory_space<vmem>>, vector<32x128xf32>
    tpu.vector_store %arg7[%swap3A, %swap3A_33], %broadcast_in_dim3A_32 {strides = array<i32>} : memref<32x128xf32, #tpu.memory_space<vmem>>, vector<32x128xf32>,
    return
  }
}

module attributes {stable_mosaic.version = 14 : i64} {
  func.func @_passa_body(%arg0: i32, %arg1: memref<512x128xf32, #tpu.memory_space<vmem>>, %arg2: memref<1x1x512xi32, #tpu.memory_space<vmem>>, %arg3: memref<128x8xf32, #tpu.memory_space<vmem>>, %arg4: memref<1x8xf32, #tpu.memory_space<vmem>>, %arg5: memref<512x8xf32, #tpu.memory_space<vmem>>, %arg6: memref<1x1x512xi32, #tpu.memory_space<vmem>>, %arg7: memref<1x1x32xi32, #tpu.memory_space<vmem>>, %arg8: memref<1x32xf32, #tpu.memory_space<vmem>>, %arg9: memref<1x32xi32, #tpu.memory_space<vmem>>, %arg10: memref<1x32xi32, #tpu.memory_space<vmem>>, %arg11: memref<1x32xf32, #tpu.memory_space<vmem>>) attributes {dimension_semantics = [#tpu.dimension_semantics<arbitrary>], iteration_bounds = array<i64: 625>, scalar_prefetch = 0 : i64, scratch_operands = 2 : i64, tpu.core_type = #tpu.core_type<tc>, window_params = [{transform_indices = @transform_0, window_bounds = array<i64: 512, 128>}, {transform_indices = @transform_1, window_bounds = array<i64: 1, 1, 512>}, {pipeline_mode = #tpu.pipeline_mode<synchronous>, transform_indices = @transform_2, window_bounds = array<i64: 128, 8>}, {pipeline_mode = #tpu.pipeline_mode<synchronous>, transform_indices = @transform_3, window_bounds = array<i64: 1, 8>}, {transform_indices = @transform_4, window_bounds = array<i64: 512, 8>}, {transform_indices = @transform_5, window_bounds = array<i64: 1, 1, 512>}, {transform_indices = @transform_6, window_bounds = array<i64: 1, 1, 32>}, {pipeline_mode = #tpu.pipeline_mode<synchronous>, transform_indices = @transform_7, window_bounds = array<i64: 1, 32>}, {pipeline_mode = #tpu.pipeline_mode<synchronous>, transform_indices = @transform_8, window_bounds = array<i64: 1, 32>}]} {
    %eq3A = arith.constant 0 : i32
    %eq3A_0 = arith.cmpi eq, %arg0, %eq3A : i32
    %convert_element_type3A = arith.extui %eq3A_0 : i1 to i32
    %cond3A = arith.constant 0 : i32
    %cond3A_1 = arith.cmpi ne, %convert_element_type3A, %cond3A : i32
    scf.if %cond3A_1 {
      %broadcast_in_dim3A_128 = arith.constant 0 : i32
      %broadcast_in_dim3A_129 = vector.broadcast %broadcast_in_dim3A_128 : i32 to vector<1x32xi32>
      %swap3A_130 = arith.constant 0 : index
      %swap3A_131 = arith.constant 0 : index
      %swap3A_132 = vector.load %arg10[%swap3A_130, %swap3A_131] : memref<1x32xi32, #tpu.memory_space<vmem>>, vector<1x32xi32>
      tpu.vector_store %arg10[%swap3A_130, %swap3A_131], %broadcast_in_dim3A_129 {strides = array<i32>} : memref<1x32xi32, #tpu.memory_space<vmem>>, vector<1x32xi32>,
      %broadcast_in_dim3A_133 = arith.constant 0xFF800000 : f32
      %broadcast_in_dim3A_134 = vector.broadcast %broadcast_in_dim3A_133 : f32 to vector<1x32xf32>
      %swap3A_135 = arith.constant 0 : index
      %swap3A_136 = arith.constant 0 : index
      %swap3A_137 = vector.load %arg11[%swap3A_135, %swap3A_136] : memref<1x32xf32, #tpu.memory_space<vmem>>, vector<1x32xf32>
      tpu.vector_store %arg11[%swap3A_135, %swap3A_136], %broadcast_in_dim3A_134 {strides = array<i32>} : memref<1x32xf32, #tpu.memory_space<vmem>>, vector<1x32xf32>,
    } else {
    }
    %get3A = arith.constant 0 : index
    %get3A_2 = arith.constant 0 : index
    %get3A_3 = vector.load %arg1[%get3A, %get3A_2] : memref<512x128xf32, #tpu.memory_space<vmem>>, vector<512x128xf32>
    %max3A = arith.constant 0.000000e+00 : f32
    %max3A_4 = vector.broadcast %max3A : f32 to vector<512x128xf32>
    %max3A_5 = arith.maximumf %get3A_3, %max3A_4 : vector<512x128xf32>
    %get3A_6 = arith.constant 0 : index
    %get3A_7 = arith.constant 0 : index
    %get3A_8 = vector.load %arg3[%get3A_6, %get3A_7] : memref<128x8xf32, #tpu.memory_space<vmem>>, vector<128x8xf32>
    %dot_general3A = arith.constant dense<0.000000e+00> : vector<512x8xf32>
    %dot_general3A_9 = tpu.matmul %max3A_5, %get3A_8, %dot_general3A {dimension_numbers = #tpu.dot_dimension_numbers<[1], [0], [0], [1], [0, 0, 1, 1], [], []>, transpose_lhs_hint = false} : vector<512x128xf32>, vector<128x8xf32>, vector<512x8xf32> -> vector<512x8xf32>
    %get3A_10 = arith.constant 0 : index
    %get3A_11 = arith.constant 0 : index
    %get3A_12 = vector.load %arg4[%get3A_10, %get3A_11] : memref<1x8xf32, #tpu.memory_space<vmem>>, vector<1x8xf32>
    %add3A = vector.broadcast %get3A_12 : vector<1x8xf32> to vector<512x8xf32>
    %add3A_13 = arith.addf %dot_general3A_9, %add3A : vector<512x8xf32>
    %swap3A = arith.constant 0 : index
    %swap3A_14 = arith.constant 0 : index
    %swap3A_15 = vector.load %arg5[%swap3A, %swap3A_14] : memref<512x8xf32, #tpu.memory_space<vmem>>, vector<512x8xf32>
    tpu.vector_store %arg5[%swap3A, %swap3A_14], %add3A_13 {strides = array<i32>} : memref<512x8xf32, #tpu.memory_space<vmem>>, vector<512x8xf32>,
    %get3A_16 = arith.constant 0 : index
    %get3A_17 = arith.constant 0 : index
    %get3A_18 = arith.constant 0 : index
    %get3A_19 = vector.load %arg2[%get3A_16, %get3A_17, %get3A_18] : memref<1x1x512xi32, #tpu.memory_space<vmem>>, vector<1x1x512xi32>
    %get3A_20 = vector.shape_cast %get3A_19 : vector<1x1x512xi32> to vector<512xi32>
    %broadcast_in_dim3A = vector.shape_cast %get3A_20 : vector<512xi32> to vector<512x1xi32>
    %iota3A = tpu.iota {dimensions = array<i32: 1>} : vector<512x32xi32>
    %eq3A_21 = vector.broadcast %broadcast_in_dim3A : vector<512x1xi32> to vector<512x32xi32>
    %eq3A_22 = arith.cmpi eq, %eq3A_21, %iota3A : vector<512x32xi32>
    %convert_element_type3A_23 = arith.extui %eq3A_22 : vector<512x32xi1> to vector<512x32xi32>
    %get3A_24 = arith.constant 0 : index
    %get3A_25 = arith.constant 0 : index
    %get3A_26 = vector.load %arg10[%get3A_24, %get3A_25] : memref<1x32xi32, #tpu.memory_space<vmem>>, vector<1x32xi32>
    %swap3A_27 = arith.constant 0 : index
    %swap3A_28 = arith.constant 0 : index
    %swap3A_29 = arith.constant 0 : index
    %swap3A_30 = vector.load %arg7[%swap3A_27, %swap3A_28, %swap3A_29] : memref<1x1x32xi32, #tpu.memory_space<vmem>>, vector<1x1x32xi32>
    %swap3A_31 = vector.shape_cast %swap3A_30 : vector<1x1x32xi32> to vector<1x32xi32>
    %swap3A_32 = vector.shape_cast %get3A_26 : vector<1x32xi32> to vector<1x1x32xi32>
    tpu.vector_store %arg7[%swap3A_27, %swap3A_28, %swap3A_29], %swap3A_32 {strides = array<i32>} : memref<1x1x32xi32, #tpu.memory_space<vmem>>, vector<1x1x32xi32>,
    %broadcast_in_dim3A_33 = arith.constant 0 : i32
    %broadcast_in_dim3A_34 = vector.broadcast %broadcast_in_dim3A_33 : i32 to vector<1x32xi32>
    %slice3A = vector.extract_strided_slice %convert_element_type3A_23 {offsets = [0, 0], sizes = [511, 32], strides = [1, 1]} : vector<512x32xi32> to vector<511x32xi32>
    %concatenate3A = tpu.concatenate %broadcast_in_dim3A_34, %slice3A in 0 : vector<1x32xi32>, vector<511x32xi32> -> vector<512x32xi32>
    %add3A_35 = arith.addi %convert_element_type3A_23, %concatenate3A : vector<512x32xi32>
    %broadcast_in_dim3A_36 = arith.constant 0 : i32
    %broadcast_in_dim3A_37 = vector.broadcast %broadcast_in_dim3A_36 : i32 to vector<2x32xi32>
    %slice3A_38 = vector.extract_strided_slice %add3A_35 {offsets = [0, 0], sizes = [510, 32], strides = [1, 1]} : vector<512x32xi32> to vector<510x32xi32>
    %concatenate3A_39 = tpu.concatenate %broadcast_in_dim3A_37, %slice3A_38 in 0 : vector<2x32xi32>, vector<510x32xi32> -> vector<512x32xi32>
    %add3A_40 = arith.addi %add3A_35, %concatenate3A_39 : vector<512x32xi32>
    %broadcast_in_dim3A_41 = arith.constant 0 : i32
    %broadcast_in_dim3A_42 = vector.broadcast %broadcast_in_dim3A_41 : i32 to vector<4x32xi32>
    %slice3A_43 = vector.extract_strided_slice %add3A_40 {offsets = [0, 0], sizes = [508, 32], strides = [1, 1]} : vector<512x32xi32> to vector<508x32xi32>
    %concatenate3A_44 = tpu.concatenate %broadcast_in_dim3A_42, %slice3A_43 in 0 : vector<4x32xi32>, vector<508x32xi32> -> vector<512x32xi32>
    %add3A_45 = arith.addi %add3A_40, %concatenate3A_44 : vector<512x32xi32>
    %broadcast_in_dim3A_46 = arith.constant 0 : i32
    %broadcast_in_dim3A_47 = vector.broadcast %broadcast_in_dim3A_46 : i32 to vector<8x32xi32>
    %slice3A_48 = vector.extract_strided_slice %add3A_45 {offsets = [0, 0], sizes = [504, 32], strides = [1, 1]} : vector<512x32xi32> to vector<504x32xi32>
    %concatenate3A_49 = tpu.concatenate %broadcast_in_dim3A_47, %slice3A_48 in 0 : vector<8x32xi32>, vector<504x32xi32> -> vector<512x32xi32>
    %add3A_50 = arith.addi %add3A_45, %concatenate3A_49 : vector<512x32xi32>
    %broadcast_in_dim3A_51 = arith.constant 0 : i32
    %broadcast_in_dim3A_52 = vector.broadcast %broadcast_in_dim3A_51 : i32 to vector<16x32xi32>
    %slice3A_53 = vector.extract_strided_slice %add3A_50 {offsets = [0, 0], sizes = [496, 32], strides = [1, 1]} : vector<512x32xi32> to vector<496x32xi32>
    %concatenate3A_54 = tpu.concatenate %broadcast_in_dim3A_52, %slice3A_53 in 0 : vector<16x32xi32>, vector<496x32xi32> -> vector<512x32xi32>
    %add3A_55 = arith.addi %add3A_50, %concatenate3A_54 : vector<512x32xi32>
    %broadcast_in_dim3A_56 = arith.constant 0 : i32
    %broadcast_in_dim3A_57 = vector.broadcast %broadcast_in_dim3A_56 : i32 to vector<32x32xi32>
    %slice3A_58 = vector.extract_strided_slice %add3A_55 {offsets = [0, 0], sizes = [480, 32], strides = [1, 1]} : vector<512x32xi32> to vector<480x32xi32>
    %concatenate3A_59 = tpu.concatenate %broadcast_in_dim3A_57, %slice3A_58 in 0 : vector<32x32xi32>, vector<480x32xi32> -> vector<512x32xi32>
    %add3A_60 = arith.addi %add3A_55, %concatenate3A_59 : vector<512x32xi32>
    %broadcast_in_dim3A_61 = arith.constant 0 : i32
    %broadcast_in_dim3A_62 = vector.broadcast %broadcast_in_dim3A_61 : i32 to vector<64x32xi32>
    %slice3A_63 = vector.extract_strided_slice %add3A_60 {offsets = [0, 0], sizes = [448, 32], strides = [1, 1]} : vector<512x32xi32> to vector<448x32xi32>
    %concatenate3A_64 = tpu.concatenate %broadcast_in_dim3A_62, %slice3A_63 in 0 : vector<64x32xi32>, vector<448x32xi32> -> vector<512x32xi32>
    %add3A_65 = arith.addi %add3A_60, %concatenate3A_64 : vector<512x32xi32>
    %broadcast_in_dim3A_66 = arith.constant 0 : i32
    %broadcast_in_dim3A_67 = vector.broadcast %broadcast_in_dim3A_66 : i32 to vector<128x32xi32>
    %slice3A_68 = vector.extract_strided_slice %add3A_65 {offsets = [0, 0], sizes = [384, 32], strides = [1, 1]} : vector<512x32xi32> to vector<384x32xi32>
    %concatenate3A_69 = tpu.concatenate %broadcast_in_dim3A_67, %slice3A_68 in 0 : vector<128x32xi32>, vector<384x32xi32> -> vector<512x32xi32>
    %add3A_70 = arith.addi %add3A_65, %concatenate3A_69 : vector<512x32xi32>
    %broadcast_in_dim3A_71 = arith.constant 0 : i32
    %broadcast_in_dim3A_72 = vector.broadcast %broadcast_in_dim3A_71 : i32 to vector<256x32xi32>
    %slice3A_73 = vector.extract_strided_slice %add3A_70 {offsets = [0, 0], sizes = [256, 32], strides = [1, 1]} : vector<512x32xi32> to vector<256x32xi32>
    %concatenate3A_74 = tpu.concatenate %broadcast_in_dim3A_72, %slice3A_73 in 0 : vector<256x32xi32>, vector<256x32xi32> -> vector<512x32xi32>
    %add3A_75 = arith.addi %add3A_70, %concatenate3A_74 : vector<512x32xi32>
    %sub3A = arith.subi %add3A_75, %convert_element_type3A_23 : vector<512x32xi32>
    %mul3A = arith.muli %sub3A, %convert_element_type3A_23 : vector<512x32xi32>
    %reduce_sum3A = arith.constant dense<0> : vector<512xi32>
    %reduce_sum3A_76 = vector.multi_reduction <add>, %mul3A, %reduce_sum3A [1] : vector<512x32xi32> to vector<512xi32>
    %get3A_77 = arith.constant 0 : index
    %get3A_78 = arith.constant 0 : index
    %get3A_79 = vector.load %arg10[%get3A_77, %get3A_78] : memref<1x32xi32, #tpu.memory_space<vmem>>, vector<1x32xi32>
    %mul3A_80 = vector.broadcast %get3A_79 : vector<1x32xi32> to vector<512x32xi32>
    %mul3A_81 = arith.muli %mul3A_80, %convert_element_type3A_23 : vector<512x32xi32>
    %reduce_sum3A_82 = arith.constant dense<0> : vector<512xi32>
    %reduce_sum3A_83 = vector.multi_reduction <add>, %mul3A_81, %reduce_sum3A_82 [1] : vector<512x32xi32> to vector<512xi32>
    %add3A_84 = arith.addi %reduce_sum3A_76, %reduce_sum3A_83 : vector<512xi32>
    %swap3A_85 = arith.constant 0 : index
    %swap3A_86 = arith.constant 0 : index
    %swap3A_87 = arith.constant 0 : index
    %swap3A_88 = vector.load %arg6[%swap3A_85, %swap3A_86, %swap3A_87] : memref<1x1x512xi32, #tpu.memory_space<vmem>>, vector<1x1x512xi32>
    %swap3A_89 = vector.shape_cast %swap3A_88 : vector<1x1x512xi32> to vector<512xi32>
    %swap3A_90 = vector.shape_cast %add3A_84 : vector<512xi32> to vector<1x1x512xi32>
    tpu.vector_store %arg6[%swap3A_85, %swap3A_86, %swap3A_87], %swap3A_90 {strides = array<i32>} : memref<1x1x512xi32, #tpu.memory_space<vmem>>, vector<1x1x512xi32>,
    %get3A_91 = arith.constant 0 : index
    %get3A_92 = arith.constant 0 : index
    %get3A_93 = vector.load %arg10[%get3A_91, %get3A_92] : memref<1x32xi32, #tpu.memory_space<vmem>>, vector<1x32xi32>
    %reduce_sum3A_94 = arith.constant dense<0> : vector<32xi32>
    %reduce_sum3A_95 = vector.multi_reduction <add>, %convert_element_type3A_23, %reduce_sum3A_94 [0] : vector<512x32xi32> to vector<32xi32>
    %broadcast_in_dim3A_96 = vector.shape_cast %reduce_sum3A_95 : vector<32xi32> to vector<1x32xi32>
    %add3A_97 = arith.addi %get3A_93, %broadcast_in_dim3A_96 : vector<1x32xi32>
    %swap3A_98 = arith.constant 0 : index
    %swap3A_99 = arith.constant 0 : index
    %swap3A_100 = vector.load %arg10[%swap3A_98, %swap3A_99] : memref<1x32xi32, #tpu.memory_space<vmem>>, vector<1x32xi32>
    tpu.vector_store %arg10[%swap3A_98, %swap3A_99], %add3A_97 {strides = array<i32>} : memref<1x32xi32, #tpu.memory_space<vmem>>, vector<1x32xi32>,
    %reduce_max3A = arith.constant dense<0xFF800000> : vector<512xf32>
    %reduce_max3A_101 = vector.multi_reduction <maximumf>, %add3A_13, %reduce_max3A [1] : vector<512x8xf32> to vector<512xf32>
    %broadcast_in_dim3A_102 = vector.shape_cast %reduce_max3A_101 : vector<512xf32> to vector<512x1xf32>
    %jit3A = arith.constant 0xFF800000 : f32
    %broadcast_in_dim3A_103 = vector.shape_cast %broadcast_in_dim3A_102 : vector<512x1xf32> to vector<512x1xf32>
    %broadcast_in_dim3A_104 = vector.broadcast %broadcast_in_dim3A_103 : vector<512x1xf32> to vector<512x32xf32>
    %broadcast_in_dim3A_105 = vector.broadcast %jit3A : f32 to vector<512x32xf32>
    %select_n3A = arith.select %eq3A_22, %broadcast_in_dim3A_104, %broadcast_in_dim3A_105 : vector<512x32xi1>, vector<512x32xf32>
    %reduce_max3A_106 = arith.constant dense<0xFF800000> : vector<32xf32>
    %reduce_max3A_107 = vector.multi_reduction <maximumf>, %select_n3A, %reduce_max3A_106 [0] : vector<512x32xf32> to vector<32xf32>
    %broadcast_in_dim3A_108 = vector.shape_cast %reduce_max3A_107 : vector<32xf32> to vector<1x32xf32>
    %get3A_109 = arith.constant 0 : index
    %get3A_110 = arith.constant 0 : index
    %get3A_111 = vector.load %arg11[%get3A_109, %get3A_110] : memref<1x32xf32, #tpu.memory_space<vmem>>, vector<1x32xf32>
    %max3A_112 = arith.maximumf %get3A_111, %broadcast_in_dim3A_108 : vector<1x32xf32>
    %swap3A_113 = arith.constant 0 : index
    %swap3A_114 = arith.constant 0 : index
    %swap3A_115 = vector.load %arg11[%swap3A_113, %swap3A_114] : memref<1x32xf32, #tpu.memory_space<vmem>>, vector<1x32xf32>
    tpu.vector_store %arg11[%swap3A_113, %swap3A_114], %max3A_112 {strides = array<i32>} : memref<1x32xf32, #tpu.memory_space<vmem>>, vector<1x32xf32>,
    %get3A_116 = arith.constant 0 : index
    %get3A_117 = arith.constant 0 : index
    %get3A_118 = vector.load %arg11[%get3A_116, %get3A_117] : memref<1x32xf32, #tpu.memory_space<vmem>>, vector<1x32xf32>
    %swap3A_119 = arith.constant 0 : index
    %swap3A_120 = arith.constant 0 : index
    %swap3A_121 = vector.load %arg8[%swap3A_119, %swap3A_120] : memref<1x32xf32, #tpu.memory_space<vmem>>, vector<1x32xf32>
    tpu.vector_store %arg8[%swap3A_119, %swap3A_120], %get3A_118 {strides = array<i32>} : memref<1x32xf32, #tpu.memory_space<vmem>>, vector<1x32xf32>,
    %get3A_122 = arith.constant 0 : index
    %get3A_123 = arith.constant 0 : index
    %get3A_124 = vector.load %arg10[%get3A_122, %get3A_123] : memref<1x32xi32, #tpu.memory_space<vmem>>, vector<1x32xi32>
    %swap3A_125 = arith.constant 0 : index
    %swap3A_126 = arith.constant 0 : index
    %swap3A_127 = vector.load %arg9[%swap3A_125, %swap3A_126] : memref<1x32xi32, #tpu.memory_space<vmem>>, vector<1x32xi32>
    tpu.vector_store %arg9[%swap3A_125, %swap3A_126], %get3A_124 {strides = array<i32>} : memref<1x32xi32, #tpu.memory_space<vmem>>, vector<1x32xi32>,
    return
  }
  func.func @transform_0(%arg0: i32) -> (i32, i32) {
    %c0_i32 = arith.constant 0 : i32
    %c0_i32_0 = arith.constant 0 : i32
    return %arg0, %c0_i32 : i32, i32
  }
  func.func @transform_1(%arg0: i32) -> (i32, i32, i32) {
    %c0_i32 = arith.constant 0 : i32
    %c0_i32_0 = arith.constant 0 : i32
    %c0_i32_1 = arith.constant 0 : i32
    return %arg0, %c0_i32, %c0_i32_0 : i32, i32, i32
  }
  func.func @transform_2(%arg0: i32) -> (i32, i32) {
    %c0_i32 = arith.constant 0 : i32
    %c0_i32_0 = arith.constant 0 : i32
    %c0_i32_1 = arith.constant 0 : i32
    return %c0_i32, %c0_i32_0 : i32, i32
  }
  func.func @transform_3(%arg0: i32) -> (i32, i32) {
    %c0_i32 = arith.constant 0 : i32
    %c0_i32_0 = arith.constant 0 : i32
    %c0_i32_1 = arith.constant 0 : i32
    return %c0_i32, %c0_i32_0 : i32, i32
  }
  func.func @transform_4(%arg0: i32) -> (i32, i32) {
    %c0_i32 = arith.constant 0 : i32
    %c0_i32_0 = arith.constant 0 : i32
    return %arg0, %c0_i32 : i32, i32
  }
  func.func @transform_5(%arg0: i32) -> (i32, i32, i32) {
    %c0_i32 = arith.constant 0 : i32
    %c0_i32_0 = arith.constant 0 : i32
    %c0_i32_1 = arith.constant 0 : i32
    return %arg0, %c0_i32, %c0_i32_0 : i32, i32, i32
  }
  func.func @transform_6(%arg0: i32) -> (i32, i32, i32) {
    %c0_i32 = arith.constant 0 : i32
    %c0_i32_0 = arith.constant 0 : i32
    %c0_i32_1 = arith.constant 0 : i32
    return %arg0, %c0_i32, %c0_i32_0 : i32, i32, i32
  }
  func.func @transform_7(%arg0: i32) -> (i32, i32) {
    %c0_i32 = arith.constant 0 : i32
    %c0_i32_0 = arith.constant 0 : i32
    %c0_i32_1 = arith.constant 0 : i32
    return %c0_i32, %c0_i32_0 : i32, i32
  }
  func.func @transform_8(%arg0: i32) -> (i32, i32) {
    %c0_i32 = arith.constant 0 : i32
    %c0_i32_0 = arith.constant 0 : i32
    %c0_i32_1 = arith.constant 0 : i32
    return %c0_i32, %c0_i32_0 : i32, i32
  }
}

module attributes {stable_mosaic.version = 14 : i64} {
  func.func @_passb_body(%arg0: i32, %arg1: memref<512x8xf32, #tpu.memory_space<vmem>>, %arg2: memref<1x1x512xi32, #tpu.memory_space<vmem>>, %arg3: memref<1x1x512xi32, #tpu.memory_space<vmem>>, %arg4: memref<1x32xf32, #tpu.memory_space<vmem>>, %arg5: memref<1x32xi32, #tpu.memory_space<vmem>>, %arg6: memref<512x8xf32, #tpu.memory_space<vmem>>, %arg7: memref<1x1x512xi32, #tpu.memory_space<vmem>>, %arg8: memref<1x32xf32, #tpu.memory_space<vmem>>, %arg9: memref<1x32xf32, #tpu.memory_space<vmem>>) attributes {dimension_semantics = [#tpu.dimension_semantics<arbitrary>], iteration_bounds = array<i64: 625>, scalar_prefetch = 0 : i64, scratch_operands = 1 : i64, tpu.core_type = #tpu.core_type<tc>, window_params = [{transform_indices = @transform_0, window_bounds = array<i64: 512, 8>}, {transform_indices = @transform_1, window_bounds = array<i64: 1, 1, 512>}, {transform_indices = @transform_2, window_bounds = array<i64: 1, 1, 512>}, {pipeline_mode = #tpu.pipeline_mode<synchronous>, transform_indices = @transform_3, window_bounds = array<i64: 1, 32>}, {pipeline_mode = #tpu.pipeline_mode<synchronous>, transform_indices = @transform_4, window_bounds = array<i64: 1, 32>}, {transform_indices = @transform_5, window_bounds = array<i64: 512, 8>}, {transform_indices = @transform_6, window_bounds = array<i64: 1, 1, 512>}, {pipeline_mode = #tpu.pipeline_mode<synchronous>, transform_indices = @transform_7, window_bounds = array<i64: 1, 32>}]} {
    %eq3A = arith.constant 0 : i32
    %eq3A_0 = arith.cmpi eq, %arg0, %eq3A : i32
    %convert_element_type3A = arith.extui %eq3A_0 : i1 to i32
    %cond3A = arith.constant 0 : i32
    %cond3A_1 = arith.cmpi ne, %convert_element_type3A, %cond3A : i32
    scf.if %cond3A_1 {
      %broadcast_in_dim3A_63 = arith.constant 0.000000e+00 : f32
      %broadcast_in_dim3A_64 = vector.broadcast %broadcast_in_dim3A_63 : f32 to vector<1x32xf32>
      %swap3A_65 = arith.constant 0 : index
      %swap3A_66 = arith.constant 0 : index
      %swap3A_67 = vector.load %arg9[%swap3A_65, %swap3A_66] : memref<1x32xf32, #tpu.memory_space<vmem>>, vector<1x32xf32>
      tpu.vector_store %arg9[%swap3A_65, %swap3A_66], %broadcast_in_dim3A_64 {strides = array<i32>} : memref<1x32xf32, #tpu.memory_space<vmem>>, vector<1x32xf32>,
    } else {
    }
    %get3A = arith.constant 0 : index
    %get3A_2 = arith.constant 0 : index
    %get3A_3 = arith.constant 0 : index
    %get3A_4 = vector.load %arg2[%get3A, %get3A_2, %get3A_3] : memref<1x1x512xi32, #tpu.memory_space<vmem>>, vector<1x1x512xi32>
    %get3A_5 = vector.shape_cast %get3A_4 : vector<1x1x512xi32> to vector<512xi32>
    %broadcast_in_dim3A = vector.shape_cast %get3A_5 : vector<512xi32> to vector<512x1xi32>
    %iota3A = tpu.iota {dimensions = array<i32: 1>} : vector<512x32xi32>
    %eq3A_6 = vector.broadcast %broadcast_in_dim3A : vector<512x1xi32> to vector<512x32xi32>
    %eq3A_7 = arith.cmpi eq, %eq3A_6, %iota3A : vector<512x32xi32>
    %convert_element_type3A_8 = arith.extui %eq3A_7 : vector<512x32xi1> to vector<512x32xi32>
    %convert_element_type3A_9 = arith.sitofp %convert_element_type3A_8 : vector<512x32xi32> to vector<512x32xf32>
    %get3A_10 = arith.constant 0 : index
    %get3A_11 = arith.constant 0 : index
    %get3A_12 = vector.load %arg4[%get3A_10, %get3A_11] : memref<1x32xf32, #tpu.memory_space<vmem>>, vector<1x32xf32>
    %mul3A = vector.broadcast %get3A_12 : vector<1x32xf32> to vector<512x32xf32>
    %mul3A_13 = arith.mulf %convert_element_type3A_9, %mul3A : vector<512x32xf32>
    %reduce_sum3A = arith.constant dense<0.000000e+00> : vector<512xf32>
    %reduce_sum3A_14 = vector.multi_reduction <add>, %mul3A_13, %reduce_sum3A [1] : vector<512x32xf32> to vector<512xf32>
    %broadcast_in_dim3A_15 = vector.shape_cast %reduce_sum3A_14 : vector<512xf32> to vector<512x1xf32>
    %get3A_16 = arith.constant 0 : index
    %get3A_17 = arith.constant 0 : index
    %get3A_18 = vector.load %arg1[%get3A_16, %get3A_17] : memref<512x8xf32, #tpu.memory_space<vmem>>, vector<512x8xf32>
    %sub3A = vector.broadcast %broadcast_in_dim3A_15 : vector<512x1xf32> to vector<512x8xf32>
    %sub3A_19 = arith.subf %get3A_18, %sub3A : vector<512x8xf32>
    %exp3A = math.exp %sub3A_19 : vector<512x8xf32>
    %swap3A = arith.constant 0 : index
    %swap3A_20 = arith.constant 0 : index
    %swap3A_21 = vector.load %arg6[%swap3A, %swap3A_20] : memref<512x8xf32, #tpu.memory_space<vmem>>, vector<512x8xf32>
    tpu.vector_store %arg6[%swap3A, %swap3A_20], %exp3A {strides = array<i32>} : memref<512x8xf32, #tpu.memory_space<vmem>>, vector<512x8xf32>,
    %convert_element_type3A_22 = arith.extui %eq3A_7 : vector<512x32xi1> to vector<512x32xi32>
    %get3A_23 = arith.constant 0 : index
    %get3A_24 = arith.constant 0 : index
    %get3A_25 = vector.load %arg5[%get3A_23, %get3A_24] : memref<1x32xi32, #tpu.memory_space<vmem>>, vector<1x32xi32>
    %mul3A_26 = vector.broadcast %get3A_25 : vector<1x32xi32> to vector<512x32xi32>
    %mul3A_27 = arith.muli %convert_element_type3A_22, %mul3A_26 : vector<512x32xi32>
    %reduce_sum3A_28 = arith.constant dense<0> : vector<512xi32>
    %reduce_sum3A_29 = vector.multi_reduction <add>, %mul3A_27, %reduce_sum3A_28 [1] : vector<512x32xi32> to vector<512xi32>
    %get3A_30 = arith.constant 0 : index
    %get3A_31 = arith.constant 0 : index
    %get3A_32 = arith.constant 0 : index
    %get3A_33 = vector.load %arg3[%get3A_30, %get3A_31, %get3A_32] : memref<1x1x512xi32, #tpu.memory_space<vmem>>, vector<1x1x512xi32>
    %get3A_34 = vector.shape_cast %get3A_33 : vector<1x1x512xi32> to vector<512xi32>
    %add3A = arith.addi %get3A_34, %reduce_sum3A_29 : vector<512xi32>
    %swap3A_35 = arith.constant 0 : index
    %swap3A_36 = arith.constant 0 : index
    %swap3A_37 = arith.constant 0 : index
    %swap3A_38 = vector.load %arg7[%swap3A_35, %swap3A_36, %swap3A_37] : memref<1x1x512xi32, #tpu.memory_space<vmem>>, vector<1x1x512xi32>
    %swap3A_39 = vector.shape_cast %swap3A_38 : vector<1x1x512xi32> to vector<512xi32>
    %swap3A_40 = vector.shape_cast %add3A : vector<512xi32> to vector<1x1x512xi32>
    tpu.vector_store %arg7[%swap3A_35, %swap3A_36, %swap3A_37], %swap3A_40 {strides = array<i32>} : memref<1x1x512xi32, #tpu.memory_space<vmem>>, vector<1x1x512xi32>,
    %reduce_sum3A_41 = arith.constant dense<0.000000e+00> : vector<512xf32>
    %reduce_sum3A_42 = vector.multi_reduction <add>, %exp3A, %reduce_sum3A_41 [1] : vector<512x8xf32> to vector<512xf32>
    %broadcast_in_dim3A_43 = vector.shape_cast %reduce_sum3A_42 : vector<512xf32> to vector<512x1xf32>
    %get3A_44 = arith.constant 0 : index
    %get3A_45 = arith.constant 0 : index
    %get3A_46 = vector.load %arg9[%get3A_44, %get3A_45] : memref<1x32xf32, #tpu.memory_space<vmem>>, vector<1x32xf32>
    %jit3A = arith.constant 0.000000e+00 : f32
    %broadcast_in_dim3A_47 = vector.shape_cast %broadcast_in_dim3A_43 : vector<512x1xf32> to vector<512x1xf32>
    %broadcast_in_dim3A_48 = vector.broadcast %broadcast_in_dim3A_47 : vector<512x1xf32> to vector<512x32xf32>
    %broadcast_in_dim3A_49 = vector.broadcast %jit3A : f32 to vector<512x32xf32>
    %select_n3A = arith.select %eq3A_7, %broadcast_in_dim3A_48, %broadcast_in_dim3A_49 : vector<512x32xi1>, vector<512x32xf32>
    %reduce_sum3A_50 = arith.constant dense<0.000000e+00> : vector<32xf32>
    %reduce_sum3A_51 = vector.multi_reduction <add>, %select_n3A, %reduce_sum3A_50 [0] : vector<512x32xf32> to vector<32xf32>
    %broadcast_in_dim3A_52 = vector.shape_cast %reduce_sum3A_51 : vector<32xf32> to vector<1x32xf32>
    %add3A_53 = arith.addf %get3A_46, %broadcast_in_dim3A_52 : vector<1x32xf32>
    %swap3A_54 = arith.constant 0 : index
    %swap3A_55 = arith.constant 0 : index
    %swap3A_56 = vector.load %arg9[%swap3A_54, %swap3A_55] : memref<1x32xf32, #tpu.memory_space<vmem>>, vector<1x32xf32>
    tpu.vector_store %arg9[%swap3A_54, %swap3A_55], %add3A_53 {strides = array<i32>} : memref<1x32xf32, #tpu.memory_space<vmem>>, vector<1x32xf32>,
    %get3A_57 = arith.constant 0 : index
    %get3A_58 = arith.constant 0 : index
    %get3A_59 = vector.load %arg9[%get3A_57, %get3A_58] : memref<1x32xf32, #tpu.memory_space<vmem>>, vector<1x32xf32>
    %swap3A_60 = arith.constant 0 : index
    %swap3A_61 = arith.constant 0 : index
    %swap3A_62 = vector.load %arg8[%swap3A_60, %swap3A_61] : memref<1x32xf32, #tpu.memory_space<vmem>>, vector<1x32xf32>
    tpu.vector_store %arg8[%swap3A_60, %swap3A_61], %get3A_59 {strides = array<i32>} : memref<1x32xf32, #tpu.memory_space<vmem>>, vector<1x32xf32>,
    return
  }
  func.func @transform_0(%arg0: i32) -> (i32, i32) {
    %c0_i32 = arith.constant 0 : i32
    %c0_i32_0 = arith.constant 0 : i32
    return %arg0, %c0_i32 : i32, i32
  }
  func.func @transform_1(%arg0: i32) -> (i32, i32, i32) {
    %c0_i32 = arith.constant 0 : i32
    %c0_i32_0 = arith.constant 0 : i32
    %c0_i32_1 = arith.constant 0 : i32
    return %arg0, %c0_i32, %c0_i32_0 : i32, i32, i32
  }
  func.func @transform_2(%arg0: i32) -> (i32, i32, i32) {
    %c0_i32 = arith.constant 0 : i32
    %c0_i32_0 = arith.constant 0 : i32
    %c0_i32_1 = arith.constant 0 : i32
    return %arg0, %c0_i32, %c0_i32_0 : i32, i32, i32
  }
  func.func @transform_3(%arg0: i32) -> (i32, i32) {
    %c0_i32 = arith.constant 0 : i32
    %c0_i32_0 = arith.constant 0 : i32
    %c0_i32_1 = arith.constant 0 : i32
    return %c0_i32, %c0_i32_0 : i32, i32
  }
  func.func @transform_4(%arg0: i32) -> (i32, i32) {
    %c0_i32 = arith.constant 0 : i32
    %c0_i32_0 = arith.constant 0 : i32
    %c0_i32_1 = arith.constant 0 : i32
    return %c0_i32, %c0_i32_0 : i32, i32
  }
  func.func @transform_5(%arg0: i32) -> (i32, i32) {
    %c0_i32 = arith.constant 0 : i32
    %c0_i32_0 = arith.constant 0 : i32
    return %arg0, %c0_i32 : i32, i32
  }
  func.func @transform_6(%arg0: i32) -> (i32, i32, i32) {
    %c0_i32 = arith.constant 0 : i32
    %c0_i32_0 = arith.constant 0 : i32
    %c0_i32_1 = arith.constant 0 : i32
    return %arg0, %c0_i32, %c0_i32_0 : i32, i32, i32
  }
  func.func @transform_7(%arg0: i32) -> (i32, i32) {
    %c0_i32 = arith.constant 0 : i32
    %c0_i32_0 = arith.constant 0 : i32
    %c0_i32_1 = arith.constant 0 : i32
    return %c0_i32, %c0_i32_0 : i32, i32
  }
}

</mosaic_0001>

<sc_bundles>
// kernel: gather_offload_async_start
scs
__scs_entry_jumppad:
0x0: {  	(pc) =	sbr.rel $0x88, $3  }
0x1: {  	(tag) =	ssettag $0x0;
	lr =	simm.s32 $0x1  }
0x2: {  	[smem:$0x3F7F] =	sst lr;
	_ =	strace $0xD0000000  }
0x3: {  	_ = 	snop  }
0x4: {  	_ = 	snop  }
0x5: {  	_ = 	snop  }
0x6: {  	_ = 	snop  }
0x7: {  	_ = 	snop  }
__scs_overlays_trampoline_lowered:
0x8: {  	[smem:$0x3F8E] =	sst s0  }
0x9: {  	[smem:$0x3F8F] =	sst s1  }
0xa: {  	[smem:$0x3F90] =	sst s2  }
0xb: {  	[smem:$0x3F91] =	sst s3  }
0xc: {  	[smem:$0x3F92] =	sst s4  }
0xd: {  	[smem:$0x3F93] =	sst s5  }
0xe: {  	[smem:$0x3F94] =	sst s6  }
0xf: {  	[smem:$0x3F95] =	sst s7  }
0x10: {  	[smem:$0x3F96] =	sst s8  }
0x11: {  	[smem:$0x3F97] =	sst s9;
	s0 =	simm.s32 @!p0 $0x0  }
0x12: {  	s1 =	sld [smem:$0x3F7D];
	s0 =	simm.s32 @p0 $0x1  }
0x13: {  	[smem:$0x3F98] =	sst s0;
	s0 =	simm.s32 @!p1 $0x0  }
0x14: {  	s2 =	sld [smem:$0x3F7C];
	s0 =	simm.s32 @p1 $0x1  }
0x15: {  	[smem:$0x3F99] =	sst s0;
	s0 =	simm.s32 @!p2 $0x0  }
0x16: {  	s3 =	sld [smem:$0x3FDB];
	s0 =	simm.s32 @p2 $0x1  }
0x17: {  	s4 =	simm.s32 $0x1BF5;
	[smem:$0x3F9B] =	sst s0  }
0x18: {  	s0 =	sld [smem:$0x3F7E];
	_ =	swait.ge [sflag:s4], $0x0  }
0x19: {  	s7 =	sld [smem:$0x3F7F]  }
0x1a: {  	s8 =	sadd.s32 $0xFFFFE003, lr  }
0x1b: {  	s9 =	sadd.s32 $0xFFFFFEF7, lr;
	s5 =	simm.s32 $0xFFFFFFFF;
	p2 =	slt.u32 s8, $0xFFFFF086  }
0x1c: {  	p1 =	slt.u32 s9, $0xF7A;
	s5 =	simm.s32 @!p2 $0x0  }
0x1d: {  	s5 =	simm.s32 @p1 $0x1;
	p0 =	seq.s32 s7, s2  }
0x1e: {  	s7 =	smul.u32 @!p0 $0xF7A, s2;
	p2 =	seq.s32 @!p0 s5, $0x0  }
0x1f: {  	s9 =	smul.u32 $0xF7A, s1;
	s8 =	simm.s32 @!p0 $0x1BF5;
	p2 =	por !p2, p0  }
0x20: {  	[sflag:s8] =	ssyncset.s32 @!p0 $0xFFFFF086;
	s6 =	sadd.s32 @!p0 s3, s7;
	s7 =	simm.s32 @!p0 $0x108  }
0x21: {  	s3 =	sadd.s32 s3, s9;
	s6 =	sadd.s32 @!p0 $0x88, s6;
	s7 =	simm.s32 @p2 $0x1082  }
0x22: {  	[simem:s7], [sflag:s8] =	dma.local @!p0 [hbm:s6], $0xF7A  }
0x23: {  	s9 =	sor.u32 $0xD0000000, s2;
	s6 =	simm.s32 $0x108;
	_ =	swait.ge @!p0 [sflag:s8], $0x0  }
0x24: {  	s3 =	sadd.s32 $0x88, s3;
	s6 =	simm.s32 @!p1 $0x1082;
	[sflag:s4] =	ssyncset.s32 $0xFFFFF086  }
0x25: {  	[simem:s6], [sflag:s4] =	dma.local [hbm:s3], $0xF7A  }
0x26: {  	[smem:$0x3F7F] =	sst s1;
	(tag) =	ssettag s2;
	_ =	strace s9  }
0x27: {  	s1 =	sld [smem:$0x3F8F]  }
0x28: {  	s2 =	sld [smem:$0x3F90]  }
0x29: {  	s4 =	sld [smem:$0x3F92]  }
0x2a: {  	p0 =	seq.s32 s5, $0x0;
	s5 =	sld [smem:$0x3F93]  }
0x2b: {  	s6 =	sld [smem:$0x3F94]  }
0x2c: {  	s7 =	sld [smem:$0x3F95]  }
0x2d: {  	s3 =	simm.s32 $0x108;
	s8 =	sld [smem:$0x3F96]  }
0x2e: {  	s3 =	simm.s32 @!p0 $0x1082;
	s9 =	sld [smem:$0x3F97]  }
0x2f: {  	lr =	sadd.s32 s0, s3;
	s0 =	sld [smem:$0x3F8E]  }
0x30: {  	s3 =	sld [smem:$0x3F91]  }
0x31: {  	[smem:$0x3F9A] =	sst s10  }
0x32: {  	s10 =	sld [smem:$0x3F98];
	_ =	sdelay $0x3  }
0x33: {  	p0 =	seq.s32 s10, $0x1;
	s10 =	sld [smem:$0x3F9A];
	_ =	sdelay $0x3  }
0x34: {  	[smem:$0x3F9A] =	sst s10  }
0x35: {  	s10 =	sld [smem:$0x3F99];
	_ =	sdelay $0x3  }
0x36: {  	p1 =	seq.s32 s10, $0x1;
	s10 =	sld [smem:$0x3F9A];
	_ =	sdelay $0x3  }
0x37: {  	[smem:$0x3F9A] =	sst s10  }
0x38: {  	s10 =	sld [smem:$0x3F9B]  }
0x39: {  	_ = 	snop;
	(pc) =	sbr.ind lr, $3  }
0x3a: {  	_ = 	snop  }
0x3b: {  	_ = 	snop  }
0x3c: {  	p2 =	seq.s32 s10, $0x1;
	s10 =	sld [smem:$0x3F9A]  }
0x3d: {  	_ =	shalt  }
0x3e: {  	_ =	shalt  }
0x3f: {  	_ =	shalt  }
0x40: {  	_ =	shalt  }
0x41: {  	_ =	shalt  }
0x42: {  	_ =	shalt  }
0x43: {  	_ =	shalt  }
0x44: {  	_ =	shalt  }
0x45: {  	_ =	shalt  }
0x46: {  	_ =	shalt  }
0x47: {  	_ =	shalt  }
0x48: {  	_ =	shalt  }
0x49: {  	_ =	shalt  }
0x4a: {  	_ =	shalt  }
0x4b: {  	_ =	shalt  }
0x4c: {  	_ =	shalt  }
0x4d: {  	_ =	shalt  }
0x4e: {  	_ =	shalt  }
0x4f: {  	_ =	shalt  }
0x50: {  	_ =	shalt  }
0x51: {  	_ =	shalt  }
0x52: {  	_ =	shalt  }
0x53: {  	_ =	shalt  }
0x54: {  	_ =	shalt  }
0x55: {  	_ =	shalt  }
0x56: {  	_ =	shalt  }
0x57: {  	_ =	shalt  }
0x58: {  	_ =	shalt  }
0x59: {  	_ =	shalt  }
0x5a: {  	_ =	shalt  }
0x5b: {  	_ =	shalt  }
0x5c: {  	_ =	shalt  }
0x5d: {  	_ =	shalt  }
0x5e: {  	_ =	shalt  }
0x5f: {  	_ =	shalt  }
0x60: {  	_ =	shalt  }
0x61: {  	_ =	shalt  }
0x62: {  	_ =	shalt  }
0x63: {  	_ =	shalt  }
0x64: {  	_ =	shalt  }
0x65: {  	_ =	shalt  }
0x66: {  	_ =	shalt  }
0x67: {  	_ =	shalt  }
0x68: {  	_ =	shalt  }
0x69: {  	_ =	shalt  }
0x6a: {  	_ =	shalt  }
0x6b: {  	_ =	shalt  }
0x6c: {  	_ =	shalt  }
0x6d: {  	_ =	shalt  }
0x6e: {  	_ =	shalt  }
0x6f: {  	_ =	shalt  }
0x70: {  	_ =	shalt  }
0x71: {  	_ =	shalt  }
0x72: {  	_ =	shalt  }
0x73: {  	_ =	shalt  }
0x74: {  	_ =	shalt  }
0x75: {  	_ =	shalt  }
0x76: {  	_ =	shalt  }
0x77: {  	_ =	shalt  }
0x78: {  	_ =	shalt  }
0x79: {  	_ =	shalt  }
0x7a: {  	_ =	shalt  }
0x7b: {  	_ =	shalt  }
0x7c: {  	_ =	shalt  }
0x7d: {  	_ =	shalt  }
0x7e: {  	_ =	shalt  }
0x7f: {  	_ =	shalt  }
0x80: {  	_ =	shalt  }
0x81: {  	_ =	shalt  }
0x82: {  	_ =	shalt  }
0x83: {  	_ =	shalt  }
0x84: {  	_ =	shalt  }
0x85: {  	_ =	shalt  }
0x86: {  	_ =	shalt  }
0x87: {  	_ =	shalt  }
.Lfunc_end0:
.L_simem_size_0:
called_computation_lowered:
.L_overlay_start_0:
0x88: {  	s2 =	sld [smem:$0x3FD9]  }
0x89: {  	s3 =	sld [smem:$0x3FFE];
	_ =	sdelay $0x1  }
0x8a: {  	s1 =	srdreg.scid  }
0x8b: {  	s0 =	sand.u32 $0x1, s1  }
0x8c: {  	s17 =	sshll.u32 s0, $0xA;
	s2 =	sadd.s32 s3, s2  }
0x8d: {  	s2 =	sadd.s32 s2, s17  }
0x8e: {  	[smem:$0x3FA6] =	sst s2  }
0x8f: {  	_ = 	snop  }
0x90: {  	s2 =	sld [smem:$0x3FD0];
	(tm) =	ssettm $0x1  }
0x91: {  	s18 =	sld [smem:$0x3FFB];
	_ =	sdelay $0x3  }
0x92: {  	_ =	strace s18  }
0x93: {  	s3 =	sld [smem:$0x3FFC];
	_ =	sdelay $0x3  }
0x94: {  	_ =	strace s3  }
0x95: {  	s3 =	sld [smem:$0x3FFD];
	_ =	sdelay $0x3  }
0x96: {  	_ =	strace s3  }
0x97: {  	_ =	strace $0x8FFFFFFF  }
0x98: {  	s19 =	sld [smem:$0x3FDB];
	_ =	sdelay $0x1  }
0x99: {  	s4 =	simm.s32 $_scs_section_size  }
0x9a: {  	s5 =	simm.s32 $_size__tile_overlayer_lowered;
	s6 =	simm.s32 $_tile_overlayer_lowered  }
0x9b: {  	s22 =	simm.s32 $0x1BFF;
	s21 =	sshll.u32 s6, $0x1;
	s3 =	sadd.s32 s4, s19  }
0x9c: {  	s7 =	simm.s32 $0x0;
	s20 =	sshll.u32 s5, $0x1;
	s5 =	sadd.s32 s21, s3  }
0x9d: {  	[timem:s7], [sflag:s22] =	dma.local [hbm:s5], s20  }
0x9e: {  	_ =	swait.ge [sflag:s22], s20  }
0x9f: {  	s4 =	ssub.s32 $0x0, s20;
	[sflag:s22] =	ssyncset.done $0x0  }
0xa0: {  	[sflag:s22] =	ssyncadd.s32 s4;
	_ =	sdelay $0x1  }
0xa1: {  	s23 =	simm.s32 $0x1B8B  }
0xa2: {  	_ =	swait.ge [sflag:s23], $0x1  }
0xa3: {  	[sflag:s23] =	ssyncset.done $0x0  }
0xa4: {  	s25 =	simm.s32 $0x1B8E;
	s24 =	sld [smem:$0x3FFE];
	[sflag:s23] =	ssyncadd.s32 $0xFFFFFFFF  }
0xa5: {  	s26 =	simm.s32 $execute0_lowered;
	[smem:$0x3FD2] =	sst s25  }
0xa6: {  	s5 =	sshll.u32 s26, $0x1;
	_ =	strace $0x80000052;
	[dreg:$0x1] =	wrdreg $0xFFFFFFFF  }
0xa7: {  	s28 =	simm.s32 $_size_execute0_lowered;
	s3 =	sadd.s32 s3, s5;
	[dreg:$0x0] =	wrdreg $0x0  }
0xa8: {  	s5 =	sshll.u32 s28, $0x1;
	[dreg:$0x2] =	wrdreg s3  }
0xa9: {  	[dreg:$0x3] =	wrdreg s5  }
0xaa: {  	[dreg:$0x4] =	wrdreg $0xC0  }
0xab: {  	_ =	task [dreg:s7], $0x5FFFF  }
0xac: {  	[dreg:$0x1] =	wrdreg $0xFFFFFFFF  }
0xad: {  	[dreg:$0x0] =	wrdreg $0x60  }
0xae: {  	[dreg:$0x2] =	wrdreg s24  }
0xaf: {  	[dreg:$0x3] =	wrdreg s2  }
0xb0: {  	[dreg:$0x4] =	wrdreg $0x9  }
0xb1: {  	_ =	task.clear_ibuf [dreg:s7], $0x5FFFF;
	_ =	strace $0x90000052  }
0xb2: {  	s29 =	simm.s32 $0x9;
	_ =	strace $0x80000054  }
0xb3: {  	_ =	swait.ge [sflag:s29], $0x1  }
0xb4: {  	[sflag:s29] =	ssyncadd.s32 $0xFFFFFFFF  }
0xb5: {  	_ =	strace $0x90000054  }
0xb6: {  	_ =	sfence  }
0xb7: {  	s30 =	sld [smem:$0x0];
	_ =	sdelay $0x2  }
0xb8: {  	s31 =	sshll.u32 s1, $0xD;
	s1 =	sshrl.u32 s1, $0x2  }
0xb9: {  	s3 =	sand.u32 $0x4000, s31;
	s1 =	sadd.s32 s1, s30  }
0xba: {  	s0 =	sor.u32 s3, s0;
	s1 =	sshll.u32 s1, $0x11  }
0xbb: {  	s0 =	sor.u32 s1, s0  }
0xbc: {  	s0 =	sadd.s32 $0x8F2B, s0  }
0xbd: {  	[sflag:s0] =	ssyncadd.remote.s32 $0x1  }
0xbe: {  	_ =	sfence.sel $0xFFFF  }
0xbf: {  	[dreg:$0x0] =	wrdreg $0xFFFFFFFF;
	(pc) =	sbr.abs _section_cstart, $3  }
0xc0: {  	[dreg:$0x1] =	wrdreg $0xFFFFFFFF  }
0xc1: {  	_ =	task.clear_ibuf [dreg:s7], $0x2FFFF;
	_ =	strace $0x9FFFFFFF  }
0xc2: {  	(tm) =	ssettm $0x7FFFFFFF  }
0xc3: {  	_ =	shalt  }
tec
execute0_lowered:
.L_overlay_start_1:
0x0: {  	(tag) =	ssettag $0x1  }
0x1: {  	s0 =	stileid.u32;
	s1 =	srdreg.scid  }
0x2: {  	s1 =	sand.u32 $0x1, s1;
	s2 =	sshll.u32 s0, $0x1  }
0x3: {  	s1 =	sor.u32 s2, s1  }
0x4: {  	s2 =	smul.u32 $0x1BA0, s1;
	_ =	sdelay $0x1  }
0x5: {  	s6 =	ssub.s32 $0x271040, s2  }
0x6: {  	s8 =	rddreg [dreg:$0x0];
	s31 =	smulhi.u32 $0x4A22C1, s6  }
0x7: {  	s3 =	rddreg [dreg:$0x1];
	s5 =	simm.s32 $0x1  }
0x8: {  	s10 =	simm.s32 $0x3;
	s13 =	simm.s32 $0x0;
	s7 =	sshrl.u32 s31, $0x8  }
0x9: {  	s12 =	simm.s32 $0x0;
	s4 =	sadd.s32 $0x4ECE00, s8;
	s9 =	smul.u32 $0x37400, s7  }
.Ltmp0:
0xa: {  	s8 =	sadd.s32 $0x55000, s8;
	s1 =	rddreg [dreg:$0x2];
	(pc) =	sbr.rel .LBB2_1-.Ltmp0, $4  }
0xb: {  	_ =	strace $0x80000053;
	p0 =	sne.s32 s6, s9;
	s9 =	simm.s32 $0x1  }
0xc: {  	[sflag:s5] =	ssyncpa.u1 $0x0;
	s6 =	simm.s32 $0x2;
	s9 =	simm.s32 @!p0 $0x0  }
0xd: {  	s11 =	smov.u32 s2;
	[sflag:s6] =	ssyncpa.u1 $0x0;
	s7 =	sadd.s32 s9, s7  }
0xe: {  	vm0 =	vmmov $0xffff;
	[sflag:s10] =	ssyncpa.u1 $0x0;
	s10 =	simm.s32 $0x0;
	s9 =	sadd.s32 $0x1, s7  }
.LBB2_4:
0xf: {  	v2 =	vnsel vm1, $0x0, v2  }
0x10: {  	vm1 =	vgt.s32 v0, $0x0;
	v2 =	vmin.u32 v2, $0x270FFF  }
0x11: {  	v0 =	vnsel vm1, $0x0, v0  }
0x12: {  	v0 =	vmin.u32 v0, $0x270FFF  }
0x13: {  	[tilespmem:s18], [sflag:$0x1] =	stream.indirect_vreg.gather [hbm4b:s4+s10], $0x1, v1, vm0, $0x4038;
	[tilespmem:$0x6E80] =	vst v63  }
0x14: {  	(ifvalue) =	ssetifvalue $0x7FFFFFFF  }
0x15: {  	[tilespmem:s15], [sflag:$0x1] =	stream.indirect_vreg.gather [hbm4b:s4+s10], $0x1, v2, vm0, $0x4038;
	[tilespmem:$0x6E80] =	vst v63  }
0x16: {  	s29 =	sadd.s32 $0x10, s15;
	(ifvalue) =	ssetifvalue $0x7FFFFFFF  }
0x17: {  	[tilespmem:s29], [sflag:$0x1] =	stream.indirect_vreg.gather [hbm4b:s4+s10], $0x1, v0, vm0, $0x4038;
	[tilespmem:$0x6E80] =	vst v63  }
0x18: {  	_ =	swait.ge [sflag:s5], $0x1BA0  }
0x19: {  	s30 =	sshrl.u32 s13, $0x3;
	[sflag:s5] =	ssyncset.done $0x0  }
0x1a: {  	s31 =	sand.u32 $0x7, s13;
	s15 =	sadd.s32 s8, s30;
	[sflag:s5] =	ssyncadd.s32 $0xFFFFE460  }
0x1b: {  	[hbm4b:s15+s31] =	stream.linear.scatter [tilespmem:s14], [sflag:$0x3], $0x1BA0, $0x38;
	[tilespmem:$0x6E80] =	vst v63  }
.LBB2_5:
0x1c: {  	s15 =	sadd.s32 $0x37400, s11  }
0x1d: {  	p1 =	sgt.s32 s15, $0x27103F  }
0x1e: {  	s15 =	smov.u32 @p1 s2;
	p1 =	sne.s32 s12, s9  }
.Ltmp1:
0x1f: {  	p0 =	slt.u32 s12, $0x2;
	(pc) =	sbr.rel @!p1 .LBB2_6-.Ltmp1, $4  }
0x20: {  	s14 =	simm.s32 @!p0 $0x3  }
0x21: {  	_ =	swait.ge @!p0 [sflag:s14], $0x1BA0  }
0x22: {  	s16 =	sadd.s32 $0x1, s12;
	s13 =	smov.u32 s11;
	[sflag:s14] =	ssyncset.done @!p0 $0x0  }
0x23: {  	s12 =	smov.u32 s16;
	s11 =	smov.u32 s15;
	[sflag:s14] =	ssyncadd.s32 @!p0 $0xFFFFE460  }
.LBB2_1:
0x24: {  	p0 =	sge.u32 s12, s7  }
0x25: {  	s14 =	sxor.u32 @!p0 $0xFFFFFFFF, s12  }
0x26: {  	s14 =	sand.u32 @!p0 $0x1, s14  }
0x27: {  	s14 =	smul.u32 @!p0 $0x6E80, s14  }
0x28: {  	s31 =	sadd.s32 $0xFFFFFFFF, s12;
	s15 =	sshrl.u32 @!p0 s11, $0x3  }
0x29: {  	s16 =	sand.u32 @!p0 $0x7, s11;
	s15 =	sadd.s32 @!p0 s3, s15;
	s14 =	sshrl.u32 @!p0 s14, $0x2  }
0x2a: {  	[tilespmem:s14], [sflag:$0x2] =	stream.linear.gather @!p0 [hbm4b:s15+s16], $0x1BA0, $0x38;
	[tilespmem:$0x6E80] =	vst v63  }
0x2b: {  	p0 =	sge.u32 s31, s7  }
.Ltmp2:
0x2c: {  	_ = 	snop;
	(pc) =	sbr.rel @p0 .LBB2_5-.Ltmp2, $1  }
0x2d: {  	_ =	sdelay $0x3  }
0x2e: {  	s14 =	sand.u32 $0x1, s12  }
0x2f: {  	_ =	swait.ge [sflag:s6], $0x1BA0;
	p0 =	seq.s32 s14, $0x1;
	s14 =	simm.s32 $0x1BA0  }
0x30: {  	[sflag:s6] =	ssyncset.done $0x0;
	s14 =	simm.s32 @!p0 $0x0  }
0x31: {  	[sflag:s6] =	ssyncadd.s32 $0xFFFFE460;
	(ifvalue) =	ssetifvalue $0x7FFFFFFF;
	v0 =	vld.msk [tilespmem:s14+$0x0 ss:$0x1], $0xffff;
	_ =	sdelay $0x4  }
0x32: {  	s15 =	sadd.s32 $0x10, s14;
	vm1 =	vgt.s32 v0, $0x0  }
0x33: {  	v2 =	vld.msk [tilespmem:s15+$0x0 ss:$0x1], $0xffff;
	v1 =	vnsel vm1, $0x0, v0  }
0x34: {  	v1 =	vmin.u32 v1, $0x270FFF;
	_ =	sdelay $0x2  }
0x35: {  	s17 =	simm.s32 $0x20;
	s14 =	sadd.s32 $0x3740, s14;
	s16 =	sadd.s32 $0x10, s15  }
0x36: {  	s15 =	sadd.s32 $0x10, s14;
	s18 =	smov.u32 s14;
	v0 =	vld.msk [tilespmem:s16+$0x0 ss:$0x1], $0xffff;
	vm1 =	vgt.s32 v2, $0x0;
	(ifvalue) =	ssetifvalue $0x7FFFFFFF  }
.LBB2_3:
0x37: {  	[tilespmem:s18], [sflag:$0x1] =	stream.indirect_vreg.gather [hbm4b:s4+s10], $0x1, v1, vm0, $0x4038;
	[tilespmem:$0x6E80] =	vst v63  }
0x38: {  	s17 =	sadd.s32 $0x10, s17  }
0x39: {  	v2 =	vnsel vm1, $0x0, v2;
	p0 =	slt.u32 s17, $0x1B90  }
.Ltmp3:
0x3a: {  	s18 =	smov.u32 s15;
	v1 =	vmin.u32 v2, $0x270FFF;
	(pc) =	sbr.rel @p0 .LBB2_3-.Ltmp3, $3  }
0x3b: {  	_ =	sdelay $0x1  }
0x3c: {  	s16 =	sadd.s32 $0x10, s16  }
0x3d: {  	vm1 =	vgt.s32 v0, $0x0;
	s15 =	sadd.s32 $0x10, s15;
	v2 =	vmov v0;
	(ifvalue) =	ssetifvalue $0x7FFFFFFF;
	v0 =	vld.msk [tilespmem:s16+$0x0 ss:$0x1], $0xffff  }
.Ltmp4:
0x3e: {  	_ = 	snop;
	(pc) =	sbr.rel .LBB2_4-.Ltmp4, $1  }
0x3f: {  	_ =	sdelay $0x3  }
.LBB2_6:
0x40: {  	_ =	sfence.sel $0x180000  }
0x41: {  	s2 =	simm.s32 $0x2;
	[bflag:$0x0] =	sbarrier.arrive $0xFFFF  }
0x42: {  	s30 =	simm.s32 $0x3;
	[sflag:s2] =	ssyncpa.u1 $0x1  }
0x43: {  	s31 =	simm.s32 $0x1;
	[sflag:s30] =	ssyncpa.u1 $0x1  }
0x44: {  	[sflag:s31] =	ssyncpa.u1 $0x1  }
0x45: {  	p0 =	sne.s32 s0, $0x0;
	_ =	strace $0x90000053  }
0x46: {  	s0 =	sadd.s32 @!p0 $0x100000, s1;
	[bflag:$0x2] =	sbarrier.arrive $0xFFFF  }
0x47: {  	[sflag:s0] =	ssyncadd.tile.s32 @!p0 $0x1;
	_ =	shalt  }
.Lfunc_end2:
_tile_overlayer_lowered:
.L_overlay_start_2:
0x48: {  	(tag) =	ssettag $0x2  }
0x49: {  	s0 =	rddreg [dreg:$0x0];
	s2 =	stileid.u32  }
0x4a: {  	s1 =	rddreg [dreg:$0x1];
	p0 =	sne.s32 s2, $0x0  }
0x4b: {  	s3 =	rddreg [dreg:$0x2];
	[bflag:$0x3] =	sbarrier.arrive $0xFFFF;
	s2 =	simm.s32 @!p0 $0x1C01  }
0x4c: {  	[timem:s3], [sflag:s2] =	dma.local @!p0 [hbm:s0], s1  }
0x4d: {  	s0 =	simm.s32 @!p0 $0x1  }
0x4e: {  	_ =	swait.ge @!p0 [sflag:s0], s1  }
0x4f: {  	s1 =	ssub.s32 @!p0 $0x0, s1;
	[sflag:s0] =	ssyncset.done @!p0 $0x0  }
0x50: {  	[sflag:s0] =	ssyncadd.s32 @!p0 s1  }
0x51: {  	[bflag:$0x3] =	sbarrier.arrive $0xFFFF  }
0x52: {  	_ =	shalt  }

// kernel: kernel.15.cloned.1.call-start
scs
__scs_entry_jumppad:
0x0: {  	(pc) =	sbr.rel $0x88, $3  }
0x1: {  	(tag) =	ssettag $0x0;
	lr =	simm.s32 $0x1  }
0x2: {  	[smem:$0x3F7F] =	sst lr;
	_ =	strace $0xD0000000  }
0x3: {  	_ = 	snop  }
0x4: {  	_ = 	snop  }
0x5: {  	_ = 	snop  }
0x6: {  	_ = 	snop  }
0x7: {  	_ = 	snop  }
__scs_overlays_trampoline_lowered:
0x8: {  	[smem:$0x3F8E] =	sst s0  }
0x9: {  	[smem:$0x3F8F] =	sst s1  }
0xa: {  	[smem:$0x3F90] =	sst s2  }
0xb: {  	[smem:$0x3F91] =	sst s3  }
0xc: {  	[smem:$0x3F92] =	sst s4  }
0xd: {  	[smem:$0x3F93] =	sst s5  }
0xe: {  	[smem:$0x3F94] =	sst s6  }
0xf: {  	[smem:$0x3F95] =	sst s7  }
0x10: {  	[smem:$0x3F96] =	sst s8  }
0x11: {  	[smem:$0x3F97] =	sst s9;
	s0 =	simm.s32 @!p0 $0x0  }
0x12: {  	s1 =	sld [smem:$0x3F7D];
	s0 =	simm.s32 @p0 $0x1  }
0x13: {  	[smem:$0x3F98] =	sst s0;
	s0 =	simm.s32 @!p1 $0x0  }
0x14: {  	s2 =	sld [smem:$0x3F7C];
	s0 =	simm.s32 @p1 $0x1  }
0x15: {  	[smem:$0x3F99] =	sst s0;
	s0 =	simm.s32 @!p2 $0x0  }
0x16: {  	s3 =	sld [smem:$0x3FDB];
	s0 =	simm.s32 @p2 $0x1  }
0x17: {  	s4 =	simm.s32 $0x1BF5;
	[smem:$0x3F9B] =	sst s0  }
0x18: {  	s0 =	sld [smem:$0x3F7E];
	_ =	swait.ge [sflag:s4], $0x0  }
0x19: {  	s7 =	sld [smem:$0x3F7F]  }
0x1a: {  	s8 =	sadd.s32 $0xFFFFE003, lr  }
0x1b: {  	s9 =	sadd.s32 $0xFFFFFEF7, lr;
	s5 =	simm.s32 $0xFFFFFFFF;
	p2 =	slt.u32 s8, $0xFFFFF086  }
0x1c: {  	p1 =	slt.u32 s9, $0xF7A;
	s5 =	simm.s32 @!p2 $0x0  }
0x1d: {  	s5 =	simm.s32 @p1 $0x1;
	p0 =	seq.s32 s7, s2  }
0x1e: {  	s7 =	smul.u32 @!p0 $0xF7A, s2;
	p2 =	seq.s32 @!p0 s5, $0x0  }
0x1f: {  	s9 =	smul.u32 $0xF7A, s1;
	s8 =	simm.s32 @!p0 $0x1BF5;
	p2 =	por !p2, p0  }
0x20: {  	[sflag:s8] =	ssyncset.s32 @!p0 $0xFFFFF086;
	s6 =	sadd.s32 @!p0 s3, s7;
	s7 =	simm.s32 @!p0 $0x108  }
0x21: {  	s3 =	sadd.s32 s3, s9;
	s6 =	sadd.s32 @!p0 $0x88, s6;
	s7 =	simm.s32 @p2 $0x1082  }
0x22: {  	[simem:s7], [sflag:s8] =	dma.local @!p0 [hbm:s6], $0xF7A  }
0x23: {  	s9 =	sor.u32 $0xD0000000, s2;
	s6 =	simm.s32 $0x108;
	_ =	swait.ge @!p0 [sflag:s8], $0x0  }
0x24: {  	s3 =	sadd.s32 $0x88, s3;
	s6 =	simm.s32 @!p1 $0x1082;
	[sflag:s4] =	ssyncset.s32 $0xFFFFF086  }
0x25: {  	[simem:s6], [sflag:s4] =	dma.local [hbm:s3], $0xF7A  }
0x26: {  	[smem:$0x3F7F] =	sst s1;
	(tag) =	ssettag s2;
	_ =	strace s9  }
0x27: {  	s1 =	sld [smem:$0x3F8F]  }
0x28: {  	s2 =	sld [smem:$0x3F90]  }
0x29: {  	s4 =	sld [smem:$0x3F92]  }
0x2a: {  	p0 =	seq.s32 s5, $0x0;
	s5 =	sld [smem:$0x3F93]  }
0x2b: {  	s6 =	sld [smem:$0x3F94]  }
0x2c: {  	s7 =	sld [smem:$0x3F95]  }
0x2d: {  	s3 =	simm.s32 $0x108;
	s8 =	sld [smem:$0x3F96]  }
0x2e: {  	s3 =	simm.s32 @!p0 $0x1082;
	s9 =	sld [smem:$0x3F97]  }
0x2f: {  	lr =	sadd.s32 s0, s3;
	s0 =	sld [smem:$0x3F8E]  }
0x30: {  	s3 =	sld [smem:$0x3F91]  }
0x31: {  	[smem:$0x3F9A] =	sst s10  }
0x32: {  	s10 =	sld [smem:$0x3F98];
	_ =	sdelay $0x3  }
0x33: {  	p0 =	seq.s32 s10, $0x1;
	s10 =	sld [smem:$0x3F9A];
	_ =	sdelay $0x3  }
0x34: {  	[smem:$0x3F9A] =	sst s10  }
0x35: {  	s10 =	sld [smem:$0x3F99];
	_ =	sdelay $0x3  }
0x36: {  	p1 =	seq.s32 s10, $0x1;
	s10 =	sld [smem:$0x3F9A];
	_ =	sdelay $0x3  }
0x37: {  	[smem:$0x3F9A] =	sst s10  }
0x38: {  	s10 =	sld [smem:$0x3F9B]  }
0x39: {  	_ = 	snop;
	(pc) =	sbr.ind lr, $3  }
0x3a: {  	_ = 	snop  }
0x3b: {  	_ = 	snop  }
0x3c: {  	p2 =	seq.s32 s10, $0x1;
	s10 =	sld [smem:$0x3F9A]  }
0x3d: {  	_ =	shalt  }
0x3e: {  	_ =	shalt  }
0x3f: {  	_ =	shalt  }
0x40: {  	_ =	shalt  }
0x41: {  	_ =	shalt  }
0x42: {  	_ =	shalt  }
0x43: {  	_ =	shalt  }
0x44: {  	_ =	shalt  }
0x45: {  	_ =	shalt  }
0x46: {  	_ =	shalt  }
0x47: {  	_ =	shalt  }
0x48: {  	_ =	shalt  }
0x49: {  	_ =	shalt  }
0x4a: {  	_ =	shalt  }
0x4b: {  	_ =	shalt  }
0x4c: {  	_ =	shalt  }
0x4d: {  	_ =	shalt  }
0x4e: {  	_ =	shalt  }
0x4f: {  	_ =	shalt  }
0x50: {  	_ =	shalt  }
0x51: {  	_ =	shalt  }
0x52: {  	_ =	shalt  }
0x53: {  	_ =	shalt  }
0x54: {  	_ =	shalt  }
0x55: {  	_ =	shalt  }
0x56: {  	_ =	shalt  }
0x57: {  	_ =	shalt  }
0x58: {  	_ =	shalt  }
0x59: {  	_ =	shalt  }
0x5a: {  	_ =	shalt  }
0x5b: {  	_ =	shalt  }
0x5c: {  	_ =	shalt  }
0x5d: {  	_ =	shalt  }
0x5e: {  	_ =	shalt  }
0x5f: {  	_ =	shalt  }
0x60: {  	_ =	shalt  }
0x61: {  	_ =	shalt  }
0x62: {  	_ =	shalt  }
0x63: {  	_ =	shalt  }
0x64: {  	_ =	shalt  }
0x65: {  	_ =	shalt  }
0x66: {  	_ =	shalt  }
0x67: {  	_ =	shalt  }
0x68: {  	_ =	shalt  }
0x69: {  	_ =	shalt  }
0x6a: {  	_ =	shalt  }
0x6b: {  	_ =	shalt  }
0x6c: {  	_ =	shalt  }
0x6d: {  	_ =	shalt  }
0x6e: {  	_ =	shalt  }
0x6f: {  	_ =	shalt  }
0x70: {  	_ =	shalt  }
0x71: {  	_ =	shalt  }
0x72: {  	_ =	shalt  }
0x73: {  	_ =	shalt  }
0x74: {  	_ =	shalt  }
0x75: {  	_ =	shalt  }
0x76: {  	_ =	shalt  }
0x77: {  	_ =	shalt  }
0x78: {  	_ =	shalt  }
0x79: {  	_ =	shalt  }
0x7a: {  	_ =	shalt  }
0x7b: {  	_ =	shalt  }
0x7c: {  	_ =	shalt  }
0x7d: {  	_ =	shalt  }
0x7e: {  	_ =	shalt  }
0x7f: {  	_ =	shalt  }
0x80: {  	_ =	shalt  }
0x81: {  	_ =	shalt  }
0x82: {  	_ =	shalt  }
0x83: {  	_ =	shalt  }
0x84: {  	_ =	shalt  }
0x85: {  	_ =	shalt  }
0x86: {  	_ =	shalt  }
0x87: {  	_ =	shalt  }
.Lfunc_end0:
.L_simem_size_0:
called_computation.1_lowered:
.L_overlay_start_0:
0x88: {  	s2 =	sld [smem:$0x3FD9]  }
0x89: {  	s3 =	sld [smem:$0x3FFE];
	_ =	sdelay $0x1  }
0x8a: {  	s1 =	srdreg.scid  }
0x8b: {  	s0 =	sand.u32 $0x1, s1  }
0x8c: {  	s17 =	sshll.u32 s0, $0xA;
	s2 =	sadd.s32 s3, s2  }
0x8d: {  	s2 =	sadd.s32 s2, s17  }
0x8e: {  	[smem:$0x3FA6] =	sst s2  }
0x8f: {  	_ = 	snop  }
0x90: {  	s2 =	sld [smem:$0x3FD0];
	(tm) =	ssettm $0x1  }
0x91: {  	s18 =	sld [smem:$0x3FFB];
	_ =	sdelay $0x3  }
0x92: {  	_ =	strace s18  }
0x93: {  	s3 =	sld [smem:$0x3FFC];
	_ =	sdelay $0x3  }
0x94: {  	_ =	strace s3  }
0x95: {  	s3 =	sld [smem:$0x3FFD];
	_ =	sdelay $0x3  }
0x96: {  	_ =	strace s3  }
0x97: {  	_ =	strace $0x8FFFFFFF  }
0x98: {  	s19 =	sld [smem:$0x3FDB];
	_ =	sdelay $0x1  }
0x99: {  	s4 =	simm.s32 $_scs_section_size  }
0x9a: {  	s5 =	simm.s32 $_size__tile_overlayer_lowered;
	s6 =	simm.s32 $_tile_overlayer_lowered  }
0x9b: {  	s22 =	simm.s32 $0x1BFF;
	s21 =	sshll.u32 s6, $0x1;
	s3 =	sadd.s32 s4, s19  }
0x9c: {  	s7 =	simm.s32 $0x0;
	s20 =	sshll.u32 s5, $0x1;
	s5 =	sadd.s32 s21, s3  }
0x9d: {  	[timem:s7], [sflag:s22] =	dma.local [hbm:s5], s20  }
0x9e: {  	_ =	swait.ge [sflag:s22], s20  }
0x9f: {  	s4 =	ssub.s32 $0x0, s20;
	[sflag:s22] =	ssyncset.done $0x0  }
0xa0: {  	[sflag:s22] =	ssyncadd.s32 s4;
	_ =	sdelay $0x1  }
0xa1: {  	s23 =	simm.s32 $0x1B8B  }
0xa2: {  	_ =	swait.ge [sflag:s23], $0x1  }
0xa3: {  	[sflag:s23] =	ssyncset.done $0x0  }
0xa4: {  	s25 =	simm.s32 $0x1B8E;
	s24 =	sld [smem:$0x3FFE];
	[sflag:s23] =	ssyncadd.s32 $0xFFFFFFFF  }
0xa5: {  	s26 =	simm.s32 $execute0_lowered;
	[smem:$0x3FD2] =	sst s25  }
0xa6: {  	s5 =	sshll.u32 s26, $0x1;
	_ =	strace $0x80000046;
	[dreg:$0x1] =	wrdreg $0xFFFFFFFF  }
0xa7: {  	s28 =	simm.s32 $_size_execute0_lowered;
	s3 =	sadd.s32 s3, s5;
	[dreg:$0x0] =	wrdreg $0x0  }
0xa8: {  	s5 =	sshll.u32 s28, $0x1;
	[dreg:$0x2] =	wrdreg s3  }
0xa9: {  	[dreg:$0x3] =	wrdreg s5  }
0xaa: {  	[dreg:$0x4] =	wrdreg $0xC0  }
0xab: {  	_ =	task [dreg:s7], $0x5FFFF  }
0xac: {  	[dreg:$0x1] =	wrdreg $0xFFFFFFFF  }
0xad: {  	[dreg:$0x0] =	wrdreg $0x60  }
0xae: {  	[dreg:$0x2] =	wrdreg s24  }
0xaf: {  	[dreg:$0x3] =	wrdreg s2  }
0xb0: {  	[dreg:$0x4] =	wrdreg $0x51800  }
0xb1: {  	[dreg:$0x5] =	wrdreg $0x9  }
0xb2: {  	_ =	task.clear_ibuf [dreg:s7], $0x6FFFF;
	_ =	strace $0x90000046  }
0xb3: {  	s29 =	simm.s32 $0x9;
	_ =	strace $0x80000048  }
0xb4: {  	_ =	swait.ge [sflag:s29], $0x1  }
0xb5: {  	[sflag:s29] =	ssyncadd.s32 $0xFFFFFFFF  }
0xb6: {  	_ =	strace $0x90000048  }
0xb7: {  	_ =	sfence  }
0xb8: {  	s30 =	sld [smem:$0x0];
	_ =	sdelay $0x2  }
0xb9: {  	s31 =	sshll.u32 s1, $0xD;
	s1 =	sshrl.u32 s1, $0x2  }
0xba: {  	s3 =	sand.u32 $0x4000, s31;
	s1 =	sadd.s32 s1, s30  }
0xbb: {  	s0 =	sor.u32 s3, s0;
	s1 =	sshll.u32 s1, $0x11  }
0xbc: {  	s0 =	sor.u32 s1, s0  }
0xbd: {  	s0 =	sadd.s32 $0x8F2B, s0  }
0xbe: {  	[sflag:s0] =	ssyncadd.remote.s32 $0x1  }
0xbf: {  	_ =	sfence.sel $0xFFFF  }
0xc0: {  	[dreg:$0x0] =	wrdreg $0xFFFFFFFF;
	(pc) =	sbr.abs _section_cstart, $3  }
0xc1: {  	[dreg:$0x1] =	wrdreg $0xFFFFFFFF  }
0xc2: {  	_ =	task.clear_ibuf [dreg:s7], $0x2FFFF;
	_ =	strace $0x9FFFFFFF  }
0xc3: {  	(tm) =	ssettm $0x7FFFFFFF  }
tec
execute0_lowered:
.L_overlay_start_1:
0x0: {  	(tag) =	ssettag $0x1  }
0x1: {  	s0 =	srdreg.scid;
	s1 =	rddreg [dreg:$0x0]  }
0x2: {  	s24 =	stileid.u32;
	s8 =	rddreg [dreg:$0x1]  }
0x3: {  	s4 =	simm.s32 $0x0;
	s0 =	sand.u32 $0x1, s0;
	s10 =	smul.u32 $0x2800, s24  }
0x4: {  	s28 =	simm.s32 $0x180;
	s9 =	sor.u32 $0x10, s24;
	s7 =	smul.u32 $0x138800, s0  }
0x5: {  	s29 =	simm.s32 $0x2;
	s11 =	sor.u32 $0x20, s24;
	s12 =	smul.u32 $0x2800, s9  }
0x6: {  	s30 =	simm.s32 $0x80;
	s13 =	sor.u32 $0x30, s24;
	s14 =	smul.u32 $0x2800, s11  }
0x7: {  	s31 =	simm.s32 $0x100;
	s19 =	sor.u32 $0x40, s24;
	s15 =	smul.u32 $0x2800, s13  }
0x8: {  	s2 =	sshll.u32 s24, $0x1;
	s21 =	sor.u32 $0x50, s24;
	s16 =	smul.u32 $0x2800, s19  }
0x9: {  	[smem:$0x7FF] =	sst s4;
	s22 =	sor.u32 $0x60, s24;
	s18 =	smul.u32 $0x2800, s21  }
0xa: {  	s5 =	sadd.s32 $0x24E00, s1;
	s23 =	sor.u32 $0x70, s24;
	s26 =	smul.u32 $0x2800, s22  }
0xb: {  	s6 =	sadd.s32 $0x24200, s1;
	s3 =	sor.u32 s0, s2;
	s20 =	smul.u32 $0x2800, s23  }
0xc: {  	s2 =	rddreg [dreg:$0x2];
	s0 =	ssub.s32 $0x2, s0;
	s9 =	smul.u32 $0xA000, s9  }
0xd: {  	_ =	strace $0x80000047;
	s11 =	smul.u32 $0xA000, s11;
	s17 =	sshrl.u32 s0, $0x1  }
0xe: {  	p0 =	sgt.u32 s23, $0x7C;
	s3 =	smul.u32 $0x2710, s3;
	s0 =	ssub.s32 s0, s17  }
0xf: {  	s10 =	sadd.s32 s7, s10;
	s12 =	sadd.s32 s7, s12;
	s14 =	sadd.s32 s7, s14  }
0x10: {  	s15 =	sadd.s32 s7, s15;
	s16 =	sadd.s32 s7, s16;
	s18 =	sadd.s32 s7, s18  }
0x11: {  	s17 =	sadd.s32 s7, s26;
	s20 =	sadd.s32 s7, s20;
	s7 =	sadd.s32 $0x10600, s1  }
0x12: {  	s9 =	sshrl.u32 s9, $0x2;
	s10 =	sshrl.u32 s10, $0x3;
	s12 =	sshrl.u32 s12, $0x3  }
0x13: {  	s25 =	sshrl.u32 s14, $0x3;
	s26 =	sshrl.u32 s15, $0x3;
	s15 =	sshrl.u32 s16, $0x3  }
0x14: {  	s16 =	sshrl.u32 s18, $0x3;
	s17 =	sshrl.u32 s17, $0x3;
	s20 =	sshrl.u32 s20, $0x3  }
0x15: {  	s10 =	sadd.s32 s8, s10;
	s14 =	sadd.s32 s8, s26;
	s18 =	sadd.s32 s8, s17  }
0x16: {  	s17 =	sadd.s32 $0x1A400, s1;
	s26 =	smul.u32 $0xA000, s13;
	[dreg:$0x4] =	wrdreg s10  }
0x17: {  	s13 =	sshrl.u32 s11, $0x2;
	s10 =	sadd.s32 s8, s12;
	[dreg:$0x7] =	wrdreg s14  }
0x18: {  	[dreg:$0xa] =	wrdreg s18;
	s18 =	smax.u32 s0, $0x1;
	s12 =	smul.u32 $0xA000, s21  }
0x19: {  	s14 =	smul.u32 $0xA000, s22;
	s21 =	sadd.s32 s13, s2;
	[dreg:$0x5] =	wrdreg s10  }
0x1a: {  	s10 =	sadd.s32 s8, s25;
	s25 =	smul.u32 $0xA000, s24;
	s0 =	sshrl.u32 s26, $0x2  }
0x1b: {  	[dreg:$0x6] =	wrdreg s10;
	s10 =	sadd.s32 s8, s15;
	s15 =	smul.u32 $0xA000, s23  }
0x1c: {  	s22 =	sadd.s32 s0, s2;
	s24 =	sshrl.u32 s12, $0x2;
	s0 =	simm.s32 $0x2980  }
0x1d: {  	[dreg:$0x8] =	wrdreg s10;
	s10 =	sadd.s32 s8, s16;
	s8 =	sadd.s32 s8, s20  }
0x1e: {  	s16 =	sadd.s32 $0x6800, s1;
	s20 =	sadd.s32 s9, s2;
	[dreg:$0x9] =	wrdreg s10  }
0x1f: {  	s24 =	sadd.s32 s24, s2;
	s1 =	simm.s32 $0x50;
	[dreg:$0xb] =	wrdreg s8  }
0x20: {  	s8 =	sshrl.u32 s25, $0x2;
	s10 =	smul.u32 $0xA000, s19;
	s25 =	sshrl.u32 s14, $0x2  }
0x21: {  	s26 =	sshrl.u32 s15, $0x2;
	s19 =	sadd.s32 s8, s2;
	s25 =	sadd.s32 s25, s2  }
0x22: {  	s26 =	sadd.s32 s26, s2;
	s8 =	simm.s32 $0x1;
	s9 =	sshrl.u32 s10, $0x2  }
0x23: {  	v0 =	vimm.f32 $0.0e+00;
	s10 =	simm.s32 $0x0;
	s23 =	sadd.s32 s9, s2;
	s9 =	simm.s32 $0x3  }
.LBB2_1:
0x24: {  	s11 =	simm.s32 $0x0;
	s12 =	simm.s32 $0x200  }
.LBB2_2:
0x25: {  	p1 =	sne.s32 s12, $0x9E00;
	[tilespmem:s11+$0x1F0] =	vst v0  }
0x26: {  	[tilespmem:s11+$0x180] =	vst v0  }
0x27: {  	[tilespmem:s11+$0x190] =	vst v0  }
.Ltmp0:
0x28: {  	[tilespmem:s11+$0x1A0] =	vst v0;
	(pc) =	sbr.rel @p1 .LBB2_2-.Ltmp0, $4  }
0x29: {  	[tilespmem:s11+$0x1B0] =	vst v0  }
0x2a: {  	[tilespmem:s11+$0x1C0] =	vst v0  }
0x2b: {  	[tilespmem:s11+$0x1D0] =	vst v0  }
0x2c: {  	[tilespmem:s11+$0x1E0] =	vst v0;
	s11 =	sshra.s32 s12, $0x2;
	s12 =	sadd.s32 $0x200, s12  }
0x2d: {  	[tilespmem:s11+$0x1F0] =	vst v0  }
0x2e: {  	[tilespmem:s11+$0x180] =	vst v0  }
0x2f: {  	[tilespmem:s11+$0x190] =	vst v0  }
0x30: {  	[tilespmem:s11+$0x1A0] =	vst v0  }
0x31: {  	[tilespmem:s11+$0x1B0] =	vst v0  }
0x32: {  	[tilespmem:s11+$0x1C0] =	vst v0  }
0x33: {  	[tilespmem:s11+$0x1D0] =	vst v0  }
0x34: {  	[tilespmem:s11+$0x1E0] =	vst v0  }
0x35: {  	[spmem:s19] =	stream.linear.scatter [tilespmem:s28], [sflag:$0x2], $0x2800, $0x38;
	[tilespmem:$0x18A00] =	vst v63  }
0x36: {  	_ =	swait.ge [sflag:s29], $0x2800  }
0x37: {  	[sflag:s29] =	ssyncset.done $0x0  }
0x38: {  	[sflag:s29] =	ssyncadd.s32 $0xFFFFD800  }
0x39: {  	[spmem:s20] =	stream.linear.scatter [tilespmem:s28], [sflag:$0x2], $0x2800, $0x38;
	[tilespmem:$0x18A00] =	vst v63  }
0x3a: {  	_ =	swait.ge [sflag:s29], $0x2800  }
0x3b: {  	[sflag:s29] =	ssyncset.done $0x0  }
0x3c: {  	[sflag:s29] =	ssyncadd.s32 $0xFFFFD800  }
0x3d: {  	[spmem:s21] =	stream.linear.scatter [tilespmem:s28], [sflag:$0x2], $0x2800, $0x38;
	[tilespmem:$0x18A00] =	vst v63  }
0x3e: {  	_ =	swait.ge [sflag:s29], $0x2800  }
0x3f: {  	[sflag:s29] =	ssyncset.done $0x0  }
0x40: {  	[sflag:s29] =	ssyncadd.s32 $0xFFFFD800  }
0x41: {  	[spmem:s22] =	stream.linear.scatter [tilespmem:s28], [sflag:$0x2], $0x2800, $0x38;
	[tilespmem:$0x18A00] =	vst v63  }
0x42: {  	_ =	swait.ge [sflag:s29], $0x2800  }
0x43: {  	[sflag:s29] =	ssyncset.done $0x0  }
0x44: {  	[sflag:s29] =	ssyncadd.s32 $0xFFFFD800  }
0x45: {  	[spmem:s23] =	stream.linear.scatter [tilespmem:s28], [sflag:$0x2], $0x2800, $0x38;
	[tilespmem:$0x18A00] =	vst v63  }
0x46: {  	_ =	swait.ge [sflag:s29], $0x2800  }
0x47: {  	[sflag:s29] =	ssyncset.done $0x0  }
0x48: {  	[sflag:s29] =	ssyncadd.s32 $0xFFFFD800  }
0x49: {  	[spmem:s24] =	stream.linear.scatter [tilespmem:s28], [sflag:$0x2], $0x2800, $0x38;
	[tilespmem:$0x18A00] =	vst v63  }
0x4a: {  	_ =	swait.ge [sflag:s29], $0x2800  }
0x4b: {  	[sflag:s29] =	ssyncset.done $0x0  }
0x4c: {  	[sflag:s29] =	ssyncadd.s32 $0xFFFFD800  }
0x4d: {  	[spmem:s25] =	stream.linear.scatter [tilespmem:s28], [sflag:$0x2], $0x2800, $0x38;
	[tilespmem:$0x18A00] =	vst v63  }
0x4e: {  	_ =	swait.ge [sflag:s29], $0x2800  }
0x4f: {  	[sflag:s29] =	ssyncset.done $0x0  }
0x50: {  	s11 =	simm.s32 @!p0 $0x180;
	[sflag:s29] =	ssyncadd.s32 $0xFFFFD800  }
0x51: {  	[spmem:s26] =	stream.linear.scatter @!p0 [tilespmem:s11], [sflag:$0x2], $0x2800, $0x38;
	[tilespmem:$0x18A00] =	vst v63  }
0x52: {  	s11 =	simm.s32 @!p0 $0x2  }
0x53: {  	_ =	swait.ge @!p0 [sflag:s11], $0x2800  }
0x54: {  	[sflag:s11] =	ssyncset.done @!p0 $0x0  }
0x55: {  	[sflag:s11] =	ssyncadd.s32 @!p0 $0xFFFFD800  }
0x56: {  	s12 =	simm.s32 $0x0;
	s11 =	simm.s32 $0x0;
	[bflag:$0x0] =	sbarrier.arrive $0xFFFF  }
.LBB2_4:
0x57: {  	s13 =	smul.u32 $0x50, s12;
	_ =	sdelay $0x1  }
0x58: {  	s13 =	sadd.s32 s3, s13  }
0x59: {  	s13 =	sshrl.u32 s13, $0x3  }
0x5a: {  	s14 =	sadd.s32 s7, s13  }
0x5b: {  	[tilespmem:s11], [sflag:$0x2] =	stream.linear.gather [hbm4b:s14+s11], $0x50, $0x38;
	[tilespmem:$0x18A00] =	vst v63  }
0x5c: {  	_ =	swait.ge [sflag:s29], $0x50  }
0x5d: {  	[sflag:s29] =	ssyncset.done $0x0  }
0x5e: {  	s15 =	sadd.s32 s16, s13;
	[sflag:s29] =	ssyncadd.s32 $0xFFFFFFB0  }
0x5f: {  	[tilespmem:s30], [sflag:$0x2] =	stream.linear.gather [hbm4b:s15+s11], $0x50, $0x38;
	[tilespmem:$0x18A00] =	vst v63  }
0x60: {  	_ =	swait.ge [sflag:s29], $0x50  }
0x61: {  	[sflag:s29] =	ssyncset.done $0x0  }
0x62: {  	s13 =	sadd.s32 s17, s13;
	[sflag:s29] =	ssyncadd.s32 $0xFFFFFFB0  }
0x63: {  	[tilespmem:s31], [sflag:$0x2] =	stream.linear.gather [hbm4b:s13+s11], $0x50, $0x38;
	[tilespmem:$0x18A00] =	vst v63  }
0x64: {  	_ =	swait.ge [sflag:s29], $0x50  }
0x65: {  	[sflag:s29] =	ssyncset.done $0x0  }
0x66: {  	[sflag:s29] =	ssyncadd.s32 $0xFFFFFFB0  }
0x67: {  	[tilespmem:s28], [sflag:$0x1] =	stream.indirect.gather [hbm4b:s5+s1], $0x80, s11, s1, $0xb8;
	[tilespmem:$0x18A00] =	vst v63  }
0x68: {  	_ = 	snop  }
0x69: {  	[tilespmem:s0], [sflag:$0x1] =	stream.indirect.gather [hbm4b:s6+s1], $0x80, s31, s1, $0xb8;
	[tilespmem:$0x18A00] =	vst v63  }
0x6a: {  	_ =	swait.ge [sflag:s8], $0x2800  }
0x6b: {  	[sflag:s8] =	ssyncset.done $0x0  }
0x6c: {  	[sflag:s8] =	ssyncadd.s32 $0xFFFFD800  }
0x6d: {  	_ =	swait.ge [sflag:s8], $0x2800  }
0x6e: {  	[sflag:s8] =	ssyncset.done $0x0  }
0x6f: {  	s13 =	simm.s32 $0x0;
	[sflag:s8] =	ssyncadd.s32 $0xFFFFD800  }
0x70: {  	v8 =	vld [tilespmem:s13+$0x2980]  }
0x71: {  	v12 =	vld [tilespmem:s13+$0x2990]  }
0x72: {  	v6 =	vld [tilespmem:s13+$0x29A0]  }
0x73: {  	v5 =	vld [tilespmem:s13+$0x29B0]  }
0x74: {  	v4 =	vld [tilespmem:s13+$0x29C0]  }
0x75: {  	v3 =	vld [tilespmem:s13+$0x29D0]  }
0x76: {  	v2 =	vld [tilespmem:s13+$0x29E0]  }
0x77: {  	v1 =	vld [tilespmem:s13+$0x29F0]  }
0x78: {  	v13 =	vld [tilespmem:s13+$0x180]  }
0x79: {  	v14 =	vld [tilespmem:s13+$0x190]  }
0x7a: {  	v11 =	vld [tilespmem:s13+$0x1A0]  }
0x7b: {  	v10 =	vld [tilespmem:s13+$0x1B0]  }
0x7c: {  	v9 =	vld [tilespmem:s13+$0x1C0]  }
0x7d: {  	v7 =	vld [tilespmem:s13+$0x1D0];
	v13 =	vadd.f32 v8, v13  }
0x7e: {  	s14 =	simm.s32 $0x200;
	v12 =	vadd.f32 v12, v14;
	v8 =	vld [tilespmem:s13+$0x1E0]  }
.LBB2_5:
0x7f: {  	s15 =	sshra.s32 s14, $0x2;
	p1 =	sne.s32 s14, $0x9E00;
	[tilespmem:s13+$0x180] =	vst v13;
	v6 =	vadd.f32 v6, v11;
	v11 =	vld [tilespmem:s13+$0x1F0]  }
0x80: {  	v13 =	vld [tilespmem:s15+$0x2980];
	[tilespmem:s13+$0x190] =	vst v12;
	v5 =	vadd.f32 v5, v10  }
0x81: {  	v12 =	vld [tilespmem:s15+$0x2990];
	[tilespmem:s13+$0x1A0] =	vst v6;
	v4 =	vadd.f32 v4, v9  }
0x82: {  	v6 =	vld [tilespmem:s15+$0x29A0];
	[tilespmem:s13+$0x1B0] =	vst v5;
	v3 =	vadd.f32 v3, v7  }
0x83: {  	v5 =	vld [tilespmem:s15+$0x29B0];
	[tilespmem:s13+$0x1C0] =	vst v4;
	v2 =	vadd.f32 v2, v8  }
0x84: {  	v4 =	vld [tilespmem:s15+$0x29C0];
	[tilespmem:s13+$0x1D0] =	vst v3;
	v1 =	vadd.f32 v1, v11  }
0x85: {  	v3 =	vld [tilespmem:s15+$0x29D0];
	[tilespmem:s13+$0x1E0] =	vst v2  }
0x86: {  	v2 =	vld [tilespmem:s15+$0x29E0];
	[tilespmem:s13+$0x1F0] =	vst v1;
	s13 =	smov.u32 s15  }
0x87: {  	v1 =	vld [tilespmem:s13+$0x29F0]  }
0x88: {  	v7 =	vld [tilespmem:s13+$0x180]  }
0x89: {  	v8 =	vld [tilespmem:s13+$0x190]  }
.Ltmp1:
0x8a: {  	v11 =	vld [tilespmem:s13+$0x1A0];
	(pc) =	sbr.rel @p1 .LBB2_5-.Ltmp1, $4  }
0x8b: {  	v10 =	vld [tilespmem:s13+$0x1B0]  }
0x8c: {  	v9 =	vld [tilespmem:s13+$0x1C0]  }
0x8d: {  	v13 =	vadd.f32 v13, v7;
	v7 =	vld [tilespmem:s13+$0x1D0]  }
0x8e: {  	s14 =	sadd.s32 $0x200, s14;
	v12 =	vadd.f32 v12, v8;
	v8 =	vld [tilespmem:s13+$0x1E0]  }
0x8f: {  	[tilespmem:s13+$0x180] =	vst v13;
	v6 =	vadd.f32 v6, v11;
	v63 =	vld [tilespmem:s13+$0x1F0]  }
0x90: {  	[tilespmem:s13+$0x190] =	vst v12;
	v5 =	vadd.f32 v5, v10  }
0x91: {  	[tilespmem:s13+$0x1A0] =	vst v6;
	v4 =	vadd.f32 v4, v9  }
0x92: {  	[tilespmem:s13+$0x1B0] =	vst v5;
	v3 =	vadd.f32 v3, v7  }
0x93: {  	[tilespmem:s13+$0x1C0] =	vst v4;
	v2 =	vadd.f32 v2, v8  }
0x94: {  	s12 =	sadd.s32 $0x1, s12;
	[tilespmem:s13+$0x1D0] =	vst v3;
	v1 =	vadd.f32 v1, v63  }
0x95: {  	p1 =	sne.s32 s12, $0x7D;
	[tilespmem:s13+$0x1E0] =	vst v2  }
.Ltmp2:
0x96: {  	[tilespmem:s13+$0x1F0] =	vst v1;
	(pc) =	sbr.rel @p1 .LBB2_4-.Ltmp2, $4  }
0x97: {  	[spmem:s2] =	stream.indirect.scatter.add.f32 [tilespmem:s28], [sflag:$0x2], $0x80, s30, s1, $0xb8;
	[tilespmem:$0x18A00] =	vst v63  }
0x98: {  	_ =	swait.ge [sflag:s29], $0x2800  }
0x99: {  	[sflag:s29] =	ssyncset.done $0x0  }
0x9a: {  	[sflag:s29] =	ssyncadd.s32 $0xFFFFD800  }
0x9b: {  	[bflag:$0x0] =	sbarrier.arrive $0xFFFF  }
0x9c: {  	[tilespmem:s28], [sflag:$0x3] =	stream.linear.gather [spmem:s19], $0x2800, $0x38;
	[tilespmem:$0x18A00] =	vst v63  }
0x9d: {  	_ =	swait.ge [sflag:s9], $0x2800  }
0x9e: {  	[sflag:s9] =	ssyncset.done $0x0  }
0x9f: {  	s11 =	rddreg [dreg:$0x4];
	[sflag:s9] =	ssyncadd.s32 $0xFFFFD800  }
0xa0: {  	[hbm4b:s11+s4] =	stream.linear.scatter [tilespmem:s28], [sflag:$0x2], $0x2800, $0x38;
	[tilespmem:$0x18A00] =	vst v63  }
0xa1: {  	_ =	swait.ge [sflag:s29], $0x2800  }
0xa2: {  	[sflag:s29] =	ssyncset.done $0x0  }
0xa3: {  	[sflag:s29] =	ssyncadd.s32 $0xFFFFD800  }
0xa4: {  	[tilespmem:s28], [sflag:$0x3] =	stream.linear.gather [spmem:s20], $0x2800, $0x38;
	[tilespmem:$0x18A00] =	vst v63  }
0xa5: {  	_ =	swait.ge [sflag:s9], $0x2800  }
0xa6: {  	[sflag:s9] =	ssyncset.done $0x0  }
0xa7: {  	s14 =	rddreg [dreg:$0x5];
	[sflag:s9] =	ssyncadd.s32 $0xFFFFD800  }
0xa8: {  	[hbm4b:s14+s4] =	stream.linear.scatter [tilespmem:s28], [sflag:$0x2], $0x2800, $0x38;
	[tilespmem:$0x18A00] =	vst v63  }
0xa9: {  	_ =	swait.ge [sflag:s29], $0x2800  }
0xaa: {  	[sflag:s29] =	ssyncset.done $0x0  }
0xab: {  	[sflag:s29] =	ssyncadd.s32 $0xFFFFD800  }
0xac: {  	[tilespmem:s28], [sflag:$0x3] =	stream.linear.gather [spmem:s21], $0x2800, $0x38;
	[tilespmem:$0x18A00] =	vst v63  }
0xad: {  	_ =	swait.ge [sflag:s9], $0x2800  }
0xae: {  	[sflag:s9] =	ssyncset.done $0x0  }
0xaf: {  	s15 =	rddreg [dreg:$0x6];
	[sflag:s9] =	ssyncadd.s32 $0xFFFFD800  }
0xb0: {  	[hbm4b:s15+s4] =	stream.linear.scatter [tilespmem:s28], [sflag:$0x2], $0x2800, $0x38;
	[tilespmem:$0x18A00] =	vst v63  }
0xb1: {  	_ =	swait.ge [sflag:s29], $0x2800  }
0xb2: {  	[sflag:s29] =	ssyncset.done $0x0  }
0xb3: {  	[sflag:s29] =	ssyncadd.s32 $0xFFFFD800  }
0xb4: {  	[tilespmem:s28], [sflag:$0x3] =	stream.linear.gather [spmem:s22], $0x2800, $0x38;
	[tilespmem:$0x18A00] =	vst v63  }
0xb5: {  	_ =	swait.ge [sflag:s9], $0x2800  }
0xb6: {  	[sflag:s9] =	ssyncset.done $0x0  }
0xb7: {  	s12 =	rddreg [dreg:$0x7];
	[sflag:s9] =	ssyncadd.s32 $0xFFFFD800  }
0xb8: {  	[hbm4b:s12+s4] =	stream.linear.scatter [tilespmem:s28], [sflag:$0x2], $0x2800, $0x38;
	[tilespmem:$0x18A00] =	vst v63  }
0xb9: {  	_ =	swait.ge [sflag:s29], $0x2800  }
0xba: {  	[sflag:s29] =	ssyncset.done $0x0  }
0xbb: {  	[sflag:s29] =	ssyncadd.s32 $0xFFFFD800  }
0xbc: {  	[tilespmem:s28], [sflag:$0x3] =	stream.linear.gather [spmem:s23], $0x2800, $0x38;
	[tilespmem:$0x18A00] =	vst v63  }
0xbd: {  	_ =	swait.ge [sflag:s9], $0x2800  }
0xbe: {  	[sflag:s9] =	ssyncset.done $0x0  }
0xbf: {  	s13 =	rddreg [dreg:$0x8];
	[sflag:s9] =	ssyncadd.s32 $0xFFFFD800  }
0xc0: {  	[hbm4b:s13+s4] =	stream.linear.scatter [tilespmem:s28], [sflag:$0x2], $0x2800, $0x38;
	[tilespmem:$0x18A00] =	vst v63  }
0xc1: {  	_ =	swait.ge [sflag:s29], $0x2800  }
0xc2: {  	[sflag:s29] =	ssyncset.done $0x0  }
0xc3: {  	[sflag:s29] =	ssyncadd.s32 $0xFFFFD800  }
0xc4: {  	[tilespmem:s28], [sflag:$0x3] =	stream.linear.gather [spmem:s24], $0x2800, $0x38;
	[tilespmem:$0x18A00] =	vst v63  }
0xc5: {  	_ =	swait.ge [sflag:s9], $0x2800  }
0xc6: {  	[sflag:s9] =	ssyncset.done $0x0  }
0xc7: {  	s14 =	rddreg [dreg:$0x9];
	[sflag:s9] =	ssyncadd.s32 $0xFFFFD800  }
0xc8: {  	[hbm4b:s14+s4] =	stream.linear.scatter [tilespmem:s28], [sflag:$0x2], $0x2800, $0x38;
	[tilespmem:$0x18A00] =	vst v63  }
0xc9: {  	_ =	swait.ge [sflag:s29], $0x2800  }
0xca: {  	[sflag:s29] =	ssyncset.done $0x0  }
0xcb: {  	[sflag:s29] =	ssyncadd.s32 $0xFFFFD800  }
0xcc: {  	[tilespmem:s28], [sflag:$0x3] =	stream.linear.gather [spmem:s25], $0x2800, $0x38;
	[tilespmem:$0x18A00] =	vst v63  }
0xcd: {  	_ =	swait.ge [sflag:s9], $0x2800  }
0xce: {  	[sflag:s9] =	ssyncset.done $0x0  }
0xcf: {  	s15 =	rddreg [dreg:$0xa];
	[sflag:s9] =	ssyncadd.s32 $0xFFFFD800  }
0xd0: {  	[hbm4b:s15+s4] =	stream.linear.scatter [tilespmem:s28], [sflag:$0x2], $0x2800, $0x38;
	[tilespmem:$0x18A00] =	vst v63  }
0xd1: {  	_ =	swait.ge [sflag:s29], $0x2800  }
0xd2: {  	[sflag:s29] =	ssyncset.done $0x0  }
0xd3: {  	s11 =	simm.s32 @!p0 $0x180;
	s12 =	simm.s32 @!p0 $0x3;
	[sflag:s29] =	ssyncadd.s32 $0xFFFFD800  }
0xd4: {  	[tilespmem:s11], [sflag:$0x3] =	stream.linear.gather @!p0 [spmem:s26], $0x2800, $0x38;
	[tilespmem:$0x18A00] =	vst v63  }
0xd5: {  	s10 =	sadd.s32 $0x1, s10;
	_ =	swait.ge @!p0 [sflag:s12], $0x2800  }
0xd6: {  	p1 =	sne.s32 s10, s18;
	[sflag:s12] =	ssyncset.done @!p0 $0x0  }
0xd7: {  	s13 =	rddreg [dreg:$0xb];
	[sflag:s12] =	ssyncadd.s32 @!p0 $0xFFFFD800;
	s12 =	simm.s32 @!p0 $0x0  }
0xd8: {  	[hbm4b:s13+s12] =	stream.linear.scatter @!p0 [tilespmem:s11], [sflag:$0x2], $0x2800, $0x38;
	[tilespmem:$0x18A00] =	vst v63  }
.Ltmp3:
0xd9: {  	_ = 	snop;
	(pc) =	sbr.rel @p1 .LBB2_1-.Ltmp3, $4  }
0xda: {  	s11 =	simm.s32 @!p0 $0x2  }
0xdb: {  	_ =	swait.ge @!p0 [sflag:s11], $0x2800  }
0xdc: {  	[sflag:s11] =	ssyncset.done @!p0 $0x0  }
0xdd: {  	[sflag:s11] =	ssyncadd.s32 @!p0 $0xFFFFD800  }
0xde: {  	_ =	sfence.sel $0x180000  }
0xdf: {  	[bflag:$0x0] =	sbarrier.arrive $0xFFFF  }
0xe0: {  	_ =	strace $0x90000047  }
0xe1: {  	s0 =	stileid.u32;
	[bflag:$0x2] =	sbarrier.arrive $0xFFFF  }
0xe2: {  	p0 =	sne.s32 s0, $0x0;
	s0 =	rddreg [dreg:$0x3]  }
0xe3: {  	s0 =	sadd.s32 @!p0 $0x100000, s0  }
0xe4: {  	[sflag:s0] =	ssyncadd.tile.s32 @!p0 $0x1;
	_ =	shalt  }
.Lfunc_end2:
_tile_overlayer_lowered:
.L_overlay_start_2:
0xe5: {  	(tag) =	ssettag $0x2  }
0xe6: {  	s0 =	rddreg [dreg:$0x0];
	s2 =	stileid.u32  }
0xe7: {  	s1 =	rddreg [dreg:$0x1];
	p0 =	sne.s32 s2, $0x0  }
0xe8: {  	s3 =	rddreg [dreg:$0x2];
	[bflag:$0x3] =	sbarrier.arrive $0xFFFF;
	s2 =	simm.s32 @!p0 $0x1C02  }
0xe9: {  	[timem:s3], [sflag:s2] =	dma.local @!p0 [hbm:s0], s1  }
0xea: {  	s0 =	simm.s32 @!p0 $0x2  }
0xeb: {  	_ =	swait.ge @!p0 [sflag:s0], s1  }
0xec: {  	s1 =	ssub.s32 @!p0 $0x0, s1;
	[sflag:s0] =	ssyncset.done @!p0 $0x0  }
0xed: {  	[sflag:s0] =	ssyncadd.s32 @!p0 s1  }
0xee: {  	[bflag:$0x3] =	sbarrier.arrive $0xFFFF  }
0xef: {  	_ =	shalt  }

// kernel: kernel.18.cloned.1.call-start
scs
__scs_entry_jumppad:
0x0: {  	(pc) =	sbr.rel $0x88, $3  }
0x1: {  	(tag) =	ssettag $0x0;
	lr =	simm.s32 $0x1  }
0x2: {  	[smem:$0x3F7F] =	sst lr;
	_ =	strace $0xD0000000  }
0x3: {  	_ = 	snop  }
0x4: {  	_ = 	snop  }
0x5: {  	_ = 	snop  }
0x6: {  	_ = 	snop  }
0x7: {  	_ = 	snop  }
__scs_overlays_trampoline_lowered:
0x8: {  	[smem:$0x3F8E] =	sst s0  }
0x9: {  	[smem:$0x3F8F] =	sst s1  }
0xa: {  	[smem:$0x3F90] =	sst s2  }
0xb: {  	[smem:$0x3F91] =	sst s3  }
0xc: {  	[smem:$0x3F92] =	sst s4  }
0xd: {  	[smem:$0x3F93] =	sst s5  }
0xe: {  	[smem:$0x3F94] =	sst s6  }
0xf: {  	[smem:$0x3F95] =	sst s7  }
0x10: {  	[smem:$0x3F96] =	sst s8  }
0x11: {  	[smem:$0x3F97] =	sst s9;
	s0 =	simm.s32 @!p0 $0x0  }
0x12: {  	s1 =	sld [smem:$0x3F7D];
	s0 =	simm.s32 @p0 $0x1  }
0x13: {  	[smem:$0x3F98] =	sst s0;
	s0 =	simm.s32 @!p1 $0x0  }
0x14: {  	s2 =	sld [smem:$0x3F7C];
	s0 =	simm.s32 @p1 $0x1  }
0x15: {  	[smem:$0x3F99] =	sst s0;
	s0 =	simm.s32 @!p2 $0x0  }
0x16: {  	s3 =	sld [smem:$0x3FDB];
	s0 =	simm.s32 @p2 $0x1  }
0x17: {  	s4 =	simm.s32 $0x1BF5;
	[smem:$0x3F9B] =	sst s0  }
0x18: {  	s0 =	sld [smem:$0x3F7E];
	_ =	swait.ge [sflag:s4], $0x0  }
0x19: {  	s7 =	sld [smem:$0x3F7F]  }
0x1a: {  	s8 =	sadd.s32 $0xFFFFE003, lr  }
0x1b: {  	s9 =	sadd.s32 $0xFFFFFEF7, lr;
	s5 =	simm.s32 $0xFFFFFFFF;
	p2 =	slt.u32 s8, $0xFFFFF086  }
0x1c: {  	p1 =	slt.u32 s9, $0xF7A;
	s5 =	simm.s32 @!p2 $0x0  }
0x1d: {  	s5 =	simm.s32 @p1 $0x1;
	p0 =	seq.s32 s7, s2  }
0x1e: {  	s7 =	smul.u32 @!p0 $0xF7A, s2;
	p2 =	seq.s32 @!p0 s5, $0x0  }
0x1f: {  	s9 =	smul.u32 $0xF7A, s1;
	s8 =	simm.s32 @!p0 $0x1BF5;
	p2 =	por !p2, p0  }
0x20: {  	[sflag:s8] =	ssyncset.s32 @!p0 $0xFFFFF086;
	s6 =	sadd.s32 @!p0 s3, s7;
	s7 =	simm.s32 @!p0 $0x108  }
0x21: {  	s3 =	sadd.s32 s3, s9;
	s6 =	sadd.s32 @!p0 $0x88, s6;
	s7 =	simm.s32 @p2 $0x1082  }
0x22: {  	[simem:s7], [sflag:s8] =	dma.local @!p0 [hbm:s6], $0xF7A  }
0x23: {  	s9 =	sor.u32 $0xD0000000, s2;
	s6 =	simm.s32 $0x108;
	_ =	swait.ge @!p0 [sflag:s8], $0x0  }
0x24: {  	s3 =	sadd.s32 $0x88, s3;
	s6 =	simm.s32 @!p1 $0x1082;
	[sflag:s4] =	ssyncset.s32 $0xFFFFF086  }
0x25: {  	[simem:s6], [sflag:s4] =	dma.local [hbm:s3], $0xF7A  }
0x26: {  	[smem:$0x3F7F] =	sst s1;
	(tag) =	ssettag s2;
	_ =	strace s9  }
0x27: {  	s1 =	sld [smem:$0x3F8F]  }
0x28: {  	s2 =	sld [smem:$0x3F90]  }
0x29: {  	s4 =	sld [smem:$0x3F92]  }
0x2a: {  	p0 =	seq.s32 s5, $0x0;
	s5 =	sld [smem:$0x3F93]  }
0x2b: {  	s6 =	sld [smem:$0x3F94]  }
0x2c: {  	s7 =	sld [smem:$0x3F95]  }
0x2d: {  	s3 =	simm.s32 $0x108;
	s8 =	sld [smem:$0x3F96]  }
0x2e: {  	s3 =	simm.s32 @!p0 $0x1082;
	s9 =	sld [smem:$0x3F97]  }
0x2f: {  	lr =	sadd.s32 s0, s3;
	s0 =	sld [smem:$0x3F8E]  }
0x30: {  	s3 =	sld [smem:$0x3F91]  }
0x31: {  	[smem:$0x3F9A] =	sst s10  }
0x32: {  	s10 =	sld [smem:$0x3F98];
	_ =	sdelay $0x3  }
0x33: {  	p0 =	seq.s32 s10, $0x1;
	s10 =	sld [smem:$0x3F9A];
	_ =	sdelay $0x3  }
0x34: {  	[smem:$0x3F9A] =	sst s10  }
0x35: {  	s10 =	sld [smem:$0x3F99];
	_ =	sdelay $0x3  }
0x36: {  	p1 =	seq.s32 s10, $0x1;
	s10 =	sld [smem:$0x3F9A];
	_ =	sdelay $0x3  }
0x37: {  	[smem:$0x3F9A] =	sst s10  }
0x38: {  	s10 =	sld [smem:$0x3F9B]  }
0x39: {  	_ = 	snop;
	(pc) =	sbr.ind lr, $3  }
0x3a: {  	_ = 	snop  }
0x3b: {  	_ = 	snop  }
0x3c: {  	p2 =	seq.s32 s10, $0x1;
	s10 =	sld [smem:$0x3F9A]  }
0x3d: {  	_ =	shalt  }
0x3e: {  	_ =	shalt  }
0x3f: {  	_ =	shalt  }
0x40: {  	_ =	shalt  }
0x41: {  	_ =	shalt  }
0x42: {  	_ =	shalt  }
0x43: {  	_ =	shalt  }
0x44: {  	_ =	shalt  }
0x45: {  	_ =	shalt  }
0x46: {  	_ =	shalt  }
0x47: {  	_ =	shalt  }
0x48: {  	_ =	shalt  }
0x49: {  	_ =	shalt  }
0x4a: {  	_ =	shalt  }
0x4b: {  	_ =	shalt  }
0x4c: {  	_ =	shalt  }
0x4d: {  	_ =	shalt  }
0x4e: {  	_ =	shalt  }
0x4f: {  	_ =	shalt  }
0x50: {  	_ =	shalt  }
0x51: {  	_ =	shalt  }
0x52: {  	_ =	shalt  }
0x53: {  	_ =	shalt  }
0x54: {  	_ =	shalt  }
0x55: {  	_ =	shalt  }
0x56: {  	_ =	shalt  }
0x57: {  	_ =	shalt  }
0x58: {  	_ =	shalt  }
0x59: {  	_ =	shalt  }
0x5a: {  	_ =	shalt  }
0x5b: {  	_ =	shalt  }
0x5c: {  	_ =	shalt  }
0x5d: {  	_ =	shalt  }
0x5e: {  	_ =	shalt  }
0x5f: {  	_ =	shalt  }
0x60: {  	_ =	shalt  }
0x61: {  	_ =	shalt  }
0x62: {  	_ =	shalt  }
0x63: {  	_ =	shalt  }
0x64: {  	_ =	shalt  }
0x65: {  	_ =	shalt  }
0x66: {  	_ =	shalt  }
0x67: {  	_ =	shalt  }
0x68: {  	_ =	shalt  }
0x69: {  	_ =	shalt  }
0x6a: {  	_ =	shalt  }
0x6b: {  	_ =	shalt  }
0x6c: {  	_ =	shalt  }
0x6d: {  	_ =	shalt  }
0x6e: {  	_ =	shalt  }
0x6f: {  	_ =	shalt  }
0x70: {  	_ =	shalt  }
0x71: {  	_ =	shalt  }
0x72: {  	_ =	shalt  }
0x73: {  	_ =	shalt  }
0x74: {  	_ =	shalt  }
0x75: {  	_ =	shalt  }
0x76: {  	_ =	shalt  }
0x77: {  	_ =	shalt  }
0x78: {  	_ =	shalt  }
0x79: {  	_ =	shalt  }
0x7a: {  	_ =	shalt  }
0x7b: {  	_ =	shalt  }
0x7c: {  	_ =	shalt  }
0x7d: {  	_ =	shalt  }
0x7e: {  	_ =	shalt  }
0x7f: {  	_ =	shalt  }
0x80: {  	_ =	shalt  }
0x81: {  	_ =	shalt  }
0x82: {  	_ =	shalt  }
0x83: {  	_ =	shalt  }
0x84: {  	_ =	shalt  }
0x85: {  	_ =	shalt  }
0x86: {  	_ =	shalt  }
0x87: {  	_ =	shalt  }
.Lfunc_end0:
.L_simem_size_0:
called_computation.2_lowered:
.L_overlay_start_0:
0x88: {  	s2 =	sld [smem:$0x3FD9]  }
0x89: {  	s3 =	sld [smem:$0x3FFE];
	_ =	sdelay $0x1  }
0x8a: {  	s1 =	srdreg.scid  }
0x8b: {  	s0 =	sand.u32 $0x1, s1  }
0x8c: {  	s17 =	sshll.u32 s0, $0xA;
	s2 =	sadd.s32 s3, s2  }
0x8d: {  	s2 =	sadd.s32 s2, s17  }
0x8e: {  	[smem:$0x3FA6] =	sst s2  }
0x8f: {  	_ = 	snop  }
0x90: {  	s2 =	sld [smem:$0x3FD0];
	(tm) =	ssettm $0x1  }
0x91: {  	s18 =	sld [smem:$0x3FFB];
	_ =	sdelay $0x3  }
0x92: {  	_ =	strace s18  }
0x93: {  	s3 =	sld [smem:$0x3FFC];
	_ =	sdelay $0x3  }
0x94: {  	_ =	strace s3  }
0x95: {  	s3 =	sld [smem:$0x3FFD];
	_ =	sdelay $0x3  }
0x96: {  	_ =	strace s3  }
0x97: {  	_ =	strace $0x8FFFFFFF  }
0x98: {  	s19 =	sld [smem:$0x3FDB];
	_ =	sdelay $0x1  }
0x99: {  	s4 =	simm.s32 $_scs_section_size  }
0x9a: {  	s5 =	simm.s32 $_size__tile_overlayer_lowered;
	s6 =	simm.s32 $_tile_overlayer_lowered  }
0x9b: {  	s22 =	simm.s32 $0x1BFF;
	s21 =	sshll.u32 s6, $0x1;
	s3 =	sadd.s32 s4, s19  }
0x9c: {  	s7 =	simm.s32 $0x0;
	s20 =	sshll.u32 s5, $0x1;
	s5 =	sadd.s32 s21, s3  }
0x9d: {  	[timem:s7], [sflag:s22] =	dma.local [hbm:s5], s20  }
0x9e: {  	_ =	swait.ge [sflag:s22], s20  }
0x9f: {  	s4 =	ssub.s32 $0x0, s20;
	[sflag:s22] =	ssyncset.done $0x0  }
0xa0: {  	[sflag:s22] =	ssyncadd.s32 s4;
	_ =	sdelay $0x1  }
0xa1: {  	s23 =	simm.s32 $0x1B8B  }
0xa2: {  	_ =	swait.ge [sflag:s23], $0x1  }
0xa3: {  	[sflag:s23] =	ssyncset.done $0x0  }
0xa4: {  	s25 =	simm.s32 $0x1B8E;
	s24 =	sld [smem:$0x3FFE];
	[sflag:s23] =	ssyncadd.s32 $0xFFFFFFFF  }
0xa5: {  	s26 =	simm.s32 $execute0_lowered;
	[smem:$0x3FD2] =	sst s25  }
0xa6: {  	s5 =	sshll.u32 s26, $0x1;
	_ =	strace $0x80000049;
	[dreg:$0x1] =	wrdreg $0xFFFFFFFF  }
0xa7: {  	s28 =	simm.s32 $_size_execute0_lowered;
	s3 =	sadd.s32 s3, s5;
	[dreg:$0x0] =	wrdreg $0x0  }
0xa8: {  	s5 =	sshll.u32 s28, $0x1;
	[dreg:$0x2] =	wrdreg s3  }
0xa9: {  	[dreg:$0x3] =	wrdreg s5  }
0xaa: {  	[dreg:$0x4] =	wrdreg $0xC0  }
0xab: {  	_ =	task [dreg:s7], $0x5FFFF  }
0xac: {  	[dreg:$0x1] =	wrdreg $0xFFFFFFFF  }
0xad: {  	[dreg:$0x0] =	wrdreg $0x60  }
0xae: {  	[dreg:$0x2] =	wrdreg s24  }
0xaf: {  	[dreg:$0x3] =	wrdreg s2  }
0xb0: {  	[dreg:$0x4] =	wrdreg $0x51800  }
0xb1: {  	[dreg:$0x5] =	wrdreg $0x9  }
0xb2: {  	_ =	task.clear_ibuf [dreg:s7], $0x6FFFF;
	_ =	strace $0x90000049  }
0xb3: {  	s29 =	simm.s32 $0x9;
	_ =	strace $0x8000004B  }
0xb4: {  	_ =	swait.ge [sflag:s29], $0x1  }
0xb5: {  	[sflag:s29] =	ssyncadd.s32 $0xFFFFFFFF  }
0xb6: {  	_ =	strace $0x9000004B  }
0xb7: {  	_ =	sfence  }
0xb8: {  	s30 =	sld [smem:$0x0];
	_ =	sdelay $0x2  }
0xb9: {  	s31 =	sshll.u32 s1, $0xD;
	s1 =	sshrl.u32 s1, $0x2  }
0xba: {  	s3 =	sand.u32 $0x4000, s31;
	s1 =	sadd.s32 s1, s30  }
0xbb: {  	s0 =	sor.u32 s3, s0;
	s1 =	sshll.u32 s1, $0x11  }
0xbc: {  	s0 =	sor.u32 s1, s0  }
0xbd: {  	s0 =	sadd.s32 $0x8F2B, s0  }
0xbe: {  	[sflag:s0] =	ssyncadd.remote.s32 $0x1  }
0xbf: {  	_ =	sfence.sel $0xFFFF  }
0xc0: {  	[dreg:$0x0] =	wrdreg $0xFFFFFFFF;
	(pc) =	sbr.abs _section_cstart, $3  }
0xc1: {  	[dreg:$0x1] =	wrdreg $0xFFFFFFFF  }
0xc2: {  	_ =	task.clear_ibuf [dreg:s7], $0x2FFFF;
	_ =	strace $0x9FFFFFFF  }
0xc3: {  	(tm) =	ssettm $0x7FFFFFFF  }
tec
execute0_lowered:
.L_overlay_start_1:
0x0: {  	(tag) =	ssettag $0x1  }
0x1: {  	s0 =	srdreg.scid;
	s1 =	rddreg [dreg:$0x0]  }
0x2: {  	s24 =	stileid.u32;
	s8 =	rddreg [dreg:$0x1]  }
0x3: {  	s4 =	simm.s32 $0x0;
	s0 =	sand.u32 $0x1, s0;
	s10 =	smul.u32 $0x2800, s24  }
0x4: {  	s28 =	simm.s32 $0x180;
	s9 =	sor.u32 $0x10, s24;
	s7 =	smul.u32 $0x138800, s0  }
0x5: {  	s29 =	simm.s32 $0x2;
	s11 =	sor.u32 $0x20, s24;
	s12 =	smul.u32 $0x2800, s9  }
0x6: {  	s30 =	simm.s32 $0x80;
	s13 =	sor.u32 $0x30, s24;
	s14 =	smul.u32 $0x2800, s11  }
0x7: {  	s31 =	simm.s32 $0x100;
	s19 =	sor.u32 $0x40, s24;
	s15 =	smul.u32 $0x2800, s13  }
0x8: {  	s2 =	sshll.u32 s24, $0x1;
	s21 =	sor.u32 $0x50, s24;
	s16 =	smul.u32 $0x2800, s19  }
0x9: {  	[smem:$0x7FF] =	sst s4;
	s22 =	sor.u32 $0x60, s24;
	s18 =	smul.u32 $0x2800, s21  }
0xa: {  	s5 =	sadd.s32 $0x24200, s1;
	s23 =	sor.u32 $0x70, s24;
	s26 =	smul.u32 $0x2800, s22  }
0xb: {  	s6 =	sadd.s32 $0x4C000, s1;
	s3 =	sor.u32 s0, s2;
	s20 =	smul.u32 $0x2800, s23  }
0xc: {  	s2 =	rddreg [dreg:$0x2];
	s0 =	ssub.s32 $0x2, s0;
	s9 =	smul.u32 $0xA000, s9  }
0xd: {  	_ =	strace $0x8000004A;
	s11 =	smul.u32 $0xA000, s11;
	s17 =	sshrl.u32 s0, $0x1  }
0xe: {  	p0 =	sgt.u32 s23, $0x7C;
	s3 =	smul.u32 $0x2710, s3;
	s0 =	ssub.s32 s0, s17  }
0xf: {  	s10 =	sadd.s32 s7, s10;
	s12 =	sadd.s32 s7, s12;
	s14 =	sadd.s32 s7, s14  }
0x10: {  	s15 =	sadd.s32 s7, s15;
	s16 =	sadd.s32 s7, s16;
	s18 =	sadd.s32 s7, s18  }
0x11: {  	s17 =	sadd.s32 s7, s26;
	s20 =	sadd.s32 s7, s20;
	s7 =	sadd.s32 $0x10600, s1  }
0x12: {  	s9 =	sshrl.u32 s9, $0x2;
	s10 =	sshrl.u32 s10, $0x3;
	s12 =	sshrl.u32 s12, $0x3  }
0x13: {  	s25 =	sshrl.u32 s14, $0x3;
	s26 =	sshrl.u32 s15, $0x3;
	s15 =	sshrl.u32 s16, $0x3  }
0x14: {  	s16 =	sshrl.u32 s18, $0x3;
	s17 =	sshrl.u32 s17, $0x3;
	s20 =	sshrl.u32 s20, $0x3  }
0x15: {  	s10 =	sadd.s32 s8, s10;
	s14 =	sadd.s32 s8, s26;
	s18 =	sadd.s32 s8, s17  }
0x16: {  	s17 =	sadd.s32 $0x1A400, s1;
	s26 =	smul.u32 $0xA000, s13;
	[dreg:$0x4] =	wrdreg s10  }
0x17: {  	s13 =	sshrl.u32 s11, $0x2;
	s10 =	sadd.s32 s8, s12;
	[dreg:$0x7] =	wrdreg s14  }
0x18: {  	[dreg:$0xa] =	wrdreg s18;
	s18 =	smax.u32 s0, $0x1;
	s12 =	smul.u32 $0xA000, s21  }
0x19: {  	s14 =	smul.u32 $0xA000, s22;
	s21 =	sadd.s32 s13, s2;
	[dreg:$0x5] =	wrdreg s10  }
0x1a: {  	s10 =	sadd.s32 s8, s25;
	s25 =	smul.u32 $0xA000, s24;
	s0 =	sshrl.u32 s26, $0x2  }
0x1b: {  	[dreg:$0x6] =	wrdreg s10;
	s10 =	sadd.s32 s8, s15;
	s15 =	smul.u32 $0xA000, s23  }
0x1c: {  	s22 =	sadd.s32 s0, s2;
	s24 =	sshrl.u32 s12, $0x2;
	s0 =	simm.s32 $0x2980  }
0x1d: {  	[dreg:$0x8] =	wrdreg s10;
	s10 =	sadd.s32 s8, s16;
	s8 =	sadd.s32 s8, s20  }
0x1e: {  	s16 =	sadd.s32 $0x6800, s1;
	s20 =	sadd.s32 s9, s2;
	[dreg:$0x9] =	wrdreg s10  }
0x1f: {  	s24 =	sadd.s32 s24, s2;
	s1 =	simm.s32 $0x50;
	[dreg:$0xb] =	wrdreg s8  }
0x20: {  	s8 =	sshrl.u32 s25, $0x2;
	s10 =	smul.u32 $0xA000, s19;
	s25 =	sshrl.u32 s14, $0x2  }
0x21: {  	s26 =	sshrl.u32 s15, $0x2;
	s19 =	sadd.s32 s8, s2;
	s25 =	sadd.s32 s25, s2  }
0x22: {  	s26 =	sadd.s32 s26, s2;
	s8 =	simm.s32 $0x1;
	s9 =	sshrl.u32 s10, $0x2  }
0x23: {  	v0 =	vimm.f32 $0.0e+00;
	s10 =	simm.s32 $0x0;
	s23 =	sadd.s32 s9, s2;
	s9 =	simm.s32 $0x3  }
.LBB2_1:
0x24: {  	s11 =	simm.s32 $0x0;
	s12 =	simm.s32 $0x200  }
.LBB2_2:
0x25: {  	p1 =	sne.s32 s12, $0x9E00;
	[tilespmem:s11+$0x1F0] =	vst v0  }
0x26: {  	[tilespmem:s11+$0x180] =	vst v0  }
0x27: {  	[tilespmem:s11+$0x190] =	vst v0  }
.Ltmp0:
0x28: {  	[tilespmem:s11+$0x1A0] =	vst v0;
	(pc) =	sbr.rel @p1 .LBB2_2-.Ltmp0, $4  }
0x29: {  	[tilespmem:s11+$0x1B0] =	vst v0  }
0x2a: {  	[tilespmem:s11+$0x1C0] =	vst v0  }
0x2b: {  	[tilespmem:s11+$0x1D0] =	vst v0  }
0x2c: {  	[tilespmem:s11+$0x1E0] =	vst v0;
	s11 =	sshra.s32 s12, $0x2;
	s12 =	sadd.s32 $0x200, s12  }
0x2d: {  	[tilespmem:s11+$0x1F0] =	vst v0  }
0x2e: {  	[tilespmem:s11+$0x180] =	vst v0  }
0x2f: {  	[tilespmem:s11+$0x190] =	vst v0  }
0x30: {  	[tilespmem:s11+$0x1A0] =	vst v0  }
0x31: {  	[tilespmem:s11+$0x1B0] =	vst v0  }
0x32: {  	[tilespmem:s11+$0x1C0] =	vst v0  }
0x33: {  	[tilespmem:s11+$0x1D0] =	vst v0  }
0x34: {  	[tilespmem:s11+$0x1E0] =	vst v0  }
0x35: {  	[spmem:s19] =	stream.linear.scatter [tilespmem:s28], [sflag:$0x2], $0x2800, $0x38;
	[tilespmem:$0x18A00] =	vst v63  }
0x36: {  	_ =	swait.ge [sflag:s29], $0x2800  }
0x37: {  	[sflag:s29] =	ssyncset.done $0x0  }
0x38: {  	[sflag:s29] =	ssyncadd.s32 $0xFFFFD800  }
0x39: {  	[spmem:s20] =	stream.linear.scatter [tilespmem:s28], [sflag:$0x2], $0x2800, $0x38;
	[tilespmem:$0x18A00] =	vst v63  }
0x3a: {  	_ =	swait.ge [sflag:s29], $0x2800  }
0x3b: {  	[sflag:s29] =	ssyncset.done $0x0  }
0x3c: {  	[sflag:s29] =	ssyncadd.s32 $0xFFFFD800  }
0x3d: {  	[spmem:s21] =	stream.linear.scatter [tilespmem:s28], [sflag:$0x2], $0x2800, $0x38;
	[tilespmem:$0x18A00] =	vst v63  }
0x3e: {  	_ =	swait.ge [sflag:s29], $0x2800  }
0x3f: {  	[sflag:s29] =	ssyncset.done $0x0  }
0x40: {  	[sflag:s29] =	ssyncadd.s32 $0xFFFFD800  }
0x41: {  	[spmem:s22] =	stream.linear.scatter [tilespmem:s28], [sflag:$0x2], $0x2800, $0x38;
	[tilespmem:$0x18A00] =	vst v63  }
0x42: {  	_ =	swait.ge [sflag:s29], $0x2800  }
0x43: {  	[sflag:s29] =	ssyncset.done $0x0  }
0x44: {  	[sflag:s29] =	ssyncadd.s32 $0xFFFFD800  }
0x45: {  	[spmem:s23] =	stream.linear.scatter [tilespmem:s28], [sflag:$0x2], $0x2800, $0x38;
	[tilespmem:$0x18A00] =	vst v63  }
0x46: {  	_ =	swait.ge [sflag:s29], $0x2800  }
0x47: {  	[sflag:s29] =	ssyncset.done $0x0  }
0x48: {  	[sflag:s29] =	ssyncadd.s32 $0xFFFFD800  }
0x49: {  	[spmem:s24] =	stream.linear.scatter [tilespmem:s28], [sflag:$0x2], $0x2800, $0x38;
	[tilespmem:$0x18A00] =	vst v63  }
0x4a: {  	_ =	swait.ge [sflag:s29], $0x2800  }
0x4b: {  	[sflag:s29] =	ssyncset.done $0x0  }
0x4c: {  	[sflag:s29] =	ssyncadd.s32 $0xFFFFD800  }
0x4d: {  	[spmem:s25] =	stream.linear.scatter [tilespmem:s28], [sflag:$0x2], $0x2800, $0x38;
	[tilespmem:$0x18A00] =	vst v63  }
0x4e: {  	_ =	swait.ge [sflag:s29], $0x2800  }
0x4f: {  	[sflag:s29] =	ssyncset.done $0x0  }
0x50: {  	s11 =	simm.s32 @!p0 $0x180;
	[sflag:s29] =	ssyncadd.s32 $0xFFFFD800  }
0x51: {  	[spmem:s26] =	stream.linear.scatter @!p0 [tilespmem:s11], [sflag:$0x2], $0x2800, $0x38;
	[tilespmem:$0x18A00] =	vst v63  }
0x52: {  	s11 =	simm.s32 @!p0 $0x2  }
0x53: {  	_ =	swait.ge @!p0 [sflag:s11], $0x2800  }
0x54: {  	[sflag:s11] =	ssyncset.done @!p0 $0x0  }
0x55: {  	[sflag:s11] =	ssyncadd.s32 @!p0 $0xFFFFD800  }
0x56: {  	s12 =	simm.s32 $0x0;
	s11 =	simm.s32 $0x0;
	[bflag:$0x0] =	sbarrier.arrive $0xFFFF  }
.LBB2_4:
0x57: {  	s13 =	smul.u32 $0x50, s12;
	_ =	sdelay $0x1  }
0x58: {  	s13 =	sadd.s32 s3, s13  }
0x59: {  	s13 =	sshrl.u32 s13, $0x3  }
0x5a: {  	s14 =	sadd.s32 s7, s13  }
0x5b: {  	[tilespmem:s11], [sflag:$0x2] =	stream.linear.gather [hbm4b:s14+s11], $0x50, $0x38;
	[tilespmem:$0x18A00] =	vst v63  }
0x5c: {  	_ =	swait.ge [sflag:s29], $0x50  }
0x5d: {  	[sflag:s29] =	ssyncset.done $0x0  }
0x5e: {  	s15 =	sadd.s32 s16, s13;
	[sflag:s29] =	ssyncadd.s32 $0xFFFFFFB0  }
0x5f: {  	[tilespmem:s30], [sflag:$0x2] =	stream.linear.gather [hbm4b:s15+s11], $0x50, $0x38;
	[tilespmem:$0x18A00] =	vst v63  }
0x60: {  	_ =	swait.ge [sflag:s29], $0x50  }
0x61: {  	[sflag:s29] =	ssyncset.done $0x0  }
0x62: {  	s13 =	sadd.s32 s17, s13;
	[sflag:s29] =	ssyncadd.s32 $0xFFFFFFB0  }
0x63: {  	[tilespmem:s31], [sflag:$0x2] =	stream.linear.gather [hbm4b:s13+s11], $0x50, $0x38;
	[tilespmem:$0x18A00] =	vst v63  }
0x64: {  	_ =	swait.ge [sflag:s29], $0x50  }
0x65: {  	[sflag:s29] =	ssyncset.done $0x0  }
0x66: {  	[sflag:s29] =	ssyncadd.s32 $0xFFFFFFB0  }
0x67: {  	[tilespmem:s28], [sflag:$0x1] =	stream.indirect.gather [hbm4b:s5+s1], $0x80, s11, s1, $0xb8;
	[tilespmem:$0x18A00] =	vst v63  }
0x68: {  	_ = 	snop  }
0x69: {  	[tilespmem:s0], [sflag:$0x1] =	stream.indirect.gather [hbm4b:s6+s1], $0x80, s31, s1, $0xb8;
	[tilespmem:$0x18A00] =	vst v63  }
0x6a: {  	_ =	swait.ge [sflag:s8], $0x2800  }
0x6b: {  	[sflag:s8] =	ssyncset.done $0x0  }
0x6c: {  	[sflag:s8] =	ssyncadd.s32 $0xFFFFD800  }
0x6d: {  	_ =	swait.ge [sflag:s8], $0x2800  }
0x6e: {  	[sflag:s8] =	ssyncset.done $0x0  }
0x6f: {  	s13 =	simm.s32 $0x0;
	[sflag:s8] =	ssyncadd.s32 $0xFFFFD800  }
0x70: {  	v8 =	vld [tilespmem:s13+$0x2980]  }
0x71: {  	v12 =	vld [tilespmem:s13+$0x2990]  }
0x72: {  	v6 =	vld [tilespmem:s13+$0x29A0]  }
0x73: {  	v5 =	vld [tilespmem:s13+$0x29B0]  }
0x74: {  	v4 =	vld [tilespmem:s13+$0x29C0]  }
0x75: {  	v3 =	vld [tilespmem:s13+$0x29D0]  }
0x76: {  	v2 =	vld [tilespmem:s13+$0x29E0]  }
0x77: {  	v1 =	vld [tilespmem:s13+$0x29F0]  }
0x78: {  	v13 =	vld [tilespmem:s13+$0x180]  }
0x79: {  	v14 =	vld [tilespmem:s13+$0x190]  }
0x7a: {  	v11 =	vld [tilespmem:s13+$0x1A0]  }
0x7b: {  	v10 =	vld [tilespmem:s13+$0x1B0]  }
0x7c: {  	v9 =	vld [tilespmem:s13+$0x1C0]  }
0x7d: {  	v7 =	vld [tilespmem:s13+$0x1D0];
	v13 =	vadd.f32 v8, v13  }
0x7e: {  	s14 =	simm.s32 $0x200;
	v12 =	vadd.f32 v12, v14;
	v8 =	vld [tilespmem:s13+$0x1E0]  }
.LBB2_5:
0x7f: {  	s15 =	sshra.s32 s14, $0x2;
	p1 =	sne.s32 s14, $0x9E00;
	[tilespmem:s13+$0x180] =	vst v13;
	v6 =	vadd.f32 v6, v11;
	v11 =	vld [tilespmem:s13+$0x1F0]  }
0x80: {  	v13 =	vld [tilespmem:s15+$0x2980];
	[tilespmem:s13+$0x190] =	vst v12;
	v5 =	vadd.f32 v5, v10  }
0x81: {  	v12 =	vld [tilespmem:s15+$0x2990];
	[tilespmem:s13+$0x1A0] =	vst v6;
	v4 =	vadd.f32 v4, v9  }
0x82: {  	v6 =	vld [tilespmem:s15+$0x29A0];
	[tilespmem:s13+$0x1B0] =	vst v5;
	v3 =	vadd.f32 v3, v7  }
0x83: {  	v5 =	vld [tilespmem:s15+$0x29B0];
	[tilespmem:s13+$0x1C0] =	vst v4;
	v2 =	vadd.f32 v2, v8  }
0x84: {  	v4 =	vld [tilespmem:s15+$0x29C0];
	[tilespmem:s13+$0x1D0] =	vst v3;
	v1 =	vadd.f32 v1, v11  }
0x85: {  	v3 =	vld [tilespmem:s15+$0x29D0];
	[tilespmem:s13+$0x1E0] =	vst v2  }
0x86: {  	v2 =	vld [tilespmem:s15+$0x29E0];
	[tilespmem:s13+$0x1F0] =	vst v1;
	s13 =	smov.u32 s15  }
0x87: {  	v1 =	vld [tilespmem:s13+$0x29F0]  }
0x88: {  	v7 =	vld [tilespmem:s13+$0x180]  }
0x89: {  	v8 =	vld [tilespmem:s13+$0x190]  }
.Ltmp1:
0x8a: {  	v11 =	vld [tilespmem:s13+$0x1A0];
	(pc) =	sbr.rel @p1 .LBB2_5-.Ltmp1, $4  }
0x8b: {  	v10 =	vld [tilespmem:s13+$0x1B0]  }
0x8c: {  	v9 =	vld [tilespmem:s13+$0x1C0]  }
0x8d: {  	v13 =	vadd.f32 v13, v7;
	v7 =	vld [tilespmem:s13+$0x1D0]  }
0x8e: {  	s14 =	sadd.s32 $0x200, s14;
	v12 =	vadd.f32 v12, v8;
	v8 =	vld [tilespmem:s13+$0x1E0]  }
0x8f: {  	[tilespmem:s13+$0x180] =	vst v13;
	v6 =	vadd.f32 v6, v11;
	v63 =	vld [tilespmem:s13+$0x1F0]  }
0x90: {  	[tilespmem:s13+$0x190] =	vst v12;
	v5 =	vadd.f32 v5, v10  }
0x91: {  	[tilespmem:s13+$0x1A0] =	vst v6;
	v4 =	vadd.f32 v4, v9  }
0x92: {  	[tilespmem:s13+$0x1B0] =	vst v5;
	v3 =	vadd.f32 v3, v7  }
0x93: {  	[tilespmem:s13+$0x1C0] =	vst v4;
	v2 =	vadd.f32 v2, v8  }
0x94: {  	s12 =	sadd.s32 $0x1, s12;
	[tilespmem:s13+$0x1D0] =	vst v3;
	v1 =	vadd.f32 v1, v63  }
0x95: {  	p1 =	sne.s32 s12, $0x7D;
	[tilespmem:s13+$0x1E0] =	vst v2  }
.Ltmp2:
0x96: {  	[tilespmem:s13+$0x1F0] =	vst v1;
	(pc) =	sbr.rel @p1 .LBB2_4-.Ltmp2, $4  }
0x97: {  	[spmem:s2] =	stream.indirect.scatter.add.f32 [tilespmem:s28], [sflag:$0x2], $0x80, s30, s1, $0xb8;
	[tilespmem:$0x18A00] =	vst v63  }
0x98: {  	_ =	swait.ge [sflag:s29], $0x2800  }
0x99: {  	[sflag:s29] =	ssyncset.done $0x0  }
0x9a: {  	[sflag:s29] =	ssyncadd.s32 $0xFFFFD800  }
0x9b: {  	[bflag:$0x0] =	sbarrier.arrive $0xFFFF  }
0x9c: {  	[tilespmem:s28], [sflag:$0x3] =	stream.linear.gather [spmem:s19], $0x2800, $0x38;
	[tilespmem:$0x18A00] =	vst v63  }
0x9d: {  	_ =	swait.ge [sflag:s9], $0x2800  }
0x9e: {  	[sflag:s9] =	ssyncset.done $0x0  }
0x9f: {  	s11 =	rddreg [dreg:$0x4];
	[sflag:s9] =	ssyncadd.s32 $0xFFFFD800  }
0xa0: {  	[hbm4b:s11+s4] =	stream.linear.scatter [tilespmem:s28], [sflag:$0x2], $0x2800, $0x38;
	[tilespmem:$0x18A00] =	vst v63  }
0xa1: {  	_ =	swait.ge [sflag:s29], $0x2800  }
0xa2: {  	[sflag:s29] =	ssyncset.done $0x0  }
0xa3: {  	[sflag:s29] =	ssyncadd.s32 $0xFFFFD800  }
0xa4: {  	[tilespmem:s28], [sflag:$0x3] =	stream.linear.gather [spmem:s20], $0x2800, $0x38;
	[tilespmem:$0x18A00] =	vst v63  }
0xa5: {  	_ =	swait.ge [sflag:s9], $0x2800  }
0xa6: {  	[sflag:s9] =	ssyncset.done $0x0  }
0xa7: {  	s14 =	rddreg [dreg:$0x5];
	[sflag:s9] =	ssyncadd.s32 $0xFFFFD800  }
0xa8: {  	[hbm4b:s14+s4] =	stream.linear.scatter [tilespmem:s28], [sflag:$0x2], $0x2800, $0x38;
	[tilespmem:$0x18A00] =	vst v63  }
0xa9: {  	_ =	swait.ge [sflag:s29], $0x2800  }
0xaa: {  	[sflag:s29] =	ssyncset.done $0x0  }
0xab: {  	[sflag:s29] =	ssyncadd.s32 $0xFFFFD800  }
0xac: {  	[tilespmem:s28], [sflag:$0x3] =	stream.linear.gather [spmem:s21], $0x2800, $0x38;
	[tilespmem:$0x18A00] =	vst v63  }
0xad: {  	_ =	swait.ge [sflag:s9], $0x2800  }
0xae: {  	[sflag:s9] =	ssyncset.done $0x0  }
0xaf: {  	s15 =	rddreg [dreg:$0x6];
	[sflag:s9] =	ssyncadd.s32 $0xFFFFD800  }
0xb0: {  	[hbm4b:s15+s4] =	stream.linear.scatter [tilespmem:s28], [sflag:$0x2], $0x2800, $0x38;
	[tilespmem:$0x18A00] =	vst v63  }
0xb1: {  	_ =	swait.ge [sflag:s29], $0x2800  }
0xb2: {  	[sflag:s29] =	ssyncset.done $0x0  }
0xb3: {  	[sflag:s29] =	ssyncadd.s32 $0xFFFFD800  }
0xb4: {  	[tilespmem:s28], [sflag:$0x3] =	stream.linear.gather [spmem:s22], $0x2800, $0x38;
	[tilespmem:$0x18A00] =	vst v63  }
0xb5: {  	_ =	swait.ge [sflag:s9], $0x2800  }
0xb6: {  	[sflag:s9] =	ssyncset.done $0x0  }
0xb7: {  	s12 =	rddreg [dreg:$0x7];
	[sflag:s9] =	ssyncadd.s32 $0xFFFFD800  }
0xb8: {  	[hbm4b:s12+s4] =	stream.linear.scatter [tilespmem:s28], [sflag:$0x2], $0x2800, $0x38;
	[tilespmem:$0x18A00] =	vst v63  }
0xb9: {  	_ =	swait.ge [sflag:s29], $0x2800  }
0xba: {  	[sflag:s29] =	ssyncset.done $0x0  }
0xbb: {  	[sflag:s29] =	ssyncadd.s32 $0xFFFFD800  }
0xbc: {  	[tilespmem:s28], [sflag:$0x3] =	stream.linear.gather [spmem:s23], $0x2800, $0x38;
	[tilespmem:$0x18A00] =	vst v63  }
0xbd: {  	_ =	swait.ge [sflag:s9], $0x2800  }
0xbe: {  	[sflag:s9] =	ssyncset.done $0x0  }
0xbf: {  	s13 =	rddreg [dreg:$0x8];
	[sflag:s9] =	ssyncadd.s32 $0xFFFFD800  }
0xc0: {  	[hbm4b:s13+s4] =	stream.linear.scatter [tilespmem:s28], [sflag:$0x2], $0x2800, $0x38;
	[tilespmem:$0x18A00] =	vst v63  }
0xc1: {  	_ =	swait.ge [sflag:s29], $0x2800  }
0xc2: {  	[sflag:s29] =	ssyncset.done $0x0  }
0xc3: {  	[sflag:s29] =	ssyncadd.s32 $0xFFFFD800  }
0xc4: {  	[tilespmem:s28], [sflag:$0x3] =	stream.linear.gather [spmem:s24], $0x2800, $0x38;
	[tilespmem:$0x18A00] =	vst v63  }
0xc5: {  	_ =	swait.ge [sflag:s9], $0x2800  }
0xc6: {  	[sflag:s9] =	ssyncset.done $0x0  }
0xc7: {  	s14 =	rddreg [dreg:$0x9];
	[sflag:s9] =	ssyncadd.s32 $0xFFFFD800  }
0xc8: {  	[hbm4b:s14+s4] =	stream.linear.scatter [tilespmem:s28], [sflag:$0x2], $0x2800, $0x38;
	[tilespmem:$0x18A00] =	vst v63  }
0xc9: {  	_ =	swait.ge [sflag:s29], $0x2800  }
0xca: {  	[sflag:s29] =	ssyncset.done $0x0  }
0xcb: {  	[sflag:s29] =	ssyncadd.s32 $0xFFFFD800  }
0xcc: {  	[tilespmem:s28], [sflag:$0x3] =	stream.linear.gather [spmem:s25], $0x2800, $0x38;
	[tilespmem:$0x18A00] =	vst v63  }
0xcd: {  	_ =	swait.ge [sflag:s9], $0x2800  }
0xce: {  	[sflag:s9] =	ssyncset.done $0x0  }
0xcf: {  	s15 =	rddreg [dreg:$0xa];
	[sflag:s9] =	ssyncadd.s32 $0xFFFFD800  }
0xd0: {  	[hbm4b:s15+s4] =	stream.linear.scatter [tilespmem:s28], [sflag:$0x2], $0x2800, $0x38;
	[tilespmem:$0x18A00] =	vst v63  }
0xd1: {  	_ =	swait.ge [sflag:s29], $0x2800  }
0xd2: {  	[sflag:s29] =	ssyncset.done $0x0  }
0xd3: {  	s11 =	simm.s32 @!p0 $0x180;
	s12 =	simm.s32 @!p0 $0x3;
	[sflag:s29] =	ssyncadd.s32 $0xFFFFD800  }
0xd4: {  	[tilespmem:s11], [sflag:$0x3] =	stream.linear.gather @!p0 [spmem:s26], $0x2800, $0x38;
	[tilespmem:$0x18A00] =	vst v63  }
0xd5: {  	s10 =	sadd.s32 $0x1, s10;
	_ =	swait.ge @!p0 [sflag:s12], $0x2800  }
0xd6: {  	p1 =	sne.s32 s10, s18;
	[sflag:s12] =	ssyncset.done @!p0 $0x0  }
0xd7: {  	s13 =	rddreg [dreg:$0xb];
	[sflag:s12] =	ssyncadd.s32 @!p0 $0xFFFFD800;
	s12 =	simm.s32 @!p0 $0x0  }
0xd8: {  	[hbm4b:s13+s12] =	stream.linear.scatter @!p0 [tilespmem:s11], [sflag:$0x2], $0x2800, $0x38;
	[tilespmem:$0x18A00] =	vst v63  }
.Ltmp3:
0xd9: {  	_ = 	snop;
	(pc) =	sbr.rel @p1 .LBB2_1-.Ltmp3, $4  }
0xda: {  	s11 =	simm.s32 @!p0 $0x2  }
0xdb: {  	_ =	swait.ge @!p0 [sflag:s11], $0x2800  }
0xdc: {  	[sflag:s11] =	ssyncset.done @!p0 $0x0  }
0xdd: {  	[sflag:s11] =	ssyncadd.s32 @!p0 $0xFFFFD800  }
0xde: {  	_ =	sfence.sel $0x180000  }
0xdf: {  	[bflag:$0x0] =	sbarrier.arrive $0xFFFF  }
0xe0: {  	_ =	strace $0x9000004A  }
0xe1: {  	s0 =	stileid.u32;
	[bflag:$0x2] =	sbarrier.arrive $0xFFFF  }
0xe2: {  	p0 =	sne.s32 s0, $0x0;
	s0 =	rddreg [dreg:$0x3]  }
0xe3: {  	s0 =	sadd.s32 @!p0 $0x100000, s0  }
0xe4: {  	[sflag:s0] =	ssyncadd.tile.s32 @!p0 $0x1;
	_ =	shalt  }
.Lfunc_end2:
_tile_overlayer_lowered:
.L_overlay_start_2:
0xe5: {  	(tag) =	ssettag $0x2  }
0xe6: {  	s0 =	rddreg [dreg:$0x0];
	s2 =	stileid.u32  }
0xe7: {  	s1 =	rddreg [dreg:$0x1];
	p0 =	sne.s32 s2, $0x0  }
0xe8: {  	s3 =	rddreg [dreg:$0x2];
	[bflag:$0x3] =	sbarrier.arrive $0xFFFF;
	s2 =	simm.s32 @!p0 $0x1C02  }
0xe9: {  	[timem:s3], [sflag:s2] =	dma.local @!p0 [hbm:s0], s1  }
0xea: {  	s0 =	simm.s32 @!p0 $0x2  }
0xeb: {  	_ =	swait.ge @!p0 [sflag:s0], s1  }
0xec: {  	s1 =	ssub.s32 @!p0 $0x0, s1;
	[sflag:s0] =	ssyncset.done @!p0 $0x0  }
0xed: {  	[sflag:s0] =	ssyncadd.s32 @!p0 s1  }
0xee: {  	[bflag:$0x3] =	sbarrier.arrive $0xFFFF  }
0xef: {  	_ =	shalt  }

// kernel: kernel.21.cloned.1.call-start
scs
__scs_entry_jumppad:
0x0: {  	(pc) =	sbr.rel $0x88, $3  }
0x1: {  	(tag) =	ssettag $0x0;
	lr =	simm.s32 $0x1  }
0x2: {  	[smem:$0x3F7F] =	sst lr;
	_ =	strace $0xD0000000  }
0x3: {  	_ = 	snop  }
0x4: {  	_ = 	snop  }
0x5: {  	_ = 	snop  }
0x6: {  	_ = 	snop  }
0x7: {  	_ = 	snop  }
__scs_overlays_trampoline_lowered:
0x8: {  	[smem:$0x3F8E] =	sst s0  }
0x9: {  	[smem:$0x3F8F] =	sst s1  }
0xa: {  	[smem:$0x3F90] =	sst s2  }
0xb: {  	[smem:$0x3F91] =	sst s3  }
0xc: {  	[smem:$0x3F92] =	sst s4  }
0xd: {  	[smem:$0x3F93] =	sst s5  }
0xe: {  	[smem:$0x3F94] =	sst s6  }
0xf: {  	[smem:$0x3F95] =	sst s7  }
0x10: {  	[smem:$0x3F96] =	sst s8  }
0x11: {  	[smem:$0x3F97] =	sst s9;
	s0 =	simm.s32 @!p0 $0x0  }
0x12: {  	s1 =	sld [smem:$0x3F7D];
	s0 =	simm.s32 @p0 $0x1  }
0x13: {  	[smem:$0x3F98] =	sst s0;
	s0 =	simm.s32 @!p1 $0x0  }
0x14: {  	s2 =	sld [smem:$0x3F7C];
	s0 =	simm.s32 @p1 $0x1  }
0x15: {  	[smem:$0x3F99] =	sst s0;
	s0 =	simm.s32 @!p2 $0x0  }
0x16: {  	s3 =	sld [smem:$0x3FDB];
	s0 =	simm.s32 @p2 $0x1  }
0x17: {  	s4 =	simm.s32 $0x1BF5;
	[smem:$0x3F9B] =	sst s0  }
0x18: {  	s0 =	sld [smem:$0x3F7E];
	_ =	swait.ge [sflag:s4], $0x0  }
0x19: {  	s7 =	sld [smem:$0x3F7F]  }
0x1a: {  	s8 =	sadd.s32 $0xFFFFE003, lr  }
0x1b: {  	s9 =	sadd.s32 $0xFFFFFEF7, lr;
	s5 =	simm.s32 $0xFFFFFFFF;
	p2 =	slt.u32 s8, $0xFFFFF086  }
0x1c: {  	p1 =	slt.u32 s9, $0xF7A;
	s5 =	simm.s32 @!p2 $0x0  }
0x1d: {  	s5 =	simm.s32 @p1 $0x1;
	p0 =	seq.s32 s7, s2  }
0x1e: {  	s7 =	smul.u32 @!p0 $0xF7A, s2;
	p2 =	seq.s32 @!p0 s5, $0x0  }
0x1f: {  	s9 =	smul.u32 $0xF7A, s1;
	s8 =	simm.s32 @!p0 $0x1BF5;
	p2 =	por !p2, p0  }
0x20: {  	[sflag:s8] =	ssyncset.s32 @!p0 $0xFFFFF086;
	s6 =	sadd.s32 @!p0 s3, s7;
	s7 =	simm.s32 @!p0 $0x108  }
0x21: {  	s3 =	sadd.s32 s3, s9;
	s6 =	sadd.s32 @!p0 $0x88, s6;
	s7 =	simm.s32 @p2 $0x1082  }
0x22: {  	[simem:s7], [sflag:s8] =	dma.local @!p0 [hbm:s6], $0xF7A  }
0x23: {  	s9 =	sor.u32 $0xD0000000, s2;
	s6 =	simm.s32 $0x108;
	_ =	swait.ge @!p0 [sflag:s8], $0x0  }
0x24: {  	s3 =	sadd.s32 $0x88, s3;
	s6 =	simm.s32 @!p1 $0x1082;
	[sflag:s4] =	ssyncset.s32 $0xFFFFF086  }
0x25: {  	[simem:s6], [sflag:s4] =	dma.local [hbm:s3], $0xF7A  }
0x26: {  	[smem:$0x3F7F] =	sst s1;
	(tag) =	ssettag s2;
	_ =	strace s9  }
0x27: {  	s1 =	sld [smem:$0x3F8F]  }
0x28: {  	s2 =	sld [smem:$0x3F90]  }
0x29: {  	s4 =	sld [smem:$0x3F92]  }
0x2a: {  	p0 =	seq.s32 s5, $0x0;
	s5 =	sld [smem:$0x3F93]  }
0x2b: {  	s6 =	sld [smem:$0x3F94]  }
0x2c: {  	s7 =	sld [smem:$0x3F95]  }
0x2d: {  	s3 =	simm.s32 $0x108;
	s8 =	sld [smem:$0x3F96]  }
0x2e: {  	s3 =	simm.s32 @!p0 $0x1082;
	s9 =	sld [smem:$0x3F97]  }
0x2f: {  	lr =	sadd.s32 s0, s3;
	s0 =	sld [smem:$0x3F8E]  }
0x30: {  	s3 =	sld [smem:$0x3F91]  }
0x31: {  	[smem:$0x3F9A] =	sst s10  }
0x32: {  	s10 =	sld [smem:$0x3F98];
	_ =	sdelay $0x3  }
0x33: {  	p0 =	seq.s32 s10, $0x1;
	s10 =	sld [smem:$0x3F9A];
	_ =	sdelay $0x3  }
0x34: {  	[smem:$0x3F9A] =	sst s10  }
0x35: {  	s10 =	sld [smem:$0x3F99];
	_ =	sdelay $0x3  }
0x36: {  	p1 =	seq.s32 s10, $0x1;
	s10 =	sld [smem:$0x3F9A];
	_ =	sdelay $0x3  }
0x37: {  	[smem:$0x3F9A] =	sst s10  }
0x38: {  	s10 =	sld [smem:$0x3F9B]  }
0x39: {  	_ = 	snop;
	(pc) =	sbr.ind lr, $3  }
0x3a: {  	_ = 	snop  }
0x3b: {  	_ = 	snop  }
0x3c: {  	p2 =	seq.s32 s10, $0x1;
	s10 =	sld [smem:$0x3F9A]  }
0x3d: {  	_ =	shalt  }
0x3e: {  	_ =	shalt  }
0x3f: {  	_ =	shalt  }
0x40: {  	_ =	shalt  }
0x41: {  	_ =	shalt  }
0x42: {  	_ =	shalt  }
0x43: {  	_ =	shalt  }
0x44: {  	_ =	shalt  }
0x45: {  	_ =	shalt  }
0x46: {  	_ =	shalt  }
0x47: {  	_ =	shalt  }
0x48: {  	_ =	shalt  }
0x49: {  	_ =	shalt  }
0x4a: {  	_ =	shalt  }
0x4b: {  	_ =	shalt  }
0x4c: {  	_ =	shalt  }
0x4d: {  	_ =	shalt  }
0x4e: {  	_ =	shalt  }
0x4f: {  	_ =	shalt  }
0x50: {  	_ =	shalt  }
0x51: {  	_ =	shalt  }
0x52: {  	_ =	shalt  }
0x53: {  	_ =	shalt  }
0x54: {  	_ =	shalt  }
0x55: {  	_ =	shalt  }
0x56: {  	_ =	shalt  }
0x57: {  	_ =	shalt  }
0x58: {  	_ =	shalt  }
0x59: {  	_ =	shalt  }
0x5a: {  	_ =	shalt  }
0x5b: {  	_ =	shalt  }
0x5c: {  	_ =	shalt  }
0x5d: {  	_ =	shalt  }
0x5e: {  	_ =	shalt  }
0x5f: {  	_ =	shalt  }
0x60: {  	_ =	shalt  }
0x61: {  	_ =	shalt  }
0x62: {  	_ =	shalt  }
0x63: {  	_ =	shalt  }
0x64: {  	_ =	shalt  }
0x65: {  	_ =	shalt  }
0x66: {  	_ =	shalt  }
0x67: {  	_ =	shalt  }
0x68: {  	_ =	shalt  }
0x69: {  	_ =	shalt  }
0x6a: {  	_ =	shalt  }
0x6b: {  	_ =	shalt  }
0x6c: {  	_ =	shalt  }
0x6d: {  	_ =	shalt  }
0x6e: {  	_ =	shalt  }
0x6f: {  	_ =	shalt  }
0x70: {  	_ =	shalt  }
0x71: {  	_ =	shalt  }
0x72: {  	_ =	shalt  }
0x73: {  	_ =	shalt  }
0x74: {  	_ =	shalt  }
0x75: {  	_ =	shalt  }
0x76: {  	_ =	shalt  }
0x77: {  	_ =	shalt  }
0x78: {  	_ =	shalt  }
0x79: {  	_ =	shalt  }
0x7a: {  	_ =	shalt  }
0x7b: {  	_ =	shalt  }
0x7c: {  	_ =	shalt  }
0x7d: {  	_ =	shalt  }
0x7e: {  	_ =	shalt  }
0x7f: {  	_ =	shalt  }
0x80: {  	_ =	shalt  }
0x81: {  	_ =	shalt  }
0x82: {  	_ =	shalt  }
0x83: {  	_ =	shalt  }
0x84: {  	_ =	shalt  }
0x85: {  	_ =	shalt  }
0x86: {  	_ =	shalt  }
0x87: {  	_ =	shalt  }
.Lfunc_end0:
.L_simem_size_0:
called_computation.3_lowered:
.L_overlay_start_0:
0x88: {  	s2 =	sld [smem:$0x3FD9]  }
0x89: {  	s3 =	sld [smem:$0x3FFE];
	_ =	sdelay $0x1  }
0x8a: {  	s1 =	srdreg.scid  }
0x8b: {  	s0 =	sand.u32 $0x1, s1  }
0x8c: {  	s17 =	sshll.u32 s0, $0xA;
	s2 =	sadd.s32 s3, s2  }
0x8d: {  	s2 =	sadd.s32 s2, s17  }
0x8e: {  	[smem:$0x3FA6] =	sst s2  }
0x8f: {  	_ = 	snop  }
0x90: {  	s2 =	sld [smem:$0x3FD0];
	(tm) =	ssettm $0x1  }
0x91: {  	s18 =	sld [smem:$0x3FFB];
	_ =	sdelay $0x3  }
0x92: {  	_ =	strace s18  }
0x93: {  	s3 =	sld [smem:$0x3FFC];
	_ =	sdelay $0x3  }
0x94: {  	_ =	strace s3  }
0x95: {  	s3 =	sld [smem:$0x3FFD];
	_ =	sdelay $0x3  }
0x96: {  	_ =	strace s3  }
0x97: {  	_ =	strace $0x8FFFFFFF  }
0x98: {  	s19 =	sld [smem:$0x3FDB];
	_ =	sdelay $0x1  }
0x99: {  	s4 =	simm.s32 $_scs_section_size  }
0x9a: {  	s5 =	simm.s32 $_size__tile_overlayer_lowered;
	s6 =	simm.s32 $_tile_overlayer_lowered  }
0x9b: {  	s22 =	simm.s32 $0x1BFF;
	s21 =	sshll.u32 s6, $0x1;
	s3 =	sadd.s32 s4, s19  }
0x9c: {  	s7 =	simm.s32 $0x0;
	s20 =	sshll.u32 s5, $0x1;
	s5 =	sadd.s32 s21, s3  }
0x9d: {  	[timem:s7], [sflag:s22] =	dma.local [hbm:s5], s20  }
0x9e: {  	_ =	swait.ge [sflag:s22], s20  }
0x9f: {  	s4 =	ssub.s32 $0x0, s20;
	[sflag:s22] =	ssyncset.done $0x0  }
0xa0: {  	[sflag:s22] =	ssyncadd.s32 s4;
	_ =	sdelay $0x1  }
0xa1: {  	s23 =	simm.s32 $0x1B8B  }
0xa2: {  	_ =	swait.ge [sflag:s23], $0x1  }
0xa3: {  	[sflag:s23] =	ssyncset.done $0x0  }
0xa4: {  	s25 =	simm.s32 $0x1B8E;
	s24 =	sld [smem:$0x3FFE];
	[sflag:s23] =	ssyncadd.s32 $0xFFFFFFFF  }
0xa5: {  	s26 =	simm.s32 $execute0_lowered;
	[smem:$0x3FD2] =	sst s25  }
0xa6: {  	s5 =	sshll.u32 s26, $0x1;
	_ =	strace $0x8000004C;
	[dreg:$0x1] =	wrdreg $0xFFFFFFFF  }
0xa7: {  	s28 =	simm.s32 $_size_execute0_lowered;
	s3 =	sadd.s32 s3, s5;
	[dreg:$0x0] =	wrdreg $0x0  }
0xa8: {  	s5 =	sshll.u32 s28, $0x1;
	[dreg:$0x2] =	wrdreg s3  }
0xa9: {  	[dreg:$0x3] =	wrdreg s5  }
0xaa: {  	[dreg:$0x4] =	wrdreg $0xC0  }
0xab: {  	_ =	task [dreg:s7], $0x5FFFF  }
0xac: {  	[dreg:$0x1] =	wrdreg $0xFFFFFFFF  }
0xad: {  	[dreg:$0x0] =	wrdreg $0x60  }
0xae: {  	[dreg:$0x2] =	wrdreg s24  }
0xaf: {  	[dreg:$0x3] =	wrdreg s2  }
0xb0: {  	[dreg:$0x4] =	wrdreg $0x51800  }
0xb1: {  	[dreg:$0x5] =	wrdreg $0x9  }
0xb2: {  	_ =	task.clear_ibuf [dreg:s7], $0x6FFFF;
	_ =	strace $0x9000004C  }
0xb3: {  	s29 =	simm.s32 $0x9;
	_ =	strace $0x8000004E  }
0xb4: {  	_ =	swait.ge [sflag:s29], $0x1  }
0xb5: {  	[sflag:s29] =	ssyncadd.s32 $0xFFFFFFFF  }
0xb6: {  	_ =	strace $0x9000004E  }
0xb7: {  	_ =	sfence  }
0xb8: {  	s30 =	sld [smem:$0x0];
	_ =	sdelay $0x2  }
0xb9: {  	s31 =	sshll.u32 s1, $0xD;
	s1 =	sshrl.u32 s1, $0x2  }
0xba: {  	s3 =	sand.u32 $0x4000, s31;
	s1 =	sadd.s32 s1, s30  }
0xbb: {  	s0 =	sor.u32 s3, s0;
	s1 =	sshll.u32 s1, $0x11  }
0xbc: {  	s0 =	sor.u32 s1, s0  }
0xbd: {  	s0 =	sadd.s32 $0x8F2B, s0  }
0xbe: {  	[sflag:s0] =	ssyncadd.remote.s32 $0x1  }
0xbf: {  	_ =	sfence.sel $0xFFFF  }
0xc0: {  	[dreg:$0x0] =	wrdreg $0xFFFFFFFF;
	(pc) =	sbr.abs _section_cstart, $3  }
0xc1: {  	[dreg:$0x1] =	wrdreg $0xFFFFFFFF  }
0xc2: {  	_ =	task.clear_ibuf [dreg:s7], $0x2FFFF;
	_ =	strace $0x9FFFFFFF  }
0xc3: {  	(tm) =	ssettm $0x7FFFFFFF  }
tec
execute0_lowered:
.L_overlay_start_1:
0x0: {  	(tag) =	ssettag $0x1  }
0x1: {  	s0 =	srdreg.scid;
	s1 =	rddreg [dreg:$0x0]  }
0x2: {  	s24 =	stileid.u32;
	s8 =	rddreg [dreg:$0x1]  }
0x3: {  	s4 =	simm.s32 $0x0;
	s0 =	sand.u32 $0x1, s0;
	s10 =	smul.u32 $0x2800, s24  }
0x4: {  	s28 =	simm.s32 $0x180;
	s9 =	sor.u32 $0x10, s24;
	s7 =	smul.u32 $0x138800, s0  }
0x5: {  	s29 =	simm.s32 $0x2;
	s11 =	sor.u32 $0x20, s24;
	s12 =	smul.u32 $0x2800, s9  }
0x6: {  	s30 =	simm.s32 $0x80;
	s13 =	sor.u32 $0x30, s24;
	s14 =	smul.u32 $0x2800, s11  }
0x7: {  	s31 =	simm.s32 $0x100;
	s19 =	sor.u32 $0x40, s24;
	s15 =	smul.u32 $0x2800, s13  }
0x8: {  	s2 =	sshll.u32 s24, $0x1;
	s21 =	sor.u32 $0x50, s24;
	s16 =	smul.u32 $0x2800, s19  }
0x9: {  	[smem:$0x7FF] =	sst s4;
	s22 =	sor.u32 $0x60, s24;
	s18 =	smul.u32 $0x2800, s21  }
0xa: {  	s5 =	sadd.s32 $0x24200, s1;
	s23 =	sor.u32 $0x70, s24;
	s26 =	smul.u32 $0x2800, s22  }
0xb: {  	s6 =	sadd.s32 $0x4CC00, s1;
	s3 =	sor.u32 s0, s2;
	s20 =	smul.u32 $0x2800, s23  }
0xc: {  	s2 =	rddreg [dreg:$0x2];
	s0 =	ssub.s32 $0x2, s0;
	s9 =	smul.u32 $0xA000, s9  }
0xd: {  	_ =	strace $0x8000004D;
	s11 =	smul.u32 $0xA000, s11;
	s17 =	sshrl.u32 s0, $0x1  }
0xe: {  	p0 =	sgt.u32 s23, $0x7C;
	s3 =	smul.u32 $0x2710, s3;
	s0 =	ssub.s32 s0, s17  }
0xf: {  	s10 =	sadd.s32 s7, s10;
	s12 =	sadd.s32 s7, s12;
	s14 =	sadd.s32 s7, s14  }
0x10: {  	s15 =	sadd.s32 s7, s15;
	s16 =	sadd.s32 s7, s16;
	s18 =	sadd.s32 s7, s18  }
0x11: {  	s17 =	sadd.s32 s7, s26;
	s20 =	sadd.s32 s7, s20;
	s7 =	sadd.s32 $0x10600, s1  }
0x12: {  	s9 =	sshrl.u32 s9, $0x2;
	s10 =	sshrl.u32 s10, $0x3;
	s12 =	sshrl.u32 s12, $0x3  }
0x13: {  	s25 =	sshrl.u32 s14, $0x3;
	s26 =	sshrl.u32 s15, $0x3;
	s15 =	sshrl.u32 s16, $0x3  }
0x14: {  	s16 =	sshrl.u32 s18, $0x3;
	s17 =	sshrl.u32 s17, $0x3;
	s20 =	sshrl.u32 s20, $0x3  }
0x15: {  	s10 =	sadd.s32 s8, s10;
	s14 =	sadd.s32 s8, s26;
	s18 =	sadd.s32 s8, s17  }
0x16: {  	s17 =	sadd.s32 $0x1A400, s1;
	s26 =	smul.u32 $0xA000, s13;
	[dreg:$0x4] =	wrdreg s10  }
0x17: {  	s13 =	sshrl.u32 s11, $0x2;
	s10 =	sadd.s32 s8, s12;
	[dreg:$0x7] =	wrdreg s14  }
0x18: {  	[dreg:$0xa] =	wrdreg s18;
	s18 =	smax.u32 s0, $0x1;
	s12 =	smul.u32 $0xA000, s21  }
0x19: {  	s14 =	smul.u32 $0xA000, s22;
	s21 =	sadd.s32 s13, s2;
	[dreg:$0x5] =	wrdreg s10  }
0x1a: {  	s10 =	sadd.s32 s8, s25;
	s25 =	smul.u32 $0xA000, s24;
	s0 =	sshrl.u32 s26, $0x2  }
0x1b: {  	[dreg:$0x6] =	wrdreg s10;
	s10 =	sadd.s32 s8, s15;
	s15 =	smul.u32 $0xA000, s23  }
0x1c: {  	s22 =	sadd.s32 s0, s2;
	s24 =	sshrl.u32 s12, $0x2;
	s0 =	simm.s32 $0x2980  }
0x1d: {  	[dreg:$0x8] =	wrdreg s10;
	s10 =	sadd.s32 s8, s16;
	s8 =	sadd.s32 s8, s20  }
0x1e: {  	s16 =	sadd.s32 $0x6800, s1;
	s20 =	sadd.s32 s9, s2;
	[dreg:$0x9] =	wrdreg s10  }
0x1f: {  	s24 =	sadd.s32 s24, s2;
	s1 =	simm.s32 $0x50;
	[dreg:$0xb] =	wrdreg s8  }
0x20: {  	s8 =	sshrl.u32 s25, $0x2;
	s10 =	smul.u32 $0xA000, s19;
	s25 =	sshrl.u32 s14, $0x2  }
0x21: {  	s26 =	sshrl.u32 s15, $0x2;
	s19 =	sadd.s32 s8, s2;
	s25 =	sadd.s32 s25, s2  }
0x22: {  	s26 =	sadd.s32 s26, s2;
	s8 =	simm.s32 $0x1;
	s9 =	sshrl.u32 s10, $0x2  }
0x23: {  	v0 =	vimm.f32 $0.0e+00;
	s10 =	simm.s32 $0x0;
	s23 =	sadd.s32 s9, s2;
	s9 =	simm.s32 $0x3  }
.LBB2_1:
0x24: {  	s11 =	simm.s32 $0x0;
	s12 =	simm.s32 $0x200  }
.LBB2_2:
0x25: {  	p1 =	sne.s32 s12, $0x9E00;
	[tilespmem:s11+$0x1F0] =	vst v0  }
0x26: {  	[tilespmem:s11+$0x180] =	vst v0  }
0x27: {  	[tilespmem:s11+$0x190] =	vst v0  }
.Ltmp0:
0x28: {  	[tilespmem:s11+$0x1A0] =	vst v0;
	(pc) =	sbr.rel @p1 .LBB2_2-.Ltmp0, $4  }
0x29: {  	[tilespmem:s11+$0x1B0] =	vst v0  }
0x2a: {  	[tilespmem:s11+$0x1C0] =	vst v0  }
0x2b: {  	[tilespmem:s11+$0x1D0] =	vst v0  }
0x2c: {  	[tilespmem:s11+$0x1E0] =	vst v0;
	s11 =	sshra.s32 s12, $0x2;
	s12 =	sadd.s32 $0x200, s12  }
0x2d: {  	[tilespmem:s11+$0x1F0] =	vst v0  }
0x2e: {  	[tilespmem:s11+$0x180] =	vst v0  }
0x2f: {  	[tilespmem:s11+$0x190] =	vst v0  }
0x30: {  	[tilespmem:s11+$0x1A0] =	vst v0  }
0x31: {  	[tilespmem:s11+$0x1B0] =	vst v0  }
0x32: {  	[tilespmem:s11+$0x1C0] =	vst v0  }
0x33: {  	[tilespmem:s11+$0x1D0] =	vst v0  }
0x34: {  	[tilespmem:s11+$0x1E0] =	vst v0  }
0x35: {  	[spmem:s19] =	stream.linear.scatter [tilespmem:s28], [sflag:$0x2], $0x2800, $0x38;
	[tilespmem:$0x18A00] =	vst v63  }
0x36: {  	_ =	swait.ge [sflag:s29], $0x2800  }
0x37: {  	[sflag:s29] =	ssyncset.done $0x0  }
0x38: {  	[sflag:s29] =	ssyncadd.s32 $0xFFFFD800  }
0x39: {  	[spmem:s20] =	stream.linear.scatter [tilespmem:s28], [sflag:$0x2], $0x2800, $0x38;
	[tilespmem:$0x18A00] =	vst v63  }
0x3a: {  	_ =	swait.ge [sflag:s29], $0x2800  }
0x3b: {  	[sflag:s29] =	ssyncset.done $0x0  }
0x3c: {  	[sflag:s29] =	ssyncadd.s32 $0xFFFFD800  }
0x3d: {  	[spmem:s21] =	stream.linear.scatter [tilespmem:s28], [sflag:$0x2], $0x2800, $0x38;
	[tilespmem:$0x18A00] =	vst v63  }
0x3e: {  	_ =	swait.ge [sflag:s29], $0x2800  }
0x3f: {  	[sflag:s29] =	ssyncset.done $0x0  }
0x40: {  	[sflag:s29] =	ssyncadd.s32 $0xFFFFD800  }
0x41: {  	[spmem:s22] =	stream.linear.scatter [tilespmem:s28], [sflag:$0x2], $0x2800, $0x38;
	[tilespmem:$0x18A00] =	vst v63  }
0x42: {  	_ =	swait.ge [sflag:s29], $0x2800  }
0x43: {  	[sflag:s29] =	ssyncset.done $0x0  }
0x44: {  	[sflag:s29] =	ssyncadd.s32 $0xFFFFD800  }
0x45: {  	[spmem:s23] =	stream.linear.scatter [tilespmem:s28], [sflag:$0x2], $0x2800, $0x38;
	[tilespmem:$0x18A00] =	vst v63  }
0x46: {  	_ =	swait.ge [sflag:s29], $0x2800  }
0x47: {  	[sflag:s29] =	ssyncset.done $0x0  }
0x48: {  	[sflag:s29] =	ssyncadd.s32 $0xFFFFD800  }
0x49: {  	[spmem:s24] =	stream.linear.scatter [tilespmem:s28], [sflag:$0x2], $0x2800, $0x38;
	[tilespmem:$0x18A00] =	vst v63  }
0x4a: {  	_ =	swait.ge [sflag:s29], $0x2800  }
0x4b: {  	[sflag:s29] =	ssyncset.done $0x0  }
0x4c: {  	[sflag:s29] =	ssyncadd.s32 $0xFFFFD800  }
0x4d: {  	[spmem:s25] =	stream.linear.scatter [tilespmem:s28], [sflag:$0x2], $0x2800, $0x38;
	[tilespmem:$0x18A00] =	vst v63  }
0x4e: {  	_ =	swait.ge [sflag:s29], $0x2800  }
0x4f: {  	[sflag:s29] =	ssyncset.done $0x0  }
0x50: {  	s11 =	simm.s32 @!p0 $0x180;
	[sflag:s29] =	ssyncadd.s32 $0xFFFFD800  }
0x51: {  	[spmem:s26] =	stream.linear.scatter @!p0 [tilespmem:s11], [sflag:$0x2], $0x2800, $0x38;
	[tilespmem:$0x18A00] =	vst v63  }
0x52: {  	s11 =	simm.s32 @!p0 $0x2  }
0x53: {  	_ =	swait.ge @!p0 [sflag:s11], $0x2800  }
0x54: {  	[sflag:s11] =	ssyncset.done @!p0 $0x0  }
0x55: {  	[sflag:s11] =	ssyncadd.s32 @!p0 $0xFFFFD800  }
0x56: {  	s12 =	simm.s32 $0x0;
	s11 =	simm.s32 $0x0;
	[bflag:$0x0] =	sbarrier.arrive $0xFFFF  }
.LBB2_4:
0x57: {  	s13 =	smul.u32 $0x50, s12;
	_ =	sdelay $0x1  }
0x58: {  	s13 =	sadd.s32 s3, s13  }
0x59: {  	s13 =	sshrl.u32 s13, $0x3  }
0x5a: {  	s14 =	sadd.s32 s7, s13  }
0x5b: {  	[tilespmem:s11], [sflag:$0x2] =	stream.linear.gather [hbm4b:s14+s11], $0x50, $0x38;
	[tilespmem:$0x18A00] =	vst v63  }
0x5c: {  	_ =	swait.ge [sflag:s29], $0x50  }
0x5d: {  	[sflag:s29] =	ssyncset.done $0x0  }
0x5e: {  	s15 =	sadd.s32 s16, s13;
	[sflag:s29] =	ssyncadd.s32 $0xFFFFFFB0  }
0x5f: {  	[tilespmem:s30], [sflag:$0x2] =	stream.linear.gather [hbm4b:s15+s11], $0x50, $0x38;
	[tilespmem:$0x18A00] =	vst v63  }
0x60: {  	_ =	swait.ge [sflag:s29], $0x50  }
0x61: {  	[sflag:s29] =	ssyncset.done $0x0  }
0x62: {  	s13 =	sadd.s32 s17, s13;
	[sflag:s29] =	ssyncadd.s32 $0xFFFFFFB0  }
0x63: {  	[tilespmem:s31], [sflag:$0x2] =	stream.linear.gather [hbm4b:s13+s11], $0x50, $0x38;
	[tilespmem:$0x18A00] =	vst v63  }
0x64: {  	_ =	swait.ge [sflag:s29], $0x50  }
0x65: {  	[sflag:s29] =	ssyncset.done $0x0  }
0x66: {  	[sflag:s29] =	ssyncadd.s32 $0xFFFFFFB0  }
0x67: {  	[tilespmem:s28], [sflag:$0x1] =	stream.indirect.gather [hbm4b:s5+s1], $0x80, s11, s1, $0xb8;
	[tilespmem:$0x18A00] =	vst v63  }
0x68: {  	_ = 	snop  }
0x69: {  	[tilespmem:s0], [sflag:$0x1] =	stream.indirect.gather [hbm4b:s6+s1], $0x80, s31, s1, $0xb8;
	[tilespmem:$0x18A00] =	vst v63  }
0x6a: {  	_ =	swait.ge [sflag:s8], $0x2800  }
0x6b: {  	[sflag:s8] =	ssyncset.done $0x0  }
0x6c: {  	[sflag:s8] =	ssyncadd.s32 $0xFFFFD800  }
0x6d: {  	_ =	swait.ge [sflag:s8], $0x2800  }
0x6e: {  	[sflag:s8] =	ssyncset.done $0x0  }
0x6f: {  	s13 =	simm.s32 $0x0;
	[sflag:s8] =	ssyncadd.s32 $0xFFFFD800  }
0x70: {  	v8 =	vld [tilespmem:s13+$0x2980]  }
0x71: {  	v12 =	vld [tilespmem:s13+$0x2990]  }
0x72: {  	v6 =	vld [tilespmem:s13+$0x29A0]  }
0x73: {  	v5 =	vld [tilespmem:s13+$0x29B0]  }
0x74: {  	v4 =	vld [tilespmem:s13+$0x29C0]  }
0x75: {  	v3 =	vld [tilespmem:s13+$0x29D0]  }
0x76: {  	v2 =	vld [tilespmem:s13+$0x29E0]  }
0x77: {  	v1 =	vld [tilespmem:s13+$0x29F0]  }
0x78: {  	v13 =	vld [tilespmem:s13+$0x180]  }
0x79: {  	v14 =	vld [tilespmem:s13+$0x190]  }
0x7a: {  	v11 =	vld [tilespmem:s13+$0x1A0]  }
0x7b: {  	v10 =	vld [tilespmem:s13+$0x1B0]  }
0x7c: {  	v9 =	vld [tilespmem:s13+$0x1C0]  }
0x7d: {  	v7 =	vld [tilespmem:s13+$0x1D0];
	v13 =	vadd.f32 v8, v13  }
0x7e: {  	s14 =	simm.s32 $0x200;
	v12 =	vadd.f32 v12, v14;
	v8 =	vld [tilespmem:s13+$0x1E0]  }
.LBB2_5:
0x7f: {  	s15 =	sshra.s32 s14, $0x2;
	p1 =	sne.s32 s14, $0x9E00;
	[tilespmem:s13+$0x180] =	vst v13;
	v6 =	vadd.f32 v6, v11;
	v11 =	vld [tilespmem:s13+$0x1F0]  }
0x80: {  	v13 =	vld [tilespmem:s15+$0x2980];
	[tilespmem:s13+$0x190] =	vst v12;
	v5 =	vadd.f32 v5, v10  }
0x81: {  	v12 =	vld [tilespmem:s15+$0x2990];
	[tilespmem:s13+$0x1A0] =	vst v6;
	v4 =	vadd.f32 v4, v9  }
0x82: {  	v6 =	vld [tilespmem:s15+$0x29A0];
	[tilespmem:s13+$0x1B0] =	vst v5;
	v3 =	vadd.f32 v3, v7  }
0x83: {  	v5 =	vld [tilespmem:s15+$0x29B0];
	[tilespmem:s13+$0x1C0] =	vst v4;
	v2 =	vadd.f32 v2, v8  }
0x84: {  	v4 =	vld [tilespmem:s15+$0x29C0];
	[tilespmem:s13+$0x1D0] =	vst v3;
	v1 =	vadd.f32 v1, v11  }
0x85: {  	v3 =	vld [tilespmem:s15+$0x29D0];
	[tilespmem:s13+$0x1E0] =	vst v2  }
0x86: {  	v2 =	vld [tilespmem:s15+$0x29E0];
	[tilespmem:s13+$0x1F0] =	vst v1;
	s13 =	smov.u32 s15  }
0x87: {  	v1 =	vld [tilespmem:s13+$0x29F0]  }
0x88: {  	v7 =	vld [tilespmem:s13+$0x180]  }
0x89: {  	v8 =	vld [tilespmem:s13+$0x190]  }
.Ltmp1:
0x8a: {  	v11 =	vld [tilespmem:s13+$0x1A0];
	(pc) =	sbr.rel @p1 .LBB2_5-.Ltmp1, $4  }
0x8b: {  	v10 =	vld [tilespmem:s13+$0x1B0]  }
0x8c: {  	v9 =	vld [tilespmem:s13+$0x1C0]  }
0x8d: {  	v13 =	vadd.f32 v13, v7;
	v7 =	vld [tilespmem:s13+$0x1D0]  }
0x8e: {  	s14 =	sadd.s32 $0x200, s14;
	v12 =	vadd.f32 v12, v8;
	v8 =	vld [tilespmem:s13+$0x1E0]  }
0x8f: {  	[tilespmem:s13+$0x180] =	vst v13;
	v6 =	vadd.f32 v6, v11;
	v63 =	vld [tilespmem:s13+$0x1F0]  }
0x90: {  	[tilespmem:s13+$0x190] =	vst v12;
	v5 =	vadd.f32 v5, v10  }
0x91: {  	[tilespmem:s13+$0x1A0] =	vst v6;
	v4 =	vadd.f32 v4, v9  }
0x92: {  	[tilespmem:s13+$0x1B0] =	vst v5;
	v3 =	vadd.f32 v3, v7  }
0x93: {  	[tilespmem:s13+$0x1C0] =	vst v4;
	v2 =	vadd.f32 v2, v8  }
0x94: {  	s12 =	sadd.s32 $0x1, s12;
	[tilespmem:s13+$0x1D0] =	vst v3;
	v1 =	vadd.f32 v1, v63  }
0x95: {  	p1 =	sne.s32 s12, $0x7D;
	[tilespmem:s13+$0x1E0] =	vst v2  }
.Ltmp2:
0x96: {  	[tilespmem:s13+$0x1F0] =	vst v1;
	(pc) =	sbr.rel @p1 .LBB2_4-.Ltmp2, $4  }
0x97: {  	[spmem:s2] =	stream.indirect.scatter.add.f32 [tilespmem:s28], [sflag:$0x2], $0x80, s30, s1, $0xb8;
	[tilespmem:$0x18A00] =	vst v63  }
0x98: {  	_ =	swait.ge [sflag:s29], $0x2800  }
0x99: {  	[sflag:s29] =	ssyncset.done $0x0  }
0x9a: {  	[sflag:s29] =	ssyncadd.s32 $0xFFFFD800  }
0x9b: {  	[bflag:$0x0] =	sbarrier.arrive $0xFFFF  }
0x9c: {  	[tilespmem:s28], [sflag:$0x3] =	stream.linear.gather [spmem:s19], $0x2800, $0x38;
	[tilespmem:$0x18A00] =	vst v63  }
0x9d: {  	_ =	swait.ge [sflag:s9], $0x2800  }
0x9e: {  	[sflag:s9] =	ssyncset.done $0x0  }
0x9f: {  	s11 =	rddreg [dreg:$0x4];
	[sflag:s9] =	ssyncadd.s32 $0xFFFFD800  }
0xa0: {  	[hbm4b:s11+s4] =	stream.linear.scatter [tilespmem:s28], [sflag:$0x2], $0x2800, $0x38;
	[tilespmem:$0x18A00] =	vst v63  }
0xa1: {  	_ =	swait.ge [sflag:s29], $0x2800  }
0xa2: {  	[sflag:s29] =	ssyncset.done $0x0  }
0xa3: {  	[sflag:s29] =	ssyncadd.s32 $0xFFFFD800  }
0xa4: {  	[tilespmem:s28], [sflag:$0x3] =	stream.linear.gather [spmem:s20], $0x2800, $0x38;
	[tilespmem:$0x18A00] =	vst v63  }
0xa5: {  	_ =	swait.ge [sflag:s9], $0x2800  }
0xa6: {  	[sflag:s9] =	ssyncset.done $0x0  }
0xa7: {  	s14 =	rddreg [dreg:$0x5];
	[sflag:s9] =	ssyncadd.s32 $0xFFFFD800  }
0xa8: {  	[hbm4b:s14+s4] =	stream.linear.scatter [tilespmem:s28], [sflag:$0x2], $0x2800, $0x38;
	[tilespmem:$0x18A00] =	vst v63  }
0xa9: {  	_ =	swait.ge [sflag:s29], $0x2800  }
0xaa: {  	[sflag:s29] =	ssyncset.done $0x0  }
0xab: {  	[sflag:s29] =	ssyncadd.s32 $0xFFFFD800  }
0xac: {  	[tilespmem:s28], [sflag:$0x3] =	stream.linear.gather [spmem:s21], $0x2800, $0x38;
	[tilespmem:$0x18A00] =	vst v63  }
0xad: {  	_ =	swait.ge [sflag:s9], $0x2800  }
0xae: {  	[sflag:s9] =	ssyncset.done $0x0  }
0xaf: {  	s15 =	rddreg [dreg:$0x6];
	[sflag:s9] =	ssyncadd.s32 $0xFFFFD800  }
0xb0: {  	[hbm4b:s15+s4] =	stream.linear.scatter [tilespmem:s28], [sflag:$0x2], $0x2800, $0x38;
	[tilespmem:$0x18A00] =	vst v63  }
0xb1: {  	_ =	swait.ge [sflag:s29], $0x2800  }
0xb2: {  	[sflag:s29] =	ssyncset.done $0x0  }
0xb3: {  	[sflag:s29] =	ssyncadd.s32 $0xFFFFD800  }
0xb4: {  	[tilespmem:s28], [sflag:$0x3] =	stream.linear.gather [spmem:s22], $0x2800, $0x38;
	[tilespmem:$0x18A00] =	vst v63  }
0xb5: {  	_ =	swait.ge [sflag:s9], $0x2800  }
0xb6: {  	[sflag:s9] =	ssyncset.done $0x0  }
0xb7: {  	s12 =	rddreg [dreg:$0x7];
	[sflag:s9] =	ssyncadd.s32 $0xFFFFD800  }
0xb8: {  	[hbm4b:s12+s4] =	stream.linear.scatter [tilespmem:s28], [sflag:$0x2], $0x2800, $0x38;
	[tilespmem:$0x18A00] =	vst v63  }
0xb9: {  	_ =	swait.ge [sflag:s29], $0x2800  }
0xba: {  	[sflag:s29] =	ssyncset.done $0x0  }
0xbb: {  	[sflag:s29] =	ssyncadd.s32 $0xFFFFD800  }
0xbc: {  	[tilespmem:s28], [sflag:$0x3] =	stream.linear.gather [spmem:s23], $0x2800, $0x38;
	[tilespmem:$0x18A00] =	vst v63  }
0xbd: {  	_ =	swait.ge [sflag:s9], $0x2800  }
0xbe: {  	[sflag:s9] =	ssyncset.done $0x0  }
0xbf: {  	s13 =	rddreg [dreg:$0x8];
	[sflag:s9] =	ssyncadd.s32 $0xFFFFD800  }
0xc0: {  	[hbm4b:s13+s4] =	stream.linear.scatter [tilespmem:s28], [sflag:$0x2], $0x2800, $0x38;
	[tilespmem:$0x18A00] =	vst v63  }
0xc1: {  	_ =	swait.ge [sflag:s29], $0x2800  }
0xc2: {  	[sflag:s29] =	ssyncset.done $0x0  }
0xc3: {  	[sflag:s29] =	ssyncadd.s32 $0xFFFFD800  }
0xc4: {  	[tilespmem:s28], [sflag:$0x3] =	stream.linear.gather [spmem:s24], $0x2800, $0x38;
	[tilespmem:$0x18A00] =	vst v63  }
0xc5: {  	_ =	swait.ge [sflag:s9], $0x2800  }
0xc6: {  	[sflag:s9] =	ssyncset.done $0x0  }
0xc7: {  	s14 =	rddreg [dreg:$0x9];
	[sflag:s9] =	ssyncadd.s32 $0xFFFFD800  }
0xc8: {  	[hbm4b:s14+s4] =	stream.linear.scatter [tilespmem:s28], [sflag:$0x2], $0x2800, $0x38;
	[tilespmem:$0x18A00] =	vst v63  }
0xc9: {  	_ =	swait.ge [sflag:s29], $0x2800  }
0xca: {  	[sflag:s29] =	ssyncset.done $0x0  }
0xcb: {  	[sflag:s29] =	ssyncadd.s32 $0xFFFFD800  }
0xcc: {  	[tilespmem:s28], [sflag:$0x3] =	stream.linear.gather [spmem:s25], $0x2800, $0x38;
	[tilespmem:$0x18A00] =	vst v63  }
0xcd: {  	_ =	swait.ge [sflag:s9], $0x2800  }
0xce: {  	[sflag:s9] =	ssyncset.done $0x0  }
0xcf: {  	s15 =	rddreg [dreg:$0xa];
	[sflag:s9] =	ssyncadd.s32 $0xFFFFD800  }
0xd0: {  	[hbm4b:s15+s4] =	stream.linear.scatter [tilespmem:s28], [sflag:$0x2], $0x2800, $0x38;
	[tilespmem:$0x18A00] =	vst v63  }
0xd1: {  	_ =	swait.ge [sflag:s29], $0x2800  }
0xd2: {  	[sflag:s29] =	ssyncset.done $0x0  }
0xd3: {  	s11 =	simm.s32 @!p0 $0x180;
	s12 =	simm.s32 @!p0 $0x3;
	[sflag:s29] =	ssyncadd.s32 $0xFFFFD800  }
0xd4: {  	[tilespmem:s11], [sflag:$0x3] =	stream.linear.gather @!p0 [spmem:s26], $0x2800, $0x38;
	[tilespmem:$0x18A00] =	vst v63  }
0xd5: {  	s10 =	sadd.s32 $0x1, s10;
	_ =	swait.ge @!p0 [sflag:s12], $0x2800  }
0xd6: {  	p1 =	sne.s32 s10, s18;
	[sflag:s12] =	ssyncset.done @!p0 $0x0  }
0xd7: {  	s13 =	rddreg [dreg:$0xb];
	[sflag:s12] =	ssyncadd.s32 @!p0 $0xFFFFD800;
	s12 =	simm.s32 @!p0 $0x0  }
0xd8: {  	[hbm4b:s13+s12] =	stream.linear.scatter @!p0 [tilespmem:s11], [sflag:$0x2], $0x2800, $0x38;
	[tilespmem:$0x18A00] =	vst v63  }
.Ltmp3:
0xd9: {  	_ = 	snop;
	(pc) =	sbr.rel @p1 .LBB2_1-.Ltmp3, $4  }
0xda: {  	s11 =	simm.s32 @!p0 $0x2  }
0xdb: {  	_ =	swait.ge @!p0 [sflag:s11], $0x2800  }
0xdc: {  	[sflag:s11] =	ssyncset.done @!p0 $0x0  }
0xdd: {  	[sflag:s11] =	ssyncadd.s32 @!p0 $0xFFFFD800  }
0xde: {  	_ =	sfence.sel $0x180000  }
0xdf: {  	[bflag:$0x0] =	sbarrier.arrive $0xFFFF  }
0xe0: {  	_ =	strace $0x9000004D  }
0xe1: {  	s0 =	stileid.u32;
	[bflag:$0x2] =	sbarrier.arrive $0xFFFF  }
0xe2: {  	p0 =	sne.s32 s0, $0x0;
	s0 =	rddreg [dreg:$0x3]  }
0xe3: {  	s0 =	sadd.s32 @!p0 $0x100000, s0  }
0xe4: {  	[sflag:s0] =	ssyncadd.tile.s32 @!p0 $0x1;
	_ =	shalt  }
.Lfunc_end2:
_tile_overlayer_lowered:
.L_overlay_start_2:
0xe5: {  	(tag) =	ssettag $0x2  }
0xe6: {  	s0 =	rddreg [dreg:$0x0];
	s2 =	stileid.u32  }
0xe7: {  	s1 =	rddreg [dreg:$0x1];
	p0 =	sne.s32 s2, $0x0  }
0xe8: {  	s3 =	rddreg [dreg:$0x2];
	[bflag:$0x3] =	sbarrier.arrive $0xFFFF;
	s2 =	simm.s32 @!p0 $0x1C02  }
0xe9: {  	[timem:s3], [sflag:s2] =	dma.local @!p0 [hbm:s0], s1  }
0xea: {  	s0 =	simm.s32 @!p0 $0x2  }
0xeb: {  	_ =	swait.ge @!p0 [sflag:s0], s1  }
0xec: {  	s1 =	ssub.s32 @!p0 $0x0, s1;
	[sflag:s0] =	ssyncset.done @!p0 $0x0  }
0xed: {  	[sflag:s0] =	ssyncadd.s32 @!p0 s1  }
0xee: {  	[bflag:$0x3] =	sbarrier.arrive $0xFFFF  }
0xef: {  	_ =	shalt  }

// kernel: kernel.24.cloned.1.call-start
scs
__scs_entry_jumppad:
0x0: {  	(pc) =	sbr.rel $0x88, $3  }
0x1: {  	(tag) =	ssettag $0x0;
	lr =	simm.s32 $0x1  }
0x2: {  	[smem:$0x3F7F] =	sst lr;
	_ =	strace $0xD0000000  }
0x3: {  	_ = 	snop  }
0x4: {  	_ = 	snop  }
0x5: {  	_ = 	snop  }
0x6: {  	_ = 	snop  }
0x7: {  	_ = 	snop  }
__scs_overlays_trampoline_lowered:
0x8: {  	[smem:$0x3F8E] =	sst s0  }
0x9: {  	[smem:$0x3F8F] =	sst s1  }
0xa: {  	[smem:$0x3F90] =	sst s2  }
0xb: {  	[smem:$0x3F91] =	sst s3  }
0xc: {  	[smem:$0x3F92] =	sst s4  }
0xd: {  	[smem:$0x3F93] =	sst s5  }
0xe: {  	[smem:$0x3F94] =	sst s6  }
0xf: {  	[smem:$0x3F95] =	sst s7  }
0x10: {  	[smem:$0x3F96] =	sst s8  }
0x11: {  	[smem:$0x3F97] =	sst s9;
	s0 =	simm.s32 @!p0 $0x0  }
0x12: {  	s1 =	sld [smem:$0x3F7D];
	s0 =	simm.s32 @p0 $0x1  }
0x13: {  	[smem:$0x3F98] =	sst s0;
	s0 =	simm.s32 @!p1 $0x0  }
0x14: {  	s2 =	sld [smem:$0x3F7C];
	s0 =	simm.s32 @p1 $0x1  }
0x15: {  	[smem:$0x3F99] =	sst s0;
	s0 =	simm.s32 @!p2 $0x0  }
0x16: {  	s3 =	sld [smem:$0x3FDB];
	s0 =	simm.s32 @p2 $0x1  }
0x17: {  	s4 =	simm.s32 $0x1BF5;
	[smem:$0x3F9B] =	sst s0  }
0x18: {  	s0 =	sld [smem:$0x3F7E];
	_ =	swait.ge [sflag:s4], $0x0  }
0x19: {  	s7 =	sld [smem:$0x3F7F]  }
0x1a: {  	s8 =	sadd.s32 $0xFFFFE003, lr  }
0x1b: {  	s9 =	sadd.s32 $0xFFFFFEF7, lr;
	s5 =	simm.s32 $0xFFFFFFFF;
	p2 =	slt.u32 s8, $0xFFFFF086  }
0x1c: {  	p1 =	slt.u32 s9, $0xF7A;
	s5 =	simm.s32 @!p2 $0x0  }
0x1d: {  	s5 =	simm.s32 @p1 $0x1;
	p0 =	seq.s32 s7, s2  }
0x1e: {  	s7 =	smul.u32 @!p0 $0xF7A, s2;
	p2 =	seq.s32 @!p0 s5, $0x0  }
0x1f: {  	s9 =	smul.u32 $0xF7A, s1;
	s8 =	simm.s32 @!p0 $0x1BF5;
	p2 =	por !p2, p0  }
0x20: {  	[sflag:s8] =	ssyncset.s32 @!p0 $0xFFFFF086;
	s6 =	sadd.s32 @!p0 s3, s7;
	s7 =	simm.s32 @!p0 $0x108  }
0x21: {  	s3 =	sadd.s32 s3, s9;
	s6 =	sadd.s32 @!p0 $0x88, s6;
	s7 =	simm.s32 @p2 $0x1082  }
0x22: {  	[simem:s7], [sflag:s8] =	dma.local @!p0 [hbm:s6], $0xF7A  }
0x23: {  	s9 =	sor.u32 $0xD0000000, s2;
	s6 =	simm.s32 $0x108;
	_ =	swait.ge @!p0 [sflag:s8], $0x0  }
0x24: {  	s3 =	sadd.s32 $0x88, s3;
	s6 =	simm.s32 @!p1 $0x1082;
	[sflag:s4] =	ssyncset.s32 $0xFFFFF086  }
0x25: {  	[simem:s6], [sflag:s4] =	dma.local [hbm:s3], $0xF7A  }
0x26: {  	[smem:$0x3F7F] =	sst s1;
	(tag) =	ssettag s2;
	_ =	strace s9  }
0x27: {  	s1 =	sld [smem:$0x3F8F]  }
0x28: {  	s2 =	sld [smem:$0x3F90]  }
0x29: {  	s4 =	sld [smem:$0x3F92]  }
0x2a: {  	p0 =	seq.s32 s5, $0x0;
	s5 =	sld [smem:$0x3F93]  }
0x2b: {  	s6 =	sld [smem:$0x3F94]  }
0x2c: {  	s7 =	sld [smem:$0x3F95]  }
0x2d: {  	s3 =	simm.s32 $0x108;
	s8 =	sld [smem:$0x3F96]  }
0x2e: {  	s3 =	simm.s32 @!p0 $0x1082;
	s9 =	sld [smem:$0x3F97]  }
0x2f: {  	lr =	sadd.s32 s0, s3;
	s0 =	sld [smem:$0x3F8E]  }
0x30: {  	s3 =	sld [smem:$0x3F91]  }
0x31: {  	[smem:$0x3F9A] =	sst s10  }
0x32: {  	s10 =	sld [smem:$0x3F98];
	_ =	sdelay $0x3  }
0x33: {  	p0 =	seq.s32 s10, $0x1;
	s10 =	sld [smem:$0x3F9A];
	_ =	sdelay $0x3  }
0x34: {  	[smem:$0x3F9A] =	sst s10  }
0x35: {  	s10 =	sld [smem:$0x3F99];
	_ =	sdelay $0x3  }
0x36: {  	p1 =	seq.s32 s10, $0x1;
	s10 =	sld [smem:$0x3F9A];
	_ =	sdelay $0x3  }
0x37: {  	[smem:$0x3F9A] =	sst s10  }
0x38: {  	s10 =	sld [smem:$0x3F9B]  }
0x39: {  	_ = 	snop;
	(pc) =	sbr.ind lr, $3  }
0x3a: {  	_ = 	snop  }
0x3b: {  	_ = 	snop  }
0x3c: {  	p2 =	seq.s32 s10, $0x1;
	s10 =	sld [smem:$0x3F9A]  }
0x3d: {  	_ =	shalt  }
0x3e: {  	_ =	shalt  }
0x3f: {  	_ =	shalt  }
0x40: {  	_ =	shalt  }
0x41: {  	_ =	shalt  }
0x42: {  	_ =	shalt  }
0x43: {  	_ =	shalt  }
0x44: {  	_ =	shalt  }
0x45: {  	_ =	shalt  }
0x46: {  	_ =	shalt  }
0x47: {  	_ =	shalt  }
0x48: {  	_ =	shalt  }
0x49: {  	_ =	shalt  }
0x4a: {  	_ =	shalt  }
0x4b: {  	_ =	shalt  }
0x4c: {  	_ =	shalt  }
0x4d: {  	_ =	shalt  }
0x4e: {  	_ =	shalt  }
0x4f: {  	_ =	shalt  }
0x50: {  	_ =	shalt  }
0x51: {  	_ =	shalt  }
0x52: {  	_ =	shalt  }
0x53: {  	_ =	shalt  }
0x54: {  	_ =	shalt  }
0x55: {  	_ =	shalt  }
0x56: {  	_ =	shalt  }
0x57: {  	_ =	shalt  }
0x58: {  	_ =	shalt  }
0x59: {  	_ =	shalt  }
0x5a: {  	_ =	shalt  }
0x5b: {  	_ =	shalt  }
0x5c: {  	_ =	shalt  }
0x5d: {  	_ =	shalt  }
0x5e: {  	_ =	shalt  }
0x5f: {  	_ =	shalt  }
0x60: {  	_ =	shalt  }
0x61: {  	_ =	shalt  }
0x62: {  	_ =	shalt  }
0x63: {  	_ =	shalt  }
0x64: {  	_ =	shalt  }
0x65: {  	_ =	shalt  }
0x66: {  	_ =	shalt  }
0x67: {  	_ =	shalt  }
0x68: {  	_ =	shalt  }
0x69: {  	_ =	shalt  }
0x6a: {  	_ =	shalt  }
0x6b: {  	_ =	shalt  }
0x6c: {  	_ =	shalt  }
0x6d: {  	_ =	shalt  }
0x6e: {  	_ =	shalt  }
0x6f: {  	_ =	shalt  }
0x70: {  	_ =	shalt  }
0x71: {  	_ =	shalt  }
0x72: {  	_ =	shalt  }
0x73: {  	_ =	shalt  }
0x74: {  	_ =	shalt  }
0x75: {  	_ =	shalt  }
0x76: {  	_ =	shalt  }
0x77: {  	_ =	shalt  }
0x78: {  	_ =	shalt  }
0x79: {  	_ =	shalt  }
0x7a: {  	_ =	shalt  }
0x7b: {  	_ =	shalt  }
0x7c: {  	_ =	shalt  }
0x7d: {  	_ =	shalt  }
0x7e: {  	_ =	shalt  }
0x7f: {  	_ =	shalt  }
0x80: {  	_ =	shalt  }
0x81: {  	_ =	shalt  }
0x82: {  	_ =	shalt  }
0x83: {  	_ =	shalt  }
0x84: {  	_ =	shalt  }
0x85: {  	_ =	shalt  }
0x86: {  	_ =	shalt  }
0x87: {  	_ =	shalt  }
.Lfunc_end0:
.L_simem_size_0:
called_computation.4_lowered:
.L_overlay_start_0:
0x88: {  	s2 =	sld [smem:$0x3FD9]  }
0x89: {  	s3 =	sld [smem:$0x3FFE];
	_ =	sdelay $0x1  }
0x8a: {  	s1 =	srdreg.scid  }
0x8b: {  	s0 =	sand.u32 $0x1, s1  }
0x8c: {  	s16 =	sshll.u32 s0, $0xA;
	s2 =	sadd.s32 s3, s2  }
0x8d: {  	s2 =	sadd.s32 s2, s16  }
0x8e: {  	[smem:$0x3FA6] =	sst s2  }
0x8f: {  	_ = 	snop  }
0x90: {  	(tm) =	ssettm $0x1  }
0x91: {  	s17 =	sld [smem:$0x3FFB];
	_ =	sdelay $0x3  }
0x92: {  	_ =	strace s17  }
0x93: {  	s2 =	sld [smem:$0x3FFC];
	_ =	sdelay $0x3  }
0x94: {  	_ =	strace s2  }
0x95: {  	s2 =	sld [smem:$0x3FFD];
	_ =	sdelay $0x3  }
0x96: {  	_ =	strace s2  }
0x97: {  	_ =	strace $0x8FFFFFFF  }
0x98: {  	s18 =	sld [smem:$0x3FDB];
	_ =	sdelay $0x1  }
0x99: {  	s19 =	simm.s32 $_scs_section_size  }
0x9a: {  	s4 =	simm.s32 $_size__tile_overlayer_lowered;
	s5 =	simm.s32 $_tile_overlayer_lowered  }
0x9b: {  	s22 =	simm.s32 $0x1BFF;
	s21 =	sshll.u32 s5, $0x1;
	s2 =	sadd.s32 s19, s18  }
0x9c: {  	s6 =	simm.s32 $0x0;
	s20 =	sshll.u32 s4, $0x1;
	s4 =	sadd.s32 s21, s2  }
0x9d: {  	[timem:s6], [sflag:s22] =	dma.local [hbm:s4], s20  }
0x9e: {  	_ =	swait.ge [sflag:s22], s20  }
0x9f: {  	s3 =	ssub.s32 $0x0, s20;
	[sflag:s22] =	ssyncset.done $0x0  }
0xa0: {  	[sflag:s22] =	ssyncadd.s32 s3;
	_ =	sdelay $0x1  }
0xa1: {  	s23 =	simm.s32 $0x1B8B  }
0xa2: {  	_ =	swait.ge [sflag:s23], $0x1  }
0xa3: {  	[sflag:s23] =	ssyncset.done $0x0  }
0xa4: {  	s25 =	simm.s32 $0x1B8E;
	s24 =	sld [smem:$0x3FFE];
	[sflag:s23] =	ssyncadd.s32 $0xFFFFFFFF  }
0xa5: {  	s26 =	simm.s32 $execute0_lowered;
	[smem:$0x3FD2] =	sst s25  }
0xa6: {  	s4 =	sshll.u32 s26, $0x1;
	_ =	strace $0x8000004F;
	[dreg:$0x1] =	wrdreg $0xFFFFFFFF  }
0xa7: {  	s28 =	simm.s32 $_size_execute0_lowered;
	s2 =	sadd.s32 s2, s4;
	[dreg:$0x0] =	wrdreg $0x0  }
0xa8: {  	s4 =	sshll.u32 s28, $0x1;
	[dreg:$0x2] =	wrdreg s2  }
0xa9: {  	[dreg:$0x3] =	wrdreg s4  }
0xaa: {  	[dreg:$0x4] =	wrdreg $0xC0  }
0xab: {  	_ =	task [dreg:s6], $0x5FFFF  }
0xac: {  	[dreg:$0x1] =	wrdreg $0xFFFFFFFF  }
0xad: {  	[dreg:$0x0] =	wrdreg $0x60  }
0xae: {  	[dreg:$0x2] =	wrdreg s24  }
0xaf: {  	[dreg:$0x3] =	wrdreg $0x9  }
0xb0: {  	_ =	task.clear_ibuf [dreg:s6], $0x4FFFF;
	_ =	strace $0x9000004F  }
0xb1: {  	s29 =	simm.s32 $0x9;
	_ =	strace $0x80000051  }
0xb2: {  	_ =	swait.ge [sflag:s29], $0x1  }
0xb3: {  	[sflag:s29] =	ssyncadd.s32 $0xFFFFFFFF  }
0xb4: {  	_ =	strace $0x90000051  }
0xb5: {  	_ =	sfence  }
0xb6: {  	s30 =	sld [smem:$0x0];
	_ =	sdelay $0x2  }
0xb7: {  	s31 =	sshll.u32 s1, $0xD;
	s1 =	sshrl.u32 s1, $0x2  }
0xb8: {  	s3 =	sand.u32 $0x4000, s31;
	s1 =	sadd.s32 s1, s30  }
0xb9: {  	s0 =	sor.u32 s3, s0;
	s1 =	sshll.u32 s1, $0x11  }
0xba: {  	s0 =	sor.u32 s1, s0  }
0xbb: {  	s0 =	sadd.s32 $0x8F2B, s0  }
0xbc: {  	[sflag:s0] =	ssyncadd.remote.s32 $0x1  }
0xbd: {  	_ =	sfence.sel $0xFFFF  }
0xbe: {  	[dreg:$0x0] =	wrdreg $0xFFFFFFFF;
	(pc) =	sbr.abs _section_cstart, $3  }
0xbf: {  	[dreg:$0x1] =	wrdreg $0xFFFFFFFF  }
0xc0: {  	_ =	task.clear_ibuf [dreg:s6], $0x2FFFF;
	_ =	strace $0x9FFFFFFF  }
0xc1: {  	(tm) =	ssettm $0x7FFFFFFF  }
tec
execute0_lowered:
.L_overlay_start_1:
0x0: {  	(tag) =	ssettag $0x1  }
0x1: {  	s9 =	rddreg [dreg:$0x0]  }
0x2: {  	s0 =	rddreg [dreg:$0x1];
	s1 =	simm.s32 $0x0;
	s3 =	srdreg.scid  }
0x3: {  	s14 =	simm.s32 $0x100;
	s15 =	simm.s32 $0x50;
	s16 =	simm.s32 $0x180  }
0x4: {  	s17 =	simm.s32 $0x2980;
	s18 =	simm.s32 $0x5180;
	s19 =	simm.s32 $0x1  }
0x5: {  	s20 =	simm.s32 $0x0;
	[smem:$0x7FF] =	sst s1;
	s2 =	sadd.s32 $0x24200, s9  }
0x6: {  	s4 =	sadd.s32 $0x4C000, s9;
	s5 =	sadd.s32 $0x4B400, s9;
	s10 =	sand.u32 $0x1, s3  }
0x7: {  	s6 =	sadd.s32 $0x10600, s9;
	s3 =	stileid.u32;
	s7 =	sadd.s32 $0x6800, s9  }
0x8: {  	s8 =	sadd.s32 $0x1A400, s9;
	s9 =	sadd.s32 $0x73600, s9;
	s11 =	ssub.s32 $0x2, s10  }
0x9: {  	_ =	strace $0x80000050;
	s13 =	sshll.u32 s3, $0x1;
	s12 =	sshrl.u32 s11, $0x1  }
0xa: {  	s10 =	sor.u32 s10, s13;
	s13 =	simm.s32 $0x80;
	s11 =	ssub.s32 s11, s12  }
0xb: {  	s10 =	smul.u32 $0x2710, s10;
	s12 =	simm.s32 $0x2;
	s11 =	smax.u32 s11, $0x1  }
.LBB2_1:
0xc: {  	s21 =	simm.s32 $0x0  }
.LBB2_2:
0xd: {  	s22 =	smul.u32 $0x50, s21;
	_ =	sdelay $0x1  }
0xe: {  	s22 =	sadd.s32 s10, s22  }
0xf: {  	s23 =	sshrl.u32 s22, $0x3  }
0x10: {  	s25 =	simm.s32 $0x0;
	s24 =	sadd.s32 s6, s23  }
0x11: {  	[tilespmem:s25], [sflag:$0x2] =	stream.linear.gather [hbm4b:s24+s25], $0x50, $0x38;
	[tilespmem:$0x7980] =	vst v63  }
0x12: {  	_ =	swait.ge [sflag:s12], $0x50  }
0x13: {  	[sflag:s12] =	ssyncset.done $0x0  }
0x14: {  	s31 =	sadd.s32 s7, s23;
	[sflag:s12] =	ssyncadd.s32 $0xFFFFFFB0  }
0x15: {  	[tilespmem:s13], [sflag:$0x2] =	stream.linear.gather [hbm4b:s31+s25], $0x50, $0x38;
	[tilespmem:$0x7980] =	vst v63  }
0x16: {  	_ =	swait.ge [sflag:s12], $0x50  }
0x17: {  	[sflag:s12] =	ssyncset.done $0x0  }
0x18: {  	s23 =	sadd.s32 s8, s23;
	[sflag:s12] =	ssyncadd.s32 $0xFFFFFFB0  }
0x19: {  	[tilespmem:s14], [sflag:$0x2] =	stream.linear.gather [hbm4b:s23+s25], $0x50, $0x38;
	[tilespmem:$0x7980] =	vst v63  }
0x1a: {  	_ =	swait.ge [sflag:s12], $0x50  }
0x1b: {  	[sflag:s12] =	ssyncset.done $0x0  }
0x1c: {  	[sflag:s12] =	ssyncadd.s32 $0xFFFFFFB0  }
0x1d: {  	[tilespmem:s16], [sflag:$0x1] =	stream.indirect.gather [hbm4b:s2+s15], $0x80, s25, s15, $0xb8;
	[tilespmem:$0x7980] =	vst v63  }
0x1e: {  	_ = 	snop  }
0x1f: {  	[tilespmem:s17], [sflag:$0x1] =	stream.indirect.gather [hbm4b:s4+s15], $0x80, s13, s15, $0xb8;
	[tilespmem:$0x7980] =	vst v63  }
0x20: {  	_ = 	snop  }
0x21: {  	[tilespmem:s18], [sflag:$0x1] =	stream.indirect.gather [hbm4b:s5+s15], $0x80, s14, s15, $0xb8;
	[tilespmem:$0x7980] =	vst v63  }
0x22: {  	_ =	swait.ge [sflag:s19], $0x2800  }
0x23: {  	[sflag:s19] =	ssyncset.done $0x0  }
0x24: {  	[sflag:s19] =	ssyncadd.s32 $0xFFFFD800  }
0x25: {  	_ =	swait.ge [sflag:s19], $0x2800  }
0x26: {  	[sflag:s19] =	ssyncset.done $0x0  }
0x27: {  	[sflag:s19] =	ssyncadd.s32 $0xFFFFD800  }
0x28: {  	_ =	swait.ge [sflag:s19], $0x2800  }
0x29: {  	[sflag:s19] =	ssyncset.done $0x0  }
0x2a: {  	s23 =	simm.s32 $0x0;
	[sflag:s19] =	ssyncadd.s32 $0xFFFFD800  }
0x2b: {  	v5 =	vld [tilespmem:s23+$0x5180]  }
0x2c: {  	v4 =	vld [tilespmem:s23+$0x5190]  }
0x2d: {  	v3 =	vld [tilespmem:s23+$0x51A0]  }
0x2e: {  	v2 =	vld [tilespmem:s23+$0x51B0]  }
0x2f: {  	v1 =	vld [tilespmem:s23+$0x51C0]  }
0x30: {  	v0 =	vld [tilespmem:s23+$0x51D0]  }
0x31: {  	v12 =	vld [tilespmem:s23+$0x2980]  }
0x32: {  	v17 =	vld [tilespmem:s23+$0x2990]  }
0x33: {  	v11 =	vld [tilespmem:s23+$0x29A0]  }
0x34: {  	v10 =	vld [tilespmem:s23+$0x29B0]  }
0x35: {  	v9 =	vld [tilespmem:s23+$0x29C0]  }
0x36: {  	v8 =	vld [tilespmem:s23+$0x29D0]  }
0x37: {  	v7 =	vld [tilespmem:s23+$0x29E0]  }
0x38: {  	v6 =	vld [tilespmem:s23+$0x29F0]  }
0x39: {  	v18 =	vld [tilespmem:s23+$0x180]  }
0x3a: {  	v19 =	vld [tilespmem:s23+$0x190]  }
0x3b: {  	v16 =	vld [tilespmem:s23+$0x1A0]  }
0x3c: {  	v15 =	vld [tilespmem:s23+$0x1B0]  }
0x3d: {  	v14 =	vld [tilespmem:s23+$0x1C0]  }
0x3e: {  	v13 =	vld [tilespmem:s23+$0x1D0];
	v18 =	vadd.f32 v12, v18  }
0x3f: {  	s24 =	simm.s32 $0x200;
	v17 =	vadd.f32 v17, v19;
	v12 =	vld [tilespmem:s23+$0x1E0]  }
.LBB2_3:
0x40: {  	p0 =	sne.s32 s24, $0x9E00;
	v5 =	vadd.f32 v5, v18;
	v11 =	vadd.f32 v11, v16;
	v16 =	vld [tilespmem:s23+$0x1F0]  }
0x41: {  	v4 =	vadd.f32 v4, v17;
	v10 =	vadd.f32 v10, v15;
	v15 =	vld [tilespmem:s23+$0x51E0]  }
0x42: {  	s25 =	sshra.s32 s24, $0x2;
	[tilespmem:s23+$0x180] =	vst v5;
	v3 =	vadd.f32 v3, v11;
	v9 =	vadd.f32 v9, v14;
	v11 =	vld [tilespmem:s23+$0x51F0]  }
0x43: {  	v5 =	vld [tilespmem:s25+$0x5180];
	[tilespmem:s23+$0x190] =	vst v4;
	v2 =	vadd.f32 v2, v10;
	v8 =	vadd.f32 v8, v13  }
0x44: {  	v4 =	vld [tilespmem:s25+$0x5190];
	[tilespmem:s23+$0x1A0] =	vst v3;
	v1 =	vadd.f32 v1, v9;
	v7 =	vadd.f32 v7, v12  }
0x45: {  	v3 =	vld [tilespmem:s25+$0x51A0];
	[tilespmem:s23+$0x1B0] =	vst v2;
	v0 =	vadd.f32 v0, v8;
	v6 =	vadd.f32 v6, v16  }
0x46: {  	v2 =	vld [tilespmem:s25+$0x51B0];
	[tilespmem:s23+$0x1C0] =	vst v1;
	v7 =	vadd.f32 v15, v7  }
0x47: {  	v1 =	vld [tilespmem:s25+$0x51C0];
	[tilespmem:s23+$0x1D0] =	vst v0;
	v6 =	vadd.f32 v11, v6  }
0x48: {  	v0 =	vld [tilespmem:s25+$0x51D0];
	[tilespmem:s23+$0x1E0] =	vst v7  }
0x49: {  	v12 =	vld [tilespmem:s25+$0x2980];
	[tilespmem:s23+$0x1F0] =	vst v6;
	s23 =	smov.u32 s25  }
0x4a: {  	v17 =	vld [tilespmem:s23+$0x2990]  }
0x4b: {  	v11 =	vld [tilespmem:s23+$0x29A0]  }
0x4c: {  	v10 =	vld [tilespmem:s23+$0x29B0]  }
0x4d: {  	v9 =	vld [tilespmem:s23+$0x29C0]  }
0x4e: {  	v8 =	vld [tilespmem:s23+$0x29D0]  }
0x4f: {  	v7 =	vld [tilespmem:s23+$0x29E0]  }
0x50: {  	v6 =	vld [tilespmem:s23+$0x29F0]  }
0x51: {  	v13 =	vld [tilespmem:s23+$0x180]  }
0x52: {  	v19 =	vld [tilespmem:s23+$0x190]  }
.Ltmp0:
0x53: {  	v16 =	vld [tilespmem:s23+$0x1A0];
	(pc) =	sbr.rel @p0 .LBB2_3-.Ltmp0, $4  }
0x54: {  	v15 =	vld [tilespmem:s23+$0x1B0]  }
0x55: {  	v14 =	vld [tilespmem:s23+$0x1C0]  }
0x56: {  	v18 =	vadd.f32 v12, v13;
	v13 =	vld [tilespmem:s23+$0x1D0]  }
0x57: {  	s24 =	sadd.s32 $0x200, s24;
	v17 =	vadd.f32 v17, v19;
	v12 =	vld [tilespmem:s23+$0x1E0]  }
0x58: {  	v5 =	vadd.f32 v5, v18;
	v55 =	vld [tilespmem:s23+$0x1F0];
	v11 =	vadd.f32 v11, v16  }
0x59: {  	v56 =	vld [tilespmem:s23+$0x51E0];
	v4 =	vadd.f32 v4, v17;
	v10 =	vadd.f32 v10, v15  }
0x5a: {  	v58 =	vld [tilespmem:s23+$0x51F0];
	[tilespmem:s23+$0x180] =	vst v5;
	v3 =	vadd.f32 v3, v11;
	v57 =	vadd.f32 v9, v14  }
0x5b: {  	[tilespmem:s23+$0x190] =	vst v4;
	v2 =	vadd.f32 v2, v10;
	v59 =	vadd.f32 v8, v13  }
0x5c: {  	[tilespmem:s23+$0x1A0] =	vst v3;
	v1 =	vadd.f32 v1, v57;
	v60 =	vadd.f32 v7, v12  }
0x5d: {  	[tilespmem:s23+$0x1B0] =	vst v2;
	v0 =	vadd.f32 v0, v59;
	v61 =	vadd.f32 v6, v55  }
0x5e: {  	[tilespmem:s23+$0x1C0] =	vst v1;
	v62 =	vadd.f32 v56, v60  }
0x5f: {  	s21 =	sadd.s32 $0x1, s21;
	[tilespmem:s23+$0x1D0] =	vst v0;
	v63 =	vadd.f32 v58, v61  }
0x60: {  	s22 =	sshll.u32 s22, $0x4;
	p0 =	sne.s32 s21, $0x7D;
	[tilespmem:s23+$0x1E0] =	vst v62  }
.Ltmp1:
0x61: {  	s22 =	sadd.s32 s9, s22;
	[tilespmem:s23+$0x1F0] =	vst v63;
	(pc) =	sbr.rel @p0 .LBB2_2-.Ltmp1, $4  }
0x62: {  	[hbm4b:s22+s1] =	stream.linear.scatter [tilespmem:s16], [sflag:$0x2], $0x2800, $0x38;
	[tilespmem:$0x7980] =	vst v63  }
0x63: {  	_ =	swait.ge [sflag:s12], $0x2800  }
0x64: {  	[sflag:s12] =	ssyncset.done $0x0  }
0x65: {  	[sflag:s12] =	ssyncadd.s32 $0xFFFFD800  }
0x66: {  	s20 =	sadd.s32 $0x1, s20  }
0x67: {  	p0 =	sne.s32 s20, s11  }
.Ltmp2:
0x68: {  	_ = 	snop;
	(pc) =	sbr.rel @p0 .LBB2_1-.Ltmp2, $1  }
0x69: {  	_ =	sdelay $0x3  }
0x6a: {  	_ =	sfence.sel $0x180000  }
0x6b: {  	[bflag:$0x0] =	sbarrier.arrive $0xFFFF  }
0x6c: {  	p0 =	sne.s32 s3, $0x0;
	_ =	strace $0x90000050  }
0x6d: {  	s0 =	sadd.s32 @!p0 $0x100000, s0;
	[bflag:$0x2] =	sbarrier.arrive $0xFFFF  }
0x6e: {  	[sflag:s0] =	ssyncadd.tile.s32 @!p0 $0x1;
	_ =	shalt  }
.Lfunc_end2:
_tile_overlayer_lowered:
.L_overlay_start_2:
0x6f: {  	(tag) =	ssettag $0x2  }
0x70: {  	s0 =	rddreg [dreg:$0x0];
	s2 =	stileid.u32  }
0x71: {  	s1 =	rddreg [dreg:$0x1];
	p0 =	sne.s32 s2, $0x0  }
0x72: {  	s3 =	rddreg [dreg:$0x2];
	[bflag:$0x3] =	sbarrier.arrive $0xFFFF;
	s2 =	simm.s32 @!p0 $0x1C02  }
0x73: {  	[timem:s3], [sflag:s2] =	dma.local @!p0 [hbm:s0], s1  }
0x74: {  	s0 =	simm.s32 @!p0 $0x2  }
0x75: {  	_ =	swait.ge @!p0 [sflag:s0], s1  }
0x76: {  	s1 =	ssub.s32 @!p0 $0x0, s1;
	[sflag:s0] =	ssyncset.done @!p0 $0x0  }
0x77: {  	[sflag:s0] =	ssyncadd.s32 @!p0 s1  }
0x78: {  	[bflag:$0x3] =	sbarrier.arrive $0xFFFF  }
0x79: {  	_ =	shalt  }

</sc_bundles>
